<compile_context>
chip_gen: v7x
topology: tpu7x:2x2x1
jax: 0.10.2.dev20260603
libtpu: 0.0.44.dev20260713+nightly
codegen_flags: <defaults>
</compile_context>

<pallas_src>
import functools

import jax
import jax.numpy as jnp
from jax import lax
from jax.experimental import pallas as pl
from jax.experimental.pallas import tpu as pltpu
from jax.experimental.pallas import tpu_sc as plsc

N = 10000
E = 320000
D = 128
CH = 128
NW = 32
PER_W = 80
PADC = NW * PER_W + 4
EPAD = PADC * CH
NA = N + 16
R = 1000
STRIPE = 640


def _sc_segment_sum(with_counts):
    mesh = plsc.VectorSubcoreMesh(core_axis_name="c", subcore_axis_name="s")
    out_type = [jax.ShapeDtypeStruct((2 * N, D), jnp.float32)]
    scratch = [
        pltpu.VMEM((CH,), jnp.int32),
        pltpu.VMEM((CH,), jnp.int32),
        pltpu.VMEM((CH,), jnp.int32),
        pltpu.VMEM((CH,), jnp.int32),
        pltpu.VMEM((CH,), jnp.int32),
        pltpu.VMEM((CH,), jnp.int32),
        pltpu.VMEM((CH, D), jnp.float32),
        pltpu.VMEM((CH, D), jnp.float32),
        pltpu.VMEM((CH, D), jnp.float32),
        pltpu.VMEM((CH,), jnp.float32),
        pltpu.VMEM_SHARED((NA, D), jnp.float32),
        pltpu.SemaphoreType.DMA,
        pltpu.SemaphoreType.DMA,
        pltpu.SemaphoreType.DMA,
        pltpu.SemaphoreType.DMA,
        pltpu.SemaphoreType.DMA,
        pltpu.SemaphoreType.DMA,
    ]
    if with_counts:
        out_type.append(jax.ShapeDtypeStruct((2 * N,), jnp.float32))
        scratch.insert(11, pltpu.VMEM_SHARED((NA,), jnp.float32))

    def body(*refs):
        if with_counts:
            (src_hbm, dst_hbm, h_hbm, zd_hbm, z16_hbm, ones_hbm,
             acc_out, cnt_out,
             sb0, db0, sb1, db1, sb2, db2,
             rb0, rb1, rb2, cbuf, acc_sh, cnt_sh,
             si0, si1, si2, sg0, sg1, sg2) = refs
        else:
            (src_hbm, dst_hbm, h_hbm, zd_hbm,
             acc_out,
             sb0, db0, sb1, db1, sb2, db2,
             rb0, rb1, rb2, cbuf, acc_sh,
             si0, si1, si2, sg0, sg1, sg2) = refs
        cid = lax.axis_index("c")
        sid = lax.axis_index("s")
        wid = sid * 2 + cid
        b0 = sid * STRIPE
        start = wid * PER_W

        sbs = (sb0, sb1, sb2)
        dbs = (db0, db1, db2)
        rbs = (rb0, rb1, rb2)
        sis = (si0, si1, si2)
        sgs = (sg0, sg1, sg2)

        def fire_idx(j, k):
            base = (start + j) * CH
            pltpu.async_copy(src_hbm.at[pl.ds(base, CH)], sbs[k], sis[k])
            pltpu.async_copy(dst_hbm.at[pl.ds(base, CH)], dbs[k], sis[k])

        def wait_idx(k):
            pltpu.make_async_copy(src_hbm.at[pl.ds(0, CH)], sbs[k],
                                  sis[k]).wait()
            pltpu.make_async_copy(dst_hbm.at[pl.ds(0, CH)], dbs[k],
                                  sis[k]).wait()

        def fire_gather(k):
            pltpu.async_copy(h_hbm.at[sbs[k]], rbs[k], sgs[k])

        def wait_gather(k):
            pltpu.make_async_copy(h_hbm.at[sbs[k]], rbs[k], sgs[k]).wait()

        def scat(j, k):
            @pl.when(start + j < E // CH)
            def _():
                pltpu.sync_copy(rbs[k], acc_sh.at[dbs[k]], add=True)
                if with_counts:
                    pltpu.sync_copy(cbuf.at[pl.ds(0, CH)], cnt_sh.at[dbs[k]],
                                    add=True)

        for k in range(3):
            fire_idx(k, k)

        pltpu.sync_copy(zd_hbm.at[pl.ds(0, CH)], rb0)
        if with_counts:
            pltpu.sync_copy(z16_hbm.at[pl.ds(0, CH)], cbuf)

        def zero_block(b, n):
            pltpu.sync_copy(rb0.at[pl.ds(0, n)], acc_sh.at[pl.ds(b, n)])

        def zero_cnt(b, n):
            pltpu.sync_copy(cbuf.at[pl.ds(0, n)], cnt_sh.at[pl.ds(b, n)])

        @pl.when(sid < 15)
        def _():
            for k in range(5):
                zero_block(b0 + k * CH, CH)
                if with_counts:
                    zero_cnt(b0 + k * CH, CH)

        @pl.when(sid == 15)
        def _():
            for k in range(3):
                zero_block(b0 + k * CH, CH)
                if with_counts:
                    zero_cnt(b0 + k * CH, CH)
            zero_block(b0 + 3 * CH, NA - 15 * STRIPE - 3 * CH)
            if with_counts:
                zero_cnt(b0 + 3 * CH, NA - 15 * STRIPE - 3 * CH)

        if with_counts:
            pltpu.sync_copy(ones_hbm.at[pl.ds(0, CH)], cbuf)
        plsc.subcore_barrier()

        wait_idx(0)
        fire_gather(0)
        wait_idx(1)
        fire_gather(1)

        def triple(p, carry):
            j = 3 * p
            for k in range(3):
                wait_gather(k)
                wait_idx((k + 2) % 3)
                fire_gather((k + 2) % 3)
                scat(j + k, k)
                fire_idx(j + k + 3, k)
            return carry

        lax.fori_loop(0, 26, triple, 0)

        wait_gather(0)
        scat(78, 0)
        wait_gather(1)
        scat(79, 1)
        wait_idx(2)
        plsc.subcore_barrier()

        def stage(b, n, k):
            pltpu.sync_copy(acc_sh.at[pl.ds(b, n)], rbs[k].at[pl.ds(0, n)])
            pltpu.async_copy(rbs[k].at[pl.ds(0, n)],
                             acc_out.at[pl.ds(cid * N + b, n)], sgs[k])

        def stage_wait(b, n, k):
            pltpu.make_async_copy(rbs[k].at[pl.ds(0, n)],
                                  acc_out.at[pl.ds(cid * N + b, n)],
                                  sgs[k]).wait()

        def out_cnt(b, n):
            pltpu.sync_copy(cnt_sh.at[pl.ds(b, n)], cbuf.at[pl.ds(0, n)])
            pltpu.sync_copy(cbuf.at[pl.ds(0, n)],
                            cnt_out.at[pl.ds(cid * N + b, n)])

        @pl.when(sid < 15)
        def _():
            for k in range(5):
                stage(b0 + k * CH, CH, k % 2)
                if k >= 1:
                    stage_wait(b0 + (k - 1) * CH, CH, (k - 1) % 2)
            stage_wait(b0 + 4 * CH, CH, 0)
            if with_counts:
                for k in range(5):
                    out_cnt(b0 + k * CH, CH)

        @pl.when(sid == 15)
        def _():
            for k in range(3):
                stage(b0 + k * CH, CH, k % 2)
                if k >= 1:
                    stage_wait(b0 + (k - 1) * CH, CH, (k - 1) % 2)
            stage(b0 + 3 * CH, N - 15 * STRIPE - 3 * CH, 1)
            stage_wait(b0 + 2 * CH, CH, 0)
            stage_wait(b0 + 3 * CH, N - 15 * STRIPE - 3 * CH, 1)
            if with_counts:
                for k in range(3):
                    out_cnt(b0 + k * CH, CH)
                out_cnt(b0 + 3 * CH, N - 15 * STRIPE - 3 * CH)

    return pl.kernel(body, out_type=tuple(out_type), mesh=mesh,
                     scratch_types=scratch)


def _proj_body(x_ref, nk_ref, wp_ref, bp_ref, emb_ref, o_ref):
    nk = nk_ref[...]
    e0 = emb_ref[0:1, :]
    e1 = emb_ref[1:2, :]
    e2 = emb_ref[2:3, :]
    emb = jnp.where(nk == 0, e0, jnp.where(nk == 1, e1, e2))
    h = lax.dot_general(x_ref[...], wp_ref[...], (((1,), (1,)), ((), ())),
                        preferred_element_type=jnp.float32)
    o_ref[...] = h + bp_ref[...] + emb


def _proj(x, nk, wp, bp, emb):
    return pl.pallas_call(
        _proj_body,
        grid=(N // R,),
        in_specs=[
            pl.BlockSpec((R, D), lambda i: (i, 0)),
            pl.BlockSpec((R, 1), lambda i: (i, 0)),
            pl.BlockSpec((D, D), lambda i: (0, 0)),
            pl.BlockSpec((1, D), lambda i: (0, 0)),
            pl.BlockSpec((8, D), lambda i: (0, 0)),
        ],
        out_specs=pl.BlockSpec((R, D), lambda i: (i, 0)),
        out_shape=jax.ShapeDtypeStruct((N, D), jnp.float32),
    )(x, nk, wp, bp, emb)


def _sage_body(norm_relu, acc_ref, cnt0_ref, cnt1_ref, h_ref, wl_ref,
               bl_ref, wr_ref, g_ref, be_ref, o_ref):
    a = acc_ref[0] + acc_ref[1]
    c = cnt0_ref[...] + cnt1_ref[...]
    agg = a / jnp.maximum(c, 1.0)
    t = lax.dot_general(agg, wl_ref[...], (((1,), (1,)), ((), ())),
                        preferred_element_type=jnp.float32)
    t = t + bl_ref[...]
    t = t + lax.dot_general(h_ref[...], wr_ref[...], (((1,), (1,)), ((), ())),
                            preferred_element_type=jnp.float32)
    if norm_relu:
        mu = jnp.mean(t, axis=-1, keepdims=True)
        var = jnp.mean((t - mu) ** 2, axis=-1, keepdims=True)
        t = (t - mu) / jnp.sqrt(var + 1e-5) * g_ref[...] + be_ref[...]
        t = jnp.maximum(t, 0.0)
    o_ref[...] = t


def _sage_linear(acc, cnt0, cnt1, h, wl, bl, wr, g, be, norm_relu):
    return pl.pallas_call(
        functools.partial(_sage_body, norm_relu),
        grid=(N // R,),
        in_specs=[
            pl.BlockSpec((2, R, D), lambda i: (0, i, 0)),
            pl.BlockSpec((R, 1), lambda i: (i, 0)),
            pl.BlockSpec((R, 1), lambda i: (i, 0)),
            pl.BlockSpec((R, D), lambda i: (i, 0)),
            pl.BlockSpec((D, D), lambda i: (0, 0)),
            pl.BlockSpec((1, D), lambda i: (0, 0)),
            pl.BlockSpec((D, D), lambda i: (0, 0)),
            pl.BlockSpec((1, D), lambda i: (0, 0)),
            pl.BlockSpec((1, D), lambda i: (0, 0)),
        ],
        out_specs=pl.BlockSpec((R, D), lambda i: (i, 0)),
        out_shape=jax.ShapeDtypeStruct((N, D), jnp.float32),
    )(acc, cnt0, cnt1, h, wl, bl, wr, g, be)


def kernel(x, edge_index, node_kind, Wp, bp, kind_emb, W1l, b1l, W1r,
           gamma, beta, W2l, b2l, W2r):
    pad = EPAD - E
    srcpad = jnp.concatenate(
        [edge_index[0], jnp.arange(pad, dtype=jnp.int32) % N])
    dstpad = jnp.concatenate(
        [edge_index[1], N + (jnp.arange(pad, dtype=jnp.int32) % 16)])
    nk = node_kind.reshape(N, 1)
    bp2 = bp.reshape(1, D)
    b12 = b1l.reshape(1, D)
    b22 = b2l.reshape(1, D)
    g2 = gamma.reshape(1, D)
    be2 = beta.reshape(1, D)
    emb = jnp.zeros((8, D), jnp.float32).at[:3, :].set(kind_emb)
    zd = jnp.zeros((CH, D), jnp.float32)
    z16 = jnp.zeros((CH,), jnp.float32)
    ones = jnp.ones((CH,), jnp.float32)

    h0 = _proj(x, nk, Wp, bp2, emb)
    acc1, cnt = _sc_segment_sum(True)(srcpad, dstpad, h0, zd, z16, ones)
    acc1 = acc1.reshape(2, N, D)
    cnt0 = cnt[:N].reshape(N, 1)
    cnt1 = cnt[N:].reshape(N, 1)
    h1 = _sage_linear(acc1, cnt0, cnt1, h0, W1l, b12, W1r, g2, be2, True)
    (acc2,) = _sc_segment_sum(False)(srcpad, dstpad, h1, zd)
    acc2 = acc2.reshape(2, N, D)
    out = _sage_linear(acc2, cnt0, cnt1, h1, W2l, b22, W2r, g2, be2, False)
    return out

# --- scband reference (transcript-rebuilt; emitter-appended) ---
"""Pipeline reference for scband-graph-sage-encoder-41523743817923 (READ-ONLY COPY).

The authoritative reference and input builder live on the scoring server;
editing this copy changes nothing except your own understanding.
"""

import jax, jax.numpy as jnp
import numpy as np

N = 10000
E = 320000
D_IN = 128
D_H = 128
D_OUT = 128
NUM_KINDS = 3


def setup_inputs(seed: int = 0) -> dict:
    key = jax.random.key(seed)
    ks = jax.random.split(key, 16)
    x = jax.random.normal(ks[0], (N, D_IN), dtype=jnp.float32)
    edge_index = jax.random.randint(ks[1], (2, E), 0, N, dtype=jnp.int32)
    node_kind = jax.random.randint(ks[2], (N,), 0, NUM_KINDS, dtype=jnp.int32)
    s_in = 1.0 / np.sqrt(D_IN)
    s_h = 1.0 / np.sqrt(D_H)
    Wp = jax.random.uniform(ks[3], (D_H, D_IN), jnp.float32, -s_in, s_in)
    bp = jax.random.uniform(ks[4], (D_H,), jnp.float32, -s_in, s_in)
    kind_emb = jax.random.normal(ks[5], (NUM_KINDS, D_H), dtype=jnp.float32)
    W1l = jax.random.uniform(ks[6], (D_H, D_H), jnp.float32, -s_h, s_h)
    b1l = jax.random.uniform(ks[7], (D_H,), jnp.float32, -s_h, s_h)
    W1r = jax.random.uniform(ks[8], (D_H, D_H), jnp.float32, -s_h, s_h)
    gamma = jnp.ones((D_H,), dtype=jnp.float32)
    beta = jnp.zeros((D_H,), dtype=jnp.float32)
    W2l = jax.random.uniform(ks[9], (D_OUT, D_H), jnp.float32, -s_h, s_h)
    b2l = jax.random.uniform(ks[10], (D_OUT,), jnp.float32, -s_h, s_h)
    W2r = jax.random.uniform(ks[11], (D_OUT, D_H), jnp.float32, -s_h, s_h)
    return {"x": x, "edge_index": edge_index, "node_kind": node_kind,
            "Wp": Wp, "bp": bp, "kind_emb": kind_emb,
            "W1l": W1l, "b1l": b1l, "W1r": W1r,
            "gamma": gamma, "beta": beta,
            "W2l": W2l, "b2l": b2l, "W2r": W2r}


def _sage_conv(h, src, dst, Wl, bl, Wr):
    # PyG SAGEConv with mean aggregation: out = lin_l(mean_j x_j) + lin_r(x_i)
    msg = h[src]
    agg = jax.ops.segment_sum(msg, dst, num_segments=N)
    cnt = jax.ops.segment_sum(jnp.ones((src.shape[0],), h.dtype), dst, num_segments=N)
    agg = agg / jnp.maximum(cnt, 1.0)[:, None]
    return agg @ Wl.T + bl + h @ Wr.T


def _layer_norm(h, gamma, beta, eps=1e-5):
    mu = jnp.mean(h, axis=-1, keepdims=True)
    var = jnp.mean((h - mu) ** 2, axis=-1, keepdims=True)
    return (h - mu) / jnp.sqrt(var + eps) * gamma + beta


def reference(x, edge_index, node_kind, Wp, bp, kind_emb, W1l, b1l, W1r, gamma, beta, W2l, b2l, W2r):
    src = edge_index[0]
    dst = edge_index[1]
    # external_prior_mode='none': relay mask has no effect
    h = x @ Wp.T + bp + kind_emb[node_kind]
    h = _sage_conv(h, src, dst, W1l, b1l, W1r)
    h = _layer_norm(h, gamma, beta)
    h = jax.nn.relu(h)
    # dropout p=0.0 (eval) -> identity
    h = _sage_conv(h, src, dst, W2l, b2l, W2r)
    return h

if __name__ == "__main__":
    import jax
    _d = setup_inputs()
    print(jax.jit(kernel)(*tuple(_d.values())))

</pallas_src>

<mosaic_0001>
#map = affine_map<(d0, d1) -> (0)>
#map1 = affine_map<(d0, d1) -> (0, 0)>
module attributes {stable_mosaic.version = 14 : i64} {
  func.func @body(%arg0: i32, %arg1: i32, %arg2: memref<328192xi32, #tpu.memory_space<hbm>>, %arg3: memref<328192xi32, #tpu.memory_space<hbm>>, %arg4: memref<10000x128xf32, #tpu.memory_space<hbm>>, %arg5: memref<128x128xf32, #tpu.memory_space<hbm>>, %arg6: memref<20000x128xf32, #tpu.memory_space<hbm>>, %arg7: memref<128xi32, #tpu.memory_space<vmem>>, %arg8: memref<128xi32, #tpu.memory_space<vmem>>, %arg9: memref<128xi32, #tpu.memory_space<vmem>>, %arg10: memref<128xi32, #tpu.memory_space<vmem>>, %arg11: memref<128xi32, #tpu.memory_space<vmem>>, %arg12: memref<128xi32, #tpu.memory_space<vmem>>, %arg13: memref<128x128xf32, #tpu.memory_space<vmem>>, %arg14: memref<128x128xf32, #tpu.memory_space<vmem>>, %arg15: memref<128x128xf32, #tpu.memory_space<vmem>>, %arg16: memref<128xf32, #tpu.memory_space<vmem>>, %arg17: memref<10016x128xf32, #tpu.memory_space<vmem_shared>>, %arg18: memref<!tpu.dma_semaphore, #tpu.memory_space<semaphore_mem>>, %arg19: memref<!tpu.dma_semaphore, #tpu.memory_space<semaphore_mem>>, %arg20: memref<!tpu.dma_semaphore, #tpu.memory_space<semaphore_mem>>, %arg21: memref<!tpu.dma_semaphore, #tpu.memory_space<semaphore_mem>>, %arg22: memref<!tpu.dma_semaphore, #tpu.memory_space<semaphore_mem>>, %arg23: memref<!tpu.dma_semaphore, #tpu.memory_space<semaphore_mem>>) attributes {dimension_semantics = [#tpu.dimension_semantics<core_parallel>, #tpu.dimension_semantics<subcore_parallel>], iteration_bounds = array<i64: 2, 16>, scalar_prefetch = 0 : i64, scratch_operands = 17 : i64, tpu.core_type = #tpu.core_type<sc_vector_subcore>, window_params = [{transform_indices = #map}, {transform_indices = #map}, {transform_indices = #map1}, {transform_indices = #map1}, {transform_indices = #map1}]} {
    %mul3A = arith.constant 2 : i32
    %mul3A_0 = arith.muli %arg1, %mul3A : i32
    %add3A = arith.addi %mul3A_0, %arg0 : i32
    %mul3A_1 = arith.constant 640 : i32
    %mul3A_2 = arith.muli %arg1, %mul3A_1 : i32
    %mul3A_3 = arith.constant 80 : i32
    %mul3A_4 = arith.muli %add3A, %mul3A_3 : i32
    %add3A_5 = arith.constant 0 : i32
    %add3A_6 = arith.addi %mul3A_4, %add3A_5 : i32
    %mul3A_7 = arith.constant 128 : i32
    %mul3A_8 = arith.muli %add3A_6, %mul3A_7 : i32
    %dma_start3A = tpu.memref_slice %arg2[%mul3A_8] : memref<328192xi32, #tpu.memory_space<hbm>> -> memref<128xi32, #tpu.memory_space<hbm>>
    %dma_start3A_9 = tpu.memref_slice %arg2[%mul3A_8] : memref<328192xi32, #tpu.memory_space<hbm>> -> memref<128xi32, #tpu.memory_space<hbm>>
    tpu.enqueue_dma source(%dma_start3A_9 : memref<128xi32, #tpu.memory_space<hbm>>) target(%arg7 : memref<128xi32, #tpu.memory_space<vmem>>) target_semaphore(%arg18 : memref<!tpu.dma_semaphore, #tpu.memory_space<semaphore_mem>>)
    %dma_start3A_10 = tpu.memref_slice %arg3[%mul3A_8] : memref<328192xi32, #tpu.memory_space<hbm>> -> memref<128xi32, #tpu.memory_space<hbm>>
    %dma_start3A_11 = tpu.memref_slice %arg3[%mul3A_8] : memref<328192xi32, #tpu.memory_space<hbm>> -> memref<128xi32, #tpu.memory_space<hbm>>
    tpu.enqueue_dma source(%dma_start3A_11 : memref<128xi32, #tpu.memory_space<hbm>>) target(%arg8 : memref<128xi32, #tpu.memory_space<vmem>>) target_semaphore(%arg18 : memref<!tpu.dma_semaphore, #tpu.memory_space<semaphore_mem>>)
    %add3A_12 = arith.constant 1 : i32
    %add3A_13 = arith.addi %mul3A_4, %add3A_12 : i32
    %mul3A_14 = arith.constant 128 : i32
    %mul3A_15 = arith.muli %add3A_13, %mul3A_14 : i32
    %dma_start3A_16 = tpu.memref_slice %arg2[%mul3A_15] : memref<328192xi32, #tpu.memory_space<hbm>> -> memref<128xi32, #tpu.memory_space<hbm>>
    %dma_start3A_17 = tpu.memref_slice %arg2[%mul3A_15] : memref<328192xi32, #tpu.memory_space<hbm>> -> memref<128xi32, #tpu.memory_space<hbm>>
    tpu.enqueue_dma source(%dma_start3A_17 : memref<128xi32, #tpu.memory_space<hbm>>) target(%arg9 : memref<128xi32, #tpu.memory_space<vmem>>) target_semaphore(%arg19 : memref<!tpu.dma_semaphore, #tpu.memory_space<semaphore_mem>>)
    %dma_start3A_18 = tpu.memref_slice %arg3[%mul3A_15] : memref<328192xi32, #tpu.memory_space<hbm>> -> memref<128xi32, #tpu.memory_space<hbm>>
    %dma_start3A_19 = tpu.memref_slice %arg3[%mul3A_15] : memref<328192xi32, #tpu.memory_space<hbm>> -> memref<128xi32, #tpu.memory_space<hbm>>
    tpu.enqueue_dma source(%dma_start3A_19 : memref<128xi32, #tpu.memory_space<hbm>>) target(%arg10 : memref<128xi32, #tpu.memory_space<vmem>>) target_semaphore(%arg19 : memref<!tpu.dma_semaphore, #tpu.memory_space<semaphore_mem>>)
    %add3A_20 = arith.constant 2 : i32
    %add3A_21 = arith.addi %mul3A_4, %add3A_20 : i32
    %mul3A_22 = arith.constant 128 : i32
    %mul3A_23 = arith.muli %add3A_21, %mul3A_22 : i32
    %dma_start3A_24 = tpu.memref_slice %arg2[%mul3A_23] : memref<328192xi32, #tpu.memory_space<hbm>> -> memref<128xi32, #tpu.memory_space<hbm>>
    %dma_start3A_25 = tpu.memref_slice %arg2[%mul3A_23] : memref<328192xi32, #tpu.memory_space<hbm>> -> memref<128xi32, #tpu.memory_space<hbm>>
    tpu.enqueue_dma source(%dma_start3A_25 : memref<128xi32, #tpu.memory_space<hbm>>) target(%arg11 : memref<128xi32, #tpu.memory_space<vmem>>) target_semaphore(%arg20 : memref<!tpu.dma_semaphore, #tpu.memory_space<semaphore_mem>>)
    %dma_start3A_26 = tpu.memref_slice %arg3[%mul3A_23] : memref<328192xi32, #tpu.memory_space<hbm>> -> memref<128xi32, #tpu.memory_space<hbm>>
    %dma_start3A_27 = tpu.memref_slice %arg3[%mul3A_23] : memref<328192xi32, #tpu.memory_space<hbm>> -> memref<128xi32, #tpu.memory_space<hbm>>
    tpu.enqueue_dma source(%dma_start3A_27 : memref<128xi32, #tpu.memory_space<hbm>>) target(%arg12 : memref<128xi32, #tpu.memory_space<vmem>>) target_semaphore(%arg20 : memref<!tpu.dma_semaphore, #tpu.memory_space<semaphore_mem>>)
    "tpu.region"() ({
      %run_scoped3A = tpu.sem_alloc : memref<!tpu.dma_semaphore, #tpu.memory_space<semaphore_mem>>
      %dma_start3A_99 = arith.constant 0 : i32
      %dma_start3A_100 = arith.constant 0 : i32
      %dma_start3A_101 = tpu.memref_slice %arg5[%dma_start3A_99, %dma_start3A_100] : memref<128x128xf32, #tpu.memory_space<hbm>> -> memref<128x128xf32, #tpu.memory_space<hbm>>
      %dma_start3A_102 = arith.constant 0 : i32
      %dma_start3A_103 = arith.constant 0 : i32
      %dma_start3A_104 = tpu.memref_slice %arg5[%dma_start3A_102, %dma_start3A_103] : memref<128x128xf32, #tpu.memory_space<hbm>> -> memref<128x128xf32, #tpu.memory_space<hbm>>
      tpu.enqueue_dma source(%dma_start3A_104 : memref<128x128xf32, #tpu.memory_space<hbm>>) target(%arg13 : memref<128x128xf32, #tpu.memory_space<vmem>>) target_semaphore(%run_scoped3A : memref<!tpu.dma_semaphore, #tpu.memory_space<semaphore_mem>>)
      %dma_wait3A_105 = arith.constant 0 : i32
      %dma_wait3A_106 = arith.constant 0 : i32
      %dma_wait3A_107 = tpu.memref_slice %arg5[%dma_wait3A_105, %dma_wait3A_106] : memref<128x128xf32, #tpu.memory_space<hbm>> -> memref<128x128xf32, #tpu.memory_space<hbm>>
      %dma_wait3A_108 = arith.constant 0 : i32
      %dma_wait3A_109 = arith.constant 0 : i32
      %dma_wait3A_110 = tpu.memref_slice %arg5[%dma_wait3A_108, %dma_wait3A_109] : memref<128x128xf32, #tpu.memory_space<hbm>> -> memref<128x128xf32, #tpu.memory_space<hbm>>
      tpu.wait_dma2 semaphore(%run_scoped3A : memref<!tpu.dma_semaphore, #tpu.memory_space<semaphore_mem>>) src(%dma_wait3A_110 : memref<128x128xf32, #tpu.memory_space<hbm>>) dst(%arg13 : memref<128x128xf32, #tpu.memory_space<vmem>>)
      tpu.yield
    }) : () -> ()
    %lt3A = arith.constant 15 : i32
    %lt3A_28 = arith.cmpi slt, %arg1, %lt3A : i32
    %convert_element_type3A = arith.extui %lt3A_28 : i1 to i32
    %cond3A = arith.constant 0 : i32
    %cond3A_29 = arith.cmpi ne, %convert_element_type3A, %cond3A : i32
    scf.if %cond3A_29 {
      %add3A_99 = arith.constant 0 : i32
      %add3A_100 = arith.addi %mul3A_2, %add3A_99 : i32
      "tpu.region"() ({
        %run_scoped3A = tpu.sem_alloc : memref<!tpu.dma_semaphore, #tpu.memory_space<semaphore_mem>>
        %dma_start3A_109 = arith.constant 0 : i32
        %dma_start3A_110 = arith.constant 0 : i32
        %dma_start3A_111 = tpu.memref_slice %arg13[%dma_start3A_109, %dma_start3A_110] : memref<128x128xf32, #tpu.memory_space<vmem>> -> memref<128x128xf32, #tpu.memory_space<vmem>>
        %dma_start3A_112 = arith.constant 0 : i32
        %dma_start3A_113 = tpu.memref_slice %arg17[%add3A_100, %dma_start3A_112] : memref<10016x128xf32, #tpu.memory_space<vmem_shared>> -> memref<128x128xf32, #tpu.memory_space<vmem_shared>>
        %dma_start3A_114 = arith.constant 0 : i32
        %dma_start3A_115 = tpu.memref_slice %arg17[%add3A_100, %dma_start3A_114] : memref<10016x128xf32, #tpu.memory_space<vmem_shared>> -> memref<128x128xf32, #tpu.memory_space<vmem_shared>>
        %dma_start3A_116 = arith.constant 0 : i32
        %dma_start3A_117 = arith.constant 0 : i32
        %dma_start3A_118 = tpu.memref_slice %arg13[%dma_start3A_116, %dma_start3A_117] : memref<128x128xf32, #tpu.memory_space<vmem>> -> memref<128x128xf32, #tpu.memory_space<vmem>>
        tpu.enqueue_dma source(%dma_start3A_118 : memref<128x128xf32, #tpu.memory_space<vmem>>) target(%dma_start3A_115 : memref<128x128xf32, #tpu.memory_space<vmem_shared>>) target_semaphore(%run_scoped3A : memref<!tpu.dma_semaphore, #tpu.memory_space<semaphore_mem>>)
        %dma_wait3A_119 = arith.constant 0 : i32
        %dma_wait3A_120 = arith.constant 0 : i32
        %dma_wait3A_121 = tpu.memref_slice %arg13[%dma_wait3A_119, %dma_wait3A_120] : memref<128x128xf32, #tpu.memory_space<vmem>> -> memref<128x128xf32, #tpu.memory_space<vmem>>
        %dma_wait3A_122 = arith.constant 0 : i32
        %dma_wait3A_123 = tpu.memref_slice %arg17[%add3A_100, %dma_wait3A_122] : memref<10016x128xf32, #tpu.memory_space<vmem_shared>> -> memref<128x128xf32, #tpu.memory_space<vmem_shared>>
        %dma_wait3A_124 = arith.constant 0 : i32
        %dma_wait3A_125 = tpu.memref_slice %arg17[%add3A_100, %dma_wait3A_124] : memref<10016x128xf32, #tpu.memory_space<vmem_shared>> -> memref<128x128xf32, #tpu.memory_space<vmem_shared>>
        %dma_wait3A_126 = arith.constant 0 : i32
        %dma_wait3A_127 = arith.constant 0 : i32
        %dma_wait3A_128 = tpu.memref_slice %arg13[%dma_wait3A_126, %dma_wait3A_127] : memref<128x128xf32, #tpu.memory_space<vmem>> -> memref<128x128xf32, #tpu.memory_space<vmem>>
        tpu.wait_dma2 semaphore(%run_scoped3A : memref<!tpu.dma_semaphore, #tpu.memory_space<semaphore_mem>>) src(%dma_wait3A_128 : memref<128x128xf32, #tpu.memory_space<vmem>>) dst(%dma_wait3A_125 : memref<128x128xf32, #tpu.memory_space<vmem_shared>>)
        tpu.yield
      }) : () -> ()
      %add3A_101 = arith.constant 128 : i32
      %add3A_102 = arith.addi %mul3A_2, %add3A_101 : i32
      "tpu.region"() ({
        %run_scoped3A = tpu.sem_alloc : memref<!tpu.dma_semaphore, #tpu.memory_space<semaphore_mem>>
        %dma_start3A_109 = arith.constant 0 : i32
        %dma_start3A_110 = arith.constant 0 : i32
        %dma_start3A_111 = tpu.memref_slice %arg13[%dma_start3A_109, %dma_start3A_110] : memref<128x128xf32, #tpu.memory_space<vmem>> -> memref<128x128xf32, #tpu.memory_space<vmem>>
        %dma_start3A_112 = arith.constant 0 : i32
        %dma_start3A_113 = tpu.memref_slice %arg17[%add3A_102, %dma_start3A_112] : memref<10016x128xf32, #tpu.memory_space<vmem_shared>> -> memref<128x128xf32, #tpu.memory_space<vmem_shared>>
        %dma_start3A_114 = arith.constant 0 : i32
        %dma_start3A_115 = tpu.memref_slice %arg17[%add3A_102, %dma_start3A_114] : memref<10016x128xf32, #tpu.memory_space<vmem_shared>> -> memref<128x128xf32, #tpu.memory_space<vmem_shared>>
        %dma_start3A_116 = arith.constant 0 : i32
        %dma_start3A_117 = arith.constant 0 : i32
        %dma_start3A_118 = tpu.memref_slice %arg13[%dma_start3A_116, %dma_start3A_117] : memref<128x128xf32, #tpu.memory_space<vmem>> -> memref<128x128xf32, #tpu.memory_space<vmem>>
        tpu.enqueue_dma source(%dma_start3A_118 : memref<128x128xf32, #tpu.memory_space<vmem>>) target(%dma_start3A_115 : memref<128x128xf32, #tpu.memory_space<vmem_shared>>) target_semaphore(%run_scoped3A : memref<!tpu.dma_semaphore, #tpu.memory_space<semaphore_mem>>)
        %dma_wait3A_119 = arith.constant 0 : i32
        %dma_wait3A_120 = arith.constant 0 : i32
        %dma_wait3A_121 = tpu.memref_slice %arg13[%dma_wait3A_119, %dma_wait3A_120] : memref<128x128xf32, #tpu.memory_space<vmem>> -> memref<128x128xf32, #tpu.memory_space<vmem>>
        %dma_wait3A_122 = arith.constant 0 : i32
        %dma_wait3A_123 = tpu.memref_slice %arg17[%add3A_102, %dma_wait3A_122] : memref<10016x128xf32, #tpu.memory_space<vmem_shared>> -> memref<128x128xf32, #tpu.memory_space<vmem_shared>>
        %dma_wait3A_124 = arith.constant 0 : i32
        %dma_wait3A_125 = tpu.memref_slice %arg17[%add3A_102, %dma_wait3A_124] : memref<10016x128xf32, #tpu.memory_space<vmem_shared>> -> memref<128x128xf32, #tpu.memory_space<vmem_shared>>
        %dma_wait3A_126 = arith.constant 0 : i32
        %dma_wait3A_127 = arith.constant 0 : i32
        %dma_wait3A_128 = tpu.memref_slice %arg13[%dma_wait3A_126, %dma_wait3A_127] : memref<128x128xf32, #tpu.memory_space<vmem>> -> memref<128x128xf32, #tpu.memory_space<vmem>>
        tpu.wait_dma2 semaphore(%run_scoped3A : memref<!tpu.dma_semaphore, #tpu.memory_space<semaphore_mem>>) src(%dma_wait3A_128 : memref<128x128xf32, #tpu.memory_space<vmem>>) dst(%dma_wait3A_125 : memref<128x128xf32, #tpu.memory_space<vmem_shared>>)
        tpu.yield
      }) : () -> ()
      %add3A_103 = arith.constant 256 : i32
      %add3A_104 = arith.addi %mul3A_2, %add3A_103 : i32
      "tpu.region"() ({
        %run_scoped3A = tpu.sem_alloc : memref<!tpu.dma_semaphore, #tpu.memory_space<semaphore_mem>>
        %dma_start3A_109 = arith.constant 0 : i32
        %dma_start3A_110 = arith.constant 0 : i32
        %dma_start3A_111 = tpu.memref_slice %arg13[%dma_start3A_109, %dma_start3A_110] : memref<128x128xf32, #tpu.memory_space<vmem>> -> memref<128x128xf32, #tpu.memory_space<vmem>>
        %dma_start3A_112 = arith.constant 0 : i32
        %dma_start3A_113 = tpu.memref_slice %arg17[%add3A_104, %dma_start3A_112] : memref<10016x128xf32, #tpu.memory_space<vmem_shared>> -> memref<128x128xf32, #tpu.memory_space<vmem_shared>>
        %dma_start3A_114 = arith.constant 0 : i32
        %dma_start3A_115 = tpu.memref_slice %arg17[%add3A_104, %dma_start3A_114] : memref<10016x128xf32, #tpu.memory_space<vmem_shared>> -> memref<128x128xf32, #tpu.memory_space<vmem_shared>>
        %dma_start3A_116 = arith.constant 0 : i32
        %dma_start3A_117 = arith.constant 0 : i32
        %dma_start3A_118 = tpu.memref_slice %arg13[%dma_start3A_116, %dma_start3A_117] : memref<128x128xf32, #tpu.memory_space<vmem>> -> memref<128x128xf32, #tpu.memory_space<vmem>>
        tpu.enqueue_dma source(%dma_start3A_118 : memref<128x128xf32, #tpu.memory_space<vmem>>) target(%dma_start3A_115 : memref<128x128xf32, #tpu.memory_space<vmem_shared>>) target_semaphore(%run_scoped3A : memref<!tpu.dma_semaphore, #tpu.memory_space<semaphore_mem>>)
        %dma_wait3A_119 = arith.constant 0 : i32
        %dma_wait3A_120 = arith.constant 0 : i32
        %dma_wait3A_121 = tpu.memref_slice %arg13[%dma_wait3A_119, %dma_wait3A_120] : memref<128x128xf32, #tpu.memory_space<vmem>> -> memref<128x128xf32, #tpu.memory_space<vmem>>
        %dma_wait3A_122 = arith.constant 0 : i32
        %dma_wait3A_123 = tpu.memref_slice %arg17[%add3A_104, %dma_wait3A_122] : memref<10016x128xf32, #tpu.memory_space<vmem_shared>> -> memref<128x128xf32, #tpu.memory_space<vmem_shared>>
        %dma_wait3A_124 = arith.constant 0 : i32
        %dma_wait3A_125 = tpu.memref_slice %arg17[%add3A_104, %dma_wait3A_124] : memref<10016x128xf32, #tpu.memory_space<vmem_shared>> -> memref<128x128xf32, #tpu.memory_space<vmem_shared>>
        %dma_wait3A_126 = arith.constant 0 : i32
        %dma_wait3A_127 = arith.constant 0 : i32
        %dma_wait3A_128 = tpu.memref_slice %arg13[%dma_wait3A_126, %dma_wait3A_127] : memref<128x128xf32, #tpu.memory_space<vmem>> -> memref<128x128xf32, #tpu.memory_space<vmem>>
        tpu.wait_dma2 semaphore(%run_scoped3A : memref<!tpu.dma_semaphore, #tpu.memory_space<semaphore_mem>>) src(%dma_wait3A_128 : memref<128x128xf32, #tpu.memory_space<vmem>>) dst(%dma_wait3A_125 : memref<128x128xf32, #tpu.memory_space<vmem_shared>>)
        tpu.yield
      }) : () -> ()
      %add3A_105 = arith.constant 384 : i32
      %add3A_106 = arith.addi %mul3A_2, %add3A_105 : i32
      "tpu.region"() ({
        %run_scoped3A = tpu.sem_alloc : memref<!tpu.dma_semaphore, #tpu.memory_space<semaphore_mem>>
        %dma_start3A_109 = arith.constant 0 : i32
        %dma_start3A_110 = arith.constant 0 : i32
        %dma_start3A_111 = tpu.memref_slice %arg13[%dma_start3A_109, %dma_start3A_110] : memref<128x128xf32, #tpu.memory_space<vmem>> -> memref<128x128xf32, #tpu.memory_space<vmem>>
        %dma_start3A_112 = arith.constant 0 : i32
        %dma_start3A_113 = tpu.memref_slice %arg17[%add3A_106, %dma_start3A_112] : memref<10016x128xf32, #tpu.memory_space<vmem_shared>> -> memref<128x128xf32, #tpu.memory_space<vmem_shared>>
        %dma_start3A_114 = arith.constant 0 : i32
        %dma_start3A_115 = tpu.memref_slice %arg17[%add3A_106, %dma_start3A_114] : memref<10016x128xf32, #tpu.memory_space<vmem_shared>> -> memref<128x128xf32, #tpu.memory_space<vmem_shared>>
        %dma_start3A_116 = arith.constant 0 : i32
        %dma_start3A_117 = arith.constant 0 : i32
        %dma_start3A_118 = tpu.memref_slice %arg13[%dma_start3A_116, %dma_start3A_117] : memref<128x128xf32, #tpu.memory_space<vmem>> -> memref<128x128xf32, #tpu.memory_space<vmem>>
        tpu.enqueue_dma source(%dma_start3A_118 : memref<128x128xf32, #tpu.memory_space<vmem>>) target(%dma_start3A_115 : memref<128x128xf32, #tpu.memory_space<vmem_shared>>) target_semaphore(%run_scoped3A : memref<!tpu.dma_semaphore, #tpu.memory_space<semaphore_mem>>)
        %dma_wait3A_119 = arith.constant 0 : i32
        %dma_wait3A_120 = arith.constant 0 : i32
        %dma_wait3A_121 = tpu.memref_slice %arg13[%dma_wait3A_119, %dma_wait3A_120] : memref<128x128xf32, #tpu.memory_space<vmem>> -> memref<128x128xf32, #tpu.memory_space<vmem>>
        %dma_wait3A_122 = arith.constant 0 : i32
        %dma_wait3A_123 = tpu.memref_slice %arg17[%add3A_106, %dma_wait3A_122] : memref<10016x128xf32, #tpu.memory_space<vmem_shared>> -> memref<128x128xf32, #tpu.memory_space<vmem_shared>>
        %dma_wait3A_124 = arith.constant 0 : i32
        %dma_wait3A_125 = tpu.memref_slice %arg17[%add3A_106, %dma_wait3A_124] : memref<10016x128xf32, #tpu.memory_space<vmem_shared>> -> memref<128x128xf32, #tpu.memory_space<vmem_shared>>
        %dma_wait3A_126 = arith.constant 0 : i32
        %dma_wait3A_127 = arith.constant 0 : i32
        %dma_wait3A_128 = tpu.memref_slice %arg13[%dma_wait3A_126, %dma_wait3A_127] : memref<128x128xf32, #tpu.memory_space<vmem>> -> memref<128x128xf32, #tpu.memory_space<vmem>>
        tpu.wait_dma2 semaphore(%run_scoped3A : memref<!tpu.dma_semaphore, #tpu.memory_space<semaphore_mem>>) src(%dma_wait3A_128 : memref<128x128xf32, #tpu.memory_space<vmem>>) dst(%dma_wait3A_125 : memref<128x128xf32, #tpu.memory_space<vmem_shared>>)
        tpu.yield
      }) : () -> ()
      %add3A_107 = arith.constant 512 : i32
      %add3A_108 = arith.addi %mul3A_2, %add3A_107 : i32
      "tpu.region"() ({
        %run_scoped3A = tpu.sem_alloc : memref<!tpu.dma_semaphore, #tpu.memory_space<semaphore_mem>>
        %dma_start3A_109 = arith.constant 0 : i32
        %dma_start3A_110 = arith.constant 0 : i32
        %dma_start3A_111 = tpu.memref_slice %arg13[%dma_start3A_109, %dma_start3A_110] : memref<128x128xf32, #tpu.memory_space<vmem>> -> memref<128x128xf32, #tpu.memory_space<vmem>>
        %dma_start3A_112 = arith.constant 0 : i32
        %dma_start3A_113 = tpu.memref_slice %arg17[%add3A_108, %dma_start3A_112] : memref<10016x128xf32, #tpu.memory_space<vmem_shared>> -> memref<128x128xf32, #tpu.memory_space<vmem_shared>>
        %dma_start3A_114 = arith.constant 0 : i32
        %dma_start3A_115 = tpu.memref_slice %arg17[%add3A_108, %dma_start3A_114] : memref<10016x128xf32, #tpu.memory_space<vmem_shared>> -> memref<128x128xf32, #tpu.memory_space<vmem_shared>>
        %dma_start3A_116 = arith.constant 0 : i32
        %dma_start3A_117 = arith.constant 0 : i32
        %dma_start3A_118 = tpu.memref_slice %arg13[%dma_start3A_116, %dma_start3A_117] : memref<128x128xf32, #tpu.memory_space<vmem>> -> memref<128x128xf32, #tpu.memory_space<vmem>>
        tpu.enqueue_dma source(%dma_start3A_118 : memref<128x128xf32, #tpu.memory_space<vmem>>) target(%dma_start3A_115 : memref<128x128xf32, #tpu.memory_space<vmem_shared>>) target_semaphore(%run_scoped3A : memref<!tpu.dma_semaphore, #tpu.memory_space<semaphore_mem>>)
        %dma_wait3A_119 = arith.constant 0 : i32
        %dma_wait3A_120 = arith.constant 0 : i32
        %dma_wait3A_121 = tpu.memref_slice %arg13[%dma_wait3A_119, %dma_wait3A_120] : memref<128x128xf32, #tpu.memory_space<vmem>> -> memref<128x128xf32, #tpu.memory_space<vmem>>
        %dma_wait3A_122 = arith.constant 0 : i32
        %dma_wait3A_123 = tpu.memref_slice %arg17[%add3A_108, %dma_wait3A_122] : memref<10016x128xf32, #tpu.memory_space<vmem_shared>> -> memref<128x128xf32, #tpu.memory_space<vmem_shared>>
        %dma_wait3A_124 = arith.constant 0 : i32
        %dma_wait3A_125 = tpu.memref_slice %arg17[%add3A_108, %dma_wait3A_124] : memref<10016x128xf32, #tpu.memory_space<vmem_shared>> -> memref<128x128xf32, #tpu.memory_space<vmem_shared>>
        %dma_wait3A_126 = arith.constant 0 : i32
        %dma_wait3A_127 = arith.constant 0 : i32
        %dma_wait3A_128 = tpu.memref_slice %arg13[%dma_wait3A_126, %dma_wait3A_127] : memref<128x128xf32, #tpu.memory_space<vmem>> -> memref<128x128xf32, #tpu.memory_space<vmem>>
        tpu.wait_dma2 semaphore(%run_scoped3A : memref<!tpu.dma_semaphore, #tpu.memory_space<semaphore_mem>>) src(%dma_wait3A_128 : memref<128x128xf32, #tpu.memory_space<vmem>>) dst(%dma_wait3A_125 : memref<128x128xf32, #tpu.memory_space<vmem_shared>>)
        tpu.yield
      }) : () -> ()
    } else {
    }
    %eq3A = arith.constant 15 : i32
    %eq3A_30 = arith.cmpi eq, %arg1, %eq3A : i32
    %convert_element_type3A_31 = arith.extui %eq3A_30 : i1 to i32
    %cond3A_32 = arith.constant 0 : i32
    %cond3A_33 = arith.cmpi ne, %convert_element_type3A_31, %cond3A_32 : i32
    scf.if %cond3A_33 {
      %add3A_99 = arith.constant 0 : i32
      %add3A_100 = arith.addi %mul3A_2, %add3A_99 : i32
      "tpu.region"() ({
        %run_scoped3A = tpu.sem_alloc : memref<!tpu.dma_semaphore, #tpu.memory_space<semaphore_mem>>
        %dma_start3A_107 = arith.constant 0 : i32
        %dma_start3A_108 = arith.constant 0 : i32
        %dma_start3A_109 = tpu.memref_slice %arg13[%dma_start3A_107, %dma_start3A_108] : memref<128x128xf32, #tpu.memory_space<vmem>> -> memref<128x128xf32, #tpu.memory_space<vmem>>
        %dma_start3A_110 = arith.constant 0 : i32
        %dma_start3A_111 = tpu.memref_slice %arg17[%add3A_100, %dma_start3A_110] : memref<10016x128xf32, #tpu.memory_space<vmem_shared>> -> memref<128x128xf32, #tpu.memory_space<vmem_shared>>
        %dma_start3A_112 = arith.constant 0 : i32
        %dma_start3A_113 = tpu.memref_slice %arg17[%add3A_100, %dma_start3A_112] : memref<10016x128xf32, #tpu.memory_space<vmem_shared>> -> memref<128x128xf32, #tpu.memory_space<vmem_shared>>
        %dma_start3A_114 = arith.constant 0 : i32
        %dma_start3A_115 = arith.constant 0 : i32
        %dma_start3A_116 = tpu.memref_slice %arg13[%dma_start3A_114, %dma_start3A_115] : memref<128x128xf32, #tpu.memory_space<vmem>> -> memref<128x128xf32, #tpu.memory_space<vmem>>
        tpu.enqueue_dma source(%dma_start3A_116 : memref<128x128xf32, #tpu.memory_space<vmem>>) target(%dma_start3A_113 : memref<128x128xf32, #tpu.memory_space<vmem_shared>>) target_semaphore(%run_scoped3A : memref<!tpu.dma_semaphore, #tpu.memory_space<semaphore_mem>>)
        %dma_wait3A_117 = arith.constant 0 : i32
        %dma_wait3A_118 = arith.constant 0 : i32
        %dma_wait3A_119 = tpu.memref_slice %arg13[%dma_wait3A_117, %dma_wait3A_118] : memref<128x128xf32, #tpu.memory_space<vmem>> -> memref<128x128xf32, #tpu.memory_space<vmem>>
        %dma_wait3A_120 = arith.constant 0 : i32
        %dma_wait3A_121 = tpu.memref_slice %arg17[%add3A_100, %dma_wait3A_120] : memref<10016x128xf32, #tpu.memory_space<vmem_shared>> -> memref<128x128xf32, #tpu.memory_space<vmem_shared>>
        %dma_wait3A_122 = arith.constant 0 : i32
        %dma_wait3A_123 = tpu.memref_slice %arg17[%add3A_100, %dma_wait3A_122] : memref<10016x128xf32, #tpu.memory_space<vmem_shared>> -> memref<128x128xf32, #tpu.memory_space<vmem_shared>>
        %dma_wait3A_124 = arith.constant 0 : i32
        %dma_wait3A_125 = arith.constant 0 : i32
        %dma_wait3A_126 = tpu.memref_slice %arg13[%dma_wait3A_124, %dma_wait3A_125] : memref<128x128xf32, #tpu.memory_space<vmem>> -> memref<128x128xf32, #tpu.memory_space<vmem>>
        tpu.wait_dma2 semaphore(%run_scoped3A : memref<!tpu.dma_semaphore, #tpu.memory_space<semaphore_mem>>) src(%dma_wait3A_126 : memref<128x128xf32, #tpu.memory_space<vmem>>) dst(%dma_wait3A_123 : memref<128x128xf32, #tpu.memory_space<vmem_shared>>)
        tpu.yield
      }) : () -> ()
      %add3A_101 = arith.constant 128 : i32
      %add3A_102 = arith.addi %mul3A_2, %add3A_101 : i32
      "tpu.region"() ({
        %run_scoped3A = tpu.sem_alloc : memref<!tpu.dma_semaphore, #tpu.memory_space<semaphore_mem>>
        %dma_start3A_107 = arith.constant 0 : i32
        %dma_start3A_108 = arith.constant 0 : i32
        %dma_start3A_109 = tpu.memref_slice %arg13[%dma_start3A_107, %dma_start3A_108] : memref<128x128xf32, #tpu.memory_space<vmem>> -> memref<128x128xf32, #tpu.memory_space<vmem>>
        %dma_start3A_110 = arith.constant 0 : i32
        %dma_start3A_111 = tpu.memref_slice %arg17[%add3A_102, %dma_start3A_110] : memref<10016x128xf32, #tpu.memory_space<vmem_shared>> -> memref<128x128xf32, #tpu.memory_space<vmem_shared>>
        %dma_start3A_112 = arith.constant 0 : i32
        %dma_start3A_113 = tpu.memref_slice %arg17[%add3A_102, %dma_start3A_112] : memref<10016x128xf32, #tpu.memory_space<vmem_shared>> -> memref<128x128xf32, #tpu.memory_space<vmem_shared>>
        %dma_start3A_114 = arith.constant 0 : i32
        %dma_start3A_115 = arith.constant 0 : i32
        %dma_start3A_116 = tpu.memref_slice %arg13[%dma_start3A_114, %dma_start3A_115] : memref<128x128xf32, #tpu.memory_space<vmem>> -> memref<128x128xf32, #tpu.memory_space<vmem>>
        tpu.enqueue_dma source(%dma_start3A_116 : memref<128x128xf32, #tpu.memory_space<vmem>>) target(%dma_start3A_113 : memref<128x128xf32, #tpu.memory_space<vmem_shared>>) target_semaphore(%run_scoped3A : memref<!tpu.dma_semaphore, #tpu.memory_space<semaphore_mem>>)
        %dma_wait3A_117 = arith.constant 0 : i32
        %dma_wait3A_118 = arith.constant 0 : i32
        %dma_wait3A_119 = tpu.memref_slice %arg13[%dma_wait3A_117, %dma_wait3A_118] : memref<128x128xf32, #tpu.memory_space<vmem>> -> memref<128x128xf32, #tpu.memory_space<vmem>>
        %dma_wait3A_120 = arith.constant 0 : i32
        %dma_wait3A_121 = tpu.memref_slice %arg17[%add3A_102, %dma_wait3A_120] : memref<10016x128xf32, #tpu.memory_space<vmem_shared>> -> memref<128x128xf32, #tpu.memory_space<vmem_shared>>
        %dma_wait3A_122 = arith.constant 0 : i32
        %dma_wait3A_123 = tpu.memref_slice %arg17[%add3A_102, %dma_wait3A_122] : memref<10016x128xf32, #tpu.memory_space<vmem_shared>> -> memref<128x128xf32, #tpu.memory_space<vmem_shared>>
        %dma_wait3A_124 = arith.constant 0 : i32
        %dma_wait3A_125 = arith.constant 0 : i32
        %dma_wait3A_126 = tpu.memref_slice %arg13[%dma_wait3A_124, %dma_wait3A_125] : memref<128x128xf32, #tpu.memory_space<vmem>> -> memref<128x128xf32, #tpu.memory_space<vmem>>
        tpu.wait_dma2 semaphore(%run_scoped3A : memref<!tpu.dma_semaphore, #tpu.memory_space<semaphore_mem>>) src(%dma_wait3A_126 : memref<128x128xf32, #tpu.memory_space<vmem>>) dst(%dma_wait3A_123 : memref<128x128xf32, #tpu.memory_space<vmem_shared>>)
        tpu.yield
      }) : () -> ()
      %add3A_103 = arith.constant 256 : i32
      %add3A_104 = arith.addi %mul3A_2, %add3A_103 : i32
      "tpu.region"() ({
        %run_scoped3A = tpu.sem_alloc : memref<!tpu.dma_semaphore, #tpu.memory_space<semaphore_mem>>
        %dma_start3A_107 = arith.constant 0 : i32
        %dma_start3A_108 = arith.constant 0 : i32
        %dma_start3A_109 = tpu.memref_slice %arg13[%dma_start3A_107, %dma_start3A_108] : memref<128x128xf32, #tpu.memory_space<vmem>> -> memref<128x128xf32, #tpu.memory_space<vmem>>
        %dma_start3A_110 = arith.constant 0 : i32
        %dma_start3A_111 = tpu.memref_slice %arg17[%add3A_104, %dma_start3A_110] : memref<10016x128xf32, #tpu.memory_space<vmem_shared>> -> memref<128x128xf32, #tpu.memory_space<vmem_shared>>
        %dma_start3A_112 = arith.constant 0 : i32
        %dma_start3A_113 = tpu.memref_slice %arg17[%add3A_104, %dma_start3A_112] : memref<10016x128xf32, #tpu.memory_space<vmem_shared>> -> memref<128x128xf32, #tpu.memory_space<vmem_shared>>
        %dma_start3A_114 = arith.constant 0 : i32
        %dma_start3A_115 = arith.constant 0 : i32
        %dma_start3A_116 = tpu.memref_slice %arg13[%dma_start3A_114, %dma_start3A_115] : memref<128x128xf32, #tpu.memory_space<vmem>> -> memref<128x128xf32, #tpu.memory_space<vmem>>
        tpu.enqueue_dma source(%dma_start3A_116 : memref<128x128xf32, #tpu.memory_space<vmem>>) target(%dma_start3A_113 : memref<128x128xf32, #tpu.memory_space<vmem_shared>>) target_semaphore(%run_scoped3A : memref<!tpu.dma_semaphore, #tpu.memory_space<semaphore_mem>>)
        %dma_wait3A_117 = arith.constant 0 : i32
        %dma_wait3A_118 = arith.constant 0 : i32
        %dma_wait3A_119 = tpu.memref_slice %arg13[%dma_wait3A_117, %dma_wait3A_118] : memref<128x128xf32, #tpu.memory_space<vmem>> -> memref<128x128xf32, #tpu.memory_space<vmem>>
        %dma_wait3A_120 = arith.constant 0 : i32
        %dma_wait3A_121 = tpu.memref_slice %arg17[%add3A_104, %dma_wait3A_120] : memref<10016x128xf32, #tpu.memory_space<vmem_shared>> -> memref<128x128xf32, #tpu.memory_space<vmem_shared>>
        %dma_wait3A_122 = arith.constant 0 : i32
        %dma_wait3A_123 = tpu.memref_slice %arg17[%add3A_104, %dma_wait3A_122] : memref<10016x128xf32, #tpu.memory_space<vmem_shared>> -> memref<128x128xf32, #tpu.memory_space<vmem_shared>>
        %dma_wait3A_124 = arith.constant 0 : i32
        %dma_wait3A_125 = arith.constant 0 : i32
        %dma_wait3A_126 = tpu.memref_slice %arg13[%dma_wait3A_124, %dma_wait3A_125] : memref<128x128xf32, #tpu.memory_space<vmem>> -> memref<128x128xf32, #tpu.memory_space<vmem>>
        tpu.wait_dma2 semaphore(%run_scoped3A : memref<!tpu.dma_semaphore, #tpu.memory_space<semaphore_mem>>) src(%dma_wait3A_126 : memref<128x128xf32, #tpu.memory_space<vmem>>) dst(%dma_wait3A_123 : memref<128x128xf32, #tpu.memory_space<vmem_shared>>)
        tpu.yield
      }) : () -> ()
      %add3A_105 = arith.constant 384 : i32
      %add3A_106 = arith.addi %mul3A_2, %add3A_105 : i32
      "tpu.region"() ({
        %run_scoped3A = tpu.sem_alloc : memref<!tpu.dma_semaphore, #tpu.memory_space<semaphore_mem>>
        %dma_start3A_107 = arith.constant 0 : i32
        %dma_start3A_108 = arith.constant 0 : i32
        %dma_start3A_109 = tpu.memref_slice %arg13[%dma_start3A_107, %dma_start3A_108] : memref<128x128xf32, #tpu.memory_space<vmem>> -> memref<32x128xf32, #tpu.memory_space<vmem>>
        %dma_start3A_110 = arith.constant 0 : i32
        %dma_start3A_111 = tpu.memref_slice %arg17[%add3A_106, %dma_start3A_110] : memref<10016x128xf32, #tpu.memory_space<vmem_shared>> -> memref<32x128xf32, #tpu.memory_space<vmem_shared>>
        %dma_start3A_112 = arith.constant 0 : i32
        %dma_start3A_113 = tpu.memref_slice %arg17[%add3A_106, %dma_start3A_112] : memref<10016x128xf32, #tpu.memory_space<vmem_shared>> -> memref<32x128xf32, #tpu.memory_space<vmem_shared>>
        %dma_start3A_114 = arith.constant 0 : i32
        %dma_start3A_115 = arith.constant 0 : i32
        %dma_start3A_116 = tpu.memref_slice %arg13[%dma_start3A_114, %dma_start3A_115] : memref<128x128xf32, #tpu.memory_space<vmem>> -> memref<32x128xf32, #tpu.memory_space<vmem>>
        tpu.enqueue_dma source(%dma_start3A_116 : memref<32x128xf32, #tpu.memory_space<vmem>>) target(%dma_start3A_113 : memref<32x128xf32, #tpu.memory_space<vmem_shared>>) target_semaphore(%run_scoped3A : memref<!tpu.dma_semaphore, #tpu.memory_space<semaphore_mem>>)
        %dma_wait3A_117 = arith.constant 0 : i32
        %dma_wait3A_118 = arith.constant 0 : i32
        %dma_wait3A_119 = tpu.memref_slice %arg13[%dma_wait3A_117, %dma_wait3A_118] : memref<128x128xf32, #tpu.memory_space<vmem>> -> memref<32x128xf32, #tpu.memory_space<vmem>>
        %dma_wait3A_120 = arith.constant 0 : i32
        %dma_wait3A_121 = tpu.memref_slice %arg17[%add3A_106, %dma_wait3A_120] : memref<10016x128xf32, #tpu.memory_space<vmem_shared>> -> memref<32x128xf32, #tpu.memory_space<vmem_shared>>
        %dma_wait3A_122 = arith.constant 0 : i32
        %dma_wait3A_123 = tpu.memref_slice %arg17[%add3A_106, %dma_wait3A_122] : memref<10016x128xf32, #tpu.memory_space<vmem_shared>> -> memref<32x128xf32, #tpu.memory_space<vmem_shared>>
        %dma_wait3A_124 = arith.constant 0 : i32
        %dma_wait3A_125 = arith.constant 0 : i32
        %dma_wait3A_126 = tpu.memref_slice %arg13[%dma_wait3A_124, %dma_wait3A_125] : memref<128x128xf32, #tpu.memory_space<vmem>> -> memref<32x128xf32, #tpu.memory_space<vmem>>
        tpu.wait_dma2 semaphore(%run_scoped3A : memref<!tpu.dma_semaphore, #tpu.memory_space<semaphore_mem>>) src(%dma_wait3A_126 : memref<32x128xf32, #tpu.memory_space<vmem>>) dst(%dma_wait3A_123 : memref<32x128xf32, #tpu.memory_space<vmem_shared>>)
        tpu.yield
      }) : () -> ()
    } else {
    }
    %barrier3A = arith.constant 0 : index
    tpu.barrier barrier_id(%barrier3A)
    %dma_wait3A = arith.constant 0 : i32
    %dma_wait3A_34 = tpu.memref_slice %arg2[%dma_wait3A] : memref<328192xi32, #tpu.memory_space<hbm>> -> memref<128xi32, #tpu.memory_space<hbm>>
    %dma_wait3A_35 = arith.constant 0 : i32
    %dma_wait3A_36 = tpu.memref_slice %arg2[%dma_wait3A_35] : memref<328192xi32, #tpu.memory_space<hbm>> -> memref<128xi32, #tpu.memory_space<hbm>>
    tpu.wait_dma2 semaphore(%arg18 : memref<!tpu.dma_semaphore, #tpu.memory_space<semaphore_mem>>) src(%dma_wait3A_36 : memref<128xi32, #tpu.memory_space<hbm>>) dst(%arg7 : memref<128xi32, #tpu.memory_space<vmem>>)
    %dma_wait3A_37 = arith.constant 0 : i32
    %dma_wait3A_38 = tpu.memref_slice %arg3[%dma_wait3A_37] : memref<328192xi32, #tpu.memory_space<hbm>> -> memref<128xi32, #tpu.memory_space<hbm>>
    %dma_wait3A_39 = arith.constant 0 : i32
    %dma_wait3A_40 = tpu.memref_slice %arg3[%dma_wait3A_39] : memref<328192xi32, #tpu.memory_space<hbm>> -> memref<128xi32, #tpu.memory_space<hbm>>
    tpu.wait_dma2 semaphore(%arg18 : memref<!tpu.dma_semaphore, #tpu.memory_space<semaphore_mem>>) src(%dma_wait3A_40 : memref<128xi32, #tpu.memory_space<hbm>>) dst(%arg8 : memref<128xi32, #tpu.memory_space<vmem>>)
    %dma_start3A_41 = arith.constant 0 : i32
    %dma_start3A_42 = arith.constant 0 : i32
    %dma_start3A_43 = tpu.memref_slice %arg4[%dma_start3A_41, %dma_start3A_42] : memref<10000x128xf32, #tpu.memory_space<hbm>> -> memref<10000x128xf32, #tpu.memory_space<hbm>>
    tpu.enqueue_indirect_dma source(%dma_start3A_43 : memref<10000x128xf32, #tpu.memory_space<hbm>>) target(%arg13 : memref<128x128xf32, #tpu.memory_space<vmem>>) offsets(%arg7 : memref<128xi32, #tpu.memory_space<vmem>>) semaphore(%arg21 : memref<!tpu.dma_semaphore, #tpu.memory_space<semaphore_mem>>)
    %dma_wait3A_44 = arith.constant 0 : i32
    %dma_wait3A_45 = tpu.memref_slice %arg2[%dma_wait3A_44] : memref<328192xi32, #tpu.memory_space<hbm>> -> memref<128xi32, #tpu.memory_space<hbm>>
    %dma_wait3A_46 = arith.constant 0 : i32
    %dma_wait3A_47 = tpu.memref_slice %arg2[%dma_wait3A_46] : memref<328192xi32, #tpu.memory_space<hbm>> -> memref<128xi32, #tpu.memory_space<hbm>>
    tpu.wait_dma2 semaphore(%arg19 : memref<!tpu.dma_semaphore, #tpu.memory_space<semaphore_mem>>) src(%dma_wait3A_47 : memref<128xi32, #tpu.memory_space<hbm>>) dst(%arg9 : memref<128xi32, #tpu.memory_space<vmem>>)
    %dma_wait3A_48 = arith.constant 0 : i32
    %dma_wait3A_49 = tpu.memref_slice %arg3[%dma_wait3A_48] : memref<328192xi32, #tpu.memory_space<hbm>> -> memref<128xi32, #tpu.memory_space<hbm>>
    %dma_wait3A_50 = arith.constant 0 : i32
    %dma_wait3A_51 = tpu.memref_slice %arg3[%dma_wait3A_50] : memref<328192xi32, #tpu.memory_space<hbm>> -> memref<128xi32, #tpu.memory_space<hbm>>
    tpu.wait_dma2 semaphore(%arg19 : memref<!tpu.dma_semaphore, #tpu.memory_space<semaphore_mem>>) src(%dma_wait3A_51 : memref<128xi32, #tpu.memory_space<hbm>>) dst(%arg10 : memref<128xi32, #tpu.memory_space<vmem>>)
    %dma_start3A_52 = arith.constant 0 : i32
    %dma_start3A_53 = arith.constant 0 : i32
    %dma_start3A_54 = tpu.memref_slice %arg4[%dma_start3A_52, %dma_start3A_53] : memref<10000x128xf32, #tpu.memory_space<hbm>> -> memref<10000x128xf32, #tpu.memory_space<hbm>>
    tpu.enqueue_indirect_dma source(%dma_start3A_54 : memref<10000x128xf32, #tpu.memory_space<hbm>>) target(%arg14 : memref<128x128xf32, #tpu.memory_space<vmem>>) offsets(%arg9 : memref<128xi32, #tpu.memory_space<vmem>>) semaphore(%arg22 : memref<!tpu.dma_semaphore, #tpu.memory_space<semaphore_mem>>)
    %scan3A = arith.constant 0 : i32
    %scan3A_55 = arith.constant 0 : i32
    %scan3A_56 = arith.constant 26 : i32
    %scan3A_57 = arith.addi %scan3A_55, %scan3A_56 : i32
    %scan3A_58 = arith.constant 1 : i32
    scf.for %scan3A_99 = %scan3A_55 to %scan3A_57 step %scan3A_58  : i32 {
      %mul3A_100 = arith.constant 3 : i32
      %mul3A_101 = arith.muli %mul3A_100, %scan3A_99 : i32
      %dma_wait3A_102 = arith.constant 0 : i32
      %dma_wait3A_103 = arith.constant 0 : i32
      %dma_wait3A_104 = tpu.memref_slice %arg4[%dma_wait3A_102, %dma_wait3A_103] : memref<10000x128xf32, #tpu.memory_space<hbm>> -> memref<10000x128xf32, #tpu.memory_space<hbm>>
      tpu.wait_indirect_dma semaphore(%arg21 : memref<!tpu.dma_semaphore, #tpu.memory_space<semaphore_mem>>) src(%dma_wait3A_104 : memref<10000x128xf32, #tpu.memory_space<hbm>>) dst(%arg13 : memref<128x128xf32, #tpu.memory_space<vmem>>)
      %dma_wait3A_105 = arith.constant 0 : i32
      %dma_wait3A_106 = tpu.memref_slice %arg2[%dma_wait3A_105] : memref<328192xi32, #tpu.memory_space<hbm>> -> memref<128xi32, #tpu.memory_space<hbm>>
      %dma_wait3A_107 = arith.constant 0 : i32
      %dma_wait3A_108 = tpu.memref_slice %arg2[%dma_wait3A_107] : memref<328192xi32, #tpu.memory_space<hbm>> -> memref<128xi32, #tpu.memory_space<hbm>>
      tpu.wait_dma2 semaphore(%arg20 : memref<!tpu.dma_semaphore, #tpu.memory_space<semaphore_mem>>) src(%dma_wait3A_108 : memref<128xi32, #tpu.memory_space<hbm>>) dst(%arg11 : memref<128xi32, #tpu.memory_space<vmem>>)
      %dma_wait3A_109 = arith.constant 0 : i32
      %dma_wait3A_110 = tpu.memref_slice %arg3[%dma_wait3A_109] : memref<328192xi32, #tpu.memory_space<hbm>> -> memref<128xi32, #tpu.memory_space<hbm>>
      %dma_wait3A_111 = arith.constant 0 : i32
      %dma_wait3A_112 = tpu.memref_slice %arg3[%dma_wait3A_111] : memref<328192xi32, #tpu.memory_space<hbm>> -> memref<128xi32, #tpu.memory_space<hbm>>
      tpu.wait_dma2 semaphore(%arg20 : memref<!tpu.dma_semaphore, #tpu.memory_space<semaphore_mem>>) src(%dma_wait3A_112 : memref<128xi32, #tpu.memory_space<hbm>>) dst(%arg12 : memref<128xi32, #tpu.memory_space<vmem>>)
      %dma_start3A_113 = arith.constant 0 : i32
      %dma_start3A_114 = arith.constant 0 : i32
      %dma_start3A_115 = tpu.memref_slice %arg4[%dma_start3A_113, %dma_start3A_114] : memref<10000x128xf32, #tpu.memory_space<hbm>> -> memref<10000x128xf32, #tpu.memory_space<hbm>>
      tpu.enqueue_indirect_dma source(%dma_start3A_115 : memref<10000x128xf32, #tpu.memory_space<hbm>>) target(%arg15 : memref<128x128xf32, #tpu.memory_space<vmem>>) offsets(%arg11 : memref<128xi32, #tpu.memory_space<vmem>>) semaphore(%arg23 : memref<!tpu.dma_semaphore, #tpu.memory_space<semaphore_mem>>)
      %add3A_116 = arith.constant 0 : i32
      %add3A_117 = arith.addi %mul3A_101, %add3A_116 : i32
      %add3A_118 = arith.addi %mul3A_4, %add3A_117 : i32
      %lt3A_119 = arith.constant 2500 : i32
      %lt3A_120 = arith.cmpi slt, %add3A_118, %lt3A_119 : i32
      %convert_element_type3A_121 = arith.extui %lt3A_120 : i1 to i32
      %cond3A_122 = arith.constant 0 : i32
      %cond3A_123 = arith.cmpi ne, %convert_element_type3A_121, %cond3A_122 : i32
      scf.if %cond3A_123 {
        "tpu.region"() ({
          %run_scoped3A = tpu.sem_alloc : memref<!tpu.dma_semaphore, #tpu.memory_space<semaphore_mem>>
          %dma_start3A_201 = arith.constant 0 : i32
          %dma_start3A_202 = arith.constant 0 : i32
          %dma_start3A_203 = tpu.memref_slice %arg17[%dma_start3A_201, %dma_start3A_202] : memref<10016x128xf32, #tpu.memory_space<vmem_shared>> -> memref<10016x128xf32, #tpu.memory_space<vmem_shared>>
          tpu.enqueue_indirect_dma source(%arg13 : memref<128x128xf32, #tpu.memory_space<vmem>>) target(%dma_start3A_203 : memref<10016x128xf32, #tpu.memory_space<vmem_shared>>) offsets(%arg8 : memref<128xi32, #tpu.memory_space<vmem>>) semaphore(%run_scoped3A : memref<!tpu.dma_semaphore, #tpu.memory_space<semaphore_mem>>) {add = true}
          %dma_wait3A_204 = arith.constant 0 : i32
          %dma_wait3A_205 = arith.constant 0 : i32
          %dma_wait3A_206 = tpu.memref_slice %arg17[%dma_wait3A_204, %dma_wait3A_205] : memref<10016x128xf32, #tpu.memory_space<vmem_shared>> -> memref<10016x128xf32, #tpu.memory_space<vmem_shared>>
          tpu.wait_indirect_dma semaphore(%run_scoped3A : memref<!tpu.dma_semaphore, #tpu.memory_space<semaphore_mem>>) src(%arg13 : memref<128x128xf32, #tpu.memory_space<vmem>>) dst(%dma_wait3A_206 : memref<10016x128xf32, #tpu.memory_space<vmem_shared>>)
          tpu.yield
        }) : () -> ()
      } else {
      }
      %add3A_124 = arith.constant 0 : i32
      %add3A_125 = arith.addi %mul3A_101, %add3A_124 : i32
      %add3A_126 = arith.constant 3 : i32
      %add3A_127 = arith.addi %add3A_125, %add3A_126 : i32
      %add3A_128 = arith.addi %mul3A_4, %add3A_127 : i32
      %mul3A_129 = arith.constant 128 : i32
      %mul3A_130 = arith.muli %add3A_128, %mul3A_129 : i32
      %dma_start3A_131 = tpu.memref_slice %arg2[%mul3A_130] : memref<328192xi32, #tpu.memory_space<hbm>> -> memref<128xi32, #tpu.memory_space<hbm>>
      %dma_start3A_132 = tpu.memref_slice %arg2[%mul3A_130] : memref<328192xi32, #tpu.memory_space<hbm>> -> memref<128xi32, #tpu.memory_space<hbm>>
      tpu.enqueue_dma source(%dma_start3A_132 : memref<128xi32, #tpu.memory_space<hbm>>) target(%arg7 : memref<128xi32, #tpu.memory_space<vmem>>) target_semaphore(%arg18 : memref<!tpu.dma_semaphore, #tpu.memory_space<semaphore_mem>>)
      %dma_start3A_133 = tpu.memref_slice %arg3[%mul3A_130] : memref<328192xi32, #tpu.memory_space<hbm>> -> memref<128xi32, #tpu.memory_space<hbm>>
      %dma_start3A_134 = tpu.memref_slice %arg3[%mul3A_130] : memref<328192xi32, #tpu.memory_space<hbm>> -> memref<128xi32, #tpu.memory_space<hbm>>
      tpu.enqueue_dma source(%dma_start3A_134 : memref<128xi32, #tpu.memory_space<hbm>>) target(%arg8 : memref<128xi32, #tpu.memory_space<vmem>>) target_semaphore(%arg18 : memref<!tpu.dma_semaphore, #tpu.memory_space<semaphore_mem>>)
      %dma_wait3A_135 = arith.constant 0 : i32
      %dma_wait3A_136 = arith.constant 0 : i32
      %dma_wait3A_137 = tpu.memref_slice %arg4[%dma_wait3A_135, %dma_wait3A_136] : memref<10000x128xf32, #tpu.memory_space<hbm>> -> memref<10000x128xf32, #tpu.memory_space<hbm>>
      tpu.wait_indirect_dma semaphore(%arg22 : memref<!tpu.dma_semaphore, #tpu.memory_space<semaphore_mem>>) src(%dma_wait3A_137 : memref<10000x128xf32, #tpu.memory_space<hbm>>) dst(%arg14 : memref<128x128xf32, #tpu.memory_space<vmem>>)
      %dma_wait3A_138 = arith.constant 0 : i32
      %dma_wait3A_139 = tpu.memref_slice %arg2[%dma_wait3A_138] : memref<328192xi32, #tpu.memory_space<hbm>> -> memref<128xi32, #tpu.memory_space<hbm>>
      %dma_wait3A_140 = arith.constant 0 : i32
      %dma_wait3A_141 = tpu.memref_slice %arg2[%dma_wait3A_140] : memref<328192xi32, #tpu.memory_space<hbm>> -> memref<128xi32, #tpu.memory_space<hbm>>
      tpu.wait_dma2 semaphore(%arg18 : memref<!tpu.dma_semaphore, #tpu.memory_space<semaphore_mem>>) src(%dma_wait3A_141 : memref<128xi32, #tpu.memory_space<hbm>>) dst(%arg7 : memref<128xi32, #tpu.memory_space<vmem>>)
      %dma_wait3A_142 = arith.constant 0 : i32
      %dma_wait3A_143 = tpu.memref_slice %arg3[%dma_wait3A_142] : memref<328192xi32, #tpu.memory_space<hbm>> -> memref<128xi32, #tpu.memory_space<hbm>>
      %dma_wait3A_144 = arith.constant 0 : i32
      %dma_wait3A_145 = tpu.memref_slice %arg3[%dma_wait3A_144] : memref<328192xi32, #tpu.memory_space<hbm>> -> memref<128xi32, #tpu.memory_space<hbm>>
      tpu.wait_dma2 semaphore(%arg18 : memref<!tpu.dma_semaphore, #tpu.memory_space<semaphore_mem>>) src(%dma_wait3A_145 : memref<128xi32, #tpu.memory_space<hbm>>) dst(%arg8 : memref<128xi32, #tpu.memory_space<vmem>>)
      %dma_start3A_146 = arith.constant 0 : i32
      %dma_start3A_147 = arith.constant 0 : i32
      %dma_start3A_148 = tpu.memref_slice %arg4[%dma_start3A_146, %dma_start3A_147] : memref<10000x128xf32, #tpu.memory_space<hbm>> -> memref<10000x128xf32, #tpu.memory_space<hbm>>
      tpu.enqueue_indirect_dma source(%dma_start3A_148 : memref<10000x128xf32, #tpu.memory_space<hbm>>) target(%arg13 : memref<128x128xf32, #tpu.memory_space<vmem>>) offsets(%arg7 : memref<128xi32, #tpu.memory_space<vmem>>) semaphore(%arg21 : memref<!tpu.dma_semaphore, #tpu.memory_space<semaphore_mem>>)
      %add3A_149 = arith.constant 1 : i32
      %add3A_150 = arith.addi %mul3A_101, %add3A_149 : i32
      %add3A_151 = arith.addi %mul3A_4, %add3A_150 : i32
      %lt3A_152 = arith.constant 2500 : i32
      %lt3A_153 = arith.cmpi slt, %add3A_151, %lt3A_152 : i32
      %convert_element_type3A_154 = arith.extui %lt3A_153 : i1 to i32
      %cond3A_155 = arith.constant 0 : i32
      %cond3A_156 = arith.cmpi ne, %convert_element_type3A_154, %cond3A_155 : i32
      scf.if %cond3A_156 {
        "tpu.region"() ({
          %run_scoped3A = tpu.sem_alloc : memref<!tpu.dma_semaphore, #tpu.memory_space<semaphore_mem>>
          %dma_start3A_201 = arith.constant 0 : i32
          %dma_start3A_202 = arith.constant 0 : i32
          %dma_start3A_203 = tpu.memref_slice %arg17[%dma_start3A_201, %dma_start3A_202] : memref<10016x128xf32, #tpu.memory_space<vmem_shared>> -> memref<10016x128xf32, #tpu.memory_space<vmem_shared>>
          tpu.enqueue_indirect_dma source(%arg14 : memref<128x128xf32, #tpu.memory_space<vmem>>) target(%dma_start3A_203 : memref<10016x128xf32, #tpu.memory_space<vmem_shared>>) offsets(%arg10 : memref<128xi32, #tpu.memory_space<vmem>>) semaphore(%run_scoped3A : memref<!tpu.dma_semaphore, #tpu.memory_space<semaphore_mem>>) {add = true}
          %dma_wait3A_204 = arith.constant 0 : i32
          %dma_wait3A_205 = arith.constant 0 : i32
          %dma_wait3A_206 = tpu.memref_slice %arg17[%dma_wait3A_204, %dma_wait3A_205] : memref<10016x128xf32, #tpu.memory_space<vmem_shared>> -> memref<10016x128xf32, #tpu.memory_space<vmem_shared>>
          tpu.wait_indirect_dma semaphore(%run_scoped3A : memref<!tpu.dma_semaphore, #tpu.memory_space<semaphore_mem>>) src(%arg14 : memref<128x128xf32, #tpu.memory_space<vmem>>) dst(%dma_wait3A_206 : memref<10016x128xf32, #tpu.memory_space<vmem_shared>>)
          tpu.yield
        }) : () -> ()
      } else {
      }
      %add3A_157 = arith.constant 1 : i32
      %add3A_158 = arith.addi %mul3A_101, %add3A_157 : i32
      %add3A_159 = arith.constant 3 : i32
      %add3A_160 = arith.addi %add3A_158, %add3A_159 : i32
      %add3A_161 = arith.addi %mul3A_4, %add3A_160 : i32
      %mul3A_162 = arith.constant 128 : i32
      %mul3A_163 = arith.muli %add3A_161, %mul3A_162 : i32
      %dma_start3A_164 = tpu.memref_slice %arg2[%mul3A_163] : memref<328192xi32, #tpu.memory_space<hbm>> -> memref<128xi32, #tpu.memory_space<hbm>>
      %dma_start3A_165 = tpu.memref_slice %arg2[%mul3A_163] : memref<328192xi32, #tpu.memory_space<hbm>> -> memref<128xi32, #tpu.memory_space<hbm>>
      tpu.enqueue_dma source(%dma_start3A_165 : memref<128xi32, #tpu.memory_space<hbm>>) target(%arg9 : memref<128xi32, #tpu.memory_space<vmem>>) target_semaphore(%arg19 : memref<!tpu.dma_semaphore, #tpu.memory_space<semaphore_mem>>)
      %dma_start3A_166 = tpu.memref_slice %arg3[%mul3A_163] : memref<328192xi32, #tpu.memory_space<hbm>> -> memref<128xi32, #tpu.memory_space<hbm>>
      %dma_start3A_167 = tpu.memref_slice %arg3[%mul3A_163] : memref<328192xi32, #tpu.memory_space<hbm>> -> memref<128xi32, #tpu.memory_space<hbm>>
      tpu.enqueue_dma source(%dma_start3A_167 : memref<128xi32, #tpu.memory_space<hbm>>) target(%arg10 : memref<128xi32, #tpu.memory_space<vmem>>) target_semaphore(%arg19 : memref<!tpu.dma_semaphore, #tpu.memory_space<semaphore_mem>>)
      %dma_wait3A_168 = arith.constant 0 : i32
      %dma_wait3A_169 = arith.constant 0 : i32
      %dma_wait3A_170 = tpu.memref_slice %arg4[%dma_wait3A_168, %dma_wait3A_169] : memref<10000x128xf32, #tpu.memory_space<hbm>> -> memref<10000x128xf32, #tpu.memory_space<hbm>>
      tpu.wait_indirect_dma semaphore(%arg23 : memref<!tpu.dma_semaphore, #tpu.memory_space<semaphore_mem>>) src(%dma_wait3A_170 : memref<10000x128xf32, #tpu.memory_space<hbm>>) dst(%arg15 : memref<128x128xf32, #tpu.memory_space<vmem>>)
      %dma_wait3A_171 = arith.constant 0 : i32
      %dma_wait3A_172 = tpu.memref_slice %arg2[%dma_wait3A_171] : memref<328192xi32, #tpu.memory_space<hbm>> -> memref<128xi32, #tpu.memory_space<hbm>>
      %dma_wait3A_173 = arith.constant 0 : i32
      %dma_wait3A_174 = tpu.memref_slice %arg2[%dma_wait3A_173] : memref<328192xi32, #tpu.memory_space<hbm>> -> memref<128xi32, #tpu.memory_space<hbm>>
      tpu.wait_dma2 semaphore(%arg19 : memref<!tpu.dma_semaphore, #tpu.memory_space<semaphore_mem>>) src(%dma_wait3A_174 : memref<128xi32, #tpu.memory_space<hbm>>) dst(%arg9 : memref<128xi32, #tpu.memory_space<vmem>>)
      %dma_wait3A_175 = arith.constant 0 : i32
      %dma_wait3A_176 = tpu.memref_slice %arg3[%dma_wait3A_175] : memref<328192xi32, #tpu.memory_space<hbm>> -> memref<128xi32, #tpu.memory_space<hbm>>
      %dma_wait3A_177 = arith.constant 0 : i32
      %dma_wait3A_178 = tpu.memref_slice %arg3[%dma_wait3A_177] : memref<328192xi32, #tpu.memory_space<hbm>> -> memref<128xi32, #tpu.memory_space<hbm>>
      tpu.wait_dma2 semaphore(%arg19 : memref<!tpu.dma_semaphore, #tpu.memory_space<semaphore_mem>>) src(%dma_wait3A_178 : memref<128xi32, #tpu.memory_space<hbm>>) dst(%arg10 : memref<128xi32, #tpu.memory_space<vmem>>)
      %dma_start3A_179 = arith.constant 0 : i32
      %dma_start3A_180 = arith.constant 0 : i32
      %dma_start3A_181 = tpu.memref_slice %arg4[%dma_start3A_179, %dma_start3A_180] : memref<10000x128xf32, #tpu.memory_space<hbm>> -> memref<10000x128xf32, #tpu.memory_space<hbm>>
      tpu.enqueue_indirect_dma source(%dma_start3A_181 : memref<10000x128xf32, #tpu.memory_space<hbm>>) target(%arg14 : memref<128x128xf32, #tpu.memory_space<vmem>>) offsets(%arg9 : memref<128xi32, #tpu.memory_space<vmem>>) semaphore(%arg22 : memref<!tpu.dma_semaphore, #tpu.memory_space<semaphore_mem>>)
      %add3A_182 = arith.constant 2 : i32
      %add3A_183 = arith.addi %mul3A_101, %add3A_182 : i32
      %add3A_184 = arith.addi %mul3A_4, %add3A_183 : i32
      %lt3A_185 = arith.constant 2500 : i32
      %lt3A_186 = arith.cmpi slt, %add3A_184, %lt3A_185 : i32
      %convert_element_type3A_187 = arith.extui %lt3A_186 : i1 to i32
      %cond3A_188 = arith.constant 0 : i32
      %cond3A_189 = arith.cmpi ne, %convert_element_type3A_187, %cond3A_188 : i32
      scf.if %cond3A_189 {
        "tpu.region"() ({
          %run_scoped3A = tpu.sem_alloc : memref<!tpu.dma_semaphore, #tpu.memory_space<semaphore_mem>>
          %dma_start3A_201 = arith.constant 0 : i32
          %dma_start3A_202 = arith.constant 0 : i32
          %dma_start3A_203 = tpu.memref_slice %arg17[%dma_start3A_201, %dma_start3A_202] : memref<10016x128xf32, #tpu.memory_space<vmem_shared>> -> memref<10016x128xf32, #tpu.memory_space<vmem_shared>>
          tpu.enqueue_indirect_dma source(%arg15 : memref<128x128xf32, #tpu.memory_space<vmem>>) target(%dma_start3A_203 : memref<10016x128xf32, #tpu.memory_space<vmem_shared>>) offsets(%arg12 : memref<128xi32, #tpu.memory_space<vmem>>) semaphore(%run_scoped3A : memref<!tpu.dma_semaphore, #tpu.memory_space<semaphore_mem>>) {add = true}
          %dma_wait3A_204 = arith.constant 0 : i32
          %dma_wait3A_205 = arith.constant 0 : i32
          %dma_wait3A_206 = tpu.memref_slice %arg17[%dma_wait3A_204, %dma_wait3A_205] : memref<10016x128xf32, #tpu.memory_space<vmem_shared>> -> memref<10016x128xf32, #tpu.memory_space<vmem_shared>>
          tpu.wait_indirect_dma semaphore(%run_scoped3A : memref<!tpu.dma_semaphore, #tpu.memory_space<semaphore_mem>>) src(%arg15 : memref<128x128xf32, #tpu.memory_space<vmem>>) dst(%dma_wait3A_206 : memref<10016x128xf32, #tpu.memory_space<vmem_shared>>)
          tpu.yield
        }) : () -> ()
      } else {
      }
      %add3A_190 = arith.constant 2 : i32
      %add3A_191 = arith.addi %mul3A_101, %add3A_190 : i32
      %add3A_192 = arith.constant 3 : i32
      %add3A_193 = arith.addi %add3A_191, %add3A_192 : i32
      %add3A_194 = arith.addi %mul3A_4, %add3A_193 : i32
      %mul3A_195 = arith.constant 128 : i32
      %mul3A_196 = arith.muli %add3A_194, %mul3A_195 : i32
      %dma_start3A_197 = tpu.memref_slice %arg2[%mul3A_196] : memref<328192xi32, #tpu.memory_space<hbm>> -> memref<128xi32, #tpu.memory_space<hbm>>
      %dma_start3A_198 = tpu.memref_slice %arg2[%mul3A_196] : memref<328192xi32, #tpu.memory_space<hbm>> -> memref<128xi32, #tpu.memory_space<hbm>>
      tpu.enqueue_dma source(%dma_start3A_198 : memref<128xi32, #tpu.memory_space<hbm>>) target(%arg11 : memref<128xi32, #tpu.memory_space<vmem>>) target_semaphore(%arg20 : memref<!tpu.dma_semaphore, #tpu.memory_space<semaphore_mem>>)
      %dma_start3A_199 = tpu.memref_slice %arg3[%mul3A_196] : memref<328192xi32, #tpu.memory_space<hbm>> -> memref<128xi32, #tpu.memory_space<hbm>>
      %dma_start3A_200 = tpu.memref_slice %arg3[%mul3A_196] : memref<328192xi32, #tpu.memory_space<hbm>> -> memref<128xi32, #tpu.memory_space<hbm>>
      tpu.enqueue_dma source(%dma_start3A_200 : memref<128xi32, #tpu.memory_space<hbm>>) target(%arg12 : memref<128xi32, #tpu.memory_space<vmem>>) target_semaphore(%arg20 : memref<!tpu.dma_semaphore, #tpu.memory_space<semaphore_mem>>)
    }
    %scan3A_59 = arith.constant 26 : i32
    %dma_wait3A_60 = arith.constant 0 : i32
    %dma_wait3A_61 = arith.constant 0 : i32
    %dma_wait3A_62 = tpu.memref_slice %arg4[%dma_wait3A_60, %dma_wait3A_61] : memref<10000x128xf32, #tpu.memory_space<hbm>> -> memref<10000x128xf32, #tpu.memory_space<hbm>>
    tpu.wait_indirect_dma semaphore(%arg21 : memref<!tpu.dma_semaphore, #tpu.memory_space<semaphore_mem>>) src(%dma_wait3A_62 : memref<10000x128xf32, #tpu.memory_space<hbm>>) dst(%arg13 : memref<128x128xf32, #tpu.memory_space<vmem>>)
    %add3A_63 = arith.constant 78 : i32
    %add3A_64 = arith.addi %mul3A_4, %add3A_63 : i32
    %lt3A_65 = arith.constant 2500 : i32
    %lt3A_66 = arith.cmpi slt, %add3A_64, %lt3A_65 : i32
    %convert_element_type3A_67 = arith.extui %lt3A_66 : i1 to i32
    %cond3A_68 = arith.constant 0 : i32
    %cond3A_69 = arith.cmpi ne, %convert_element_type3A_67, %cond3A_68 : i32
    scf.if %cond3A_69 {
      "tpu.region"() ({
        %run_scoped3A = tpu.sem_alloc : memref<!tpu.dma_semaphore, #tpu.memory_space<semaphore_mem>>
        %dma_start3A_99 = arith.constant 0 : i32
        %dma_start3A_100 = arith.constant 0 : i32
        %dma_start3A_101 = tpu.memref_slice %arg17[%dma_start3A_99, %dma_start3A_100] : memref<10016x128xf32, #tpu.memory_space<vmem_shared>> -> memref<10016x128xf32, #tpu.memory_space<vmem_shared>>
        tpu.enqueue_indirect_dma source(%arg13 : memref<128x128xf32, #tpu.memory_space<vmem>>) target(%dma_start3A_101 : memref<10016x128xf32, #tpu.memory_space<vmem_shared>>) offsets(%arg8 : memref<128xi32, #tpu.memory_space<vmem>>) semaphore(%run_scoped3A : memref<!tpu.dma_semaphore, #tpu.memory_space<semaphore_mem>>) {add = true}
        %dma_wait3A_102 = arith.constant 0 : i32
        %dma_wait3A_103 = arith.constant 0 : i32
        %dma_wait3A_104 = tpu.memref_slice %arg17[%dma_wait3A_102, %dma_wait3A_103] : memref<10016x128xf32, #tpu.memory_space<vmem_shared>> -> memref<10016x128xf32, #tpu.memory_space<vmem_shared>>
        tpu.wait_indirect_dma semaphore(%run_scoped3A : memref<!tpu.dma_semaphore, #tpu.memory_space<semaphore_mem>>) src(%arg13 : memref<128x128xf32, #tpu.memory_space<vmem>>) dst(%dma_wait3A_104 : memref<10016x128xf32, #tpu.memory_space<vmem_shared>>)
        tpu.yield
      }) : () -> ()
    } else {
    }
    %dma_wait3A_70 = arith.constant 0 : i32
    %dma_wait3A_71 = arith.constant 0 : i32
    %dma_wait3A_72 = tpu.memref_slice %arg4[%dma_wait3A_70, %dma_wait3A_71] : memref<10000x128xf32, #tpu.memory_space<hbm>> -> memref<10000x128xf32, #tpu.memory_space<hbm>>
    tpu.wait_indirect_dma semaphore(%arg22 : memref<!tpu.dma_semaphore, #tpu.memory_space<semaphore_mem>>) src(%dma_wait3A_72 : memref<10000x128xf32, #tpu.memory_space<hbm>>) dst(%arg14 : memref<128x128xf32, #tpu.memory_space<vmem>>)
    %add3A_73 = arith.constant 79 : i32
    %add3A_74 = arith.addi %mul3A_4, %add3A_73 : i32
    %lt3A_75 = arith.constant 2500 : i32
    %lt3A_76 = arith.cmpi slt, %add3A_74, %lt3A_75 : i32
    %convert_element_type3A_77 = arith.extui %lt3A_76 : i1 to i32
    %cond3A_78 = arith.constant 0 : i32
    %cond3A_79 = arith.cmpi ne, %convert_element_type3A_77, %cond3A_78 : i32
    scf.if %cond3A_79 {
      "tpu.region"() ({
        %run_scoped3A = tpu.sem_alloc : memref<!tpu.dma_semaphore, #tpu.memory_space<semaphore_mem>>
        %dma_start3A_99 = arith.constant 0 : i32
        %dma_start3A_100 = arith.constant 0 : i32
        %dma_start3A_101 = tpu.memref_slice %arg17[%dma_start3A_99, %dma_start3A_100] : memref<10016x128xf32, #tpu.memory_space<vmem_shared>> -> memref<10016x128xf32, #tpu.memory_space<vmem_shared>>
        tpu.enqueue_indirect_dma source(%arg14 : memref<128x128xf32, #tpu.memory_space<vmem>>) target(%dma_start3A_101 : memref<10016x128xf32, #tpu.memory_space<vmem_shared>>) offsets(%arg10 : memref<128xi32, #tpu.memory_space<vmem>>) semaphore(%run_scoped3A : memref<!tpu.dma_semaphore, #tpu.memory_space<semaphore_mem>>) {add = true}
        %dma_wait3A_102 = arith.constant 0 : i32
        %dma_wait3A_103 = arith.constant 0 : i32
        %dma_wait3A_104 = tpu.memref_slice %arg17[%dma_wait3A_102, %dma_wait3A_103] : memref<10016x128xf32, #tpu.memory_space<vmem_shared>> -> memref<10016x128xf32, #tpu.memory_space<vmem_shared>>
        tpu.wait_indirect_dma semaphore(%run_scoped3A : memref<!tpu.dma_semaphore, #tpu.memory_space<semaphore_mem>>) src(%arg14 : memref<128x128xf32, #tpu.memory_space<vmem>>) dst(%dma_wait3A_104 : memref<10016x128xf32, #tpu.memory_space<vmem_shared>>)
        tpu.yield
      }) : () -> ()
    } else {
    }
    %dma_wait3A_80 = arith.constant 0 : i32
    %dma_wait3A_81 = tpu.memref_slice %arg2[%dma_wait3A_80] : memref<328192xi32, #tpu.memory_space<hbm>> -> memref<128xi32, #tpu.memory_space<hbm>>
    %dma_wait3A_82 = arith.constant 0 : i32
    %dma_wait3A_83 = tpu.memref_slice %arg2[%dma_wait3A_82] : memref<328192xi32, #tpu.memory_space<hbm>> -> memref<128xi32, #tpu.memory_space<hbm>>
    tpu.wait_dma2 semaphore(%arg20 : memref<!tpu.dma_semaphore, #tpu.memory_space<semaphore_mem>>) src(%dma_wait3A_83 : memref<128xi32, #tpu.memory_space<hbm>>) dst(%arg11 : memref<128xi32, #tpu.memory_space<vmem>>)
    %dma_wait3A_84 = arith.constant 0 : i32
    %dma_wait3A_85 = tpu.memref_slice %arg3[%dma_wait3A_84] : memref<328192xi32, #tpu.memory_space<hbm>> -> memref<128xi32, #tpu.memory_space<hbm>>
    %dma_wait3A_86 = arith.constant 0 : i32
    %dma_wait3A_87 = tpu.memref_slice %arg3[%dma_wait3A_86] : memref<328192xi32, #tpu.memory_space<hbm>> -> memref<128xi32, #tpu.memory_space<hbm>>
    tpu.wait_dma2 semaphore(%arg20 : memref<!tpu.dma_semaphore, #tpu.memory_space<semaphore_mem>>) src(%dma_wait3A_87 : memref<128xi32, #tpu.memory_space<hbm>>) dst(%arg12 : memref<128xi32, #tpu.memory_space<vmem>>)
    %barrier3A_88 = arith.constant 0 : index
    tpu.barrier barrier_id(%barrier3A_88)
    %lt3A_89 = arith.constant 15 : i32
    %lt3A_90 = arith.cmpi slt, %arg1, %lt3A_89 : i32
    %convert_element_type3A_91 = arith.extui %lt3A_90 : i1 to i32
    %cond3A_92 = arith.constant 0 : i32
    %cond3A_93 = arith.cmpi ne, %convert_element_type3A_91, %cond3A_92 : i32
    scf.if %cond3A_93 {
      %add3A_99 = arith.constant 0 : i32
      %add3A_100 = arith.addi %mul3A_2, %add3A_99 : i32
      "tpu.region"() ({
        %run_scoped3A = tpu.sem_alloc : memref<!tpu.dma_semaphore, #tpu.memory_space<semaphore_mem>>
        %dma_start3A_249 = arith.constant 0 : i32
        %dma_start3A_250 = arith.constant 0 : i32
        %dma_start3A_251 = tpu.memref_slice %arg13[%dma_start3A_249, %dma_start3A_250] : memref<128x128xf32, #tpu.memory_space<vmem>> -> memref<128x128xf32, #tpu.memory_space<vmem>>
        %dma_start3A_252 = arith.constant 0 : i32
        %dma_start3A_253 = tpu.memref_slice %arg17[%add3A_100, %dma_start3A_252] : memref<10016x128xf32, #tpu.memory_space<vmem_shared>> -> memref<128x128xf32, #tpu.memory_space<vmem_shared>>
        %dma_start3A_254 = arith.constant 0 : i32
        %dma_start3A_255 = arith.constant 0 : i32
        %dma_start3A_256 = tpu.memref_slice %arg13[%dma_start3A_254, %dma_start3A_255] : memref<128x128xf32, #tpu.memory_space<vmem>> -> memref<128x128xf32, #tpu.memory_space<vmem>>
        %dma_start3A_257 = arith.constant 0 : i32
        %dma_start3A_258 = tpu.memref_slice %arg17[%add3A_100, %dma_start3A_257] : memref<10016x128xf32, #tpu.memory_space<vmem_shared>> -> memref<128x128xf32, #tpu.memory_space<vmem_shared>>
        tpu.enqueue_dma source(%dma_start3A_258 : memref<128x128xf32, #tpu.memory_space<vmem_shared>>) target(%dma_start3A_256 : memref<128x128xf32, #tpu.memory_space<vmem>>) target_semaphore(%run_scoped3A : memref<!tpu.dma_semaphore, #tpu.memory_space<semaphore_mem>>)
        %dma_wait3A_259 = arith.constant 0 : i32
        %dma_wait3A_260 = arith.constant 0 : i32
        %dma_wait3A_261 = tpu.memref_slice %arg13[%dma_wait3A_259, %dma_wait3A_260] : memref<128x128xf32, #tpu.memory_space<vmem>> -> memref<128x128xf32, #tpu.memory_space<vmem>>
        %dma_wait3A_262 = arith.constant 0 : i32
        %dma_wait3A_263 = tpu.memref_slice %arg17[%add3A_100, %dma_wait3A_262] : memref<10016x128xf32, #tpu.memory_space<vmem_shared>> -> memref<128x128xf32, #tpu.memory_space<vmem_shared>>
        %dma_wait3A_264 = arith.constant 0 : i32
        %dma_wait3A_265 = arith.constant 0 : i32
        %dma_wait3A_266 = tpu.memref_slice %arg13[%dma_wait3A_264, %dma_wait3A_265] : memref<128x128xf32, #tpu.memory_space<vmem>> -> memref<128x128xf32, #tpu.memory_space<vmem>>
        %dma_wait3A_267 = arith.constant 0 : i32
        %dma_wait3A_268 = tpu.memref_slice %arg17[%add3A_100, %dma_wait3A_267] : memref<10016x128xf32, #tpu.memory_space<vmem_shared>> -> memref<128x128xf32, #tpu.memory_space<vmem_shared>>
        tpu.wait_dma2 semaphore(%run_scoped3A : memref<!tpu.dma_semaphore, #tpu.memory_space<semaphore_mem>>) src(%dma_wait3A_268 : memref<128x128xf32, #tpu.memory_space<vmem_shared>>) dst(%dma_wait3A_266 : memref<128x128xf32, #tpu.memory_space<vmem>>)
        tpu.yield
      }) : () -> ()
      %mul3A_101 = arith.constant 10000 : i32
      %mul3A_102 = arith.muli %arg0, %mul3A_101 : i32
      %add3A_103 = arith.addi %mul3A_102, %add3A_100 : i32
      %dma_start3A_104 = arith.constant 0 : i32
      %dma_start3A_105 = arith.constant 0 : i32
      %dma_start3A_106 = tpu.memref_slice %arg13[%dma_start3A_104, %dma_start3A_105] : memref<128x128xf32, #tpu.memory_space<vmem>> -> memref<128x128xf32, #tpu.memory_space<vmem>>
      %dma_start3A_107 = arith.constant 0 : i32
      %dma_start3A_108 = tpu.memref_slice %arg6[%add3A_103, %dma_start3A_107] : memref<20000x128xf32, #tpu.memory_space<hbm>> -> memref<128x128xf32, #tpu.memory_space<hbm>>
      %dma_start3A_109 = arith.constant 0 : i32
      %dma_start3A_110 = tpu.memref_slice %arg6[%add3A_103, %dma_start3A_109] : memref<20000x128xf32, #tpu.memory_space<hbm>> -> memref<128x128xf32, #tpu.memory_space<hbm>>
      %dma_start3A_111 = arith.constant 0 : i32
      %dma_start3A_112 = arith.constant 0 : i32
      %dma_start3A_113 = tpu.memref_slice %arg13[%dma_start3A_111, %dma_start3A_112] : memref<128x128xf32, #tpu.memory_space<vmem>> -> memref<128x128xf32, #tpu.memory_space<vmem>>
      tpu.enqueue_dma source(%dma_start3A_113 : memref<128x128xf32, #tpu.memory_space<vmem>>) target(%dma_start3A_110 : memref<128x128xf32, #tpu.memory_space<hbm>>) target_semaphore(%arg21 : memref<!tpu.dma_semaphore, #tpu.memory_space<semaphore_mem>>)
      %add3A_114 = arith.constant 128 : i32
      %add3A_115 = arith.addi %mul3A_2, %add3A_114 : i32
      "tpu.region"() ({
        %run_scoped3A = tpu.sem_alloc : memref<!tpu.dma_semaphore, #tpu.memory_space<semaphore_mem>>
        %dma_start3A_249 = arith.constant 0 : i32
        %dma_start3A_250 = arith.constant 0 : i32
        %dma_start3A_251 = tpu.memref_slice %arg14[%dma_start3A_249, %dma_start3A_250] : memref<128x128xf32, #tpu.memory_space<vmem>> -> memref<128x128xf32, #tpu.memory_space<vmem>>
        %dma_start3A_252 = arith.constant 0 : i32
        %dma_start3A_253 = tpu.memref_slice %arg17[%add3A_115, %dma_start3A_252] : memref<10016x128xf32, #tpu.memory_space<vmem_shared>> -> memref<128x128xf32, #tpu.memory_space<vmem_shared>>
        %dma_start3A_254 = arith.constant 0 : i32
        %dma_start3A_255 = arith.constant 0 : i32
        %dma_start3A_256 = tpu.memref_slice %arg14[%dma_start3A_254, %dma_start3A_255] : memref<128x128xf32, #tpu.memory_space<vmem>> -> memref<128x128xf32, #tpu.memory_space<vmem>>
        %dma_start3A_257 = arith.constant 0 : i32
        %dma_start3A_258 = tpu.memref_slice %arg17[%add3A_115, %dma_start3A_257] : memref<10016x128xf32, #tpu.memory_space<vmem_shared>> -> memref<128x128xf32, #tpu.memory_space<vmem_shared>>
        tpu.enqueue_dma source(%dma_start3A_258 : memref<128x128xf32, #tpu.memory_space<vmem_shared>>) target(%dma_start3A_256 : memref<128x128xf32, #tpu.memory_space<vmem>>) target_semaphore(%run_scoped3A : memref<!tpu.dma_semaphore, #tpu.memory_space<semaphore_mem>>)
        %dma_wait3A_259 = arith.constant 0 : i32
        %dma_wait3A_260 = arith.constant 0 : i32
        %dma_wait3A_261 = tpu.memref_slice %arg14[%dma_wait3A_259, %dma_wait3A_260] : memref<128x128xf32, #tpu.memory_space<vmem>> -> memref<128x128xf32, #tpu.memory_space<vmem>>
        %dma_wait3A_262 = arith.constant 0 : i32
        %dma_wait3A_263 = tpu.memref_slice %arg17[%add3A_115, %dma_wait3A_262] : memref<10016x128xf32, #tpu.memory_space<vmem_shared>> -> memref<128x128xf32, #tpu.memory_space<vmem_shared>>
        %dma_wait3A_264 = arith.constant 0 : i32
        %dma_wait3A_265 = arith.constant 0 : i32
        %dma_wait3A_266 = tpu.memref_slice %arg14[%dma_wait3A_264, %dma_wait3A_265] : memref<128x128xf32, #tpu.memory_space<vmem>> -> memref<128x128xf32, #tpu.memory_space<vmem>>
        %dma_wait3A_267 = arith.constant 0 : i32
        %dma_wait3A_268 = tpu.memref_slice %arg17[%add3A_115, %dma_wait3A_267] : memref<10016x128xf32, #tpu.memory_space<vmem_shared>> -> memref<128x128xf32, #tpu.memory_space<vmem_shared>>
        tpu.wait_dma2 semaphore(%run_scoped3A : memref<!tpu.dma_semaphore, #tpu.memory_space<semaphore_mem>>) src(%dma_wait3A_268 : memref<128x128xf32, #tpu.memory_space<vmem_shared>>) dst(%dma_wait3A_266 : memref<128x128xf32, #tpu.memory_space<vmem>>)
        tpu.yield
      }) : () -> ()
      %mul3A_116 = arith.constant 10000 : i32
      %mul3A_117 = arith.muli %arg0, %mul3A_116 : i32
      %add3A_118 = arith.addi %mul3A_117, %add3A_115 : i32
      %dma_start3A_119 = arith.constant 0 : i32
      %dma_start3A_120 = arith.constant 0 : i32
      %dma_start3A_121 = tpu.memref_slice %arg14[%dma_start3A_119, %dma_start3A_120] : memref<128x128xf32, #tpu.memory_space<vmem>> -> memref<128x128xf32, #tpu.memory_space<vmem>>
      %dma_start3A_122 = arith.constant 0 : i32
      %dma_start3A_123 = tpu.memref_slice %arg6[%add3A_118, %dma_start3A_122] : memref<20000x128xf32, #tpu.memory_space<hbm>> -> memref<128x128xf32, #tpu.memory_space<hbm>>
      %dma_start3A_124 = arith.constant 0 : i32
      %dma_start3A_125 = tpu.memref_slice %arg6[%add3A_118, %dma_start3A_124] : memref<20000x128xf32, #tpu.memory_space<hbm>> -> memref<128x128xf32, #tpu.memory_space<hbm>>
      %dma_start3A_126 = arith.constant 0 : i32
      %dma_start3A_127 = arith.constant 0 : i32
      %dma_start3A_128 = tpu.memref_slice %arg14[%dma_start3A_126, %dma_start3A_127] : memref<128x128xf32, #tpu.memory_space<vmem>> -> memref<128x128xf32, #tpu.memory_space<vmem>>
      tpu.enqueue_dma source(%dma_start3A_128 : memref<128x128xf32, #tpu.memory_space<vmem>>) target(%dma_start3A_125 : memref<128x128xf32, #tpu.memory_space<hbm>>) target_semaphore(%arg22 : memref<!tpu.dma_semaphore, #tpu.memory_space<semaphore_mem>>)
      %add3A_129 = arith.constant 0 : i32
      %add3A_130 = arith.addi %mul3A_2, %add3A_129 : i32
      %mul3A_131 = arith.constant 10000 : i32
      %mul3A_132 = arith.muli %arg0, %mul3A_131 : i32
      %add3A_133 = arith.addi %mul3A_132, %add3A_130 : i32
      %dma_wait3A_134 = arith.constant 0 : i32
      %dma_wait3A_135 = arith.constant 0 : i32
      %dma_wait3A_136 = tpu.memref_slice %arg13[%dma_wait3A_134, %dma_wait3A_135] : memref<128x128xf32, #tpu.memory_space<vmem>> -> memref<128x128xf32, #tpu.memory_space<vmem>>
      %dma_wait3A_137 = arith.constant 0 : i32
      %dma_wait3A_138 = tpu.memref_slice %arg6[%add3A_133, %dma_wait3A_137] : memref<20000x128xf32, #tpu.memory_space<hbm>> -> memref<128x128xf32, #tpu.memory_space<hbm>>
      %dma_wait3A_139 = arith.constant 0 : i32
      %dma_wait3A_140 = tpu.memref_slice %arg6[%add3A_133, %dma_wait3A_139] : memref<20000x128xf32, #tpu.memory_space<hbm>> -> memref<128x128xf32, #tpu.memory_space<hbm>>
      %dma_wait3A_141 = arith.constant 0 : i32
      %dma_wait3A_142 = arith.constant 0 : i32
      %dma_wait3A_143 = tpu.memref_slice %arg13[%dma_wait3A_141, %dma_wait3A_142] : memref<128x128xf32, #tpu.memory_space<vmem>> -> memref<128x128xf32, #tpu.memory_space<vmem>>
      tpu.wait_dma2 semaphore(%arg21 : memref<!tpu.dma_semaphore, #tpu.memory_space<semaphore_mem>>) src(%dma_wait3A_143 : memref<128x128xf32, #tpu.memory_space<vmem>>) dst(%dma_wait3A_140 : memref<128x128xf32, #tpu.memory_space<hbm>>)
      %add3A_144 = arith.constant 256 : i32
      %add3A_145 = arith.addi %mul3A_2, %add3A_144 : i32
      "tpu.region"() ({
        %run_scoped3A = tpu.sem_alloc : memref<!tpu.dma_semaphore, #tpu.memory_space<semaphore_mem>>
        %dma_start3A_249 = arith.constant 0 : i32
        %dma_start3A_250 = arith.constant 0 : i32
        %dma_start3A_251 = tpu.memref_slice %arg13[%dma_start3A_249, %dma_start3A_250] : memref<128x128xf32, #tpu.memory_space<vmem>> -> memref<128x128xf32, #tpu.memory_space<vmem>>
        %dma_start3A_252 = arith.constant 0 : i32
        %dma_start3A_253 = tpu.memref_slice %arg17[%add3A_145, %dma_start3A_252] : memref<10016x128xf32, #tpu.memory_space<vmem_shared>> -> memref<128x128xf32, #tpu.memory_space<vmem_shared>>
        %dma_start3A_254 = arith.constant 0 : i32
        %dma_start3A_255 = arith.constant 0 : i32
        %dma_start3A_256 = tpu.memref_slice %arg13[%dma_start3A_254, %dma_start3A_255] : memref<128x128xf32, #tpu.memory_space<vmem>> -> memref<128x128xf32, #tpu.memory_space<vmem>>
        %dma_start3A_257 = arith.constant 0 : i32
        %dma_start3A_258 = tpu.memref_slice %arg17[%add3A_145, %dma_start3A_257] : memref<10016x128xf32, #tpu.memory_space<vmem_shared>> -> memref<128x128xf32, #tpu.memory_space<vmem_shared>>
        tpu.enqueue_dma source(%dma_start3A_258 : memref<128x128xf32, #tpu.memory_space<vmem_shared>>) target(%dma_start3A_256 : memref<128x128xf32, #tpu.memory_space<vmem>>) target_semaphore(%run_scoped3A : memref<!tpu.dma_semaphore, #tpu.memory_space<semaphore_mem>>)
        %dma_wait3A_259 = arith.constant 0 : i32
        %dma_wait3A_260 = arith.constant 0 : i32
        %dma_wait3A_261 = tpu.memref_slice %arg13[%dma_wait3A_259, %dma_wait3A_260] : memref<128x128xf32, #tpu.memory_space<vmem>> -> memref<128x128xf32, #tpu.memory_space<vmem>>
        %dma_wait3A_262 = arith.constant 0 : i32
        %dma_wait3A_263 = tpu.memref_slice %arg17[%add3A_145, %dma_wait3A_262] : memref<10016x128xf32, #tpu.memory_space<vmem_shared>> -> memref<128x128xf32, #tpu.memory_space<vmem_shared>>
        %dma_wait3A_264 = arith.constant 0 : i32
        %dma_wait3A_265 = arith.constant 0 : i32
        %dma_wait3A_266 = tpu.memref_slice %arg13[%dma_wait3A_264, %dma_wait3A_265] : memref<128x128xf32, #tpu.memory_space<vmem>> -> memref<128x128xf32, #tpu.memory_space<vmem>>
        %dma_wait3A_267 = arith.constant 0 : i32
        %dma_wait3A_268 = tpu.memref_slice %arg17[%add3A_145, %dma_wait3A_267] : memref<10016x128xf32, #tpu.memory_space<vmem_shared>> -> memref<128x128xf32, #tpu.memory_space<vmem_shared>>
        tpu.wait_dma2 semaphore(%run_scoped3A : memref<!tpu.dma_semaphore, #tpu.memory_space<semaphore_mem>>) src(%dma_wait3A_268 : memref<128x128xf32, #tpu.memory_space<vmem_shared>>) dst(%dma_wait3A_266 : memref<128x128xf32, #tpu.memory_space<vmem>>)
        tpu.yield
      }) : () -> ()
      %mul3A_146 = arith.constant 10000 : i32
      %mul3A_147 = arith.muli %arg0, %mul3A_146 : i32
      %add3A_148 = arith.addi %mul3A_147, %add3A_145 : i32
      %dma_start3A_149 = arith.constant 0 : i32
      %dma_start3A_150 = arith.constant 0 : i32
      %dma_start3A_151 = tpu.memref_slice %arg13[%dma_start3A_149, %dma_start3A_150] : memref<128x128xf32, #tpu.memory_space<vmem>> -> memref<128x128xf32, #tpu.memory_space<vmem>>
      %dma_start3A_152 = arith.constant 0 : i32
      %dma_start3A_153 = tpu.memref_slice %arg6[%add3A_148, %dma_start3A_152] : memref<20000x128xf32, #tpu.memory_space<hbm>> -> memref<128x128xf32, #tpu.memory_space<hbm>>
      %dma_start3A_154 = arith.constant 0 : i32
      %dma_start3A_155 = tpu.memref_slice %arg6[%add3A_148, %dma_start3A_154] : memref<20000x128xf32, #tpu.memory_space<hbm>> -> memref<128x128xf32, #tpu.memory_space<hbm>>
      %dma_start3A_156 = arith.constant 0 : i32
      %dma_start3A_157 = arith.constant 0 : i32
      %dma_start3A_158 = tpu.memref_slice %arg13[%dma_start3A_156, %dma_start3A_157] : memref<128x128xf32, #tpu.memory_space<vmem>> -> memref<128x128xf32, #tpu.memory_space<vmem>>
      tpu.enqueue_dma source(%dma_start3A_158 : memref<128x128xf32, #tpu.memory_space<vmem>>) target(%dma_start3A_155 : memref<128x128xf32, #tpu.memory_space<hbm>>) target_semaphore(%arg21 : memref<!tpu.dma_semaphore, #tpu.memory_space<semaphore_mem>>)
      %add3A_159 = arith.constant 128 : i32
      %add3A_160 = arith.addi %mul3A_2, %add3A_159 : i32
      %mul3A_161 = arith.constant 10000 : i32
      %mul3A_162 = arith.muli %arg0, %mul3A_161 : i32
      %add3A_163 = arith.addi %mul3A_162, %add3A_160 : i32
      %dma_wait3A_164 = arith.constant 0 : i32
      %dma_wait3A_165 = arith.constant 0 : i32
      %dma_wait3A_166 = tpu.memref_slice %arg14[%dma_wait3A_164, %dma_wait3A_165] : memref<128x128xf32, #tpu.memory_space<vmem>> -> memref<128x128xf32, #tpu.memory_space<vmem>>
      %dma_wait3A_167 = arith.constant 0 : i32
      %dma_wait3A_168 = tpu.memref_slice %arg6[%add3A_163, %dma_wait3A_167] : memref<20000x128xf32, #tpu.memory_space<hbm>> -> memref<128x128xf32, #tpu.memory_space<hbm>>
      %dma_wait3A_169 = arith.constant 0 : i32
      %dma_wait3A_170 = tpu.memref_slice %arg6[%add3A_163, %dma_wait3A_169] : memref<20000x128xf32, #tpu.memory_space<hbm>> -> memref<128x128xf32, #tpu.memory_space<hbm>>
      %dma_wait3A_171 = arith.constant 0 : i32
      %dma_wait3A_172 = arith.constant 0 : i32
      %dma_wait3A_173 = tpu.memref_slice %arg14[%dma_wait3A_171, %dma_wait3A_172] : memref<128x128xf32, #tpu.memory_space<vmem>> -> memref<128x128xf32, #tpu.memory_space<vmem>>
      tpu.wait_dma2 semaphore(%arg22 : memref<!tpu.dma_semaphore, #tpu.memory_space<semaphore_mem>>) src(%dma_wait3A_173 : memref<128x128xf32, #tpu.memory_space<vmem>>) dst(%dma_wait3A_170 : memref<128x128xf32, #tpu.memory_space<hbm>>)
      %add3A_174 = arith.constant 384 : i32
      %add3A_175 = arith.addi %mul3A_2, %add3A_174 : i32
      "tpu.region"() ({
        %run_scoped3A = tpu.sem_alloc : memref<!tpu.dma_semaphore, #tpu.memory_space<semaphore_mem>>
        %dma_start3A_249 = arith.constant 0 : i32
        %dma_start3A_250 = arith.constant 0 : i32
        %dma_start3A_251 = tpu.memref_slice %arg14[%dma_start3A_249, %dma_start3A_250] : memref<128x128xf32, #tpu.memory_space<vmem>> -> memref<128x128xf32, #tpu.memory_space<vmem>>
        %dma_start3A_252 = arith.constant 0 : i32
        %dma_start3A_253 = tpu.memref_slice %arg17[%add3A_175, %dma_start3A_252] : memref<10016x128xf32, #tpu.memory_space<vmem_shared>> -> memref<128x128xf32, #tpu.memory_space<vmem_shared>>
        %dma_start3A_254 = arith.constant 0 : i32
        %dma_start3A_255 = arith.constant 0 : i32
        %dma_start3A_256 = tpu.memref_slice %arg14[%dma_start3A_254, %dma_start3A_255] : memref<128x128xf32, #tpu.memory_space<vmem>> -> memref<128x128xf32, #tpu.memory_space<vmem>>
        %dma_start3A_257 = arith.constant 0 : i32
        %dma_start3A_258 = tpu.memref_slice %arg17[%add3A_175, %dma_start3A_257] : memref<10016x128xf32, #tpu.memory_space<vmem_shared>> -> memref<128x128xf32, #tpu.memory_space<vmem_shared>>
        tpu.enqueue_dma source(%dma_start3A_258 : memref<128x128xf32, #tpu.memory_space<vmem_shared>>) target(%dma_start3A_256 : memref<128x128xf32, #tpu.memory_space<vmem>>) target_semaphore(%run_scoped3A : memref<!tpu.dma_semaphore, #tpu.memory_space<semaphore_mem>>)
        %dma_wait3A_259 = arith.constant 0 : i32
        %dma_wait3A_260 = arith.constant 0 : i32
        %dma_wait3A_261 = tpu.memref_slice %arg14[%dma_wait3A_259, %dma_wait3A_260] : memref<128x128xf32, #tpu.memory_space<vmem>> -> memref<128x128xf32, #tpu.memory_space<vmem>>
        %dma_wait3A_262 = arith.constant 0 : i32
        %dma_wait3A_263 = tpu.memref_slice %arg17[%add3A_175, %dma_wait3A_262] : memref<10016x128xf32, #tpu.memory_space<vmem_shared>> -> memref<128x128xf32, #tpu.memory_space<vmem_shared>>
        %dma_wait3A_264 = arith.constant 0 : i32
        %dma_wait3A_265 = arith.constant 0 : i32
        %dma_wait3A_266 = tpu.memref_slice %arg14[%dma_wait3A_264, %dma_wait3A_265] : memref<128x128xf32, #tpu.memory_space<vmem>> -> memref<128x128xf32, #tpu.memory_space<vmem>>
        %dma_wait3A_267 = arith.constant 0 : i32
        %dma_wait3A_268 = tpu.memref_slice %arg17[%add3A_175, %dma_wait3A_267] : memref<10016x128xf32, #tpu.memory_space<vmem_shared>> -> memref<128x128xf32, #tpu.memory_space<vmem_shared>>
        tpu.wait_dma2 semaphore(%run_scoped3A : memref<!tpu.dma_semaphore, #tpu.memory_space<semaphore_mem>>) src(%dma_wait3A_268 : memref<128x128xf32, #tpu.memory_space<vmem_shared>>) dst(%dma_wait3A_266 : memref<128x128xf32, #tpu.memory_space<vmem>>)
        tpu.yield
      }) : () -> ()
      %mul3A_176 = arith.constant 10000 : i32
      %mul3A_177 = arith.muli %arg0, %mul3A_176 : i32
      %add3A_178 = arith.addi %mul3A_177, %add3A_175 : i32
      %dma_start3A_179 = arith.constant 0 : i32
      %dma_start3A_180 = arith.constant 0 : i32
      %dma_start3A_181 = tpu.memref_slice %arg14[%dma_start3A_179, %dma_start3A_180] : memref<128x128xf32, #tpu.memory_space<vmem>> -> memref<128x128xf32, #tpu.memory_space<vmem>>
      %dma_start3A_182 = arith.constant 0 : i32
      %dma_start3A_183 = tpu.memref_slice %arg6[%add3A_178, %dma_start3A_182] : memref<20000x128xf32, #tpu.memory_space<hbm>> -> memref<128x128xf32, #tpu.memory_space<hbm>>
      %dma_start3A_184 = arith.constant 0 : i32
      %dma_start3A_185 = tpu.memref_slice %arg6[%add3A_178, %dma_start3A_184] : memref<20000x128xf32, #tpu.memory_space<hbm>> -> memref<128x128xf32, #tpu.memory_space<hbm>>
      %dma_start3A_186 = arith.constant 0 : i32
      %dma_start3A_187 = arith.constant 0 : i32
      %dma_start3A_188 = tpu.memref_slice %arg14[%dma_start3A_186, %dma_start3A_187] : memref<128x128xf32, #tpu.memory_space<vmem>> -> memref<128x128xf32, #tpu.memory_space<vmem>>
      tpu.enqueue_dma source(%dma_start3A_188 : memref<128x128xf32, #tpu.memory_space<vmem>>) target(%dma_start3A_185 : memref<128x128xf32, #tpu.memory_space<hbm>>) target_semaphore(%arg22 : memref<!tpu.dma_semaphore, #tpu.memory_space<semaphore_mem>>)
      %add3A_189 = arith.constant 256 : i32
      %add3A_190 = arith.addi %mul3A_2, %add3A_189 : i32
      %mul3A_191 = arith.constant 10000 : i32
      %mul3A_192 = arith.muli %arg0, %mul3A_191 : i32
      %add3A_193 = arith.addi %mul3A_192, %add3A_190 : i32
      %dma_wait3A_194 = arith.constant 0 : i32
      %dma_wait3A_195 = arith.constant 0 : i32
      %dma_wait3A_196 = tpu.memref_slice %arg13[%dma_wait3A_194, %dma_wait3A_195] : memref<128x128xf32, #tpu.memory_space<vmem>> -> memref<128x128xf32, #tpu.memory_space<vmem>>
      %dma_wait3A_197 = arith.constant 0 : i32
      %dma_wait3A_198 = tpu.memref_slice %arg6[%add3A_193, %dma_wait3A_197] : memref<20000x128xf32, #tpu.memory_space<hbm>> -> memref<128x128xf32, #tpu.memory_space<hbm>>
      %dma_wait3A_199 = arith.constant 0 : i32
      %dma_wait3A_200 = tpu.memref_slice %arg6[%add3A_193, %dma_wait3A_199] : memref<20000x128xf32, #tpu.memory_space<hbm>> -> memref<128x128xf32, #tpu.memory_space<hbm>>
      %dma_wait3A_201 = arith.constant 0 : i32
      %dma_wait3A_202 = arith.constant 0 : i32
      %dma_wait3A_203 = tpu.memref_slice %arg13[%dma_wait3A_201, %dma_wait3A_202] : memref<128x128xf32, #tpu.memory_space<vmem>> -> memref<128x128xf32, #tpu.memory_space<vmem>>
      tpu.wait_dma2 semaphore(%arg21 : memref<!tpu.dma_semaphore, #tpu.memory_space<semaphore_mem>>) src(%dma_wait3A_203 : memref<128x128xf32, #tpu.memory_space<vmem>>) dst(%dma_wait3A_200 : memref<128x128xf32, #tpu.memory_space<hbm>>)
      %add3A_204 = arith.constant 512 : i32
      %add3A_205 = arith.addi %mul3A_2, %add3A_204 : i32
      "tpu.region"() ({
        %run_scoped3A = tpu.sem_alloc : memref<!tpu.dma_semaphore, #tpu.memory_space<semaphore_mem>>
        %dma_start3A_249 = arith.constant 0 : i32
        %dma_start3A_250 = arith.constant 0 : i32
        %dma_start3A_251 = tpu.memref_slice %arg13[%dma_start3A_249, %dma_start3A_250] : memref<128x128xf32, #tpu.memory_space<vmem>> -> memref<128x128xf32, #tpu.memory_space<vmem>>
        %dma_start3A_252 = arith.constant 0 : i32
        %dma_start3A_253 = tpu.memref_slice %arg17[%add3A_205, %dma_start3A_252] : memref<10016x128xf32, #tpu.memory_space<vmem_shared>> -> memref<128x128xf32, #tpu.memory_space<vmem_shared>>
        %dma_start3A_254 = arith.constant 0 : i32
        %dma_start3A_255 = arith.constant 0 : i32
        %dma_start3A_256 = tpu.memref_slice %arg13[%dma_start3A_254, %dma_start3A_255] : memref<128x128xf32, #tpu.memory_space<vmem>> -> memref<128x128xf32, #tpu.memory_space<vmem>>
        %dma_start3A_257 = arith.constant 0 : i32
        %dma_start3A_258 = tpu.memref_slice %arg17[%add3A_205, %dma_start3A_257] : memref<10016x128xf32, #tpu.memory_space<vmem_shared>> -> memref<128x128xf32, #tpu.memory_space<vmem_shared>>
        tpu.enqueue_dma source(%dma_start3A_258 : memref<128x128xf32, #tpu.memory_space<vmem_shared>>) target(%dma_start3A_256 : memref<128x128xf32, #tpu.memory_space<vmem>>) target_semaphore(%run_scoped3A : memref<!tpu.dma_semaphore, #tpu.memory_space<semaphore_mem>>)
        %dma_wait3A_259 = arith.constant 0 : i32
        %dma_wait3A_260 = arith.constant 0 : i32
        %dma_wait3A_261 = tpu.memref_slice %arg13[%dma_wait3A_259, %dma_wait3A_260] : memref<128x128xf32, #tpu.memory_space<vmem>> -> memref<128x128xf32, #tpu.memory_space<vmem>>
        %dma_wait3A_262 = arith.constant 0 : i32
        %dma_wait3A_263 = tpu.memref_slice %arg17[%add3A_205, %dma_wait3A_262] : memref<10016x128xf32, #tpu.memory_space<vmem_shared>> -> memref<128x128xf32, #tpu.memory_space<vmem_shared>>
        %dma_wait3A_264 = arith.constant 0 : i32
        %dma_wait3A_265 = arith.constant 0 : i32
        %dma_wait3A_266 = tpu.memref_slice %arg13[%dma_wait3A_264, %dma_wait3A_265] : memref<128x128xf32, #tpu.memory_space<vmem>> -> memref<128x128xf32, #tpu.memory_space<vmem>>
        %dma_wait3A_267 = arith.constant 0 : i32
        %dma_wait3A_268 = tpu.memref_slice %arg17[%add3A_205, %dma_wait3A_267] : memref<10016x128xf32, #tpu.memory_space<vmem_shared>> -> memref<128x128xf32, #tpu.memory_space<vmem_shared>>
        tpu.wait_dma2 semaphore(%run_scoped3A : memref<!tpu.dma_semaphore, #tpu.memory_space<semaphore_mem>>) src(%dma_wait3A_268 : memref<128x128xf32, #tpu.memory_space<vmem_shared>>) dst(%dma_wait3A_266 : memref<128x128xf32, #tpu.memory_space<vmem>>)
        tpu.yield
      }) : () -> ()
      %mul3A_206 = arith.constant 10000 : i32
      %mul3A_207 = arith.muli %arg0, %mul3A_206 : i32
      %add3A_208 = arith.addi %mul3A_207, %add3A_205 : i32
      %dma_start3A_209 = arith.constant 0 : i32
      %dma_start3A_210 = arith.constant 0 : i32
      %dma_start3A_211 = tpu.memref_slice %arg13[%dma_start3A_209, %dma_start3A_210] : memref<128x128xf32, #tpu.memory_space<vmem>> -> memref<128x128xf32, #tpu.memory_space<vmem>>
      %dma_start3A_212 = arith.constant 0 : i32
      %dma_start3A_213 = tpu.memref_slice %arg6[%add3A_208, %dma_start3A_212] : memref<20000x128xf32, #tpu.memory_space<hbm>> -> memref<128x128xf32, #tpu.memory_space<hbm>>
      %dma_start3A_214 = arith.constant 0 : i32
      %dma_start3A_215 = tpu.memref_slice %arg6[%add3A_208, %dma_start3A_214] : memref<20000x128xf32, #tpu.memory_space<hbm>> -> memref<128x128xf32, #tpu.memory_space<hbm>>
      %dma_start3A_216 = arith.constant 0 : i32
      %dma_start3A_217 = arith.constant 0 : i32
      %dma_start3A_218 = tpu.memref_slice %arg13[%dma_start3A_216, %dma_start3A_217] : memref<128x128xf32, #tpu.memory_space<vmem>> -> memref<128x128xf32, #tpu.memory_space<vmem>>
      tpu.enqueue_dma source(%dma_start3A_218 : memref<128x128xf32, #tpu.memory_space<vmem>>) target(%dma_start3A_215 : memref<128x128xf32, #tpu.memory_space<hbm>>) target_semaphore(%arg21 : memref<!tpu.dma_semaphore, #tpu.memory_space<semaphore_mem>>)
      %add3A_219 = arith.constant 384 : i32
      %add3A_220 = arith.addi %mul3A_2, %add3A_219 : i32
      %mul3A_221 = arith.constant 10000 : i32
      %mul3A_222 = arith.muli %arg0, %mul3A_221 : i32
      %add3A_223 = arith.addi %mul3A_222, %add3A_220 : i32
      %dma_wait3A_224 = arith.constant 0 : i32
      %dma_wait3A_225 = arith.constant 0 : i32
      %dma_wait3A_226 = tpu.memref_slice %arg14[%dma_wait3A_224, %dma_wait3A_225] : memref<128x128xf32, #tpu.memory_space<vmem>> -> memref<128x128xf32, #tpu.memory_space<vmem>>
      %dma_wait3A_227 = arith.constant 0 : i32
      %dma_wait3A_228 = tpu.memref_slice %arg6[%add3A_223, %dma_wait3A_227] : memref<20000x128xf32, #tpu.memory_space<hbm>> -> memref<128x128xf32, #tpu.memory_space<hbm>>
      %dma_wait3A_229 = arith.constant 0 : i32
      %dma_wait3A_230 = tpu.memref_slice %arg6[%add3A_223, %dma_wait3A_229] : memref<20000x128xf32, #tpu.memory_space<hbm>> -> memref<128x128xf32, #tpu.memory_space<hbm>>
      %dma_wait3A_231 = arith.constant 0 : i32
      %dma_wait3A_232 = arith.constant 0 : i32
      %dma_wait3A_233 = tpu.memref_slice %arg14[%dma_wait3A_231, %dma_wait3A_232] : memref<128x128xf32, #tpu.memory_space<vmem>> -> memref<128x128xf32, #tpu.memory_space<vmem>>
      tpu.wait_dma2 semaphore(%arg22 : memref<!tpu.dma_semaphore, #tpu.memory_space<semaphore_mem>>) src(%dma_wait3A_233 : memref<128x128xf32, #tpu.memory_space<vmem>>) dst(%dma_wait3A_230 : memref<128x128xf32, #tpu.memory_space<hbm>>)
      %add3A_234 = arith.constant 512 : i32
      %add3A_235 = arith.addi %mul3A_2, %add3A_234 : i32
      %mul3A_236 = arith.constant 10000 : i32
      %mul3A_237 = arith.muli %arg0, %mul3A_236 : i32
      %add3A_238 = arith.addi %mul3A_237, %add3A_235 : i32
      %dma_wait3A_239 = arith.constant 0 : i32
      %dma_wait3A_240 = arith.constant 0 : i32
      %dma_wait3A_241 = tpu.memref_slice %arg13[%dma_wait3A_239, %dma_wait3A_240] : memref<128x128xf32, #tpu.memory_space<vmem>> -> memref<128x128xf32, #tpu.memory_space<vmem>>
      %dma_wait3A_242 = arith.constant 0 : i32
      %dma_wait3A_243 = tpu.memref_slice %arg6[%add3A_238, %dma_wait3A_242] : memref<20000x128xf32, #tpu.memory_space<hbm>> -> memref<128x128xf32, #tpu.memory_space<hbm>>
      %dma_wait3A_244 = arith.constant 0 : i32
      %dma_wait3A_245 = tpu.memref_slice %arg6[%add3A_238, %dma_wait3A_244] : memref<20000x128xf32, #tpu.memory_space<hbm>> -> memref<128x128xf32, #tpu.memory_space<hbm>>
      %dma_wait3A_246 = arith.constant 0 : i32
      %dma_wait3A_247 = arith.constant 0 : i32
      %dma_wait3A_248 = tpu.memref_slice %arg13[%dma_wait3A_246, %dma_wait3A_247] : memref<128x128xf32, #tpu.memory_space<vmem>> -> memref<128x128xf32, #tpu.memory_space<vmem>>
      tpu.wait_dma2 semaphore(%arg21 : memref<!tpu.dma_semaphore, #tpu.memory_space<semaphore_mem>>) src(%dma_wait3A_248 : memref<128x128xf32, #tpu.memory_space<vmem>>) dst(%dma_wait3A_245 : memref<128x128xf32, #tpu.memory_space<hbm>>)
    } else {
    }
    %eq3A_94 = arith.constant 15 : i32
    %eq3A_95 = arith.cmpi eq, %arg1, %eq3A_94 : i32
    %convert_element_type3A_96 = arith.extui %eq3A_95 : i1 to i32
    %cond3A_97 = arith.constant 0 : i32
    %cond3A_98 = arith.cmpi ne, %convert_element_type3A_96, %cond3A_97 : i32
    scf.if %cond3A_98 {
      %add3A_99 = arith.constant 0 : i32
      %add3A_100 = arith.addi %mul3A_2, %add3A_99 : i32
      "tpu.region"() ({
        %run_scoped3A = tpu.sem_alloc : memref<!tpu.dma_semaphore, #tpu.memory_space<semaphore_mem>>
        %dma_start3A_219 = arith.constant 0 : i32
        %dma_start3A_220 = arith.constant 0 : i32
        %dma_start3A_221 = tpu.memref_slice %arg13[%dma_start3A_219, %dma_start3A_220] : memref<128x128xf32, #tpu.memory_space<vmem>> -> memref<128x128xf32, #tpu.memory_space<vmem>>
        %dma_start3A_222 = arith.constant 0 : i32
        %dma_start3A_223 = tpu.memref_slice %arg17[%add3A_100, %dma_start3A_222] : memref<10016x128xf32, #tpu.memory_space<vmem_shared>> -> memref<128x128xf32, #tpu.memory_space<vmem_shared>>
        %dma_start3A_224 = arith.constant 0 : i32
        %dma_start3A_225 = arith.constant 0 : i32
        %dma_start3A_226 = tpu.memref_slice %arg13[%dma_start3A_224, %dma_start3A_225] : memref<128x128xf32, #tpu.memory_space<vmem>> -> memref<128x128xf32, #tpu.memory_space<vmem>>
        %dma_start3A_227 = arith.constant 0 : i32
        %dma_start3A_228 = tpu.memref_slice %arg17[%add3A_100, %dma_start3A_227] : memref<10016x128xf32, #tpu.memory_space<vmem_shared>> -> memref<128x128xf32, #tpu.memory_space<vmem_shared>>
        tpu.enqueue_dma source(%dma_start3A_228 : memref<128x128xf32, #tpu.memory_space<vmem_shared>>) target(%dma_start3A_226 : memref<128x128xf32, #tpu.memory_space<vmem>>) target_semaphore(%run_scoped3A : memref<!tpu.dma_semaphore, #tpu.memory_space<semaphore_mem>>)
        %dma_wait3A_229 = arith.constant 0 : i32
        %dma_wait3A_230 = arith.constant 0 : i32
        %dma_wait3A_231 = tpu.memref_slice %arg13[%dma_wait3A_229, %dma_wait3A_230] : memref<128x128xf32, #tpu.memory_space<vmem>> -> memref<128x128xf32, #tpu.memory_space<vmem>>
        %dma_wait3A_232 = arith.constant 0 : i32
        %dma_wait3A_233 = tpu.memref_slice %arg17[%add3A_100, %dma_wait3A_232] : memref<10016x128xf32, #tpu.memory_space<vmem_shared>> -> memref<128x128xf32, #tpu.memory_space<vmem_shared>>
        %dma_wait3A_234 = arith.constant 0 : i32
        %dma_wait3A_235 = arith.constant 0 : i32
        %dma_wait3A_236 = tpu.memref_slice %arg13[%dma_wait3A_234, %dma_wait3A_235] : memref<128x128xf32, #tpu.memory_space<vmem>> -> memref<128x128xf32, #tpu.memory_space<vmem>>
        %dma_wait3A_237 = arith.constant 0 : i32
        %dma_wait3A_238 = tpu.memref_slice %arg17[%add3A_100, %dma_wait3A_237] : memref<10016x128xf32, #tpu.memory_space<vmem_shared>> -> memref<128x128xf32, #tpu.memory_space<vmem_shared>>
        tpu.wait_dma2 semaphore(%run_scoped3A : memref<!tpu.dma_semaphore, #tpu.memory_space<semaphore_mem>>) src(%dma_wait3A_238 : memref<128x128xf32, #tpu.memory_space<vmem_shared>>) dst(%dma_wait3A_236 : memref<128x128xf32, #tpu.memory_space<vmem>>)
        tpu.yield
      }) : () -> ()
      %mul3A_101 = arith.constant 10000 : i32
      %mul3A_102 = arith.muli %arg0, %mul3A_101 : i32
      %add3A_103 = arith.addi %mul3A_102, %add3A_100 : i32
      %dma_start3A_104 = arith.constant 0 : i32
      %dma_start3A_105 = arith.constant 0 : i32
      %dma_start3A_106 = tpu.memref_slice %arg13[%dma_start3A_104, %dma_start3A_105] : memref<128x128xf32, #tpu.memory_space<vmem>> -> memref<128x128xf32, #tpu.memory_space<vmem>>
      %dma_start3A_107 = arith.constant 0 : i32
      %dma_start3A_108 = tpu.memref_slice %arg6[%add3A_103, %dma_start3A_107] : memref<20000x128xf32, #tpu.memory_space<hbm>> -> memref<128x128xf32, #tpu.memory_space<hbm>>
      %dma_start3A_109 = arith.constant 0 : i32
      %dma_start3A_110 = tpu.memref_slice %arg6[%add3A_103, %dma_start3A_109] : memref<20000x128xf32, #tpu.memory_space<hbm>> -> memref<128x128xf32, #tpu.memory_space<hbm>>
      %dma_start3A_111 = arith.constant 0 : i32
      %dma_start3A_112 = arith.constant 0 : i32
      %dma_start3A_113 = tpu.memref_slice %arg13[%dma_start3A_111, %dma_start3A_112] : memref<128x128xf32, #tpu.memory_space<vmem>> -> memref<128x128xf32, #tpu.memory_space<vmem>>
      tpu.enqueue_dma source(%dma_start3A_113 : memref<128x128xf32, #tpu.memory_space<vmem>>) target(%dma_start3A_110 : memref<128x128xf32, #tpu.memory_space<hbm>>) target_semaphore(%arg21 : memref<!tpu.dma_semaphore, #tpu.memory_space<semaphore_mem>>)
      %add3A_114 = arith.constant 128 : i32
      %add3A_115 = arith.addi %mul3A_2, %add3A_114 : i32
      "tpu.region"() ({
        %run_scoped3A = tpu.sem_alloc : memref<!tpu.dma_semaphore, #tpu.memory_space<semaphore_mem>>
        %dma_start3A_219 = arith.constant 0 : i32
        %dma_start3A_220 = arith.constant 0 : i32
        %dma_start3A_221 = tpu.memref_slice %arg14[%dma_start3A_219, %dma_start3A_220] : memref<128x128xf32, #tpu.memory_space<vmem>> -> memref<128x128xf32, #tpu.memory_space<vmem>>
        %dma_start3A_222 = arith.constant 0 : i32
        %dma_start3A_223 = tpu.memref_slice %arg17[%add3A_115, %dma_start3A_222] : memref<10016x128xf32, #tpu.memory_space<vmem_shared>> -> memref<128x128xf32, #tpu.memory_space<vmem_shared>>
        %dma_start3A_224 = arith.constant 0 : i32
        %dma_start3A_225 = arith.constant 0 : i32
        %dma_start3A_226 = tpu.memref_slice %arg14[%dma_start3A_224, %dma_start3A_225] : memref<128x128xf32, #tpu.memory_space<vmem>> -> memref<128x128xf32, #tpu.memory_space<vmem>>
        %dma_start3A_227 = arith.constant 0 : i32
        %dma_start3A_228 = tpu.memref_slice %arg17[%add3A_115, %dma_start3A_227] : memref<10016x128xf32, #tpu.memory_space<vmem_shared>> -> memref<128x128xf32, #tpu.memory_space<vmem_shared>>
        tpu.enqueue_dma source(%dma_start3A_228 : memref<128x128xf32, #tpu.memory_space<vmem_shared>>) target(%dma_start3A_226 : memref<128x128xf32, #tpu.memory_space<vmem>>) target_semaphore(%run_scoped3A : memref<!tpu.dma_semaphore, #tpu.memory_space<semaphore_mem>>)
        %dma_wait3A_229 = arith.constant 0 : i32
        %dma_wait3A_230 = arith.constant 0 : i32
        %dma_wait3A_231 = tpu.memref_slice %arg14[%dma_wait3A_229, %dma_wait3A_230] : memref<128x128xf32, #tpu.memory_space<vmem>> -> memref<128x128xf32, #tpu.memory_space<vmem>>
        %dma_wait3A_232 = arith.constant 0 : i32
        %dma_wait3A_233 = tpu.memref_slice %arg17[%add3A_115, %dma_wait3A_232] : memref<10016x128xf32, #tpu.memory_space<vmem_shared>> -> memref<128x128xf32, #tpu.memory_space<vmem_shared>>
        %dma_wait3A_234 = arith.constant 0 : i32
        %dma_wait3A_235 = arith.constant 0 : i32
        %dma_wait3A_236 = tpu.memref_slice %arg14[%dma_wait3A_234, %dma_wait3A_235] : memref<128x128xf32, #tpu.memory_space<vmem>> -> memref<128x128xf32, #tpu.memory_space<vmem>>
        %dma_wait3A_237 = arith.constant 0 : i32
        %dma_wait3A_238 = tpu.memref_slice %arg17[%add3A_115, %dma_wait3A_237] : memref<10016x128xf32, #tpu.memory_space<vmem_shared>> -> memref<128x128xf32, #tpu.memory_space<vmem_shared>>
        tpu.wait_dma2 semaphore(%run_scoped3A : memref<!tpu.dma_semaphore, #tpu.memory_space<semaphore_mem>>) src(%dma_wait3A_238 : memref<128x128xf32, #tpu.memory_space<vmem_shared>>) dst(%dma_wait3A_236 : memref<128x128xf32, #tpu.memory_space<vmem>>)
        tpu.yield
      }) : () -> ()
      %mul3A_116 = arith.constant 10000 : i32
      %mul3A_117 = arith.muli %arg0, %mul3A_116 : i32
      %add3A_118 = arith.addi %mul3A_117, %add3A_115 : i32
      %dma_start3A_119 = arith.constant 0 : i32
      %dma_start3A_120 = arith.constant 0 : i32
      %dma_start3A_121 = tpu.memref_slice %arg14[%dma_start3A_119, %dma_start3A_120] : memref<128x128xf32, #tpu.memory_space<vmem>> -> memref<128x128xf32, #tpu.memory_space<vmem>>
      %dma_start3A_122 = arith.constant 0 : i32
      %dma_start3A_123 = tpu.memref_slice %arg6[%add3A_118, %dma_start3A_122] : memref<20000x128xf32, #tpu.memory_space<hbm>> -> memref<128x128xf32, #tpu.memory_space<hbm>>
      %dma_start3A_124 = arith.constant 0 : i32
      %dma_start3A_125 = tpu.memref_slice %arg6[%add3A_118, %dma_start3A_124] : memref<20000x128xf32, #tpu.memory_space<hbm>> -> memref<128x128xf32, #tpu.memory_space<hbm>>
      %dma_start3A_126 = arith.constant 0 : i32
      %dma_start3A_127 = arith.constant 0 : i32
      %dma_start3A_128 = tpu.memref_slice %arg14[%dma_start3A_126, %dma_start3A_127] : memref<128x128xf32, #tpu.memory_space<vmem>> -> memref<128x128xf32, #tpu.memory_space<vmem>>
      tpu.enqueue_dma source(%dma_start3A_128 : memref<128x128xf32, #tpu.memory_space<vmem>>) target(%dma_start3A_125 : memref<128x128xf32, #tpu.memory_space<hbm>>) target_semaphore(%arg22 : memref<!tpu.dma_semaphore, #tpu.memory_space<semaphore_mem>>)
      %add3A_129 = arith.constant 0 : i32
      %add3A_130 = arith.addi %mul3A_2, %add3A_129 : i32
      %mul3A_131 = arith.constant 10000 : i32
      %mul3A_132 = arith.muli %arg0, %mul3A_131 : i32
      %add3A_133 = arith.addi %mul3A_132, %add3A_130 : i32
      %dma_wait3A_134 = arith.constant 0 : i32
      %dma_wait3A_135 = arith.constant 0 : i32
      %dma_wait3A_136 = tpu.memref_slice %arg13[%dma_wait3A_134, %dma_wait3A_135] : memref<128x128xf32, #tpu.memory_space<vmem>> -> memref<128x128xf32, #tpu.memory_space<vmem>>
      %dma_wait3A_137 = arith.constant 0 : i32
      %dma_wait3A_138 = tpu.memref_slice %arg6[%add3A_133, %dma_wait3A_137] : memref<20000x128xf32, #tpu.memory_space<hbm>> -> memref<128x128xf32, #tpu.memory_space<hbm>>
      %dma_wait3A_139 = arith.constant 0 : i32
      %dma_wait3A_140 = tpu.memref_slice %arg6[%add3A_133, %dma_wait3A_139] : memref<20000x128xf32, #tpu.memory_space<hbm>> -> memref<128x128xf32, #tpu.memory_space<hbm>>
      %dma_wait3A_141 = arith.constant 0 : i32
      %dma_wait3A_142 = arith.constant 0 : i32
      %dma_wait3A_143 = tpu.memref_slice %arg13[%dma_wait3A_141, %dma_wait3A_142] : memref<128x128xf32, #tpu.memory_space<vmem>> -> memref<128x128xf32, #tpu.memory_space<vmem>>
      tpu.wait_dma2 semaphore(%arg21 : memref<!tpu.dma_semaphore, #tpu.memory_space<semaphore_mem>>) src(%dma_wait3A_143 : memref<128x128xf32, #tpu.memory_space<vmem>>) dst(%dma_wait3A_140 : memref<128x128xf32, #tpu.memory_space<hbm>>)
      %add3A_144 = arith.constant 256 : i32
      %add3A_145 = arith.addi %mul3A_2, %add3A_144 : i32
      "tpu.region"() ({
        %run_scoped3A = tpu.sem_alloc : memref<!tpu.dma_semaphore, #tpu.memory_space<semaphore_mem>>
        %dma_start3A_219 = arith.constant 0 : i32
        %dma_start3A_220 = arith.constant 0 : i32
        %dma_start3A_221 = tpu.memref_slice %arg13[%dma_start3A_219, %dma_start3A_220] : memref<128x128xf32, #tpu.memory_space<vmem>> -> memref<128x128xf32, #tpu.memory_space<vmem>>
        %dma_start3A_222 = arith.constant 0 : i32
        %dma_start3A_223 = tpu.memref_slice %arg17[%add3A_145, %dma_start3A_222] : memref<10016x128xf32, #tpu.memory_space<vmem_shared>> -> memref<128x128xf32, #tpu.memory_space<vmem_shared>>
        %dma_start3A_224 = arith.constant 0 : i32
        %dma_start3A_225 = arith.constant 0 : i32
        %dma_start3A_226 = tpu.memref_slice %arg13[%dma_start3A_224, %dma_start3A_225] : memref<128x128xf32, #tpu.memory_space<vmem>> -> memref<128x128xf32, #tpu.memory_space<vmem>>
        %dma_start3A_227 = arith.constant 0 : i32
        %dma_start3A_228 = tpu.memref_slice %arg17[%add3A_145, %dma_start3A_227] : memref<10016x128xf32, #tpu.memory_space<vmem_shared>> -> memref<128x128xf32, #tpu.memory_space<vmem_shared>>
        tpu.enqueue_dma source(%dma_start3A_228 : memref<128x128xf32, #tpu.memory_space<vmem_shared>>) target(%dma_start3A_226 : memref<128x128xf32, #tpu.memory_space<vmem>>) target_semaphore(%run_scoped3A : memref<!tpu.dma_semaphore, #tpu.memory_space<semaphore_mem>>)
        %dma_wait3A_229 = arith.constant 0 : i32
        %dma_wait3A_230 = arith.constant 0 : i32
        %dma_wait3A_231 = tpu.memref_slice %arg13[%dma_wait3A_229, %dma_wait3A_230] : memref<128x128xf32, #tpu.memory_space<vmem>> -> memref<128x128xf32, #tpu.memory_space<vmem>>
        %dma_wait3A_232 = arith.constant 0 : i32
        %dma_wait3A_233 = tpu.memref_slice %arg17[%add3A_145, %dma_wait3A_232] : memref<10016x128xf32, #tpu.memory_space<vmem_shared>> -> memref<128x128xf32, #tpu.memory_space<vmem_shared>>
        %dma_wait3A_234 = arith.constant 0 : i32
        %dma_wait3A_235 = arith.constant 0 : i32
        %dma_wait3A_236 = tpu.memref_slice %arg13[%dma_wait3A_234, %dma_wait3A_235] : memref<128x128xf32, #tpu.memory_space<vmem>> -> memref<128x128xf32, #tpu.memory_space<vmem>>
        %dma_wait3A_237 = arith.constant 0 : i32
        %dma_wait3A_238 = tpu.memref_slice %arg17[%add3A_145, %dma_wait3A_237] : memref<10016x128xf32, #tpu.memory_space<vmem_shared>> -> memref<128x128xf32, #tpu.memory_space<vmem_shared>>
        tpu.wait_dma2 semaphore(%run_scoped3A : memref<!tpu.dma_semaphore, #tpu.memory_space<semaphore_mem>>) src(%dma_wait3A_238 : memref<128x128xf32, #tpu.memory_space<vmem_shared>>) dst(%dma_wait3A_236 : memref<128x128xf32, #tpu.memory_space<vmem>>)
        tpu.yield
      }) : () -> ()
      %mul3A_146 = arith.constant 10000 : i32
      %mul3A_147 = arith.muli %arg0, %mul3A_146 : i32
      %add3A_148 = arith.addi %mul3A_147, %add3A_145 : i32
      %dma_start3A_149 = arith.constant 0 : i32
      %dma_start3A_150 = arith.constant 0 : i32
      %dma_start3A_151 = tpu.memref_slice %arg13[%dma_start3A_149, %dma_start3A_150] : memref<128x128xf32, #tpu.memory_space<vmem>> -> memref<128x128xf32, #tpu.memory_space<vmem>>
      %dma_start3A_152 = arith.constant 0 : i32
      %dma_start3A_153 = tpu.memref_slice %arg6[%add3A_148, %dma_start3A_152] : memref<20000x128xf32, #tpu.memory_space<hbm>> -> memref<128x128xf32, #tpu.memory_space<hbm>>
      %dma_start3A_154 = arith.constant 0 : i32
      %dma_start3A_155 = tpu.memref_slice %arg6[%add3A_148, %dma_start3A_154] : memref<20000x128xf32, #tpu.memory_space<hbm>> -> memref<128x128xf32, #tpu.memory_space<hbm>>
      %dma_start3A_156 = arith.constant 0 : i32
      %dma_start3A_157 = arith.constant 0 : i32
      %dma_start3A_158 = tpu.memref_slice %arg13[%dma_start3A_156, %dma_start3A_157] : memref<128x128xf32, #tpu.memory_space<vmem>> -> memref<128x128xf32, #tpu.memory_space<vmem>>
      tpu.enqueue_dma source(%dma_start3A_158 : memref<128x128xf32, #tpu.memory_space<vmem>>) target(%dma_start3A_155 : memref<128x128xf32, #tpu.memory_space<hbm>>) target_semaphore(%arg21 : memref<!tpu.dma_semaphore, #tpu.memory_space<semaphore_mem>>)
      %add3A_159 = arith.constant 128 : i32
      %add3A_160 = arith.addi %mul3A_2, %add3A_159 : i32
      %mul3A_161 = arith.constant 10000 : i32
      %mul3A_162 = arith.muli %arg0, %mul3A_161 : i32
      %add3A_163 = arith.addi %mul3A_162, %add3A_160 : i32
      %dma_wait3A_164 = arith.constant 0 : i32
      %dma_wait3A_165 = arith.constant 0 : i32
      %dma_wait3A_166 = tpu.memref_slice %arg14[%dma_wait3A_164, %dma_wait3A_165] : memref<128x128xf32, #tpu.memory_space<vmem>> -> memref<128x128xf32, #tpu.memory_space<vmem>>
      %dma_wait3A_167 = arith.constant 0 : i32
      %dma_wait3A_168 = tpu.memref_slice %arg6[%add3A_163, %dma_wait3A_167] : memref<20000x128xf32, #tpu.memory_space<hbm>> -> memref<128x128xf32, #tpu.memory_space<hbm>>
      %dma_wait3A_169 = arith.constant 0 : i32
      %dma_wait3A_170 = tpu.memref_slice %arg6[%add3A_163, %dma_wait3A_169] : memref<20000x128xf32, #tpu.memory_space<hbm>> -> memref<128x128xf32, #tpu.memory_space<hbm>>
      %dma_wait3A_171 = arith.constant 0 : i32
      %dma_wait3A_172 = arith.constant 0 : i32
      %dma_wait3A_173 = tpu.memref_slice %arg14[%dma_wait3A_171, %dma_wait3A_172] : memref<128x128xf32, #tpu.memory_space<vmem>> -> memref<128x128xf32, #tpu.memory_space<vmem>>
      tpu.wait_dma2 semaphore(%arg22 : memref<!tpu.dma_semaphore, #tpu.memory_space<semaphore_mem>>) src(%dma_wait3A_173 : memref<128x128xf32, #tpu.memory_space<vmem>>) dst(%dma_wait3A_170 : memref<128x128xf32, #tpu.memory_space<hbm>>)
      %add3A_174 = arith.constant 384 : i32
      %add3A_175 = arith.addi %mul3A_2, %add3A_174 : i32
      "tpu.region"() ({
        %run_scoped3A = tpu.sem_alloc : memref<!tpu.dma_semaphore, #tpu.memory_space<semaphore_mem>>
        %dma_start3A_219 = arith.constant 0 : i32
        %dma_start3A_220 = arith.constant 0 : i32
        %dma_start3A_221 = tpu.memref_slice %arg14[%dma_start3A_219, %dma_start3A_220] : memref<128x128xf32, #tpu.memory_space<vmem>> -> memref<16x128xf32, #tpu.memory_space<vmem>>
        %dma_start3A_222 = arith.constant 0 : i32
        %dma_start3A_223 = tpu.memref_slice %arg17[%add3A_175, %dma_start3A_222] : memref<10016x128xf32, #tpu.memory_space<vmem_shared>> -> memref<16x128xf32, #tpu.memory_space<vmem_shared>>
        %dma_start3A_224 = arith.constant 0 : i32
        %dma_start3A_225 = arith.constant 0 : i32
        %dma_start3A_226 = tpu.memref_slice %arg14[%dma_start3A_224, %dma_start3A_225] : memref<128x128xf32, #tpu.memory_space<vmem>> -> memref<16x128xf32, #tpu.memory_space<vmem>>
        %dma_start3A_227 = arith.constant 0 : i32
        %dma_start3A_228 = tpu.memref_slice %arg17[%add3A_175, %dma_start3A_227] : memref<10016x128xf32, #tpu.memory_space<vmem_shared>> -> memref<16x128xf32, #tpu.memory_space<vmem_shared>>
        tpu.enqueue_dma source(%dma_start3A_228 : memref<16x128xf32, #tpu.memory_space<vmem_shared>>) target(%dma_start3A_226 : memref<16x128xf32, #tpu.memory_space<vmem>>) target_semaphore(%run_scoped3A : memref<!tpu.dma_semaphore, #tpu.memory_space<semaphore_mem>>)
        %dma_wait3A_229 = arith.constant 0 : i32
        %dma_wait3A_230 = arith.constant 0 : i32
        %dma_wait3A_231 = tpu.memref_slice %arg14[%dma_wait3A_229, %dma_wait3A_230] : memref<128x128xf32, #tpu.memory_space<vmem>> -> memref<16x128xf32, #tpu.memory_space<vmem>>
        %dma_wait3A_232 = arith.constant 0 : i32
        %dma_wait3A_233 = tpu.memref_slice %arg17[%add3A_175, %dma_wait3A_232] : memref<10016x128xf32, #tpu.memory_space<vmem_shared>> -> memref<16x128xf32, #tpu.memory_space<vmem_shared>>
        %dma_wait3A_234 = arith.constant 0 : i32
        %dma_wait3A_235 = arith.constant 0 : i32
        %dma_wait3A_236 = tpu.memref_slice %arg14[%dma_wait3A_234, %dma_wait3A_235] : memref<128x128xf32, #tpu.memory_space<vmem>> -> memref<16x128xf32, #tpu.memory_space<vmem>>
        %dma_wait3A_237 = arith.constant 0 : i32
        %dma_wait3A_238 = tpu.memref_slice %arg17[%add3A_175, %dma_wait3A_237] : memref<10016x128xf32, #tpu.memory_space<vmem_shared>> -> memref<16x128xf32, #tpu.memory_space<vmem_shared>>
        tpu.wait_dma2 semaphore(%run_scoped3A : memref<!tpu.dma_semaphore, #tpu.memory_space<semaphore_mem>>) src(%dma_wait3A_238 : memref<16x128xf32, #tpu.memory_space<vmem_shared>>) dst(%dma_wait3A_236 : memref<16x128xf32, #tpu.memory_space<vmem>>)
        tpu.yield
      }) : () -> ()
      %mul3A_176 = arith.constant 10000 : i32
      %mul3A_177 = arith.muli %arg0, %mul3A_176 : i32
      %add3A_178 = arith.addi %mul3A_177, %add3A_175 : i32
      %dma_start3A_179 = arith.constant 0 : i32
      %dma_start3A_180 = arith.constant 0 : i32
      %dma_start3A_181 = tpu.memref_slice %arg14[%dma_start3A_179, %dma_start3A_180] : memref<128x128xf32, #tpu.memory_space<vmem>> -> memref<16x128xf32, #tpu.memory_space<vmem>>
      %dma_start3A_182 = arith.constant 0 : i32
      %dma_start3A_183 = tpu.memref_slice %arg6[%add3A_178, %dma_start3A_182] : memref<20000x128xf32, #tpu.memory_space<hbm>> -> memref<16x128xf32, #tpu.memory_space<hbm>>
      %dma_start3A_184 = arith.constant 0 : i32
      %dma_start3A_185 = tpu.memref_slice %arg6[%add3A_178, %dma_start3A_184] : memref<20000x128xf32, #tpu.memory_space<hbm>> -> memref<16x128xf32, #tpu.memory_space<hbm>>
      %dma_start3A_186 = arith.constant 0 : i32
      %dma_start3A_187 = arith.constant 0 : i32
      %dma_start3A_188 = tpu.memref_slice %arg14[%dma_start3A_186, %dma_start3A_187] : memref<128x128xf32, #tpu.memory_space<vmem>> -> memref<16x128xf32, #tpu.memory_space<vmem>>
      tpu.enqueue_dma source(%dma_start3A_188 : memref<16x128xf32, #tpu.memory_space<vmem>>) target(%dma_start3A_185 : memref<16x128xf32, #tpu.memory_space<hbm>>) target_semaphore(%arg22 : memref<!tpu.dma_semaphore, #tpu.memory_space<semaphore_mem>>)
      %add3A_189 = arith.constant 256 : i32
      %add3A_190 = arith.addi %mul3A_2, %add3A_189 : i32
      %mul3A_191 = arith.constant 10000 : i32
      %mul3A_192 = arith.muli %arg0, %mul3A_191 : i32
      %add3A_193 = arith.addi %mul3A_192, %add3A_190 : i32
      %dma_wait3A_194 = arith.constant 0 : i32
      %dma_wait3A_195 = arith.constant 0 : i32
      %dma_wait3A_196 = tpu.memref_slice %arg13[%dma_wait3A_194, %dma_wait3A_195] : memref<128x128xf32, #tpu.memory_space<vmem>> -> memref<128x128xf32, #tpu.memory_space<vmem>>
      %dma_wait3A_197 = arith.constant 0 : i32
      %dma_wait3A_198 = tpu.memref_slice %arg6[%add3A_193, %dma_wait3A_197] : memref<20000x128xf32, #tpu.memory_space<hbm>> -> memref<128x128xf32, #tpu.memory_space<hbm>>
      %dma_wait3A_199 = arith.constant 0 : i32
      %dma_wait3A_200 = tpu.memref_slice %arg6[%add3A_193, %dma_wait3A_199] : memref<20000x128xf32, #tpu.memory_space<hbm>> -> memref<128x128xf32, #tpu.memory_space<hbm>>
      %dma_wait3A_201 = arith.constant 0 : i32
      %dma_wait3A_202 = arith.constant 0 : i32
      %dma_wait3A_203 = tpu.memref_slice %arg13[%dma_wait3A_201, %dma_wait3A_202] : memref<128x128xf32, #tpu.memory_space<vmem>> -> memref<128x128xf32, #tpu.memory_space<vmem>>
      tpu.wait_dma2 semaphore(%arg21 : memref<!tpu.dma_semaphore, #tpu.memory_space<semaphore_mem>>) src(%dma_wait3A_203 : memref<128x128xf32, #tpu.memory_space<vmem>>) dst(%dma_wait3A_200 : memref<128x128xf32, #tpu.memory_space<hbm>>)
      %add3A_204 = arith.constant 384 : i32
      %add3A_205 = arith.addi %mul3A_2, %add3A_204 : i32
      %mul3A_206 = arith.constant 10000 : i32
      %mul3A_207 = arith.muli %arg0, %mul3A_206 : i32
      %add3A_208 = arith.addi %mul3A_207, %add3A_205 : i32
      %dma_wait3A_209 = arith.constant 0 : i32
      %dma_wait3A_210 = arith.constant 0 : i32
      %dma_wait3A_211 = tpu.memref_slice %arg14[%dma_wait3A_209, %dma_wait3A_210] : memref<128x128xf32, #tpu.memory_space<vmem>> -> memref<16x128xf32, #tpu.memory_space<vmem>>
      %dma_wait3A_212 = arith.constant 0 : i32
      %dma_wait3A_213 = tpu.memref_slice %arg6[%add3A_208, %dma_wait3A_212] : memref<20000x128xf32, #tpu.memory_space<hbm>> -> memref<16x128xf32, #tpu.memory_space<hbm>>
      %dma_wait3A_214 = arith.constant 0 : i32
      %dma_wait3A_215 = tpu.memref_slice %arg6[%add3A_208, %dma_wait3A_214] : memref<20000x128xf32, #tpu.memory_space<hbm>> -> memref<16x128xf32, #tpu.memory_space<hbm>>
      %dma_wait3A_216 = arith.constant 0 : i32
      %dma_wait3A_217 = arith.constant 0 : i32
      %dma_wait3A_218 = tpu.memref_slice %arg14[%dma_wait3A_216, %dma_wait3A_217] : memref<128x128xf32, #tpu.memory_space<vmem>> -> memref<16x128xf32, #tpu.memory_space<vmem>>
      tpu.wait_dma2 semaphore(%arg22 : memref<!tpu.dma_semaphore, #tpu.memory_space<semaphore_mem>>) src(%dma_wait3A_218 : memref<16x128xf32, #tpu.memory_space<vmem>>) dst(%dma_wait3A_215 : memref<16x128xf32, #tpu.memory_space<hbm>>)
    } else {
    }
    return
  }
}

#map = affine_map<(d0, d1) -> (0)>
#map1 = affine_map<(d0, d1) -> (0, 0)>
module attributes {stable_mosaic.version = 14 : i64} {
  func.func @body(%arg0: i32, %arg1: i32, %arg2: memref<328192xi32, #tpu.memory_space<hbm>>, %arg3: memref<328192xi32, #tpu.memory_space<hbm>>, %arg4: memref<10000x128xf32, #tpu.memory_space<hbm>>, %arg5: memref<128x128xf32, #tpu.memory_space<hbm>>, %arg6: memref<128xf32, #tpu.memory_space<hbm>>, %arg7: memref<128xf32, #tpu.memory_space<hbm>>, %arg8: memref<20000x128xf32, #tpu.memory_space<hbm>>, %arg9: memref<20000xf32, #tpu.memory_space<hbm>>, %arg10: memref<128xi32, #tpu.memory_space<vmem>>, %arg11: memref<128xi32, #tpu.memory_space<vmem>>, %arg12: memref<128xi32, #tpu.memory_space<vmem>>, %arg13: memref<128xi32, #tpu.memory_space<vmem>>, %arg14: memref<128xi32, #tpu.memory_space<vmem>>, %arg15: memref<128xi32, #tpu.memory_space<vmem>>, %arg16: memref<128x128xf32, #tpu.memory_space<vmem>>, %arg17: memref<128x128xf32, #tpu.memory_space<vmem>>, %arg18: memref<128x128xf32, #tpu.memory_space<vmem>>, %arg19: memref<128xf32, #tpu.memory_space<vmem>>, %arg20: memref<10016x128xf32, #tpu.memory_space<vmem_shared>>, %arg21: memref<10016xf32, #tpu.memory_space<vmem_shared>>, %arg22: memref<!tpu.dma_semaphore, #tpu.memory_space<semaphore_mem>>, %arg23: memref<!tpu.dma_semaphore, #tpu.memory_space<semaphore_mem>>, %arg24: memref<!tpu.dma_semaphore, #tpu.memory_space<semaphore_mem>>, %arg25: memref<!tpu.dma_semaphore, #tpu.memory_space<semaphore_mem>>, %arg26: memref<!tpu.dma_semaphore, #tpu.memory_space<semaphore_mem>>, %arg27: memref<!tpu.dma_semaphore, #tpu.memory_space<semaphore_mem>>) attributes {dimension_semantics = [#tpu.dimension_semantics<core_parallel>, #tpu.dimension_semantics<subcore_parallel>], iteration_bounds = array<i64: 2, 16>, scalar_prefetch = 0 : i64, scratch_operands = 18 : i64, tpu.core_type = #tpu.core_type<sc_vector_subcore>, window_params = [{transform_indices = #map}, {transform_indices = #map}, {transform_indices = #map1}, {transform_indices = #map1}, {transform_indices = #map}, {transform_indices = #map}, {transform_indices = #map1}, {transform_indices = #map}]} {
    %mul3A = arith.constant 2 : i32
    %mul3A_0 = arith.muli %arg1, %mul3A : i32
    %add3A = arith.addi %mul3A_0, %arg0 : i32
    %mul3A_1 = arith.constant 640 : i32
    %mul3A_2 = arith.muli %arg1, %mul3A_1 : i32
    %mul3A_3 = arith.constant 80 : i32
    %mul3A_4 = arith.muli %add3A, %mul3A_3 : i32
    %add3A_5 = arith.constant 0 : i32
    %add3A_6 = arith.addi %mul3A_4, %add3A_5 : i32
    %mul3A_7 = arith.constant 128 : i32
    %mul3A_8 = arith.muli %add3A_6, %mul3A_7 : i32
    %dma_start3A = tpu.memref_slice %arg2[%mul3A_8] : memref<328192xi32, #tpu.memory_space<hbm>> -> memref<128xi32, #tpu.memory_space<hbm>>
    %dma_start3A_9 = tpu.memref_slice %arg2[%mul3A_8] : memref<328192xi32, #tpu.memory_space<hbm>> -> memref<128xi32, #tpu.memory_space<hbm>>
    tpu.enqueue_dma source(%dma_start3A_9 : memref<128xi32, #tpu.memory_space<hbm>>) target(%arg10 : memref<128xi32, #tpu.memory_space<vmem>>) target_semaphore(%arg22 : memref<!tpu.dma_semaphore, #tpu.memory_space<semaphore_mem>>)
    %dma_start3A_10 = tpu.memref_slice %arg3[%mul3A_8] : memref<328192xi32, #tpu.memory_space<hbm>> -> memref<128xi32, #tpu.memory_space<hbm>>
    %dma_start3A_11 = tpu.memref_slice %arg3[%mul3A_8] : memref<328192xi32, #tpu.memory_space<hbm>> -> memref<128xi32, #tpu.memory_space<hbm>>
    tpu.enqueue_dma source(%dma_start3A_11 : memref<128xi32, #tpu.memory_space<hbm>>) target(%arg11 : memref<128xi32, #tpu.memory_space<vmem>>) target_semaphore(%arg22 : memref<!tpu.dma_semaphore, #tpu.memory_space<semaphore_mem>>)
    %add3A_12 = arith.constant 1 : i32
    %add3A_13 = arith.addi %mul3A_4, %add3A_12 : i32
    %mul3A_14 = arith.constant 128 : i32
    %mul3A_15 = arith.muli %add3A_13, %mul3A_14 : i32
    %dma_start3A_16 = tpu.memref_slice %arg2[%mul3A_15] : memref<328192xi32, #tpu.memory_space<hbm>> -> memref<128xi32, #tpu.memory_space<hbm>>
    %dma_start3A_17 = tpu.memref_slice %arg2[%mul3A_15] : memref<328192xi32, #tpu.memory_space<hbm>> -> memref<128xi32, #tpu.memory_space<hbm>>
    tpu.enqueue_dma source(%dma_start3A_17 : memref<128xi32, #tpu.memory_space<hbm>>) target(%arg12 : memref<128xi32, #tpu.memory_space<vmem>>) target_semaphore(%arg23 : memref<!tpu.dma_semaphore, #tpu.memory_space<semaphore_mem>>)
    %dma_start3A_18 = tpu.memref_slice %arg3[%mul3A_15] : memref<328192xi32, #tpu.memory_space<hbm>> -> memref<128xi32, #tpu.memory_space<hbm>>
    %dma_start3A_19 = tpu.memref_slice %arg3[%mul3A_15] : memref<328192xi32, #tpu.memory_space<hbm>> -> memref<128xi32, #tpu.memory_space<hbm>>
    tpu.enqueue_dma source(%dma_start3A_19 : memref<128xi32, #tpu.memory_space<hbm>>) target(%arg13 : memref<128xi32, #tpu.memory_space<vmem>>) target_semaphore(%arg23 : memref<!tpu.dma_semaphore, #tpu.memory_space<semaphore_mem>>)
    %add3A_20 = arith.constant 2 : i32
    %add3A_21 = arith.addi %mul3A_4, %add3A_20 : i32
    %mul3A_22 = arith.constant 128 : i32
    %mul3A_23 = arith.muli %add3A_21, %mul3A_22 : i32
    %dma_start3A_24 = tpu.memref_slice %arg2[%mul3A_23] : memref<328192xi32, #tpu.memory_space<hbm>> -> memref<128xi32, #tpu.memory_space<hbm>>
    %dma_start3A_25 = tpu.memref_slice %arg2[%mul3A_23] : memref<328192xi32, #tpu.memory_space<hbm>> -> memref<128xi32, #tpu.memory_space<hbm>>
    tpu.enqueue_dma source(%dma_start3A_25 : memref<128xi32, #tpu.memory_space<hbm>>) target(%arg14 : memref<128xi32, #tpu.memory_space<vmem>>) target_semaphore(%arg24 : memref<!tpu.dma_semaphore, #tpu.memory_space<semaphore_mem>>)
    %dma_start3A_26 = tpu.memref_slice %arg3[%mul3A_23] : memref<328192xi32, #tpu.memory_space<hbm>> -> memref<128xi32, #tpu.memory_space<hbm>>
    %dma_start3A_27 = tpu.memref_slice %arg3[%mul3A_23] : memref<328192xi32, #tpu.memory_space<hbm>> -> memref<128xi32, #tpu.memory_space<hbm>>
    tpu.enqueue_dma source(%dma_start3A_27 : memref<128xi32, #tpu.memory_space<hbm>>) target(%arg15 : memref<128xi32, #tpu.memory_space<vmem>>) target_semaphore(%arg24 : memref<!tpu.dma_semaphore, #tpu.memory_space<semaphore_mem>>)
    "tpu.region"() ({
      %run_scoped3A = tpu.sem_alloc : memref<!tpu.dma_semaphore, #tpu.memory_space<semaphore_mem>>
      %dma_start3A_99 = arith.constant 0 : i32
      %dma_start3A_100 = arith.constant 0 : i32
      %dma_start3A_101 = tpu.memref_slice %arg5[%dma_start3A_99, %dma_start3A_100] : memref<128x128xf32, #tpu.memory_space<hbm>> -> memref<128x128xf32, #tpu.memory_space<hbm>>
      %dma_start3A_102 = arith.constant 0 : i32
      %dma_start3A_103 = arith.constant 0 : i32
      %dma_start3A_104 = tpu.memref_slice %arg5[%dma_start3A_102, %dma_start3A_103] : memref<128x128xf32, #tpu.memory_space<hbm>> -> memref<128x128xf32, #tpu.memory_space<hbm>>
      tpu.enqueue_dma source(%dma_start3A_104 : memref<128x128xf32, #tpu.memory_space<hbm>>) target(%arg16 : memref<128x128xf32, #tpu.memory_space<vmem>>) target_semaphore(%run_scoped3A : memref<!tpu.dma_semaphore, #tpu.memory_space<semaphore_mem>>)
      %dma_wait3A_105 = arith.constant 0 : i32
      %dma_wait3A_106 = arith.constant 0 : i32
      %dma_wait3A_107 = tpu.memref_slice %arg5[%dma_wait3A_105, %dma_wait3A_106] : memref<128x128xf32, #tpu.memory_space<hbm>> -> memref<128x128xf32, #tpu.memory_space<hbm>>
      %dma_wait3A_108 = arith.constant 0 : i32
      %dma_wait3A_109 = arith.constant 0 : i32
      %dma_wait3A_110 = tpu.memref_slice %arg5[%dma_wait3A_108, %dma_wait3A_109] : memref<128x128xf32, #tpu.memory_space<hbm>> -> memref<128x128xf32, #tpu.memory_space<hbm>>
      tpu.wait_dma2 semaphore(%run_scoped3A : memref<!tpu.dma_semaphore, #tpu.memory_space<semaphore_mem>>) src(%dma_wait3A_110 : memref<128x128xf32, #tpu.memory_space<hbm>>) dst(%arg16 : memref<128x128xf32, #tpu.memory_space<vmem>>)
      tpu.yield
    }) : () -> ()
    "tpu.region"() ({
      %run_scoped3A = tpu.sem_alloc : memref<!tpu.dma_semaphore, #tpu.memory_space<semaphore_mem>>
      %dma_start3A_99 = arith.constant 0 : i32
      %dma_start3A_100 = tpu.memref_slice %arg6[%dma_start3A_99] : memref<128xf32, #tpu.memory_space<hbm>> -> memref<128xf32, #tpu.memory_space<hbm>>
      %dma_start3A_101 = arith.constant 0 : i32
      %dma_start3A_102 = tpu.memref_slice %arg6[%dma_start3A_101] : memref<128xf32, #tpu.memory_space<hbm>> -> memref<128xf32, #tpu.memory_space<hbm>>
      tpu.enqueue_dma source(%dma_start3A_102 : memref<128xf32, #tpu.memory_space<hbm>>) target(%arg19 : memref<128xf32, #tpu.memory_space<vmem>>) target_semaphore(%run_scoped3A : memref<!tpu.dma_semaphore, #tpu.memory_space<semaphore_mem>>)
      %dma_wait3A_103 = arith.constant 0 : i32
      %dma_wait3A_104 = tpu.memref_slice %arg6[%dma_wait3A_103] : memref<128xf32, #tpu.memory_space<hbm>> -> memref<128xf32, #tpu.memory_space<hbm>>
      %dma_wait3A_105 = arith.constant 0 : i32
      %dma_wait3A_106 = tpu.memref_slice %arg6[%dma_wait3A_105] : memref<128xf32, #tpu.memory_space<hbm>> -> memref<128xf32, #tpu.memory_space<hbm>>
      tpu.wait_dma2 semaphore(%run_scoped3A : memref<!tpu.dma_semaphore, #tpu.memory_space<semaphore_mem>>) src(%dma_wait3A_106 : memref<128xf32, #tpu.memory_space<hbm>>) dst(%arg19 : memref<128xf32, #tpu.memory_space<vmem>>)
      tpu.yield
    }) : () -> ()
    %lt3A = arith.constant 15 : i32
    %lt3A_28 = arith.cmpi slt, %arg1, %lt3A : i32
    %convert_element_type3A = arith.extui %lt3A_28 : i1 to i32
    %cond3A = arith.constant 0 : i32
    %cond3A_29 = arith.cmpi ne, %convert_element_type3A, %cond3A : i32
    scf.if %cond3A_29 {
      %add3A_99 = arith.constant 0 : i32
      %add3A_100 = arith.addi %mul3A_2, %add3A_99 : i32
      "tpu.region"() ({
        %run_scoped3A = tpu.sem_alloc : memref<!tpu.dma_semaphore, #tpu.memory_space<semaphore_mem>>
        %dma_start3A_119 = arith.constant 0 : i32
        %dma_start3A_120 = arith.constant 0 : i32
        %dma_start3A_121 = tpu.memref_slice %arg16[%dma_start3A_119, %dma_start3A_120] : memref<128x128xf32, #tpu.memory_space<vmem>> -> memref<128x128xf32, #tpu.memory_space<vmem>>
        %dma_start3A_122 = arith.constant 0 : i32
        %dma_start3A_123 = tpu.memref_slice %arg20[%add3A_100, %dma_start3A_122] : memref<10016x128xf32, #tpu.memory_space<vmem_shared>> -> memref<128x128xf32, #tpu.memory_space<vmem_shared>>
        %dma_start3A_124 = arith.constant 0 : i32
        %dma_start3A_125 = tpu.memref_slice %arg20[%add3A_100, %dma_start3A_124] : memref<10016x128xf32, #tpu.memory_space<vmem_shared>> -> memref<128x128xf32, #tpu.memory_space<vmem_shared>>
        %dma_start3A_126 = arith.constant 0 : i32
        %dma_start3A_127 = arith.constant 0 : i32
        %dma_start3A_128 = tpu.memref_slice %arg16[%dma_start3A_126, %dma_start3A_127] : memref<128x128xf32, #tpu.memory_space<vmem>> -> memref<128x128xf32, #tpu.memory_space<vmem>>
        tpu.enqueue_dma source(%dma_start3A_128 : memref<128x128xf32, #tpu.memory_space<vmem>>) target(%dma_start3A_125 : memref<128x128xf32, #tpu.memory_space<vmem_shared>>) target_semaphore(%run_scoped3A : memref<!tpu.dma_semaphore, #tpu.memory_space<semaphore_mem>>)
        %dma_wait3A_129 = arith.constant 0 : i32
        %dma_wait3A_130 = arith.constant 0 : i32
        %dma_wait3A_131 = tpu.memref_slice %arg16[%dma_wait3A_129, %dma_wait3A_130] : memref<128x128xf32, #tpu.memory_space<vmem>> -> memref<128x128xf32, #tpu.memory_space<vmem>>
        %dma_wait3A_132 = arith.constant 0 : i32
        %dma_wait3A_133 = tpu.memref_slice %arg20[%add3A_100, %dma_wait3A_132] : memref<10016x128xf32, #tpu.memory_space<vmem_shared>> -> memref<128x128xf32, #tpu.memory_space<vmem_shared>>
        %dma_wait3A_134 = arith.constant 0 : i32
        %dma_wait3A_135 = tpu.memref_slice %arg20[%add3A_100, %dma_wait3A_134] : memref<10016x128xf32, #tpu.memory_space<vmem_shared>> -> memref<128x128xf32, #tpu.memory_space<vmem_shared>>
        %dma_wait3A_136 = arith.constant 0 : i32
        %dma_wait3A_137 = arith.constant 0 : i32
        %dma_wait3A_138 = tpu.memref_slice %arg16[%dma_wait3A_136, %dma_wait3A_137] : memref<128x128xf32, #tpu.memory_space<vmem>> -> memref<128x128xf32, #tpu.memory_space<vmem>>
        tpu.wait_dma2 semaphore(%run_scoped3A : memref<!tpu.dma_semaphore, #tpu.memory_space<semaphore_mem>>) src(%dma_wait3A_138 : memref<128x128xf32, #tpu.memory_space<vmem>>) dst(%dma_wait3A_135 : memref<128x128xf32, #tpu.memory_space<vmem_shared>>)
        tpu.yield
      }) : () -> ()
      %add3A_101 = arith.constant 0 : i32
      %add3A_102 = arith.addi %mul3A_2, %add3A_101 : i32
      "tpu.region"() ({
        %run_scoped3A = tpu.sem_alloc : memref<!tpu.dma_semaphore, #tpu.memory_space<semaphore_mem>>
        %dma_start3A_119 = arith.constant 0 : i32
        %dma_start3A_120 = tpu.memref_slice %arg19[%dma_start3A_119] : memref<128xf32, #tpu.memory_space<vmem>> -> memref<128xf32, #tpu.memory_space<vmem>>
        %dma_start3A_121 = tpu.memref_slice %arg21[%add3A_102] : memref<10016xf32, #tpu.memory_space<vmem_shared>> -> memref<128xf32, #tpu.memory_space<vmem_shared>>
        %dma_start3A_122 = tpu.memref_slice %arg21[%add3A_102] : memref<10016xf32, #tpu.memory_space<vmem_shared>> -> memref<128xf32, #tpu.memory_space<vmem_shared>>
        %dma_start3A_123 = arith.constant 0 : i32
        %dma_start3A_124 = tpu.memref_slice %arg19[%dma_start3A_123] : memref<128xf32, #tpu.memory_space<vmem>> -> memref<128xf32, #tpu.memory_space<vmem>>
        tpu.enqueue_dma source(%dma_start3A_124 : memref<128xf32, #tpu.memory_space<vmem>>) target(%dma_start3A_122 : memref<128xf32, #tpu.memory_space<vmem_shared>>) target_semaphore(%run_scoped3A : memref<!tpu.dma_semaphore, #tpu.memory_space<semaphore_mem>>)
        %dma_wait3A_125 = arith.constant 0 : i32
        %dma_wait3A_126 = tpu.memref_slice %arg19[%dma_wait3A_125] : memref<128xf32, #tpu.memory_space<vmem>> -> memref<128xf32, #tpu.memory_space<vmem>>
        %dma_wait3A_127 = tpu.memref_slice %arg21[%add3A_102] : memref<10016xf32, #tpu.memory_space<vmem_shared>> -> memref<128xf32, #tpu.memory_space<vmem_shared>>
        %dma_wait3A_128 = tpu.memref_slice %arg21[%add3A_102] : memref<10016xf32, #tpu.memory_space<vmem_shared>> -> memref<128xf32, #tpu.memory_space<vmem_shared>>
        %dma_wait3A_129 = arith.constant 0 : i32
        %dma_wait3A_130 = tpu.memref_slice %arg19[%dma_wait3A_129] : memref<128xf32, #tpu.memory_space<vmem>> -> memref<128xf32, #tpu.memory_space<vmem>>
        tpu.wait_dma2 semaphore(%run_scoped3A : memref<!tpu.dma_semaphore, #tpu.memory_space<semaphore_mem>>) src(%dma_wait3A_130 : memref<128xf32, #tpu.memory_space<vmem>>) dst(%dma_wait3A_128 : memref<128xf32, #tpu.memory_space<vmem_shared>>)
        tpu.yield
      }) : () -> ()
      %add3A_103 = arith.constant 128 : i32
      %add3A_104 = arith.addi %mul3A_2, %add3A_103 : i32
      "tpu.region"() ({
        %run_scoped3A = tpu.sem_alloc : memref<!tpu.dma_semaphore, #tpu.memory_space<semaphore_mem>>
        %dma_start3A_119 = arith.constant 0 : i32
        %dma_start3A_120 = arith.constant 0 : i32
        %dma_start3A_121 = tpu.memref_slice %arg16[%dma_start3A_119, %dma_start3A_120] : memref<128x128xf32, #tpu.memory_space<vmem>> -> memref<128x128xf32, #tpu.memory_space<vmem>>
        %dma_start3A_122 = arith.constant 0 : i32
        %dma_start3A_123 = tpu.memref_slice %arg20[%add3A_104, %dma_start3A_122] : memref<10016x128xf32, #tpu.memory_space<vmem_shared>> -> memref<128x128xf32, #tpu.memory_space<vmem_shared>>
        %dma_start3A_124 = arith.constant 0 : i32
        %dma_start3A_125 = tpu.memref_slice %arg20[%add3A_104, %dma_start3A_124] : memref<10016x128xf32, #tpu.memory_space<vmem_shared>> -> memref<128x128xf32, #tpu.memory_space<vmem_shared>>
        %dma_start3A_126 = arith.constant 0 : i32
        %dma_start3A_127 = arith.constant 0 : i32
        %dma_start3A_128 = tpu.memref_slice %arg16[%dma_start3A_126, %dma_start3A_127] : memref<128x128xf32, #tpu.memory_space<vmem>> -> memref<128x128xf32, #tpu.memory_space<vmem>>
        tpu.enqueue_dma source(%dma_start3A_128 : memref<128x128xf32, #tpu.memory_space<vmem>>) target(%dma_start3A_125 : memref<128x128xf32, #tpu.memory_space<vmem_shared>>) target_semaphore(%run_scoped3A : memref<!tpu.dma_semaphore, #tpu.memory_space<semaphore_mem>>)
        %dma_wait3A_129 = arith.constant 0 : i32
        %dma_wait3A_130 = arith.constant 0 : i32
        %dma_wait3A_131 = tpu.memref_slice %arg16[%dma_wait3A_129, %dma_wait3A_130] : memref<128x128xf32, #tpu.memory_space<vmem>> -> memref<128x128xf32, #tpu.memory_space<vmem>>
        %dma_wait3A_132 = arith.constant 0 : i32
        %dma_wait3A_133 = tpu.memref_slice %arg20[%add3A_104, %dma_wait3A_132] : memref<10016x128xf32, #tpu.memory_space<vmem_shared>> -> memref<128x128xf32, #tpu.memory_space<vmem_shared>>
        %dma_wait3A_134 = arith.constant 0 : i32
        %dma_wait3A_135 = tpu.memref_slice %arg20[%add3A_104, %dma_wait3A_134] : memref<10016x128xf32, #tpu.memory_space<vmem_shared>> -> memref<128x128xf32, #tpu.memory_space<vmem_shared>>
        %dma_wait3A_136 = arith.constant 0 : i32
        %dma_wait3A_137 = arith.constant 0 : i32
        %dma_wait3A_138 = tpu.memref_slice %arg16[%dma_wait3A_136, %dma_wait3A_137] : memref<128x128xf32, #tpu.memory_space<vmem>> -> memref<128x128xf32, #tpu.memory_space<vmem>>
        tpu.wait_dma2 semaphore(%run_scoped3A : memref<!tpu.dma_semaphore, #tpu.memory_space<semaphore_mem>>) src(%dma_wait3A_138 : memref<128x128xf32, #tpu.memory_space<vmem>>) dst(%dma_wait3A_135 : memref<128x128xf32, #tpu.memory_space<vmem_shared>>)
        tpu.yield
      }) : () -> ()
      %add3A_105 = arith.constant 128 : i32
      %add3A_106 = arith.addi %mul3A_2, %add3A_105 : i32
      "tpu.region"() ({
        %run_scoped3A = tpu.sem_alloc : memref<!tpu.dma_semaphore, #tpu.memory_space<semaphore_mem>>
        %dma_start3A_119 = arith.constant 0 : i32
        %dma_start3A_120 = tpu.memref_slice %arg19[%dma_start3A_119] : memref<128xf32, #tpu.memory_space<vmem>> -> memref<128xf32, #tpu.memory_space<vmem>>
        %dma_start3A_121 = tpu.memref_slice %arg21[%add3A_106] : memref<10016xf32, #tpu.memory_space<vmem_shared>> -> memref<128xf32, #tpu.memory_space<vmem_shared>>
        %dma_start3A_122 = tpu.memref_slice %arg21[%add3A_106] : memref<10016xf32, #tpu.memory_space<vmem_shared>> -> memref<128xf32, #tpu.memory_space<vmem_shared>>
        %dma_start3A_123 = arith.constant 0 : i32
        %dma_start3A_124 = tpu.memref_slice %arg19[%dma_start3A_123] : memref<128xf32, #tpu.memory_space<vmem>> -> memref<128xf32, #tpu.memory_space<vmem>>
        tpu.enqueue_dma source(%dma_start3A_124 : memref<128xf32, #tpu.memory_space<vmem>>) target(%dma_start3A_122 : memref<128xf32, #tpu.memory_space<vmem_shared>>) target_semaphore(%run_scoped3A : memref<!tpu.dma_semaphore, #tpu.memory_space<semaphore_mem>>)
        %dma_wait3A_125 = arith.constant 0 : i32
        %dma_wait3A_126 = tpu.memref_slice %arg19[%dma_wait3A_125] : memref<128xf32, #tpu.memory_space<vmem>> -> memref<128xf32, #tpu.memory_space<vmem>>
        %dma_wait3A_127 = tpu.memref_slice %arg21[%add3A_106] : memref<10016xf32, #tpu.memory_space<vmem_shared>> -> memref<128xf32, #tpu.memory_space<vmem_shared>>
        %dma_wait3A_128 = tpu.memref_slice %arg21[%add3A_106] : memref<10016xf32, #tpu.memory_space<vmem_shared>> -> memref<128xf32, #tpu.memory_space<vmem_shared>>
        %dma_wait3A_129 = arith.constant 0 : i32
        %dma_wait3A_130 = tpu.memref_slice %arg19[%dma_wait3A_129] : memref<128xf32, #tpu.memory_space<vmem>> -> memref<128xf32, #tpu.memory_space<vmem>>
        tpu.wait_dma2 semaphore(%run_scoped3A : memref<!tpu.dma_semaphore, #tpu.memory_space<semaphore_mem>>) src(%dma_wait3A_130 : memref<128xf32, #tpu.memory_space<vmem>>) dst(%dma_wait3A_128 : memref<128xf32, #tpu.memory_space<vmem_shared>>)
        tpu.yield
      }) : () -> ()
      %add3A_107 = arith.constant 256 : i32
      %add3A_108 = arith.addi %mul3A_2, %add3A_107 : i32
      "tpu.region"() ({
        %run_scoped3A = tpu.sem_alloc : memref<!tpu.dma_semaphore, #tpu.memory_space<semaphore_mem>>
        %dma_start3A_119 = arith.constant 0 : i32
        %dma_start3A_120 = arith.constant 0 : i32
        %dma_start3A_121 = tpu.memref_slice %arg16[%dma_start3A_119, %dma_start3A_120] : memref<128x128xf32, #tpu.memory_space<vmem>> -> memref<128x128xf32, #tpu.memory_space<vmem>>
        %dma_start3A_122 = arith.constant 0 : i32
        %dma_start3A_123 = tpu.memref_slice %arg20[%add3A_108, %dma_start3A_122] : memref<10016x128xf32, #tpu.memory_space<vmem_shared>> -> memref<128x128xf32, #tpu.memory_space<vmem_shared>>
        %dma_start3A_124 = arith.constant 0 : i32
        %dma_start3A_125 = tpu.memref_slice %arg20[%add3A_108, %dma_start3A_124] : memref<10016x128xf32, #tpu.memory_space<vmem_shared>> -> memref<128x128xf32, #tpu.memory_space<vmem_shared>>
        %dma_start3A_126 = arith.constant 0 : i32
        %dma_start3A_127 = arith.constant 0 : i32
        %dma_start3A_128 = tpu.memref_slice %arg16[%dma_start3A_126, %dma_start3A_127] : memref<128x128xf32, #tpu.memory_space<vmem>> -> memref<128x128xf32, #tpu.memory_space<vmem>>
        tpu.enqueue_dma source(%dma_start3A_128 : memref<128x128xf32, #tpu.memory_space<vmem>>) target(%dma_start3A_125 : memref<128x128xf32, #tpu.memory_space<vmem_shared>>) target_semaphore(%run_scoped3A : memref<!tpu.dma_semaphore, #tpu.memory_space<semaphore_mem>>)
        %dma_wait3A_129 = arith.constant 0 : i32
        %dma_wait3A_130 = arith.constant 0 : i32
        %dma_wait3A_131 = tpu.memref_slice %arg16[%dma_wait3A_129, %dma_wait3A_130] : memref<128x128xf32, #tpu.memory_space<vmem>> -> memref<128x128xf32, #tpu.memory_space<vmem>>
        %dma_wait3A_132 = arith.constant 0 : i32
        %dma_wait3A_133 = tpu.memref_slice %arg20[%add3A_108, %dma_wait3A_132] : memref<10016x128xf32, #tpu.memory_space<vmem_shared>> -> memref<128x128xf32, #tpu.memory_space<vmem_shared>>
        %dma_wait3A_134 = arith.constant 0 : i32
        %dma_wait3A_135 = tpu.memref_slice %arg20[%add3A_108, %dma_wait3A_134] : memref<10016x128xf32, #tpu.memory_space<vmem_shared>> -> memref<128x128xf32, #tpu.memory_space<vmem_shared>>
        %dma_wait3A_136 = arith.constant 0 : i32
        %dma_wait3A_137 = arith.constant 0 : i32
        %dma_wait3A_138 = tpu.memref_slice %arg16[%dma_wait3A_136, %dma_wait3A_137] : memref<128x128xf32, #tpu.memory_space<vmem>> -> memref<128x128xf32, #tpu.memory_space<vmem>>
        tpu.wait_dma2 semaphore(%run_scoped3A : memref<!tpu.dma_semaphore, #tpu.memory_space<semaphore_mem>>) src(%dma_wait3A_138 : memref<128x128xf32, #tpu.memory_space<vmem>>) dst(%dma_wait3A_135 : memref<128x128xf32, #tpu.memory_space<vmem_shared>>)
        tpu.yield
      }) : () -> ()
      %add3A_109 = arith.constant 256 : i32
      %add3A_110 = arith.addi %mul3A_2, %add3A_109 : i32
      "tpu.region"() ({
        %run_scoped3A = tpu.sem_alloc : memref<!tpu.dma_semaphore, #tpu.memory_space<semaphore_mem>>
        %dma_start3A_119 = arith.constant 0 : i32
        %dma_start3A_120 = tpu.memref_slice %arg19[%dma_start3A_119] : memref<128xf32, #tpu.memory_space<vmem>> -> memref<128xf32, #tpu.memory_space<vmem>>
        %dma_start3A_121 = tpu.memref_slice %arg21[%add3A_110] : memref<10016xf32, #tpu.memory_space<vmem_shared>> -> memref<128xf32, #tpu.memory_space<vmem_shared>>
        %dma_start3A_122 = tpu.memref_slice %arg21[%add3A_110] : memref<10016xf32, #tpu.memory_space<vmem_shared>> -> memref<128xf32, #tpu.memory_space<vmem_shared>>
        %dma_start3A_123 = arith.constant 0 : i32
        %dma_start3A_124 = tpu.memref_slice %arg19[%dma_start3A_123] : memref<128xf32, #tpu.memory_space<vmem>> -> memref<128xf32, #tpu.memory_space<vmem>>
        tpu.enqueue_dma source(%dma_start3A_124 : memref<128xf32, #tpu.memory_space<vmem>>) target(%dma_start3A_122 : memref<128xf32, #tpu.memory_space<vmem_shared>>) target_semaphore(%run_scoped3A : memref<!tpu.dma_semaphore, #tpu.memory_space<semaphore_mem>>)
        %dma_wait3A_125 = arith.constant 0 : i32
        %dma_wait3A_126 = tpu.memref_slice %arg19[%dma_wait3A_125] : memref<128xf32, #tpu.memory_space<vmem>> -> memref<128xf32, #tpu.memory_space<vmem>>
        %dma_wait3A_127 = tpu.memref_slice %arg21[%add3A_110] : memref<10016xf32, #tpu.memory_space<vmem_shared>> -> memref<128xf32, #tpu.memory_space<vmem_shared>>
        %dma_wait3A_128 = tpu.memref_slice %arg21[%add3A_110] : memref<10016xf32, #tpu.memory_space<vmem_shared>> -> memref<128xf32, #tpu.memory_space<vmem_shared>>
        %dma_wait3A_129 = arith.constant 0 : i32
        %dma_wait3A_130 = tpu.memref_slice %arg19[%dma_wait3A_129] : memref<128xf32, #tpu.memory_space<vmem>> -> memref<128xf32, #tpu.memory_space<vmem>>
        tpu.wait_dma2 semaphore(%run_scoped3A : memref<!tpu.dma_semaphore, #tpu.memory_space<semaphore_mem>>) src(%dma_wait3A_130 : memref<128xf32, #tpu.memory_space<vmem>>) dst(%dma_wait3A_128 : memref<128xf32, #tpu.memory_space<vmem_shared>>)
        tpu.yield
      }) : () -> ()
      %add3A_111 = arith.constant 384 : i32
      %add3A_112 = arith.addi %mul3A_2, %add3A_111 : i32
      "tpu.region"() ({
        %run_scoped3A = tpu.sem_alloc : memref<!tpu.dma_semaphore, #tpu.memory_space<semaphore_mem>>
        %dma_start3A_119 = arith.constant 0 : i32
        %dma_start3A_120 = arith.constant 0 : i32
        %dma_start3A_121 = tpu.memref_slice %arg16[%dma_start3A_119, %dma_start3A_120] : memref<128x128xf32, #tpu.memory_space<vmem>> -> memref<128x128xf32, #tpu.memory_space<vmem>>
        %dma_start3A_122 = arith.constant 0 : i32
        %dma_start3A_123 = tpu.memref_slice %arg20[%add3A_112, %dma_start3A_122] : memref<10016x128xf32, #tpu.memory_space<vmem_shared>> -> memref<128x128xf32, #tpu.memory_space<vmem_shared>>
        %dma_start3A_124 = arith.constant 0 : i32
        %dma_start3A_125 = tpu.memref_slice %arg20[%add3A_112, %dma_start3A_124] : memref<10016x128xf32, #tpu.memory_space<vmem_shared>> -> memref<128x128xf32, #tpu.memory_space<vmem_shared>>
        %dma_start3A_126 = arith.constant 0 : i32
        %dma_start3A_127 = arith.constant 0 : i32
        %dma_start3A_128 = tpu.memref_slice %arg16[%dma_start3A_126, %dma_start3A_127] : memref<128x128xf32, #tpu.memory_space<vmem>> -> memref<128x128xf32, #tpu.memory_space<vmem>>
        tpu.enqueue_dma source(%dma_start3A_128 : memref<128x128xf32, #tpu.memory_space<vmem>>) target(%dma_start3A_125 : memref<128x128xf32, #tpu.memory_space<vmem_shared>>) target_semaphore(%run_scoped3A : memref<!tpu.dma_semaphore, #tpu.memory_space<semaphore_mem>>)
        %dma_wait3A_129 = arith.constant 0 : i32
        %dma_wait3A_130 = arith.constant 0 : i32
        %dma_wait3A_131 = tpu.memref_slice %arg16[%dma_wait3A_129, %dma_wait3A_130] : memref<128x128xf32, #tpu.memory_space<vmem>> -> memref<128x128xf32, #tpu.memory_space<vmem>>
        %dma_wait3A_132 = arith.constant 0 : i32
        %dma_wait3A_133 = tpu.memref_slice %arg20[%add3A_112, %dma_wait3A_132] : memref<10016x128xf32, #tpu.memory_space<vmem_shared>> -> memref<128x128xf32, #tpu.memory_space<vmem_shared>>
        %dma_wait3A_134 = arith.constant 0 : i32
        %dma_wait3A_135 = tpu.memref_slice %arg20[%add3A_112, %dma_wait3A_134] : memref<10016x128xf32, #tpu.memory_space<vmem_shared>> -> memref<128x128xf32, #tpu.memory_space<vmem_shared>>
        %dma_wait3A_136 = arith.constant 0 : i32
        %dma_wait3A_137 = arith.constant 0 : i32
        %dma_wait3A_138 = tpu.memref_slice %arg16[%dma_wait3A_136, %dma_wait3A_137] : memref<128x128xf32, #tpu.memory_space<vmem>> -> memref<128x128xf32, #tpu.memory_space<vmem>>
        tpu.wait_dma2 semaphore(%run_scoped3A : memref<!tpu.dma_semaphore, #tpu.memory_space<semaphore_mem>>) src(%dma_wait3A_138 : memref<128x128xf32, #tpu.memory_space<vmem>>) dst(%dma_wait3A_135 : memref<128x128xf32, #tpu.memory_space<vmem_shared>>)
        tpu.yield
      }) : () -> ()
      %add3A_113 = arith.constant 384 : i32
      %add3A_114 = arith.addi %mul3A_2, %add3A_113 : i32
      "tpu.region"() ({
        %run_scoped3A = tpu.sem_alloc : memref<!tpu.dma_semaphore, #tpu.memory_space<semaphore_mem>>
        %dma_start3A_119 = arith.constant 0 : i32
        %dma_start3A_120 = tpu.memref_slice %arg19[%dma_start3A_119] : memref<128xf32, #tpu.memory_space<vmem>> -> memref<128xf32, #tpu.memory_space<vmem>>
        %dma_start3A_121 = tpu.memref_slice %arg21[%add3A_114] : memref<10016xf32, #tpu.memory_space<vmem_shared>> -> memref<128xf32, #tpu.memory_space<vmem_shared>>
        %dma_start3A_122 = tpu.memref_slice %arg21[%add3A_114] : memref<10016xf32, #tpu.memory_space<vmem_shared>> -> memref<128xf32, #tpu.memory_space<vmem_shared>>
        %dma_start3A_123 = arith.constant 0 : i32
        %dma_start3A_124 = tpu.memref_slice %arg19[%dma_start3A_123] : memref<128xf32, #tpu.memory_space<vmem>> -> memref<128xf32, #tpu.memory_space<vmem>>
        tpu.enqueue_dma source(%dma_start3A_124 : memref<128xf32, #tpu.memory_space<vmem>>) target(%dma_start3A_122 : memref<128xf32, #tpu.memory_space<vmem_shared>>) target_semaphore(%run_scoped3A : memref<!tpu.dma_semaphore, #tpu.memory_space<semaphore_mem>>)
        %dma_wait3A_125 = arith.constant 0 : i32
        %dma_wait3A_126 = tpu.memref_slice %arg19[%dma_wait3A_125] : memref<128xf32, #tpu.memory_space<vmem>> -> memref<128xf32, #tpu.memory_space<vmem>>
        %dma_wait3A_127 = tpu.memref_slice %arg21[%add3A_114] : memref<10016xf32, #tpu.memory_space<vmem_shared>> -> memref<128xf32, #tpu.memory_space<vmem_shared>>
        %dma_wait3A_128 = tpu.memref_slice %arg21[%add3A_114] : memref<10016xf32, #tpu.memory_space<vmem_shared>> -> memref<128xf32, #tpu.memory_space<vmem_shared>>
        %dma_wait3A_129 = arith.constant 0 : i32
        %dma_wait3A_130 = tpu.memref_slice %arg19[%dma_wait3A_129] : memref<128xf32, #tpu.memory_space<vmem>> -> memref<128xf32, #tpu.memory_space<vmem>>
        tpu.wait_dma2 semaphore(%run_scoped3A : memref<!tpu.dma_semaphore, #tpu.memory_space<semaphore_mem>>) src(%dma_wait3A_130 : memref<128xf32, #tpu.memory_space<vmem>>) dst(%dma_wait3A_128 : memref<128xf32, #tpu.memory_space<vmem_shared>>)
        tpu.yield
      }) : () -> ()
      %add3A_115 = arith.constant 512 : i32
      %add3A_116 = arith.addi %mul3A_2, %add3A_115 : i32
      "tpu.region"() ({
        %run_scoped3A = tpu.sem_alloc : memref<!tpu.dma_semaphore, #tpu.memory_space<semaphore_mem>>
        %dma_start3A_119 = arith.constant 0 : i32
        %dma_start3A_120 = arith.constant 0 : i32
        %dma_start3A_121 = tpu.memref_slice %arg16[%dma_start3A_119, %dma_start3A_120] : memref<128x128xf32, #tpu.memory_space<vmem>> -> memref<128x128xf32, #tpu.memory_space<vmem>>
        %dma_start3A_122 = arith.constant 0 : i32
        %dma_start3A_123 = tpu.memref_slice %arg20[%add3A_116, %dma_start3A_122] : memref<10016x128xf32, #tpu.memory_space<vmem_shared>> -> memref<128x128xf32, #tpu.memory_space<vmem_shared>>
        %dma_start3A_124 = arith.constant 0 : i32
        %dma_start3A_125 = tpu.memref_slice %arg20[%add3A_116, %dma_start3A_124] : memref<10016x128xf32, #tpu.memory_space<vmem_shared>> -> memref<128x128xf32, #tpu.memory_space<vmem_shared>>
        %dma_start3A_126 = arith.constant 0 : i32
        %dma_start3A_127 = arith.constant 0 : i32
        %dma_start3A_128 = tpu.memref_slice %arg16[%dma_start3A_126, %dma_start3A_127] : memref<128x128xf32, #tpu.memory_space<vmem>> -> memref<128x128xf32, #tpu.memory_space<vmem>>
        tpu.enqueue_dma source(%dma_start3A_128 : memref<128x128xf32, #tpu.memory_space<vmem>>) target(%dma_start3A_125 : memref<128x128xf32, #tpu.memory_space<vmem_shared>>) target_semaphore(%run_scoped3A : memref<!tpu.dma_semaphore, #tpu.memory_space<semaphore_mem>>)
        %dma_wait3A_129 = arith.constant 0 : i32
        %dma_wait3A_130 = arith.constant 0 : i32
        %dma_wait3A_131 = tpu.memref_slice %arg16[%dma_wait3A_129, %dma_wait3A_130] : memref<128x128xf32, #tpu.memory_space<vmem>> -> memref<128x128xf32, #tpu.memory_space<vmem>>
        %dma_wait3A_132 = arith.constant 0 : i32
        %dma_wait3A_133 = tpu.memref_slice %arg20[%add3A_116, %dma_wait3A_132] : memref<10016x128xf32, #tpu.memory_space<vmem_shared>> -> memref<128x128xf32, #tpu.memory_space<vmem_shared>>
        %dma_wait3A_134 = arith.constant 0 : i32
        %dma_wait3A_135 = tpu.memref_slice %arg20[%add3A_116, %dma_wait3A_134] : memref<10016x128xf32, #tpu.memory_space<vmem_shared>> -> memref<128x128xf32, #tpu.memory_space<vmem_shared>>
        %dma_wait3A_136 = arith.constant 0 : i32
        %dma_wait3A_137 = arith.constant 0 : i32
        %dma_wait3A_138 = tpu.memref_slice %arg16[%dma_wait3A_136, %dma_wait3A_137] : memref<128x128xf32, #tpu.memory_space<vmem>> -> memref<128x128xf32, #tpu.memory_space<vmem>>
        tpu.wait_dma2 semaphore(%run_scoped3A : memref<!tpu.dma_semaphore, #tpu.memory_space<semaphore_mem>>) src(%dma_wait3A_138 : memref<128x128xf32, #tpu.memory_space<vmem>>) dst(%dma_wait3A_135 : memref<128x128xf32, #tpu.memory_space<vmem_shared>>)
        tpu.yield
      }) : () -> ()
      %add3A_117 = arith.constant 512 : i32
      %add3A_118 = arith.addi %mul3A_2, %add3A_117 : i32
      "tpu.region"() ({
        %run_scoped3A = tpu.sem_alloc : memref<!tpu.dma_semaphore, #tpu.memory_space<semaphore_mem>>
        %dma_start3A_119 = arith.constant 0 : i32
        %dma_start3A_120 = tpu.memref_slice %arg19[%dma_start3A_119] : memref<128xf32, #tpu.memory_space<vmem>> -> memref<128xf32, #tpu.memory_space<vmem>>
        %dma_start3A_121 = tpu.memref_slice %arg21[%add3A_118] : memref<10016xf32, #tpu.memory_space<vmem_shared>> -> memref<128xf32, #tpu.memory_space<vmem_shared>>
        %dma_start3A_122 = tpu.memref_slice %arg21[%add3A_118] : memref<10016xf32, #tpu.memory_space<vmem_shared>> -> memref<128xf32, #tpu.memory_space<vmem_shared>>
        %dma_start3A_123 = arith.constant 0 : i32
        %dma_start3A_124 = tpu.memref_slice %arg19[%dma_start3A_123] : memref<128xf32, #tpu.memory_space<vmem>> -> memref<128xf32, #tpu.memory_space<vmem>>
        tpu.enqueue_dma source(%dma_start3A_124 : memref<128xf32, #tpu.memory_space<vmem>>) target(%dma_start3A_122 : memref<128xf32, #tpu.memory_space<vmem_shared>>) target_semaphore(%run_scoped3A : memref<!tpu.dma_semaphore, #tpu.memory_space<semaphore_mem>>)
        %dma_wait3A_125 = arith.constant 0 : i32
        %dma_wait3A_126 = tpu.memref_slice %arg19[%dma_wait3A_125] : memref<128xf32, #tpu.memory_space<vmem>> -> memref<128xf32, #tpu.memory_space<vmem>>
        %dma_wait3A_127 = tpu.memref_slice %arg21[%add3A_118] : memref<10016xf32, #tpu.memory_space<vmem_shared>> -> memref<128xf32, #tpu.memory_space<vmem_shared>>
        %dma_wait3A_128 = tpu.memref_slice %arg21[%add3A_118] : memref<10016xf32, #tpu.memory_space<vmem_shared>> -> memref<128xf32, #tpu.memory_space<vmem_shared>>
        %dma_wait3A_129 = arith.constant 0 : i32
        %dma_wait3A_130 = tpu.memref_slice %arg19[%dma_wait3A_129] : memref<128xf32, #tpu.memory_space<vmem>> -> memref<128xf32, #tpu.memory_space<vmem>>
        tpu.wait_dma2 semaphore(%run_scoped3A : memref<!tpu.dma_semaphore, #tpu.memory_space<semaphore_mem>>) src(%dma_wait3A_130 : memref<128xf32, #tpu.memory_space<vmem>>) dst(%dma_wait3A_128 : memref<128xf32, #tpu.memory_space<vmem_shared>>)
        tpu.yield
      }) : () -> ()
    } else {
    }
    %eq3A = arith.constant 15 : i32
    %eq3A_30 = arith.cmpi eq, %arg1, %eq3A : i32
    %convert_element_type3A_31 = arith.extui %eq3A_30 : i1 to i32
    %cond3A_32 = arith.constant 0 : i32
    %cond3A_33 = arith.cmpi ne, %convert_element_type3A_31, %cond3A_32 : i32
    scf.if %cond3A_33 {
      %add3A_99 = arith.constant 0 : i32
      %add3A_100 = arith.addi %mul3A_2, %add3A_99 : i32
      "tpu.region"() ({
        %run_scoped3A = tpu.sem_alloc : memref<!tpu.dma_semaphore, #tpu.memory_space<semaphore_mem>>
        %dma_start3A_115 = arith.constant 0 : i32
        %dma_start3A_116 = arith.constant 0 : i32
        %dma_start3A_117 = tpu.memref_slice %arg16[%dma_start3A_115, %dma_start3A_116] : memref<128x128xf32, #tpu.memory_space<vmem>> -> memref<128x128xf32, #tpu.memory_space<vmem>>
        %dma_start3A_118 = arith.constant 0 : i32
        %dma_start3A_119 = tpu.memref_slice %arg20[%add3A_100, %dma_start3A_118] : memref<10016x128xf32, #tpu.memory_space<vmem_shared>> -> memref<128x128xf32, #tpu.memory_space<vmem_shared>>
        %dma_start3A_120 = arith.constant 0 : i32
        %dma_start3A_121 = tpu.memref_slice %arg20[%add3A_100, %dma_start3A_120] : memref<10016x128xf32, #tpu.memory_space<vmem_shared>> -> memref<128x128xf32, #tpu.memory_space<vmem_shared>>
        %dma_start3A_122 = arith.constant 0 : i32
        %dma_start3A_123 = arith.constant 0 : i32
        %dma_start3A_124 = tpu.memref_slice %arg16[%dma_start3A_122, %dma_start3A_123] : memref<128x128xf32, #tpu.memory_space<vmem>> -> memref<128x128xf32, #tpu.memory_space<vmem>>
        tpu.enqueue_dma source(%dma_start3A_124 : memref<128x128xf32, #tpu.memory_space<vmem>>) target(%dma_start3A_121 : memref<128x128xf32, #tpu.memory_space<vmem_shared>>) target_semaphore(%run_scoped3A : memref<!tpu.dma_semaphore, #tpu.memory_space<semaphore_mem>>)
        %dma_wait3A_125 = arith.constant 0 : i32
        %dma_wait3A_126 = arith.constant 0 : i32
        %dma_wait3A_127 = tpu.memref_slice %arg16[%dma_wait3A_125, %dma_wait3A_126] : memref<128x128xf32, #tpu.memory_space<vmem>> -> memref<128x128xf32, #tpu.memory_space<vmem>>
        %dma_wait3A_128 = arith.constant 0 : i32
        %dma_wait3A_129 = tpu.memref_slice %arg20[%add3A_100, %dma_wait3A_128] : memref<10016x128xf32, #tpu.memory_space<vmem_shared>> -> memref<128x128xf32, #tpu.memory_space<vmem_shared>>
        %dma_wait3A_130 = arith.constant 0 : i32
        %dma_wait3A_131 = tpu.memref_slice %arg20[%add3A_100, %dma_wait3A_130] : memref<10016x128xf32, #tpu.memory_space<vmem_shared>> -> memref<128x128xf32, #tpu.memory_space<vmem_shared>>
        %dma_wait3A_132 = arith.constant 0 : i32
        %dma_wait3A_133 = arith.constant 0 : i32
        %dma_wait3A_134 = tpu.memref_slice %arg16[%dma_wait3A_132, %dma_wait3A_133] : memref<128x128xf32, #tpu.memory_space<vmem>> -> memref<128x128xf32, #tpu.memory_space<vmem>>
        tpu.wait_dma2 semaphore(%run_scoped3A : memref<!tpu.dma_semaphore, #tpu.memory_space<semaphore_mem>>) src(%dma_wait3A_134 : memref<128x128xf32, #tpu.memory_space<vmem>>) dst(%dma_wait3A_131 : memref<128x128xf32, #tpu.memory_space<vmem_shared>>)
        tpu.yield
      }) : () -> ()
      %add3A_101 = arith.constant 0 : i32
      %add3A_102 = arith.addi %mul3A_2, %add3A_101 : i32
      "tpu.region"() ({
        %run_scoped3A = tpu.sem_alloc : memref<!tpu.dma_semaphore, #tpu.memory_space<semaphore_mem>>
        %dma_start3A_115 = arith.constant 0 : i32
        %dma_start3A_116 = tpu.memref_slice %arg19[%dma_start3A_115] : memref<128xf32, #tpu.memory_space<vmem>> -> memref<128xf32, #tpu.memory_space<vmem>>
        %dma_start3A_117 = tpu.memref_slice %arg21[%add3A_102] : memref<10016xf32, #tpu.memory_space<vmem_shared>> -> memref<128xf32, #tpu.memory_space<vmem_shared>>
        %dma_start3A_118 = tpu.memref_slice %arg21[%add3A_102] : memref<10016xf32, #tpu.memory_space<vmem_shared>> -> memref<128xf32, #tpu.memory_space<vmem_shared>>
        %dma_start3A_119 = arith.constant 0 : i32
        %dma_start3A_120 = tpu.memref_slice %arg19[%dma_start3A_119] : memref<128xf32, #tpu.memory_space<vmem>> -> memref<128xf32, #tpu.memory_space<vmem>>
        tpu.enqueue_dma source(%dma_start3A_120 : memref<128xf32, #tpu.memory_space<vmem>>) target(%dma_start3A_118 : memref<128xf32, #tpu.memory_space<vmem_shared>>) target_semaphore(%run_scoped3A : memref<!tpu.dma_semaphore, #tpu.memory_space<semaphore_mem>>)
        %dma_wait3A_121 = arith.constant 0 : i32
        %dma_wait3A_122 = tpu.memref_slice %arg19[%dma_wait3A_121] : memref<128xf32, #tpu.memory_space<vmem>> -> memref<128xf32, #tpu.memory_space<vmem>>
        %dma_wait3A_123 = tpu.memref_slice %arg21[%add3A_102] : memref<10016xf32, #tpu.memory_space<vmem_shared>> -> memref<128xf32, #tpu.memory_space<vmem_shared>>
        %dma_wait3A_124 = tpu.memref_slice %arg21[%add3A_102] : memref<10016xf32, #tpu.memory_space<vmem_shared>> -> memref<128xf32, #tpu.memory_space<vmem_shared>>
        %dma_wait3A_125 = arith.constant 0 : i32
        %dma_wait3A_126 = tpu.memref_slice %arg19[%dma_wait3A_125] : memref<128xf32, #tpu.memory_space<vmem>> -> memref<128xf32, #tpu.memory_space<vmem>>
        tpu.wait_dma2 semaphore(%run_scoped3A : memref<!tpu.dma_semaphore, #tpu.memory_space<semaphore_mem>>) src(%dma_wait3A_126 : memref<128xf32, #tpu.memory_space<vmem>>) dst(%dma_wait3A_124 : memref<128xf32, #tpu.memory_space<vmem_shared>>)
        tpu.yield
      }) : () -> ()
      %add3A_103 = arith.constant 128 : i32
      %add3A_104 = arith.addi %mul3A_2, %add3A_103 : i32
      "tpu.region"() ({
        %run_scoped3A = tpu.sem_alloc : memref<!tpu.dma_semaphore, #tpu.memory_space<semaphore_mem>>
        %dma_start3A_115 = arith.constant 0 : i32
        %dma_start3A_116 = arith.constant 0 : i32
        %dma_start3A_117 = tpu.memref_slice %arg16[%dma_start3A_115, %dma_start3A_116] : memref<128x128xf32, #tpu.memory_space<vmem>> -> memref<128x128xf32, #tpu.memory_space<vmem>>
        %dma_start3A_118 = arith.constant 0 : i32
        %dma_start3A_119 = tpu.memref_slice %arg20[%add3A_104, %dma_start3A_118] : memref<10016x128xf32, #tpu.memory_space<vmem_shared>> -> memref<128x128xf32, #tpu.memory_space<vmem_shared>>
        %dma_start3A_120 = arith.constant 0 : i32
        %dma_start3A_121 = tpu.memref_slice %arg20[%add3A_104, %dma_start3A_120] : memref<10016x128xf32, #tpu.memory_space<vmem_shared>> -> memref<128x128xf32, #tpu.memory_space<vmem_shared>>
        %dma_start3A_122 = arith.constant 0 : i32
        %dma_start3A_123 = arith.constant 0 : i32
        %dma_start3A_124 = tpu.memref_slice %arg16[%dma_start3A_122, %dma_start3A_123] : memref<128x128xf32, #tpu.memory_space<vmem>> -> memref<128x128xf32, #tpu.memory_space<vmem>>
        tpu.enqueue_dma source(%dma_start3A_124 : memref<128x128xf32, #tpu.memory_space<vmem>>) target(%dma_start3A_121 : memref<128x128xf32, #tpu.memory_space<vmem_shared>>) target_semaphore(%run_scoped3A : memref<!tpu.dma_semaphore, #tpu.memory_space<semaphore_mem>>)
        %dma_wait3A_125 = arith.constant 0 : i32
        %dma_wait3A_126 = arith.constant 0 : i32
        %dma_wait3A_127 = tpu.memref_slice %arg16[%dma_wait3A_125, %dma_wait3A_126] : memref<128x128xf32, #tpu.memory_space<vmem>> -> memref<128x128xf32, #tpu.memory_space<vmem>>
        %dma_wait3A_128 = arith.constant 0 : i32
        %dma_wait3A_129 = tpu.memref_slice %arg20[%add3A_104, %dma_wait3A_128] : memref<10016x128xf32, #tpu.memory_space<vmem_shared>> -> memref<128x128xf32, #tpu.memory_space<vmem_shared>>
        %dma_wait3A_130 = arith.constant 0 : i32
        %dma_wait3A_131 = tpu.memref_slice %arg20[%add3A_104, %dma_wait3A_130] : memref<10016x128xf32, #tpu.memory_space<vmem_shared>> -> memref<128x128xf32, #tpu.memory_space<vmem_shared>>
        %dma_wait3A_132 = arith.constant 0 : i32
        %dma_wait3A_133 = arith.constant 0 : i32
        %dma_wait3A_134 = tpu.memref_slice %arg16[%dma_wait3A_132, %dma_wait3A_133] : memref<128x128xf32, #tpu.memory_space<vmem>> -> memref<128x128xf32, #tpu.memory_space<vmem>>
        tpu.wait_dma2 semaphore(%run_scoped3A : memref<!tpu.dma_semaphore, #tpu.memory_space<semaphore_mem>>) src(%dma_wait3A_134 : memref<128x128xf32, #tpu.memory_space<vmem>>) dst(%dma_wait3A_131 : memref<128x128xf32, #tpu.memory_space<vmem_shared>>)
        tpu.yield
      }) : () -> ()
      %add3A_105 = arith.constant 128 : i32
      %add3A_106 = arith.addi %mul3A_2, %add3A_105 : i32
      "tpu.region"() ({
        %run_scoped3A = tpu.sem_alloc : memref<!tpu.dma_semaphore, #tpu.memory_space<semaphore_mem>>
        %dma_start3A_115 = arith.constant 0 : i32
        %dma_start3A_116 = tpu.memref_slice %arg19[%dma_start3A_115] : memref<128xf32, #tpu.memory_space<vmem>> -> memref<128xf32, #tpu.memory_space<vmem>>
        %dma_start3A_117 = tpu.memref_slice %arg21[%add3A_106] : memref<10016xf32, #tpu.memory_space<vmem_shared>> -> memref<128xf32, #tpu.memory_space<vmem_shared>>
        %dma_start3A_118 = tpu.memref_slice %arg21[%add3A_106] : memref<10016xf32, #tpu.memory_space<vmem_shared>> -> memref<128xf32, #tpu.memory_space<vmem_shared>>
        %dma_start3A_119 = arith.constant 0 : i32
        %dma_start3A_120 = tpu.memref_slice %arg19[%dma_start3A_119] : memref<128xf32, #tpu.memory_space<vmem>> -> memref<128xf32, #tpu.memory_space<vmem>>
        tpu.enqueue_dma source(%dma_start3A_120 : memref<128xf32, #tpu.memory_space<vmem>>) target(%dma_start3A_118 : memref<128xf32, #tpu.memory_space<vmem_shared>>) target_semaphore(%run_scoped3A : memref<!tpu.dma_semaphore, #tpu.memory_space<semaphore_mem>>)
        %dma_wait3A_121 = arith.constant 0 : i32
        %dma_wait3A_122 = tpu.memref_slice %arg19[%dma_wait3A_121] : memref<128xf32, #tpu.memory_space<vmem>> -> memref<128xf32, #tpu.memory_space<vmem>>
        %dma_wait3A_123 = tpu.memref_slice %arg21[%add3A_106] : memref<10016xf32, #tpu.memory_space<vmem_shared>> -> memref<128xf32, #tpu.memory_space<vmem_shared>>
        %dma_wait3A_124 = tpu.memref_slice %arg21[%add3A_106] : memref<10016xf32, #tpu.memory_space<vmem_shared>> -> memref<128xf32, #tpu.memory_space<vmem_shared>>
        %dma_wait3A_125 = arith.constant 0 : i32
        %dma_wait3A_126 = tpu.memref_slice %arg19[%dma_wait3A_125] : memref<128xf32, #tpu.memory_space<vmem>> -> memref<128xf32, #tpu.memory_space<vmem>>
        tpu.wait_dma2 semaphore(%run_scoped3A : memref<!tpu.dma_semaphore, #tpu.memory_space<semaphore_mem>>) src(%dma_wait3A_126 : memref<128xf32, #tpu.memory_space<vmem>>) dst(%dma_wait3A_124 : memref<128xf32, #tpu.memory_space<vmem_shared>>)
        tpu.yield
      }) : () -> ()
      %add3A_107 = arith.constant 256 : i32
      %add3A_108 = arith.addi %mul3A_2, %add3A_107 : i32
      "tpu.region"() ({
        %run_scoped3A = tpu.sem_alloc : memref<!tpu.dma_semaphore, #tpu.memory_space<semaphore_mem>>
        %dma_start3A_115 = arith.constant 0 : i32
        %dma_start3A_116 = arith.constant 0 : i32
        %dma_start3A_117 = tpu.memref_slice %arg16[%dma_start3A_115, %dma_start3A_116] : memref<128x128xf32, #tpu.memory_space<vmem>> -> memref<128x128xf32, #tpu.memory_space<vmem>>
        %dma_start3A_118 = arith.constant 0 : i32
        %dma_start3A_119 = tpu.memref_slice %arg20[%add3A_108, %dma_start3A_118] : memref<10016x128xf32, #tpu.memory_space<vmem_shared>> -> memref<128x128xf32, #tpu.memory_space<vmem_shared>>
        %dma_start3A_120 = arith.constant 0 : i32
        %dma_start3A_121 = tpu.memref_slice %arg20[%add3A_108, %dma_start3A_120] : memref<10016x128xf32, #tpu.memory_space<vmem_shared>> -> memref<128x128xf32, #tpu.memory_space<vmem_shared>>
        %dma_start3A_122 = arith.constant 0 : i32
        %dma_start3A_123 = arith.constant 0 : i32
        %dma_start3A_124 = tpu.memref_slice %arg16[%dma_start3A_122, %dma_start3A_123] : memref<128x128xf32, #tpu.memory_space<vmem>> -> memref<128x128xf32, #tpu.memory_space<vmem>>
        tpu.enqueue_dma source(%dma_start3A_124 : memref<128x128xf32, #tpu.memory_space<vmem>>) target(%dma_start3A_121 : memref<128x128xf32, #tpu.memory_space<vmem_shared>>) target_semaphore(%run_scoped3A : memref<!tpu.dma_semaphore, #tpu.memory_space<semaphore_mem>>)
        %dma_wait3A_125 = arith.constant 0 : i32
        %dma_wait3A_126 = arith.constant 0 : i32
        %dma_wait3A_127 = tpu.memref_slice %arg16[%dma_wait3A_125, %dma_wait3A_126] : memref<128x128xf32, #tpu.memory_space<vmem>> -> memref<128x128xf32, #tpu.memory_space<vmem>>
        %dma_wait3A_128 = arith.constant 0 : i32
        %dma_wait3A_129 = tpu.memref_slice %arg20[%add3A_108, %dma_wait3A_128] : memref<10016x128xf32, #tpu.memory_space<vmem_shared>> -> memref<128x128xf32, #tpu.memory_space<vmem_shared>>
        %dma_wait3A_130 = arith.constant 0 : i32
        %dma_wait3A_131 = tpu.memref_slice %arg20[%add3A_108, %dma_wait3A_130] : memref<10016x128xf32, #tpu.memory_space<vmem_shared>> -> memref<128x128xf32, #tpu.memory_space<vmem_shared>>
        %dma_wait3A_132 = arith.constant 0 : i32
        %dma_wait3A_133 = arith.constant 0 : i32
        %dma_wait3A_134 = tpu.memref_slice %arg16[%dma_wait3A_132, %dma_wait3A_133] : memref<128x128xf32, #tpu.memory_space<vmem>> -> memref<128x128xf32, #tpu.memory_space<vmem>>
        tpu.wait_dma2 semaphore(%run_scoped3A : memref<!tpu.dma_semaphore, #tpu.memory_space<semaphore_mem>>) src(%dma_wait3A_134 : memref<128x128xf32, #tpu.memory_space<vmem>>) dst(%dma_wait3A_131 : memref<128x128xf32, #tpu.memory_space<vmem_shared>>)
        tpu.yield
      }) : () -> ()
      %add3A_109 = arith.constant 256 : i32
      %add3A_110 = arith.addi %mul3A_2, %add3A_109 : i32
      "tpu.region"() ({
        %run_scoped3A = tpu.sem_alloc : memref<!tpu.dma_semaphore, #tpu.memory_space<semaphore_mem>>
        %dma_start3A_115 = arith.constant 0 : i32
        %dma_start3A_116 = tpu.memref_slice %arg19[%dma_start3A_115] : memref<128xf32, #tpu.memory_space<vmem>> -> memref<128xf32, #tpu.memory_space<vmem>>
        %dma_start3A_117 = tpu.memref_slice %arg21[%add3A_110] : memref<10016xf32, #tpu.memory_space<vmem_shared>> -> memref<128xf32, #tpu.memory_space<vmem_shared>>
        %dma_start3A_118 = tpu.memref_slice %arg21[%add3A_110] : memref<10016xf32, #tpu.memory_space<vmem_shared>> -> memref<128xf32, #tpu.memory_space<vmem_shared>>
        %dma_start3A_119 = arith.constant 0 : i32
        %dma_start3A_120 = tpu.memref_slice %arg19[%dma_start3A_119] : memref<128xf32, #tpu.memory_space<vmem>> -> memref<128xf32, #tpu.memory_space<vmem>>
        tpu.enqueue_dma source(%dma_start3A_120 : memref<128xf32, #tpu.memory_space<vmem>>) target(%dma_start3A_118 : memref<128xf32, #tpu.memory_space<vmem_shared>>) target_semaphore(%run_scoped3A : memref<!tpu.dma_semaphore, #tpu.memory_space<semaphore_mem>>)
        %dma_wait3A_121 = arith.constant 0 : i32
        %dma_wait3A_122 = tpu.memref_slice %arg19[%dma_wait3A_121] : memref<128xf32, #tpu.memory_space<vmem>> -> memref<128xf32, #tpu.memory_space<vmem>>
        %dma_wait3A_123 = tpu.memref_slice %arg21[%add3A_110] : memref<10016xf32, #tpu.memory_space<vmem_shared>> -> memref<128xf32, #tpu.memory_space<vmem_shared>>
        %dma_wait3A_124 = tpu.memref_slice %arg21[%add3A_110] : memref<10016xf32, #tpu.memory_space<vmem_shared>> -> memref<128xf32, #tpu.memory_space<vmem_shared>>
        %dma_wait3A_125 = arith.constant 0 : i32
        %dma_wait3A_126 = tpu.memref_slice %arg19[%dma_wait3A_125] : memref<128xf32, #tpu.memory_space<vmem>> -> memref<128xf32, #tpu.memory_space<vmem>>
        tpu.wait_dma2 semaphore(%run_scoped3A : memref<!tpu.dma_semaphore, #tpu.memory_space<semaphore_mem>>) src(%dma_wait3A_126 : memref<128xf32, #tpu.memory_space<vmem>>) dst(%dma_wait3A_124 : memref<128xf32, #tpu.memory_space<vmem_shared>>)
        tpu.yield
      }) : () -> ()
      %add3A_111 = arith.constant 384 : i32
      %add3A_112 = arith.addi %mul3A_2, %add3A_111 : i32
      "tpu.region"() ({
        %run_scoped3A = tpu.sem_alloc : memref<!tpu.dma_semaphore, #tpu.memory_space<semaphore_mem>>
        %dma_start3A_115 = arith.constant 0 : i32
        %dma_start3A_116 = arith.constant 0 : i32
        %dma_start3A_117 = tpu.memref_slice %arg16[%dma_start3A_115, %dma_start3A_116] : memref<128x128xf32, #tpu.memory_space<vmem>> -> memref<32x128xf32, #tpu.memory_space<vmem>>
        %dma_start3A_118 = arith.constant 0 : i32
        %dma_start3A_119 = tpu.memref_slice %arg20[%add3A_112, %dma_start3A_118] : memref<10016x128xf32, #tpu.memory_space<vmem_shared>> -> memref<32x128xf32, #tpu.memory_space<vmem_shared>>
        %dma_start3A_120 = arith.constant 0 : i32
        %dma_start3A_121 = tpu.memref_slice %arg20[%add3A_112, %dma_start3A_120] : memref<10016x128xf32, #tpu.memory_space<vmem_shared>> -> memref<32x128xf32, #tpu.memory_space<vmem_shared>>
        %dma_start3A_122 = arith.constant 0 : i32
        %dma_start3A_123 = arith.constant 0 : i32
        %dma_start3A_124 = tpu.memref_slice %arg16[%dma_start3A_122, %dma_start3A_123] : memref<128x128xf32, #tpu.memory_space<vmem>> -> memref<32x128xf32, #tpu.memory_space<vmem>>
        tpu.enqueue_dma source(%dma_start3A_124 : memref<32x128xf32, #tpu.memory_space<vmem>>) target(%dma_start3A_121 : memref<32x128xf32, #tpu.memory_space<vmem_shared>>) target_semaphore(%run_scoped3A : memref<!tpu.dma_semaphore, #tpu.memory_space<semaphore_mem>>)
        %dma_wait3A_125 = arith.constant 0 : i32
        %dma_wait3A_126 = arith.constant 0 : i32
        %dma_wait3A_127 = tpu.memref_slice %arg16[%dma_wait3A_125, %dma_wait3A_126] : memref<128x128xf32, #tpu.memory_space<vmem>> -> memref<32x128xf32, #tpu.memory_space<vmem>>
        %dma_wait3A_128 = arith.constant 0 : i32
        %dma_wait3A_129 = tpu.memref_slice %arg20[%add3A_112, %dma_wait3A_128] : memref<10016x128xf32, #tpu.memory_space<vmem_shared>> -> memref<32x128xf32, #tpu.memory_space<vmem_shared>>
        %dma_wait3A_130 = arith.constant 0 : i32
        %dma_wait3A_131 = tpu.memref_slice %arg20[%add3A_112, %dma_wait3A_130] : memref<10016x128xf32, #tpu.memory_space<vmem_shared>> -> memref<32x128xf32, #tpu.memory_space<vmem_shared>>
        %dma_wait3A_132 = arith.constant 0 : i32
        %dma_wait3A_133 = arith.constant 0 : i32
        %dma_wait3A_134 = tpu.memref_slice %arg16[%dma_wait3A_132, %dma_wait3A_133] : memref<128x128xf32, #tpu.memory_space<vmem>> -> memref<32x128xf32, #tpu.memory_space<vmem>>
        tpu.wait_dma2 semaphore(%run_scoped3A : memref<!tpu.dma_semaphore, #tpu.memory_space<semaphore_mem>>) src(%dma_wait3A_134 : memref<32x128xf32, #tpu.memory_space<vmem>>) dst(%dma_wait3A_131 : memref<32x128xf32, #tpu.memory_space<vmem_shared>>)
        tpu.yield
      }) : () -> ()
      %add3A_113 = arith.constant 384 : i32
      %add3A_114 = arith.addi %mul3A_2, %add3A_113 : i32
      "tpu.region"() ({
        %run_scoped3A = tpu.sem_alloc : memref<!tpu.dma_semaphore, #tpu.memory_space<semaphore_mem>>
        %dma_start3A_115 = arith.constant 0 : i32
        %dma_start3A_116 = tpu.memref_slice %arg19[%dma_start3A_115] : memref<128xf32, #tpu.memory_space<vmem>> -> memref<32xf32, #tpu.memory_space<vmem>>
        %dma_start3A_117 = tpu.memref_slice %arg21[%add3A_114] : memref<10016xf32, #tpu.memory_space<vmem_shared>> -> memref<32xf32, #tpu.memory_space<vmem_shared>>
        %dma_start3A_118 = tpu.memref_slice %arg21[%add3A_114] : memref<10016xf32, #tpu.memory_space<vmem_shared>> -> memref<32xf32, #tpu.memory_space<vmem_shared>>
        %dma_start3A_119 = arith.constant 0 : i32
        %dma_start3A_120 = tpu.memref_slice %arg19[%dma_start3A_119] : memref<128xf32, #tpu.memory_space<vmem>> -> memref<32xf32, #tpu.memory_space<vmem>>
        tpu.enqueue_dma source(%dma_start3A_120 : memref<32xf32, #tpu.memory_space<vmem>>) target(%dma_start3A_118 : memref<32xf32, #tpu.memory_space<vmem_shared>>) target_semaphore(%run_scoped3A : memref<!tpu.dma_semaphore, #tpu.memory_space<semaphore_mem>>)
        %dma_wait3A_121 = arith.constant 0 : i32
        %dma_wait3A_122 = tpu.memref_slice %arg19[%dma_wait3A_121] : memref<128xf32, #tpu.memory_space<vmem>> -> memref<32xf32, #tpu.memory_space<vmem>>
        %dma_wait3A_123 = tpu.memref_slice %arg21[%add3A_114] : memref<10016xf32, #tpu.memory_space<vmem_shared>> -> memref<32xf32, #tpu.memory_space<vmem_shared>>
        %dma_wait3A_124 = tpu.memref_slice %arg21[%add3A_114] : memref<10016xf32, #tpu.memory_space<vmem_shared>> -> memref<32xf32, #tpu.memory_space<vmem_shared>>
        %dma_wait3A_125 = arith.constant 0 : i32
        %dma_wait3A_126 = tpu.memref_slice %arg19[%dma_wait3A_125] : memref<128xf32, #tpu.memory_space<vmem>> -> memref<32xf32, #tpu.memory_space<vmem>>
        tpu.wait_dma2 semaphore(%run_scoped3A : memref<!tpu.dma_semaphore, #tpu.memory_space<semaphore_mem>>) src(%dma_wait3A_126 : memref<32xf32, #tpu.memory_space<vmem>>) dst(%dma_wait3A_124 : memref<32xf32, #tpu.memory_space<vmem_shared>>)
        tpu.yield
      }) : () -> ()
    } else {
    }
    "tpu.region"() ({
      %run_scoped3A = tpu.sem_alloc : memref<!tpu.dma_semaphore, #tpu.memory_space<semaphore_mem>>
      %dma_start3A_99 = arith.constant 0 : i32
      %dma_start3A_100 = tpu.memref_slice %arg7[%dma_start3A_99] : memref<128xf32, #tpu.memory_space<hbm>> -> memref<128xf32, #tpu.memory_space<hbm>>
      %dma_start3A_101 = arith.constant 0 : i32
      %dma_start3A_102 = tpu.memref_slice %arg7[%dma_start3A_101] : memref<128xf32, #tpu.memory_space<hbm>> -> memref<128xf32, #tpu.memory_space<hbm>>
      tpu.enqueue_dma source(%dma_start3A_102 : memref<128xf32, #tpu.memory_space<hbm>>) target(%arg19 : memref<128xf32, #tpu.memory_space<vmem>>) target_semaphore(%run_scoped3A : memref<!tpu.dma_semaphore, #tpu.memory_space<semaphore_mem>>)
      %dma_wait3A_103 = arith.constant 0 : i32
      %dma_wait3A_104 = tpu.memref_slice %arg7[%dma_wait3A_103] : memref<128xf32, #tpu.memory_space<hbm>> -> memref<128xf32, #tpu.memory_space<hbm>>
      %dma_wait3A_105 = arith.constant 0 : i32
      %dma_wait3A_106 = tpu.memref_slice %arg7[%dma_wait3A_105] : memref<128xf32, #tpu.memory_space<hbm>> -> memref<128xf32, #tpu.memory_space<hbm>>
      tpu.wait_dma2 semaphore(%run_scoped3A : memref<!tpu.dma_semaphore, #tpu.memory_space<semaphore_mem>>) src(%dma_wait3A_106 : memref<128xf32, #tpu.memory_space<hbm>>) dst(%arg19 : memref<128xf32, #tpu.memory_space<vmem>>)
      tpu.yield
    }) : () -> ()
    %barrier3A = arith.constant 0 : index
    tpu.barrier barrier_id(%barrier3A)
    %dma_wait3A = arith.constant 0 : i32
    %dma_wait3A_34 = tpu.memref_slice %arg2[%dma_wait3A] : memref<328192xi32, #tpu.memory_space<hbm>> -> memref<128xi32, #tpu.memory_space<hbm>>
    %dma_wait3A_35 = arith.constant 0 : i32
    %dma_wait3A_36 = tpu.memref_slice %arg2[%dma_wait3A_35] : memref<328192xi32, #tpu.memory_space<hbm>> -> memref<128xi32, #tpu.memory_space<hbm>>
    tpu.wait_dma2 semaphore(%arg22 : memref<!tpu.dma_semaphore, #tpu.memory_space<semaphore_mem>>) src(%dma_wait3A_36 : memref<128xi32, #tpu.memory_space<hbm>>) dst(%arg10 : memref<128xi32, #tpu.memory_space<vmem>>)
    %dma_wait3A_37 = arith.constant 0 : i32
    %dma_wait3A_38 = tpu.memref_slice %arg3[%dma_wait3A_37] : memref<328192xi32, #tpu.memory_space<hbm>> -> memref<128xi32, #tpu.memory_space<hbm>>
    %dma_wait3A_39 = arith.constant 0 : i32
    %dma_wait3A_40 = tpu.memref_slice %arg3[%dma_wait3A_39] : memref<328192xi32, #tpu.memory_space<hbm>> -> memref<128xi32, #tpu.memory_space<hbm>>
    tpu.wait_dma2 semaphore(%arg22 : memref<!tpu.dma_semaphore, #tpu.memory_space<semaphore_mem>>) src(%dma_wait3A_40 : memref<128xi32, #tpu.memory_space<hbm>>) dst(%arg11 : memref<128xi32, #tpu.memory_space<vmem>>)
    %dma_start3A_41 = arith.constant 0 : i32
    %dma_start3A_42 = arith.constant 0 : i32
    %dma_start3A_43 = tpu.memref_slice %arg4[%dma_start3A_41, %dma_start3A_42] : memref<10000x128xf32, #tpu.memory_space<hbm>> -> memref<10000x128xf32, #tpu.memory_space<hbm>>
    tpu.enqueue_indirect_dma source(%dma_start3A_43 : memref<10000x128xf32, #tpu.memory_space<hbm>>) target(%arg16 : memref<128x128xf32, #tpu.memory_space<vmem>>) offsets(%arg10 : memref<128xi32, #tpu.memory_space<vmem>>) semaphore(%arg25 : memref<!tpu.dma_semaphore, #tpu.memory_space<semaphore_mem>>)
    %dma_wait3A_44 = arith.constant 0 : i32
    %dma_wait3A_45 = tpu.memref_slice %arg2[%dma_wait3A_44] : memref<328192xi32, #tpu.memory_space<hbm>> -> memref<128xi32, #tpu.memory_space<hbm>>
    %dma_wait3A_46 = arith.constant 0 : i32
    %dma_wait3A_47 = tpu.memref_slice %arg2[%dma_wait3A_46] : memref<328192xi32, #tpu.memory_space<hbm>> -> memref<128xi32, #tpu.memory_space<hbm>>
    tpu.wait_dma2 semaphore(%arg23 : memref<!tpu.dma_semaphore, #tpu.memory_space<semaphore_mem>>) src(%dma_wait3A_47 : memref<128xi32, #tpu.memory_space<hbm>>) dst(%arg12 : memref<128xi32, #tpu.memory_space<vmem>>)
    %dma_wait3A_48 = arith.constant 0 : i32
    %dma_wait3A_49 = tpu.memref_slice %arg3[%dma_wait3A_48] : memref<328192xi32, #tpu.memory_space<hbm>> -> memref<128xi32, #tpu.memory_space<hbm>>
    %dma_wait3A_50 = arith.constant 0 : i32
    %dma_wait3A_51 = tpu.memref_slice %arg3[%dma_wait3A_50] : memref<328192xi32, #tpu.memory_space<hbm>> -> memref<128xi32, #tpu.memory_space<hbm>>
    tpu.wait_dma2 semaphore(%arg23 : memref<!tpu.dma_semaphore, #tpu.memory_space<semaphore_mem>>) src(%dma_wait3A_51 : memref<128xi32, #tpu.memory_space<hbm>>) dst(%arg13 : memref<128xi32, #tpu.memory_space<vmem>>)
    %dma_start3A_52 = arith.constant 0 : i32
    %dma_start3A_53 = arith.constant 0 : i32
    %dma_start3A_54 = tpu.memref_slice %arg4[%dma_start3A_52, %dma_start3A_53] : memref<10000x128xf32, #tpu.memory_space<hbm>> -> memref<10000x128xf32, #tpu.memory_space<hbm>>
    tpu.enqueue_indirect_dma source(%dma_start3A_54 : memref<10000x128xf32, #tpu.memory_space<hbm>>) target(%arg17 : memref<128x128xf32, #tpu.memory_space<vmem>>) offsets(%arg12 : memref<128xi32, #tpu.memory_space<vmem>>) semaphore(%arg26 : memref<!tpu.dma_semaphore, #tpu.memory_space<semaphore_mem>>)
    %scan3A = arith.constant 0 : i32
    %scan3A_55 = arith.constant 0 : i32
    %scan3A_56 = arith.constant 26 : i32
    %scan3A_57 = arith.addi %scan3A_55, %scan3A_56 : i32
    %scan3A_58 = arith.constant 1 : i32
    scf.for %scan3A_99 = %scan3A_55 to %scan3A_57 step %scan3A_58  : i32 {
      %mul3A_100 = arith.constant 3 : i32
      %mul3A_101 = arith.muli %mul3A_100, %scan3A_99 : i32
      %dma_wait3A_102 = arith.constant 0 : i32
      %dma_wait3A_103 = arith.constant 0 : i32
      %dma_wait3A_104 = tpu.memref_slice %arg4[%dma_wait3A_102, %dma_wait3A_103] : memref<10000x128xf32, #tpu.memory_space<hbm>> -> memref<10000x128xf32, #tpu.memory_space<hbm>>
      tpu.wait_indirect_dma semaphore(%arg25 : memref<!tpu.dma_semaphore, #tpu.memory_space<semaphore_mem>>) src(%dma_wait3A_104 : memref<10000x128xf32, #tpu.memory_space<hbm>>) dst(%arg16 : memref<128x128xf32, #tpu.memory_space<vmem>>)
      %dma_wait3A_105 = arith.constant 0 : i32
      %dma_wait3A_106 = tpu.memref_slice %arg2[%dma_wait3A_105] : memref<328192xi32, #tpu.memory_space<hbm>> -> memref<128xi32, #tpu.memory_space<hbm>>
      %dma_wait3A_107 = arith.constant 0 : i32
      %dma_wait3A_108 = tpu.memref_slice %arg2[%dma_wait3A_107] : memref<328192xi32, #tpu.memory_space<hbm>> -> memref<128xi32, #tpu.memory_space<hbm>>
      tpu.wait_dma2 semaphore(%arg24 : memref<!tpu.dma_semaphore, #tpu.memory_space<semaphore_mem>>) src(%dma_wait3A_108 : memref<128xi32, #tpu.memory_space<hbm>>) dst(%arg14 : memref<128xi32, #tpu.memory_space<vmem>>)
      %dma_wait3A_109 = arith.constant 0 : i32
      %dma_wait3A_110 = tpu.memref_slice %arg3[%dma_wait3A_109] : memref<328192xi32, #tpu.memory_space<hbm>> -> memref<128xi32, #tpu.memory_space<hbm>>
      %dma_wait3A_111 = arith.constant 0 : i32
      %dma_wait3A_112 = tpu.memref_slice %arg3[%dma_wait3A_111] : memref<328192xi32, #tpu.memory_space<hbm>> -> memref<128xi32, #tpu.memory_space<hbm>>
      tpu.wait_dma2 semaphore(%arg24 : memref<!tpu.dma_semaphore, #tpu.memory_space<semaphore_mem>>) src(%dma_wait3A_112 : memref<128xi32, #tpu.memory_space<hbm>>) dst(%arg15 : memref<128xi32, #tpu.memory_space<vmem>>)
      %dma_start3A_113 = arith.constant 0 : i32
      %dma_start3A_114 = arith.constant 0 : i32
      %dma_start3A_115 = tpu.memref_slice %arg4[%dma_start3A_113, %dma_start3A_114] : memref<10000x128xf32, #tpu.memory_space<hbm>> -> memref<10000x128xf32, #tpu.memory_space<hbm>>
      tpu.enqueue_indirect_dma source(%dma_start3A_115 : memref<10000x128xf32, #tpu.memory_space<hbm>>) target(%arg18 : memref<128x128xf32, #tpu.memory_space<vmem>>) offsets(%arg14 : memref<128xi32, #tpu.memory_space<vmem>>) semaphore(%arg27 : memref<!tpu.dma_semaphore, #tpu.memory_space<semaphore_mem>>)
      %add3A_116 = arith.constant 0 : i32
      %add3A_117 = arith.addi %mul3A_101, %add3A_116 : i32
      %add3A_118 = arith.addi %mul3A_4, %add3A_117 : i32
      %lt3A_119 = arith.constant 2500 : i32
      %lt3A_120 = arith.cmpi slt, %add3A_118, %lt3A_119 : i32
      %convert_element_type3A_121 = arith.extui %lt3A_120 : i1 to i32
      %cond3A_122 = arith.constant 0 : i32
      %cond3A_123 = arith.cmpi ne, %convert_element_type3A_121, %cond3A_122 : i32
      scf.if %cond3A_123 {
        "tpu.region"() ({
          %run_scoped3A = tpu.sem_alloc : memref<!tpu.dma_semaphore, #tpu.memory_space<semaphore_mem>>
          %dma_start3A_201 = arith.constant 0 : i32
          %dma_start3A_202 = arith.constant 0 : i32
          %dma_start3A_203 = tpu.memref_slice %arg20[%dma_start3A_201, %dma_start3A_202] : memref<10016x128xf32, #tpu.memory_space<vmem_shared>> -> memref<10016x128xf32, #tpu.memory_space<vmem_shared>>
          tpu.enqueue_indirect_dma source(%arg16 : memref<128x128xf32, #tpu.memory_space<vmem>>) target(%dma_start3A_203 : memref<10016x128xf32, #tpu.memory_space<vmem_shared>>) offsets(%arg11 : memref<128xi32, #tpu.memory_space<vmem>>) semaphore(%run_scoped3A : memref<!tpu.dma_semaphore, #tpu.memory_space<semaphore_mem>>) {add = true}
          %dma_wait3A_204 = arith.constant 0 : i32
          %dma_wait3A_205 = arith.constant 0 : i32
          %dma_wait3A_206 = tpu.memref_slice %arg20[%dma_wait3A_204, %dma_wait3A_205] : memref<10016x128xf32, #tpu.memory_space<vmem_shared>> -> memref<10016x128xf32, #tpu.memory_space<vmem_shared>>
          tpu.wait_indirect_dma semaphore(%run_scoped3A : memref<!tpu.dma_semaphore, #tpu.memory_space<semaphore_mem>>) src(%arg16 : memref<128x128xf32, #tpu.memory_space<vmem>>) dst(%dma_wait3A_206 : memref<10016x128xf32, #tpu.memory_space<vmem_shared>>)
          tpu.yield
        }) : () -> ()
        "tpu.region"() ({
          %run_scoped3A = tpu.sem_alloc : memref<!tpu.dma_semaphore, #tpu.memory_space<semaphore_mem>>
          %dma_start3A_201 = arith.constant 0 : i32
          %dma_start3A_202 = tpu.memref_slice %arg19[%dma_start3A_201] : memref<128xf32, #tpu.memory_space<vmem>> -> memref<128xf32, #tpu.memory_space<vmem>>
          %dma_start3A_203 = arith.constant 0 : i32
          %dma_start3A_204 = tpu.memref_slice %arg21[%dma_start3A_203] : memref<10016xf32, #tpu.memory_space<vmem_shared>> -> memref<10016xf32, #tpu.memory_space<vmem_shared>>
          tpu.enqueue_indirect_dma source(%dma_start3A_202 : memref<128xf32, #tpu.memory_space<vmem>>) target(%dma_start3A_204 : memref<10016xf32, #tpu.memory_space<vmem_shared>>) offsets(%arg11 : memref<128xi32, #tpu.memory_space<vmem>>) semaphore(%run_scoped3A : memref<!tpu.dma_semaphore, #tpu.memory_space<semaphore_mem>>) {add = true}
          %dma_wait3A_205 = arith.constant 0 : i32
          %dma_wait3A_206 = tpu.memref_slice %arg19[%dma_wait3A_205] : memref<128xf32, #tpu.memory_space<vmem>> -> memref<128xf32, #tpu.memory_space<vmem>>
          %dma_wait3A_207 = arith.constant 0 : i32
          %dma_wait3A_208 = tpu.memref_slice %arg21[%dma_wait3A_207] : memref<10016xf32, #tpu.memory_space<vmem_shared>> -> memref<10016xf32, #tpu.memory_space<vmem_shared>>
          tpu.wait_indirect_dma semaphore(%run_scoped3A : memref<!tpu.dma_semaphore, #tpu.memory_space<semaphore_mem>>) src(%dma_wait3A_206 : memref<128xf32, #tpu.memory_space<vmem>>) dst(%dma_wait3A_208 : memref<10016xf32, #tpu.memory_space<vmem_shared>>)
          tpu.yield
        }) : () -> ()
      } else {
      }
      %add3A_124 = arith.constant 0 : i32
      %add3A_125 = arith.addi %mul3A_101, %add3A_124 : i32
      %add3A_126 = arith.constant 3 : i32
      %add3A_127 = arith.addi %add3A_125, %add3A_126 : i32
      %add3A_128 = arith.addi %mul3A_4, %add3A_127 : i32
      %mul3A_129 = arith.constant 128 : i32
      %mul3A_130 = arith.muli %add3A_128, %mul3A_129 : i32
      %dma_start3A_131 = tpu.memref_slice %arg2[%mul3A_130] : memref<328192xi32, #tpu.memory_space<hbm>> -> memref<128xi32, #tpu.memory_space<hbm>>
      %dma_start3A_132 = tpu.memref_slice %arg2[%mul3A_130] : memref<328192xi32, #tpu.memory_space<hbm>> -> memref<128xi32, #tpu.memory_space<hbm>>
      tpu.enqueue_dma source(%dma_start3A_132 : memref<128xi32, #tpu.memory_space<hbm>>) target(%arg10 : memref<128xi32, #tpu.memory_space<vmem>>) target_semaphore(%arg22 : memref<!tpu.dma_semaphore, #tpu.memory_space<semaphore_mem>>)
      %dma_start3A_133 = tpu.memref_slice %arg3[%mul3A_130] : memref<328192xi32, #tpu.memory_space<hbm>> -> memref<128xi32, #tpu.memory_space<hbm>>
      %dma_start3A_134 = tpu.memref_slice %arg3[%mul3A_130] : memref<328192xi32, #tpu.memory_space<hbm>> -> memref<128xi32, #tpu.memory_space<hbm>>
      tpu.enqueue_dma source(%dma_start3A_134 : memref<128xi32, #tpu.memory_space<hbm>>) target(%arg11 : memref<128xi32, #tpu.memory_space<vmem>>) target_semaphore(%arg22 : memref<!tpu.dma_semaphore, #tpu.memory_space<semaphore_mem>>)
      %dma_wait3A_135 = arith.constant 0 : i32
      %dma_wait3A_136 = arith.constant 0 : i32
      %dma_wait3A_137 = tpu.memref_slice %arg4[%dma_wait3A_135, %dma_wait3A_136] : memref<10000x128xf32, #tpu.memory_space<hbm>> -> memref<10000x128xf32, #tpu.memory_space<hbm>>
      tpu.wait_indirect_dma semaphore(%arg26 : memref<!tpu.dma_semaphore, #tpu.memory_space<semaphore_mem>>) src(%dma_wait3A_137 : memref<10000x128xf32, #tpu.memory_space<hbm>>) dst(%arg17 : memref<128x128xf32, #tpu.memory_space<vmem>>)
      %dma_wait3A_138 = arith.constant 0 : i32
      %dma_wait3A_139 = tpu.memref_slice %arg2[%dma_wait3A_138] : memref<328192xi32, #tpu.memory_space<hbm>> -> memref<128xi32, #tpu.memory_space<hbm>>
      %dma_wait3A_140 = arith.constant 0 : i32
      %dma_wait3A_141 = tpu.memref_slice %arg2[%dma_wait3A_140] : memref<328192xi32, #tpu.memory_space<hbm>> -> memref<128xi32, #tpu.memory_space<hbm>>
      tpu.wait_dma2 semaphore(%arg22 : memref<!tpu.dma_semaphore, #tpu.memory_space<semaphore_mem>>) src(%dma_wait3A_141 : memref<128xi32, #tpu.memory_space<hbm>>) dst(%arg10 : memref<128xi32, #tpu.memory_space<vmem>>)
      %dma_wait3A_142 = arith.constant 0 : i32
      %dma_wait3A_143 = tpu.memref_slice %arg3[%dma_wait3A_142] : memref<328192xi32, #tpu.memory_space<hbm>> -> memref<128xi32, #tpu.memory_space<hbm>>
      %dma_wait3A_144 = arith.constant 0 : i32
      %dma_wait3A_145 = tpu.memref_slice %arg3[%dma_wait3A_144] : memref<328192xi32, #tpu.memory_space<hbm>> -> memref<128xi32, #tpu.memory_space<hbm>>
      tpu.wait_dma2 semaphore(%arg22 : memref<!tpu.dma_semaphore, #tpu.memory_space<semaphore_mem>>) src(%dma_wait3A_145 : memref<128xi32, #tpu.memory_space<hbm>>) dst(%arg11 : memref<128xi32, #tpu.memory_space<vmem>>)
      %dma_start3A_146 = arith.constant 0 : i32
      %dma_start3A_147 = arith.constant 0 : i32
      %dma_start3A_148 = tpu.memref_slice %arg4[%dma_start3A_146, %dma_start3A_147] : memref<10000x128xf32, #tpu.memory_space<hbm>> -> memref<10000x128xf32, #tpu.memory_space<hbm>>
      tpu.enqueue_indirect_dma source(%dma_start3A_148 : memref<10000x128xf32, #tpu.memory_space<hbm>>) target(%arg16 : memref<128x128xf32, #tpu.memory_space<vmem>>) offsets(%arg10 : memref<128xi32, #tpu.memory_space<vmem>>) semaphore(%arg25 : memref<!tpu.dma_semaphore, #tpu.memory_space<semaphore_mem>>)
      %add3A_149 = arith.constant 1 : i32
      %add3A_150 = arith.addi %mul3A_101, %add3A_149 : i32
      %add3A_151 = arith.addi %mul3A_4, %add3A_150 : i32
      %lt3A_152 = arith.constant 2500 : i32
      %lt3A_153 = arith.cmpi slt, %add3A_151, %lt3A_152 : i32
      %convert_element_type3A_154 = arith.extui %lt3A_153 : i1 to i32
      %cond3A_155 = arith.constant 0 : i32
      %cond3A_156 = arith.cmpi ne, %convert_element_type3A_154, %cond3A_155 : i32
      scf.if %cond3A_156 {
        "tpu.region"() ({
          %run_scoped3A = tpu.sem_alloc : memref<!tpu.dma_semaphore, #tpu.memory_space<semaphore_mem>>
          %dma_start3A_201 = arith.constant 0 : i32
          %dma_start3A_202 = arith.constant 0 : i32
          %dma_start3A_203 = tpu.memref_slice %arg20[%dma_start3A_201, %dma_start3A_202] : memref<10016x128xf32, #tpu.memory_space<vmem_shared>> -> memref<10016x128xf32, #tpu.memory_space<vmem_shared>>
          tpu.enqueue_indirect_dma source(%arg17 : memref<128x128xf32, #tpu.memory_space<vmem>>) target(%dma_start3A_203 : memref<10016x128xf32, #tpu.memory_space<vmem_shared>>) offsets(%arg13 : memref<128xi32, #tpu.memory_space<vmem>>) semaphore(%run_scoped3A : memref<!tpu.dma_semaphore, #tpu.memory_space<semaphore_mem>>) {add = true}
          %dma_wait3A_204 = arith.constant 0 : i32
          %dma_wait3A_205 = arith.constant 0 : i32
          %dma_wait3A_206 = tpu.memref_slice %arg20[%dma_wait3A_204, %dma_wait3A_205] : memref<10016x128xf32, #tpu.memory_space<vmem_shared>> -> memref<10016x128xf32, #tpu.memory_space<vmem_shared>>
          tpu.wait_indirect_dma semaphore(%run_scoped3A : memref<!tpu.dma_semaphore, #tpu.memory_space<semaphore_mem>>) src(%arg17 : memref<128x128xf32, #tpu.memory_space<vmem>>) dst(%dma_wait3A_206 : memref<10016x128xf32, #tpu.memory_space<vmem_shared>>)
          tpu.yield
        }) : () -> ()
        "tpu.region"() ({
          %run_scoped3A = tpu.sem_alloc : memref<!tpu.dma_semaphore, #tpu.memory_space<semaphore_mem>>
          %dma_start3A_201 = arith.constant 0 : i32
          %dma_start3A_202 = tpu.memref_slice %arg19[%dma_start3A_201] : memref<128xf32, #tpu.memory_space<vmem>> -> memref<128xf32, #tpu.memory_space<vmem>>
          %dma_start3A_203 = arith.constant 0 : i32
          %dma_start3A_204 = tpu.memref_slice %arg21[%dma_start3A_203] : memref<10016xf32, #tpu.memory_space<vmem_shared>> -> memref<10016xf32, #tpu.memory_space<vmem_shared>>
          tpu.enqueue_indirect_dma source(%dma_start3A_202 : memref<128xf32, #tpu.memory_space<vmem>>) target(%dma_start3A_204 : memref<10016xf32, #tpu.memory_space<vmem_shared>>) offsets(%arg13 : memref<128xi32, #tpu.memory_space<vmem>>) semaphore(%run_scoped3A : memref<!tpu.dma_semaphore, #tpu.memory_space<semaphore_mem>>) {add = true}
          %dma_wait3A_205 = arith.constant 0 : i32
          %dma_wait3A_206 = tpu.memref_slice %arg19[%dma_wait3A_205] : memref<128xf32, #tpu.memory_space<vmem>> -> memref<128xf32, #tpu.memory_space<vmem>>
          %dma_wait3A_207 = arith.constant 0 : i32
          %dma_wait3A_208 = tpu.memref_slice %arg21[%dma_wait3A_207] : memref<10016xf32, #tpu.memory_space<vmem_shared>> -> memref<10016xf32, #tpu.memory_space<vmem_shared>>
          tpu.wait_indirect_dma semaphore(%run_scoped3A : memref<!tpu.dma_semaphore, #tpu.memory_space<semaphore_mem>>) src(%dma_wait3A_206 : memref<128xf32, #tpu.memory_space<vmem>>) dst(%dma_wait3A_208 : memref<10016xf32, #tpu.memory_space<vmem_shared>>)
          tpu.yield
        }) : () -> ()
      } else {
      }
      %add3A_157 = arith.constant 1 : i32
      %add3A_158 = arith.addi %mul3A_101, %add3A_157 : i32
      %add3A_159 = arith.constant 3 : i32
      %add3A_160 = arith.addi %add3A_158, %add3A_159 : i32
      %add3A_161 = arith.addi %mul3A_4, %add3A_160 : i32
      %mul3A_162 = arith.constant 128 : i32
      %mul3A_163 = arith.muli %add3A_161, %mul3A_162 : i32
      %dma_start3A_164 = tpu.memref_slice %arg2[%mul3A_163] : memref<328192xi32, #tpu.memory_space<hbm>> -> memref<128xi32, #tpu.memory_space<hbm>>
      %dma_start3A_165 = tpu.memref_slice %arg2[%mul3A_163] : memref<328192xi32, #tpu.memory_space<hbm>> -> memref<128xi32, #tpu.memory_space<hbm>>
      tpu.enqueue_dma source(%dma_start3A_165 : memref<128xi32, #tpu.memory_space<hbm>>) target(%arg12 : memref<128xi32, #tpu.memory_space<vmem>>) target_semaphore(%arg23 : memref<!tpu.dma_semaphore, #tpu.memory_space<semaphore_mem>>)
      %dma_start3A_166 = tpu.memref_slice %arg3[%mul3A_163] : memref<328192xi32, #tpu.memory_space<hbm>> -> memref<128xi32, #tpu.memory_space<hbm>>
      %dma_start3A_167 = tpu.memref_slice %arg3[%mul3A_163] : memref<328192xi32, #tpu.memory_space<hbm>> -> memref<128xi32, #tpu.memory_space<hbm>>
      tpu.enqueue_dma source(%dma_start3A_167 : memref<128xi32, #tpu.memory_space<hbm>>) target(%arg13 : memref<128xi32, #tpu.memory_space<vmem>>) target_semaphore(%arg23 : memref<!tpu.dma_semaphore, #tpu.memory_space<semaphore_mem>>)
      %dma_wait3A_168 = arith.constant 0 : i32
      %dma_wait3A_169 = arith.constant 0 : i32
      %dma_wait3A_170 = tpu.memref_slice %arg4[%dma_wait3A_168, %dma_wait3A_169] : memref<10000x128xf32, #tpu.memory_space<hbm>> -> memref<10000x128xf32, #tpu.memory_space<hbm>>
      tpu.wait_indirect_dma semaphore(%arg27 : memref<!tpu.dma_semaphore, #tpu.memory_space<semaphore_mem>>) src(%dma_wait3A_170 : memref<10000x128xf32, #tpu.memory_space<hbm>>) dst(%arg18 : memref<128x128xf32, #tpu.memory_space<vmem>>)
      %dma_wait3A_171 = arith.constant 0 : i32
      %dma_wait3A_172 = tpu.memref_slice %arg2[%dma_wait3A_171] : memref<328192xi32, #tpu.memory_space<hbm>> -> memref<128xi32, #tpu.memory_space<hbm>>
      %dma_wait3A_173 = arith.constant 0 : i32
      %dma_wait3A_174 = tpu.memref_slice %arg2[%dma_wait3A_173] : memref<328192xi32, #tpu.memory_space<hbm>> -> memref<128xi32, #tpu.memory_space<hbm>>
      tpu.wait_dma2 semaphore(%arg23 : memref<!tpu.dma_semaphore, #tpu.memory_space<semaphore_mem>>) src(%dma_wait3A_174 : memref<128xi32, #tpu.memory_space<hbm>>) dst(%arg12 : memref<128xi32, #tpu.memory_space<vmem>>)
      %dma_wait3A_175 = arith.constant 0 : i32
      %dma_wait3A_176 = tpu.memref_slice %arg3[%dma_wait3A_175] : memref<328192xi32, #tpu.memory_space<hbm>> -> memref<128xi32, #tpu.memory_space<hbm>>
      %dma_wait3A_177 = arith.constant 0 : i32
      %dma_wait3A_178 = tpu.memref_slice %arg3[%dma_wait3A_177] : memref<328192xi32, #tpu.memory_space<hbm>> -> memref<128xi32, #tpu.memory_space<hbm>>
      tpu.wait_dma2 semaphore(%arg23 : memref<!tpu.dma_semaphore, #tpu.memory_space<semaphore_mem>>) src(%dma_wait3A_178 : memref<128xi32, #tpu.memory_space<hbm>>) dst(%arg13 : memref<128xi32, #tpu.memory_space<vmem>>)
      %dma_start3A_179 = arith.constant 0 : i32
      %dma_start3A_180 = arith.constant 0 : i32
      %dma_start3A_181 = tpu.memref_slice %arg4[%dma_start3A_179, %dma_start3A_180] : memref<10000x128xf32, #tpu.memory_space<hbm>> -> memref<10000x128xf32, #tpu.memory_space<hbm>>
      tpu.enqueue_indirect_dma source(%dma_start3A_181 : memref<10000x128xf32, #tpu.memory_space<hbm>>) target(%arg17 : memref<128x128xf32, #tpu.memory_space<vmem>>) offsets(%arg12 : memref<128xi32, #tpu.memory_space<vmem>>) semaphore(%arg26 : memref<!tpu.dma_semaphore, #tpu.memory_space<semaphore_mem>>)
      %add3A_182 = arith.constant 2 : i32
      %add3A_183 = arith.addi %mul3A_101, %add3A_182 : i32
      %add3A_184 = arith.addi %mul3A_4, %add3A_183 : i32
      %lt3A_185 = arith.constant 2500 : i32
      %lt3A_186 = arith.cmpi slt, %add3A_184, %lt3A_185 : i32
      %convert_element_type3A_187 = arith.extui %lt3A_186 : i1 to i32
      %cond3A_188 = arith.constant 0 : i32
      %cond3A_189 = arith.cmpi ne, %convert_element_type3A_187, %cond3A_188 : i32
      scf.if %cond3A_189 {
        "tpu.region"() ({
          %run_scoped3A = tpu.sem_alloc : memref<!tpu.dma_semaphore, #tpu.memory_space<semaphore_mem>>
          %dma_start3A_201 = arith.constant 0 : i32
          %dma_start3A_202 = arith.constant 0 : i32
          %dma_start3A_203 = tpu.memref_slice %arg20[%dma_start3A_201, %dma_start3A_202] : memref<10016x128xf32, #tpu.memory_space<vmem_shared>> -> memref<10016x128xf32, #tpu.memory_space<vmem_shared>>
          tpu.enqueue_indirect_dma source(%arg18 : memref<128x128xf32, #tpu.memory_space<vmem>>) target(%dma_start3A_203 : memref<10016x128xf32, #tpu.memory_space<vmem_shared>>) offsets(%arg15 : memref<128xi32, #tpu.memory_space<vmem>>) semaphore(%run_scoped3A : memref<!tpu.dma_semaphore, #tpu.memory_space<semaphore_mem>>) {add = true}
          %dma_wait3A_204 = arith.constant 0 : i32
          %dma_wait3A_205 = arith.constant 0 : i32
          %dma_wait3A_206 = tpu.memref_slice %arg20[%dma_wait3A_204, %dma_wait3A_205] : memref<10016x128xf32, #tpu.memory_space<vmem_shared>> -> memref<10016x128xf32, #tpu.memory_space<vmem_shared>>
          tpu.wait_indirect_dma semaphore(%run_scoped3A : memref<!tpu.dma_semaphore, #tpu.memory_space<semaphore_mem>>) src(%arg18 : memref<128x128xf32, #tpu.memory_space<vmem>>) dst(%dma_wait3A_206 : memref<10016x128xf32, #tpu.memory_space<vmem_shared>>)
          tpu.yield
        }) : () -> ()
        "tpu.region"() ({
          %run_scoped3A = tpu.sem_alloc : memref<!tpu.dma_semaphore, #tpu.memory_space<semaphore_mem>>
          %dma_start3A_201 = arith.constant 0 : i32
          %dma_start3A_202 = tpu.memref_slice %arg19[%dma_start3A_201] : memref<128xf32, #tpu.memory_space<vmem>> -> memref<128xf32, #tpu.memory_space<vmem>>
          %dma_start3A_203 = arith.constant 0 : i32
          %dma_start3A_204 = tpu.memref_slice %arg21[%dma_start3A_203] : memref<10016xf32, #tpu.memory_space<vmem_shared>> -> memref<10016xf32, #tpu.memory_space<vmem_shared>>
          tpu.enqueue_indirect_dma source(%dma_start3A_202 : memref<128xf32, #tpu.memory_space<vmem>>) target(%dma_start3A_204 : memref<10016xf32, #tpu.memory_space<vmem_shared>>) offsets(%arg15 : memref<128xi32, #tpu.memory_space<vmem>>) semaphore(%run_scoped3A : memref<!tpu.dma_semaphore, #tpu.memory_space<semaphore_mem>>) {add = true}
          %dma_wait3A_205 = arith.constant 0 : i32
          %dma_wait3A_206 = tpu.memref_slice %arg19[%dma_wait3A_205] : memref<128xf32, #tpu.memory_space<vmem>> -> memref<128xf32, #tpu.memory_space<vmem>>
          %dma_wait3A_207 = arith.constant 0 : i32
          %dma_wait3A_208 = tpu.memref_slice %arg21[%dma_wait3A_207] : memref<10016xf32, #tpu.memory_space<vmem_shared>> -> memref<10016xf32, #tpu.memory_space<vmem_shared>>
          tpu.wait_indirect_dma semaphore(%run_scoped3A : memref<!tpu.dma_semaphore, #tpu.memory_space<semaphore_mem>>) src(%dma_wait3A_206 : memref<128xf32, #tpu.memory_space<vmem>>) dst(%dma_wait3A_208 : memref<10016xf32, #tpu.memory_space<vmem_shared>>)
          tpu.yield
        }) : () -> ()
      } else {
      }
      %add3A_190 = arith.constant 2 : i32
      %add3A_191 = arith.addi %mul3A_101, %add3A_190 : i32
      %add3A_192 = arith.constant 3 : i32
      %add3A_193 = arith.addi %add3A_191, %add3A_192 : i32
      %add3A_194 = arith.addi %mul3A_4, %add3A_193 : i32
      %mul3A_195 = arith.constant 128 : i32
      %mul3A_196 = arith.muli %add3A_194, %mul3A_195 : i32
      %dma_start3A_197 = tpu.memref_slice %arg2[%mul3A_196] : memref<328192xi32, #tpu.memory_space<hbm>> -> memref<128xi32, #tpu.memory_space<hbm>>
      %dma_start3A_198 = tpu.memref_slice %arg2[%mul3A_196] : memref<328192xi32, #tpu.memory_space<hbm>> -> memref<128xi32, #tpu.memory_space<hbm>>
      tpu.enqueue_dma source(%dma_start3A_198 : memref<128xi32, #tpu.memory_space<hbm>>) target(%arg14 : memref<128xi32, #tpu.memory_space<vmem>>) target_semaphore(%arg24 : memref<!tpu.dma_semaphore, #tpu.memory_space<semaphore_mem>>)
      %dma_start3A_199 = tpu.memref_slice %arg3[%mul3A_196] : memref<328192xi32, #tpu.memory_space<hbm>> -> memref<128xi32, #tpu.memory_space<hbm>>
      %dma_start3A_200 = tpu.memref_slice %arg3[%mul3A_196] : memref<328192xi32, #tpu.memory_space<hbm>> -> memref<128xi32, #tpu.memory_space<hbm>>
      tpu.enqueue_dma source(%dma_start3A_200 : memref<128xi32, #tpu.memory_space<hbm>>) target(%arg15 : memref<128xi32, #tpu.memory_space<vmem>>) target_semaphore(%arg24 : memref<!tpu.dma_semaphore, #tpu.memory_space<semaphore_mem>>)
    }
    %scan3A_59 = arith.constant 26 : i32
    %dma_wait3A_60 = arith.constant 0 : i32
    %dma_wait3A_61 = arith.constant 0 : i32
    %dma_wait3A_62 = tpu.memref_slice %arg4[%dma_wait3A_60, %dma_wait3A_61] : memref<10000x128xf32, #tpu.memory_space<hbm>> -> memref<10000x128xf32, #tpu.memory_space<hbm>>
    tpu.wait_indirect_dma semaphore(%arg25 : memref<!tpu.dma_semaphore, #tpu.memory_space<semaphore_mem>>) src(%dma_wait3A_62 : memref<10000x128xf32, #tpu.memory_space<hbm>>) dst(%arg16 : memref<128x128xf32, #tpu.memory_space<vmem>>)
    %add3A_63 = arith.constant 78 : i32
    %add3A_64 = arith.addi %mul3A_4, %add3A_63 : i32
    %lt3A_65 = arith.constant 2500 : i32
    %lt3A_66 = arith.cmpi slt, %add3A_64, %lt3A_65 : i32
    %convert_element_type3A_67 = arith.extui %lt3A_66 : i1 to i32
    %cond3A_68 = arith.constant 0 : i32
    %cond3A_69 = arith.cmpi ne, %convert_element_type3A_67, %cond3A_68 : i32
    scf.if %cond3A_69 {
      "tpu.region"() ({
        %run_scoped3A = tpu.sem_alloc : memref<!tpu.dma_semaphore, #tpu.memory_space<semaphore_mem>>
        %dma_start3A_99 = arith.constant 0 : i32
        %dma_start3A_100 = arith.constant 0 : i32
        %dma_start3A_101 = tpu.memref_slice %arg20[%dma_start3A_99, %dma_start3A_100] : memref<10016x128xf32, #tpu.memory_space<vmem_shared>> -> memref<10016x128xf32, #tpu.memory_space<vmem_shared>>
        tpu.enqueue_indirect_dma source(%arg16 : memref<128x128xf32, #tpu.memory_space<vmem>>) target(%dma_start3A_101 : memref<10016x128xf32, #tpu.memory_space<vmem_shared>>) offsets(%arg11 : memref<128xi32, #tpu.memory_space<vmem>>) semaphore(%run_scoped3A : memref<!tpu.dma_semaphore, #tpu.memory_space<semaphore_mem>>) {add = true}
        %dma_wait3A_102 = arith.constant 0 : i32
        %dma_wait3A_103 = arith.constant 0 : i32
        %dma_wait3A_104 = tpu.memref_slice %arg20[%dma_wait3A_102, %dma_wait3A_103] : memref<10016x128xf32, #tpu.memory_space<vmem_shared>> -> memref<10016x128xf32, #tpu.memory_space<vmem_shared>>
        tpu.wait_indirect_dma semaphore(%run_scoped3A : memref<!tpu.dma_semaphore, #tpu.memory_space<semaphore_mem>>) src(%arg16 : memref<128x128xf32, #tpu.memory_space<vmem>>) dst(%dma_wait3A_104 : memref<10016x128xf32, #tpu.memory_space<vmem_shared>>)
        tpu.yield
      }) : () -> ()
      "tpu.region"() ({
        %run_scoped3A = tpu.sem_alloc : memref<!tpu.dma_semaphore, #tpu.memory_space<semaphore_mem>>
        %dma_start3A_99 = arith.constant 0 : i32
        %dma_start3A_100 = tpu.memref_slice %arg19[%dma_start3A_99] : memref<128xf32, #tpu.memory_space<vmem>> -> memref<128xf32, #tpu.memory_space<vmem>>
        %dma_start3A_101 = arith.constant 0 : i32
        %dma_start3A_102 = tpu.memref_slice %arg21[%dma_start3A_101] : memref<10016xf32, #tpu.memory_space<vmem_shared>> -> memref<10016xf32, #tpu.memory_space<vmem_shared>>
        tpu.enqueue_indirect_dma source(%dma_start3A_100 : memref<128xf32, #tpu.memory_space<vmem>>) target(%dma_start3A_102 : memref<10016xf32, #tpu.memory_space<vmem_shared>>) offsets(%arg11 : memref<128xi32, #tpu.memory_space<vmem>>) semaphore(%run_scoped3A : memref<!tpu.dma_semaphore, #tpu.memory_space<semaphore_mem>>) {add = true}
        %dma_wait3A_103 = arith.constant 0 : i32
        %dma_wait3A_104 = tpu.memref_slice %arg19[%dma_wait3A_103] : memref<128xf32, #tpu.memory_space<vmem>> -> memref<128xf32, #tpu.memory_space<vmem>>
        %dma_wait3A_105 = arith.constant 0 : i32
        %dma_wait3A_106 = tpu.memref_slice %arg21[%dma_wait3A_105] : memref<10016xf32, #tpu.memory_space<vmem_shared>> -> memref<10016xf32, #tpu.memory_space<vmem_shared>>
        tpu.wait_indirect_dma semaphore(%run_scoped3A : memref<!tpu.dma_semaphore, #tpu.memory_space<semaphore_mem>>) src(%dma_wait3A_104 : memref<128xf32, #tpu.memory_space<vmem>>) dst(%dma_wait3A_106 : memref<10016xf32, #tpu.memory_space<vmem_shared>>)
        tpu.yield
      }) : () -> ()
    } else {
    }
    %dma_wait3A_70 = arith.constant 0 : i32
    %dma_wait3A_71 = arith.constant 0 : i32
    %dma_wait3A_72 = tpu.memref_slice %arg4[%dma_wait3A_70, %dma_wait3A_71] : memref<10000x128xf32, #tpu.memory_space<hbm>> -> memref<10000x128xf32, #tpu.memory_space<hbm>>
    tpu.wait_indirect_dma semaphore(%arg26 : memref<!tpu.dma_semaphore, #tpu.memory_space<semaphore_mem>>) src(%dma_wait3A_72 : memref<10000x128xf32, #tpu.memory_space<hbm>>) dst(%arg17 : memref<128x128xf32, #tpu.memory_space<vmem>>)
    %add3A_73 = arith.constant 79 : i32
    %add3A_74 = arith.addi %mul3A_4, %add3A_73 : i32
    %lt3A_75 = arith.constant 2500 : i32
    %lt3A_76 = arith.cmpi slt, %add3A_74, %lt3A_75 : i32
    %convert_element_type3A_77 = arith.extui %lt3A_76 : i1 to i32
    %cond3A_78 = arith.constant 0 : i32
    %cond3A_79 = arith.cmpi ne, %convert_element_type3A_77, %cond3A_78 : i32
    scf.if %cond3A_79 {
      "tpu.region"() ({
        %run_scoped3A = tpu.sem_alloc : memref<!tpu.dma_semaphore, #tpu.memory_space<semaphore_mem>>
        %dma_start3A_99 = arith.constant 0 : i32
        %dma_start3A_100 = arith.constant 0 : i32
        %dma_start3A_101 = tpu.memref_slice %arg20[%dma_start3A_99, %dma_start3A_100] : memref<10016x128xf32, #tpu.memory_space<vmem_shared>> -> memref<10016x128xf32, #tpu.memory_space<vmem_shared>>
        tpu.enqueue_indirect_dma source(%arg17 : memref<128x128xf32, #tpu.memory_space<vmem>>) target(%dma_start3A_101 : memref<10016x128xf32, #tpu.memory_space<vmem_shared>>) offsets(%arg13 : memref<128xi32, #tpu.memory_space<vmem>>) semaphore(%run_scoped3A : memref<!tpu.dma_semaphore, #tpu.memory_space<semaphore_mem>>) {add = true}
        %dma_wait3A_102 = arith.constant 0 : i32
        %dma_wait3A_103 = arith.constant 0 : i32
        %dma_wait3A_104 = tpu.memref_slice %arg20[%dma_wait3A_102, %dma_wait3A_103] : memref<10016x128xf32, #tpu.memory_space<vmem_shared>> -> memref<10016x128xf32, #tpu.memory_space<vmem_shared>>
        tpu.wait_indirect_dma semaphore(%run_scoped3A : memref<!tpu.dma_semaphore, #tpu.memory_space<semaphore_mem>>) src(%arg17 : memref<128x128xf32, #tpu.memory_space<vmem>>) dst(%dma_wait3A_104 : memref<10016x128xf32, #tpu.memory_space<vmem_shared>>)
        tpu.yield
      }) : () -> ()
      "tpu.region"() ({
        %run_scoped3A = tpu.sem_alloc : memref<!tpu.dma_semaphore, #tpu.memory_space<semaphore_mem>>
        %dma_start3A_99 = arith.constant 0 : i32
        %dma_start3A_100 = tpu.memref_slice %arg19[%dma_start3A_99] : memref<128xf32, #tpu.memory_space<vmem>> -> memref<128xf32, #tpu.memory_space<vmem>>
        %dma_start3A_101 = arith.constant 0 : i32
        %dma_start3A_102 = tpu.memref_slice %arg21[%dma_start3A_101] : memref<10016xf32, #tpu.memory_space<vmem_shared>> -> memref<10016xf32, #tpu.memory_space<vmem_shared>>
        tpu.enqueue_indirect_dma source(%dma_start3A_100 : memref<128xf32, #tpu.memory_space<vmem>>) target(%dma_start3A_102 : memref<10016xf32, #tpu.memory_space<vmem_shared>>) offsets(%arg13 : memref<128xi32, #tpu.memory_space<vmem>>) semaphore(%run_scoped3A : memref<!tpu.dma_semaphore, #tpu.memory_space<semaphore_mem>>) {add = true}
        %dma_wait3A_103 = arith.constant 0 : i32
        %dma_wait3A_104 = tpu.memref_slice %arg19[%dma_wait3A_103] : memref<128xf32, #tpu.memory_space<vmem>> -> memref<128xf32, #tpu.memory_space<vmem>>
        %dma_wait3A_105 = arith.constant 0 : i32
        %dma_wait3A_106 = tpu.memref_slice %arg21[%dma_wait3A_105] : memref<10016xf32, #tpu.memory_space<vmem_shared>> -> memref<10016xf32, #tpu.memory_space<vmem_shared>>
        tpu.wait_indirect_dma semaphore(%run_scoped3A : memref<!tpu.dma_semaphore, #tpu.memory_space<semaphore_mem>>) src(%dma_wait3A_104 : memref<128xf32, #tpu.memory_space<vmem>>) dst(%dma_wait3A_106 : memref<10016xf32, #tpu.memory_space<vmem_shared>>)
        tpu.yield
      }) : () -> ()
    } else {
    }
    %dma_wait3A_80 = arith.constant 0 : i32
    %dma_wait3A_81 = tpu.memref_slice %arg2[%dma_wait3A_80] : memref<328192xi32, #tpu.memory_space<hbm>> -> memref<128xi32, #tpu.memory_space<hbm>>
    %dma_wait3A_82 = arith.constant 0 : i32
    %dma_wait3A_83 = tpu.memref_slice %arg2[%dma_wait3A_82] : memref<328192xi32, #tpu.memory_space<hbm>> -> memref<128xi32, #tpu.memory_space<hbm>>
    tpu.wait_dma2 semaphore(%arg24 : memref<!tpu.dma_semaphore, #tpu.memory_space<semaphore_mem>>) src(%dma_wait3A_83 : memref<128xi32, #tpu.memory_space<hbm>>) dst(%arg14 : memref<128xi32, #tpu.memory_space<vmem>>)
    %dma_wait3A_84 = arith.constant 0 : i32
    %dma_wait3A_85 = tpu.memref_slice %arg3[%dma_wait3A_84] : memref<328192xi32, #tpu.memory_space<hbm>> -> memref<128xi32, #tpu.memory_space<hbm>>
    %dma_wait3A_86 = arith.constant 0 : i32
    %dma_wait3A_87 = tpu.memref_slice %arg3[%dma_wait3A_86] : memref<328192xi32, #tpu.memory_space<hbm>> -> memref<128xi32, #tpu.memory_space<hbm>>
    tpu.wait_dma2 semaphore(%arg24 : memref<!tpu.dma_semaphore, #tpu.memory_space<semaphore_mem>>) src(%dma_wait3A_87 : memref<128xi32, #tpu.memory_space<hbm>>) dst(%arg15 : memref<128xi32, #tpu.memory_space<vmem>>)
    %barrier3A_88 = arith.constant 0 : index
    tpu.barrier barrier_id(%barrier3A_88)
    %lt3A_89 = arith.constant 15 : i32
    %lt3A_90 = arith.cmpi slt, %arg1, %lt3A_89 : i32
    %convert_element_type3A_91 = arith.extui %lt3A_90 : i1 to i32
    %cond3A_92 = arith.constant 0 : i32
    %cond3A_93 = arith.cmpi ne, %convert_element_type3A_91, %cond3A_92 : i32
    scf.if %cond3A_93 {
      %add3A_99 = arith.constant 0 : i32
      %add3A_100 = arith.addi %mul3A_2, %add3A_99 : i32
      "tpu.region"() ({
        %run_scoped3A = tpu.sem_alloc : memref<!tpu.dma_semaphore, #tpu.memory_space<semaphore_mem>>
        %dma_start3A_274 = arith.constant 0 : i32
        %dma_start3A_275 = arith.constant 0 : i32
        %dma_start3A_276 = tpu.memref_slice %arg16[%dma_start3A_274, %dma_start3A_275] : memref<128x128xf32, #tpu.memory_space<vmem>> -> memref<128x128xf32, #tpu.memory_space<vmem>>
        %dma_start3A_277 = arith.constant 0 : i32
        %dma_start3A_278 = tpu.memref_slice %arg20[%add3A_100, %dma_start3A_277] : memref<10016x128xf32, #tpu.memory_space<vmem_shared>> -> memref<128x128xf32, #tpu.memory_space<vmem_shared>>
        %dma_start3A_279 = arith.constant 0 : i32
        %dma_start3A_280 = arith.constant 0 : i32
        %dma_start3A_281 = tpu.memref_slice %arg16[%dma_start3A_279, %dma_start3A_280] : memref<128x128xf32, #tpu.memory_space<vmem>> -> memref<128x128xf32, #tpu.memory_space<vmem>>
        %dma_start3A_282 = arith.constant 0 : i32
        %dma_start3A_283 = tpu.memref_slice %arg20[%add3A_100, %dma_start3A_282] : memref<10016x128xf32, #tpu.memory_space<vmem_shared>> -> memref<128x128xf32, #tpu.memory_space<vmem_shared>>
        tpu.enqueue_dma source(%dma_start3A_283 : memref<128x128xf32, #tpu.memory_space<vmem_shared>>) target(%dma_start3A_281 : memref<128x128xf32, #tpu.memory_space<vmem>>) target_semaphore(%run_scoped3A : memref<!tpu.dma_semaphore, #tpu.memory_space<semaphore_mem>>)
        %dma_wait3A_284 = arith.constant 0 : i32
        %dma_wait3A_285 = arith.constant 0 : i32
        %dma_wait3A_286 = tpu.memref_slice %arg16[%dma_wait3A_284, %dma_wait3A_285] : memref<128x128xf32, #tpu.memory_space<vmem>> -> memref<128x128xf32, #tpu.memory_space<vmem>>
        %dma_wait3A_287 = arith.constant 0 : i32
        %dma_wait3A_288 = tpu.memref_slice %arg20[%add3A_100, %dma_wait3A_287] : memref<10016x128xf32, #tpu.memory_space<vmem_shared>> -> memref<128x128xf32, #tpu.memory_space<vmem_shared>>
        %dma_wait3A_289 = arith.constant 0 : i32
        %dma_wait3A_290 = arith.constant 0 : i32
        %dma_wait3A_291 = tpu.memref_slice %arg16[%dma_wait3A_289, %dma_wait3A_290] : memref<128x128xf32, #tpu.memory_space<vmem>> -> memref<128x128xf32, #tpu.memory_space<vmem>>
        %dma_wait3A_292 = arith.constant 0 : i32
        %dma_wait3A_293 = tpu.memref_slice %arg20[%add3A_100, %dma_wait3A_292] : memref<10016x128xf32, #tpu.memory_space<vmem_shared>> -> memref<128x128xf32, #tpu.memory_space<vmem_shared>>
        tpu.wait_dma2 semaphore(%run_scoped3A : memref<!tpu.dma_semaphore, #tpu.memory_space<semaphore_mem>>) src(%dma_wait3A_293 : memref<128x128xf32, #tpu.memory_space<vmem_shared>>) dst(%dma_wait3A_291 : memref<128x128xf32, #tpu.memory_space<vmem>>)
        tpu.yield
      }) : () -> ()
      %mul3A_101 = arith.constant 10000 : i32
      %mul3A_102 = arith.muli %arg0, %mul3A_101 : i32
      %add3A_103 = arith.addi %mul3A_102, %add3A_100 : i32
      %dma_start3A_104 = arith.constant 0 : i32
      %dma_start3A_105 = arith.constant 0 : i32
      %dma_start3A_106 = tpu.memref_slice %arg16[%dma_start3A_104, %dma_start3A_105] : memref<128x128xf32, #tpu.memory_space<vmem>> -> memref<128x128xf32, #tpu.memory_space<vmem>>
      %dma_start3A_107 = arith.constant 0 : i32
      %dma_start3A_108 = tpu.memref_slice %arg8[%add3A_103, %dma_start3A_107] : memref<20000x128xf32, #tpu.memory_space<hbm>> -> memref<128x128xf32, #tpu.memory_space<hbm>>
      %dma_start3A_109 = arith.constant 0 : i32
      %dma_start3A_110 = tpu.memref_slice %arg8[%add3A_103, %dma_start3A_109] : memref<20000x128xf32, #tpu.memory_space<hbm>> -> memref<128x128xf32, #tpu.memory_space<hbm>>
      %dma_start3A_111 = arith.constant 0 : i32
      %dma_start3A_112 = arith.constant 0 : i32
      %dma_start3A_113 = tpu.memref_slice %arg16[%dma_start3A_111, %dma_start3A_112] : memref<128x128xf32, #tpu.memory_space<vmem>> -> memref<128x128xf32, #tpu.memory_space<vmem>>
      tpu.enqueue_dma source(%dma_start3A_113 : memref<128x128xf32, #tpu.memory_space<vmem>>) target(%dma_start3A_110 : memref<128x128xf32, #tpu.memory_space<hbm>>) target_semaphore(%arg25 : memref<!tpu.dma_semaphore, #tpu.memory_space<semaphore_mem>>)
      %add3A_114 = arith.constant 128 : i32
      %add3A_115 = arith.addi %mul3A_2, %add3A_114 : i32
      "tpu.region"() ({
        %run_scoped3A = tpu.sem_alloc : memref<!tpu.dma_semaphore, #tpu.memory_space<semaphore_mem>>
        %dma_start3A_274 = arith.constant 0 : i32
        %dma_start3A_275 = arith.constant 0 : i32
        %dma_start3A_276 = tpu.memref_slice %arg17[%dma_start3A_274, %dma_start3A_275] : memref<128x128xf32, #tpu.memory_space<vmem>> -> memref<128x128xf32, #tpu.memory_space<vmem>>
        %dma_start3A_277 = arith.constant 0 : i32
        %dma_start3A_278 = tpu.memref_slice %arg20[%add3A_115, %dma_start3A_277] : memref<10016x128xf32, #tpu.memory_space<vmem_shared>> -> memref<128x128xf32, #tpu.memory_space<vmem_shared>>
        %dma_start3A_279 = arith.constant 0 : i32
        %dma_start3A_280 = arith.constant 0 : i32
        %dma_start3A_281 = tpu.memref_slice %arg17[%dma_start3A_279, %dma_start3A_280] : memref<128x128xf32, #tpu.memory_space<vmem>> -> memref<128x128xf32, #tpu.memory_space<vmem>>
        %dma_start3A_282 = arith.constant 0 : i32
        %dma_start3A_283 = tpu.memref_slice %arg20[%add3A_115, %dma_start3A_282] : memref<10016x128xf32, #tpu.memory_space<vmem_shared>> -> memref<128x128xf32, #tpu.memory_space<vmem_shared>>
        tpu.enqueue_dma source(%dma_start3A_283 : memref<128x128xf32, #tpu.memory_space<vmem_shared>>) target(%dma_start3A_281 : memref<128x128xf32, #tpu.memory_space<vmem>>) target_semaphore(%run_scoped3A : memref<!tpu.dma_semaphore, #tpu.memory_space<semaphore_mem>>)
        %dma_wait3A_284 = arith.constant 0 : i32
        %dma_wait3A_285 = arith.constant 0 : i32
        %dma_wait3A_286 = tpu.memref_slice %arg17[%dma_wait3A_284, %dma_wait3A_285] : memref<128x128xf32, #tpu.memory_space<vmem>> -> memref<128x128xf32, #tpu.memory_space<vmem>>
        %dma_wait3A_287 = arith.constant 0 : i32
        %dma_wait3A_288 = tpu.memref_slice %arg20[%add3A_115, %dma_wait3A_287] : memref<10016x128xf32, #tpu.memory_space<vmem_shared>> -> memref<128x128xf32, #tpu.memory_space<vmem_shared>>
        %dma_wait3A_289 = arith.constant 0 : i32
        %dma_wait3A_290 = arith.constant 0 : i32
        %dma_wait3A_291 = tpu.memref_slice %arg17[%dma_wait3A_289, %dma_wait3A_290] : memref<128x128xf32, #tpu.memory_space<vmem>> -> memref<128x128xf32, #tpu.memory_space<vmem>>
        %dma_wait3A_292 = arith.constant 0 : i32
        %dma_wait3A_293 = tpu.memref_slice %arg20[%add3A_115, %dma_wait3A_292] : memref<10016x128xf32, #tpu.memory_space<vmem_shared>> -> memref<128x128xf32, #tpu.memory_space<vmem_shared>>
        tpu.wait_dma2 semaphore(%run_scoped3A : memref<!tpu.dma_semaphore, #tpu.memory_space<semaphore_mem>>) src(%dma_wait3A_293 : memref<128x128xf32, #tpu.memory_space<vmem_shared>>) dst(%dma_wait3A_291 : memref<128x128xf32, #tpu.memory_space<vmem>>)
        tpu.yield
      }) : () -> ()
      %mul3A_116 = arith.constant 10000 : i32
      %mul3A_117 = arith.muli %arg0, %mul3A_116 : i32
      %add3A_118 = arith.addi %mul3A_117, %add3A_115 : i32
      %dma_start3A_119 = arith.constant 0 : i32
      %dma_start3A_120 = arith.constant 0 : i32
      %dma_start3A_121 = tpu.memref_slice %arg17[%dma_start3A_119, %dma_start3A_120] : memref<128x128xf32, #tpu.memory_space<vmem>> -> memref<128x128xf32, #tpu.memory_space<vmem>>
      %dma_start3A_122 = arith.constant 0 : i32
      %dma_start3A_123 = tpu.memref_slice %arg8[%add3A_118, %dma_start3A_122] : memref<20000x128xf32, #tpu.memory_space<hbm>> -> memref<128x128xf32, #tpu.memory_space<hbm>>
      %dma_start3A_124 = arith.constant 0 : i32
      %dma_start3A_125 = tpu.memref_slice %arg8[%add3A_118, %dma_start3A_124] : memref<20000x128xf32, #tpu.memory_space<hbm>> -> memref<128x128xf32, #tpu.memory_space<hbm>>
      %dma_start3A_126 = arith.constant 0 : i32
      %dma_start3A_127 = arith.constant 0 : i32
      %dma_start3A_128 = tpu.memref_slice %arg17[%dma_start3A_126, %dma_start3A_127] : memref<128x128xf32, #tpu.memory_space<vmem>> -> memref<128x128xf32, #tpu.memory_space<vmem>>
      tpu.enqueue_dma source(%dma_start3A_128 : memref<128x128xf32, #tpu.memory_space<vmem>>) target(%dma_start3A_125 : memref<128x128xf32, #tpu.memory_space<hbm>>) target_semaphore(%arg26 : memref<!tpu.dma_semaphore, #tpu.memory_space<semaphore_mem>>)
      %add3A_129 = arith.constant 0 : i32
      %add3A_130 = arith.addi %mul3A_2, %add3A_129 : i32
      %mul3A_131 = arith.constant 10000 : i32
      %mul3A_132 = arith.muli %arg0, %mul3A_131 : i32
      %add3A_133 = arith.addi %mul3A_132, %add3A_130 : i32
      %dma_wait3A_134 = arith.constant 0 : i32
      %dma_wait3A_135 = arith.constant 0 : i32
      %dma_wait3A_136 = tpu.memref_slice %arg16[%dma_wait3A_134, %dma_wait3A_135] : memref<128x128xf32, #tpu.memory_space<vmem>> -> memref<128x128xf32, #tpu.memory_space<vmem>>
      %dma_wait3A_137 = arith.constant 0 : i32
      %dma_wait3A_138 = tpu.memref_slice %arg8[%add3A_133, %dma_wait3A_137] : memref<20000x128xf32, #tpu.memory_space<hbm>> -> memref<128x128xf32, #tpu.memory_space<hbm>>
      %dma_wait3A_139 = arith.constant 0 : i32
      %dma_wait3A_140 = tpu.memref_slice %arg8[%add3A_133, %dma_wait3A_139] : memref<20000x128xf32, #tpu.memory_space<hbm>> -> memref<128x128xf32, #tpu.memory_space<hbm>>
      %dma_wait3A_141 = arith.constant 0 : i32
      %dma_wait3A_142 = arith.constant 0 : i32
      %dma_wait3A_143 = tpu.memref_slice %arg16[%dma_wait3A_141, %dma_wait3A_142] : memref<128x128xf32, #tpu.memory_space<vmem>> -> memref<128x128xf32, #tpu.memory_space<vmem>>
      tpu.wait_dma2 semaphore(%arg25 : memref<!tpu.dma_semaphore, #tpu.memory_space<semaphore_mem>>) src(%dma_wait3A_143 : memref<128x128xf32, #tpu.memory_space<vmem>>) dst(%dma_wait3A_140 : memref<128x128xf32, #tpu.memory_space<hbm>>)
      %add3A_144 = arith.constant 256 : i32
      %add3A_145 = arith.addi %mul3A_2, %add3A_144 : i32
      "tpu.region"() ({
        %run_scoped3A = tpu.sem_alloc : memref<!tpu.dma_semaphore, #tpu.memory_space<semaphore_mem>>
        %dma_start3A_274 = arith.constant 0 : i32
        %dma_start3A_275 = arith.constant 0 : i32
        %dma_start3A_276 = tpu.memref_slice %arg16[%dma_start3A_274, %dma_start3A_275] : memref<128x128xf32, #tpu.memory_space<vmem>> -> memref<128x128xf32, #tpu.memory_space<vmem>>
        %dma_start3A_277 = arith.constant 0 : i32
        %dma_start3A_278 = tpu.memref_slice %arg20[%add3A_145, %dma_start3A_277] : memref<10016x128xf32, #tpu.memory_space<vmem_shared>> -> memref<128x128xf32, #tpu.memory_space<vmem_shared>>
        %dma_start3A_279 = arith.constant 0 : i32
        %dma_start3A_280 = arith.constant 0 : i32
        %dma_start3A_281 = tpu.memref_slice %arg16[%dma_start3A_279, %dma_start3A_280] : memref<128x128xf32, #tpu.memory_space<vmem>> -> memref<128x128xf32, #tpu.memory_space<vmem>>
        %dma_start3A_282 = arith.constant 0 : i32
        %dma_start3A_283 = tpu.memref_slice %arg20[%add3A_145, %dma_start3A_282] : memref<10016x128xf32, #tpu.memory_space<vmem_shared>> -> memref<128x128xf32, #tpu.memory_space<vmem_shared>>
        tpu.enqueue_dma source(%dma_start3A_283 : memref<128x128xf32, #tpu.memory_space<vmem_shared>>) target(%dma_start3A_281 : memref<128x128xf32, #tpu.memory_space<vmem>>) target_semaphore(%run_scoped3A : memref<!tpu.dma_semaphore, #tpu.memory_space<semaphore_mem>>)
        %dma_wait3A_284 = arith.constant 0 : i32
        %dma_wait3A_285 = arith.constant 0 : i32
        %dma_wait3A_286 = tpu.memref_slice %arg16[%dma_wait3A_284, %dma_wait3A_285] : memref<128x128xf32, #tpu.memory_space<vmem>> -> memref<128x128xf32, #tpu.memory_space<vmem>>
        %dma_wait3A_287 = arith.constant 0 : i32
        %dma_wait3A_288 = tpu.memref_slice %arg20[%add3A_145, %dma_wait3A_287] : memref<10016x128xf32, #tpu.memory_space<vmem_shared>> -> memref<128x128xf32, #tpu.memory_space<vmem_shared>>
        %dma_wait3A_289 = arith.constant 0 : i32
        %dma_wait3A_290 = arith.constant 0 : i32
        %dma_wait3A_291 = tpu.memref_slice %arg16[%dma_wait3A_289, %dma_wait3A_290] : memref<128x128xf32, #tpu.memory_space<vmem>> -> memref<128x128xf32, #tpu.memory_space<vmem>>
        %dma_wait3A_292 = arith.constant 0 : i32
        %dma_wait3A_293 = tpu.memref_slice %arg20[%add3A_145, %dma_wait3A_292] : memref<10016x128xf32, #tpu.memory_space<vmem_shared>> -> memref<128x128xf32, #tpu.memory_space<vmem_shared>>
        tpu.wait_dma2 semaphore(%run_scoped3A : memref<!tpu.dma_semaphore, #tpu.memory_space<semaphore_mem>>) src(%dma_wait3A_293 : memref<128x128xf32, #tpu.memory_space<vmem_shared>>) dst(%dma_wait3A_291 : memref<128x128xf32, #tpu.memory_space<vmem>>)
        tpu.yield
      }) : () -> ()
      %mul3A_146 = arith.constant 10000 : i32
      %mul3A_147 = arith.muli %arg0, %mul3A_146 : i32
      %add3A_148 = arith.addi %mul3A_147, %add3A_145 : i32
      %dma_start3A_149 = arith.constant 0 : i32
      %dma_start3A_150 = arith.constant 0 : i32
      %dma_start3A_151 = tpu.memref_slice %arg16[%dma_start3A_149, %dma_start3A_150] : memref<128x128xf32, #tpu.memory_space<vmem>> -> memref<128x128xf32, #tpu.memory_space<vmem>>
      %dma_start3A_152 = arith.constant 0 : i32
      %dma_start3A_153 = tpu.memref_slice %arg8[%add3A_148, %dma_start3A_152] : memref<20000x128xf32, #tpu.memory_space<hbm>> -> memref<128x128xf32, #tpu.memory_space<hbm>>
      %dma_start3A_154 = arith.constant 0 : i32
      %dma_start3A_155 = tpu.memref_slice %arg8[%add3A_148, %dma_start3A_154] : memref<20000x128xf32, #tpu.memory_space<hbm>> -> memref<128x128xf32, #tpu.memory_space<hbm>>
      %dma_start3A_156 = arith.constant 0 : i32
      %dma_start3A_157 = arith.constant 0 : i32
      %dma_start3A_158 = tpu.memref_slice %arg16[%dma_start3A_156, %dma_start3A_157] : memref<128x128xf32, #tpu.memory_space<vmem>> -> memref<128x128xf32, #tpu.memory_space<vmem>>
      tpu.enqueue_dma source(%dma_start3A_158 : memref<128x128xf32, #tpu.memory_space<vmem>>) target(%dma_start3A_155 : memref<128x128xf32, #tpu.memory_space<hbm>>) target_semaphore(%arg25 : memref<!tpu.dma_semaphore, #tpu.memory_space<semaphore_mem>>)
      %add3A_159 = arith.constant 128 : i32
      %add3A_160 = arith.addi %mul3A_2, %add3A_159 : i32
      %mul3A_161 = arith.constant 10000 : i32
      %mul3A_162 = arith.muli %arg0, %mul3A_161 : i32
      %add3A_163 = arith.addi %mul3A_162, %add3A_160 : i32
      %dma_wait3A_164 = arith.constant 0 : i32
      %dma_wait3A_165 = arith.constant 0 : i32
      %dma_wait3A_166 = tpu.memref_slice %arg17[%dma_wait3A_164, %dma_wait3A_165] : memref<128x128xf32, #tpu.memory_space<vmem>> -> memref<128x128xf32, #tpu.memory_space<vmem>>
      %dma_wait3A_167 = arith.constant 0 : i32
      %dma_wait3A_168 = tpu.memref_slice %arg8[%add3A_163, %dma_wait3A_167] : memref<20000x128xf32, #tpu.memory_space<hbm>> -> memref<128x128xf32, #tpu.memory_space<hbm>>
      %dma_wait3A_169 = arith.constant 0 : i32
      %dma_wait3A_170 = tpu.memref_slice %arg8[%add3A_163, %dma_wait3A_169] : memref<20000x128xf32, #tpu.memory_space<hbm>> -> memref<128x128xf32, #tpu.memory_space<hbm>>
      %dma_wait3A_171 = arith.constant 0 : i32
      %dma_wait3A_172 = arith.constant 0 : i32
      %dma_wait3A_173 = tpu.memref_slice %arg17[%dma_wait3A_171, %dma_wait3A_172] : memref<128x128xf32, #tpu.memory_space<vmem>> -> memref<128x128xf32, #tpu.memory_space<vmem>>
      tpu.wait_dma2 semaphore(%arg26 : memref<!tpu.dma_semaphore, #tpu.memory_space<semaphore_mem>>) src(%dma_wait3A_173 : memref<128x128xf32, #tpu.memory_space<vmem>>) dst(%dma_wait3A_170 : memref<128x128xf32, #tpu.memory_space<hbm>>)
      %add3A_174 = arith.constant 384 : i32
      %add3A_175 = arith.addi %mul3A_2, %add3A_174 : i32
      "tpu.region"() ({
        %run_scoped3A = tpu.sem_alloc : memref<!tpu.dma_semaphore, #tpu.memory_space<semaphore_mem>>
        %dma_start3A_274 = arith.constant 0 : i32
        %dma_start3A_275 = arith.constant 0 : i32
        %dma_start3A_276 = tpu.memref_slice %arg17[%dma_start3A_274, %dma_start3A_275] : memref<128x128xf32, #tpu.memory_space<vmem>> -> memref<128x128xf32, #tpu.memory_space<vmem>>
        %dma_start3A_277 = arith.constant 0 : i32
        %dma_start3A_278 = tpu.memref_slice %arg20[%add3A_175, %dma_start3A_277] : memref<10016x128xf32, #tpu.memory_space<vmem_shared>> -> memref<128x128xf32, #tpu.memory_space<vmem_shared>>
        %dma_start3A_279 = arith.constant 0 : i32
        %dma_start3A_280 = arith.constant 0 : i32
        %dma_start3A_281 = tpu.memref_slice %arg17[%dma_start3A_279, %dma_start3A_280] : memref<128x128xf32, #tpu.memory_space<vmem>> -> memref<128x128xf32, #tpu.memory_space<vmem>>
        %dma_start3A_282 = arith.constant 0 : i32
        %dma_start3A_283 = tpu.memref_slice %arg20[%add3A_175, %dma_start3A_282] : memref<10016x128xf32, #tpu.memory_space<vmem_shared>> -> memref<128x128xf32, #tpu.memory_space<vmem_shared>>
        tpu.enqueue_dma source(%dma_start3A_283 : memref<128x128xf32, #tpu.memory_space<vmem_shared>>) target(%dma_start3A_281 : memref<128x128xf32, #tpu.memory_space<vmem>>) target_semaphore(%run_scoped3A : memref<!tpu.dma_semaphore, #tpu.memory_space<semaphore_mem>>)
        %dma_wait3A_284 = arith.constant 0 : i32
        %dma_wait3A_285 = arith.constant 0 : i32
        %dma_wait3A_286 = tpu.memref_slice %arg17[%dma_wait3A_284, %dma_wait3A_285] : memref<128x128xf32, #tpu.memory_space<vmem>> -> memref<128x128xf32, #tpu.memory_space<vmem>>
        %dma_wait3A_287 = arith.constant 0 : i32
        %dma_wait3A_288 = tpu.memref_slice %arg20[%add3A_175, %dma_wait3A_287] : memref<10016x128xf32, #tpu.memory_space<vmem_shared>> -> memref<128x128xf32, #tpu.memory_space<vmem_shared>>
        %dma_wait3A_289 = arith.constant 0 : i32
        %dma_wait3A_290 = arith.constant 0 : i32
        %dma_wait3A_291 = tpu.memref_slice %arg17[%dma_wait3A_289, %dma_wait3A_290] : memref<128x128xf32, #tpu.memory_space<vmem>> -> memref<128x128xf32, #tpu.memory_space<vmem>>
        %dma_wait3A_292 = arith.constant 0 : i32
        %dma_wait3A_293 = tpu.memref_slice %arg20[%add3A_175, %dma_wait3A_292] : memref<10016x128xf32, #tpu.memory_space<vmem_shared>> -> memref<128x128xf32, #tpu.memory_space<vmem_shared>>
        tpu.wait_dma2 semaphore(%run_scoped3A : memref<!tpu.dma_semaphore, #tpu.memory_space<semaphore_mem>>) src(%dma_wait3A_293 : memref<128x128xf32, #tpu.memory_space<vmem_shared>>) dst(%dma_wait3A_291 : memref<128x128xf32, #tpu.memory_space<vmem>>)
        tpu.yield
      }) : () -> ()
      %mul3A_176 = arith.constant 10000 : i32
      %mul3A_177 = arith.muli %arg0, %mul3A_176 : i32
      %add3A_178 = arith.addi %mul3A_177, %add3A_175 : i32
      %dma_start3A_179 = arith.constant 0 : i32
      %dma_start3A_180 = arith.constant 0 : i32
      %dma_start3A_181 = tpu.memref_slice %arg17[%dma_start3A_179, %dma_start3A_180] : memref<128x128xf32, #tpu.memory_space<vmem>> -> memref<128x128xf32, #tpu.memory_space<vmem>>
      %dma_start3A_182 = arith.constant 0 : i32
      %dma_start3A_183 = tpu.memref_slice %arg8[%add3A_178, %dma_start3A_182] : memref<20000x128xf32, #tpu.memory_space<hbm>> -> memref<128x128xf32, #tpu.memory_space<hbm>>
      %dma_start3A_184 = arith.constant 0 : i32
      %dma_start3A_185 = tpu.memref_slice %arg8[%add3A_178, %dma_start3A_184] : memref<20000x128xf32, #tpu.memory_space<hbm>> -> memref<128x128xf32, #tpu.memory_space<hbm>>
      %dma_start3A_186 = arith.constant 0 : i32
      %dma_start3A_187 = arith.constant 0 : i32
      %dma_start3A_188 = tpu.memref_slice %arg17[%dma_start3A_186, %dma_start3A_187] : memref<128x128xf32, #tpu.memory_space<vmem>> -> memref<128x128xf32, #tpu.memory_space<vmem>>
      tpu.enqueue_dma source(%dma_start3A_188 : memref<128x128xf32, #tpu.memory_space<vmem>>) target(%dma_start3A_185 : memref<128x128xf32, #tpu.memory_space<hbm>>) target_semaphore(%arg26 : memref<!tpu.dma_semaphore, #tpu.memory_space<semaphore_mem>>)
      %add3A_189 = arith.constant 256 : i32
      %add3A_190 = arith.addi %mul3A_2, %add3A_189 : i32
      %mul3A_191 = arith.constant 10000 : i32
      %mul3A_192 = arith.muli %arg0, %mul3A_191 : i32
      %add3A_193 = arith.addi %mul3A_192, %add3A_190 : i32
      %dma_wait3A_194 = arith.constant 0 : i32
      %dma_wait3A_195 = arith.constant 0 : i32
      %dma_wait3A_196 = tpu.memref_slice %arg16[%dma_wait3A_194, %dma_wait3A_195] : memref<128x128xf32, #tpu.memory_space<vmem>> -> memref<128x128xf32, #tpu.memory_space<vmem>>
      %dma_wait3A_197 = arith.constant 0 : i32
      %dma_wait3A_198 = tpu.memref_slice %arg8[%add3A_193, %dma_wait3A_197] : memref<20000x128xf32, #tpu.memory_space<hbm>> -> memref<128x128xf32, #tpu.memory_space<hbm>>
      %dma_wait3A_199 = arith.constant 0 : i32
      %dma_wait3A_200 = tpu.memref_slice %arg8[%add3A_193, %dma_wait3A_199] : memref<20000x128xf32, #tpu.memory_space<hbm>> -> memref<128x128xf32, #tpu.memory_space<hbm>>
      %dma_wait3A_201 = arith.constant 0 : i32
      %dma_wait3A_202 = arith.constant 0 : i32
      %dma_wait3A_203 = tpu.memref_slice %arg16[%dma_wait3A_201, %dma_wait3A_202] : memref<128x128xf32, #tpu.memory_space<vmem>> -> memref<128x128xf32, #tpu.memory_space<vmem>>
      tpu.wait_dma2 semaphore(%arg25 : memref<!tpu.dma_semaphore, #tpu.memory_space<semaphore_mem>>) src(%dma_wait3A_203 : memref<128x128xf32, #tpu.memory_space<vmem>>) dst(%dma_wait3A_200 : memref<128x128xf32, #tpu.memory_space<hbm>>)
      %add3A_204 = arith.constant 512 : i32
      %add3A_205 = arith.addi %mul3A_2, %add3A_204 : i32
      "tpu.region"() ({
        %run_scoped3A = tpu.sem_alloc : memref<!tpu.dma_semaphore, #tpu.memory_space<semaphore_mem>>
        %dma_start3A_274 = arith.constant 0 : i32
        %dma_start3A_275 = arith.constant 0 : i32
        %dma_start3A_276 = tpu.memref_slice %arg16[%dma_start3A_274, %dma_start3A_275] : memref<128x128xf32, #tpu.memory_space<vmem>> -> memref<128x128xf32, #tpu.memory_space<vmem>>
        %dma_start3A_277 = arith.constant 0 : i32
        %dma_start3A_278 = tpu.memref_slice %arg20[%add3A_205, %dma_start3A_277] : memref<10016x128xf32, #tpu.memory_space<vmem_shared>> -> memref<128x128xf32, #tpu.memory_space<vmem_shared>>
        %dma_start3A_279 = arith.constant 0 : i32
        %dma_start3A_280 = arith.constant 0 : i32
        %dma_start3A_281 = tpu.memref_slice %arg16[%dma_start3A_279, %dma_start3A_280] : memref<128x128xf32, #tpu.memory_space<vmem>> -> memref<128x128xf32, #tpu.memory_space<vmem>>
        %dma_start3A_282 = arith.constant 0 : i32
        %dma_start3A_283 = tpu.memref_slice %arg20[%add3A_205, %dma_start3A_282] : memref<10016x128xf32, #tpu.memory_space<vmem_shared>> -> memref<128x128xf32, #tpu.memory_space<vmem_shared>>
        tpu.enqueue_dma source(%dma_start3A_283 : memref<128x128xf32, #tpu.memory_space<vmem_shared>>) target(%dma_start3A_281 : memref<128x128xf32, #tpu.memory_space<vmem>>) target_semaphore(%run_scoped3A : memref<!tpu.dma_semaphore, #tpu.memory_space<semaphore_mem>>)
        %dma_wait3A_284 = arith.constant 0 : i32
        %dma_wait3A_285 = arith.constant 0 : i32
        %dma_wait3A_286 = tpu.memref_slice %arg16[%dma_wait3A_284, %dma_wait3A_285] : memref<128x128xf32, #tpu.memory_space<vmem>> -> memref<128x128xf32, #tpu.memory_space<vmem>>
        %dma_wait3A_287 = arith.constant 0 : i32
        %dma_wait3A_288 = tpu.memref_slice %arg20[%add3A_205, %dma_wait3A_287] : memref<10016x128xf32, #tpu.memory_space<vmem_shared>> -> memref<128x128xf32, #tpu.memory_space<vmem_shared>>
        %dma_wait3A_289 = arith.constant 0 : i32
        %dma_wait3A_290 = arith.constant 0 : i32
        %dma_wait3A_291 = tpu.memref_slice %arg16[%dma_wait3A_289, %dma_wait3A_290] : memref<128x128xf32, #tpu.memory_space<vmem>> -> memref<128x128xf32, #tpu.memory_space<vmem>>
        %dma_wait3A_292 = arith.constant 0 : i32
        %dma_wait3A_293 = tpu.memref_slice %arg20[%add3A_205, %dma_wait3A_292] : memref<10016x128xf32, #tpu.memory_space<vmem_shared>> -> memref<128x128xf32, #tpu.memory_space<vmem_shared>>
        tpu.wait_dma2 semaphore(%run_scoped3A : memref<!tpu.dma_semaphore, #tpu.memory_space<semaphore_mem>>) src(%dma_wait3A_293 : memref<128x128xf32, #tpu.memory_space<vmem_shared>>) dst(%dma_wait3A_291 : memref<128x128xf32, #tpu.memory_space<vmem>>)
        tpu.yield
      }) : () -> ()
      %mul3A_206 = arith.constant 10000 : i32
      %mul3A_207 = arith.muli %arg0, %mul3A_206 : i32
      %add3A_208 = arith.addi %mul3A_207, %add3A_205 : i32
      %dma_start3A_209 = arith.constant 0 : i32
      %dma_start3A_210 = arith.constant 0 : i32
      %dma_start3A_211 = tpu.memref_slice %arg16[%dma_start3A_209, %dma_start3A_210] : memref<128x128xf32, #tpu.memory_space<vmem>> -> memref<128x128xf32, #tpu.memory_space<vmem>>
      %dma_start3A_212 = arith.constant 0 : i32
      %dma_start3A_213 = tpu.memref_slice %arg8[%add3A_208, %dma_start3A_212] : memref<20000x128xf32, #tpu.memory_space<hbm>> -> memref<128x128xf32, #tpu.memory_space<hbm>>
      %dma_start3A_214 = arith.constant 0 : i32
      %dma_start3A_215 = tpu.memref_slice %arg8[%add3A_208, %dma_start3A_214] : memref<20000x128xf32, #tpu.memory_space<hbm>> -> memref<128x128xf32, #tpu.memory_space<hbm>>
      %dma_start3A_216 = arith.constant 0 : i32
      %dma_start3A_217 = arith.constant 0 : i32
      %dma_start3A_218 = tpu.memref_slice %arg16[%dma_start3A_216, %dma_start3A_217] : memref<128x128xf32, #tpu.memory_space<vmem>> -> memref<128x128xf32, #tpu.memory_space<vmem>>
      tpu.enqueue_dma source(%dma_start3A_218 : memref<128x128xf32, #tpu.memory_space<vmem>>) target(%dma_start3A_215 : memref<128x128xf32, #tpu.memory_space<hbm>>) target_semaphore(%arg25 : memref<!tpu.dma_semaphore, #tpu.memory_space<semaphore_mem>>)
      %add3A_219 = arith.constant 384 : i32
      %add3A_220 = arith.addi %mul3A_2, %add3A_219 : i32
      %mul3A_221 = arith.constant 10000 : i32
      %mul3A_222 = arith.muli %arg0, %mul3A_221 : i32
      %add3A_223 = arith.addi %mul3A_222, %add3A_220 : i32
      %dma_wait3A_224 = arith.constant 0 : i32
      %dma_wait3A_225 = arith.constant 0 : i32
      %dma_wait3A_226 = tpu.memref_slice %arg17[%dma_wait3A_224, %dma_wait3A_225] : memref<128x128xf32, #tpu.memory_space<vmem>> -> memref<128x128xf32, #tpu.memory_space<vmem>>
      %dma_wait3A_227 = arith.constant 0 : i32
      %dma_wait3A_228 = tpu.memref_slice %arg8[%add3A_223, %dma_wait3A_227] : memref<20000x128xf32, #tpu.memory_space<hbm>> -> memref<128x128xf32, #tpu.memory_space<hbm>>
      %dma_wait3A_229 = arith.constant 0 : i32
      %dma_wait3A_230 = tpu.memref_slice %arg8[%add3A_223, %dma_wait3A_229] : memref<20000x128xf32, #tpu.memory_space<hbm>> -> memref<128x128xf32, #tpu.memory_space<hbm>>
      %dma_wait3A_231 = arith.constant 0 : i32
      %dma_wait3A_232 = arith.constant 0 : i32
      %dma_wait3A_233 = tpu.memref_slice %arg17[%dma_wait3A_231, %dma_wait3A_232] : memref<128x128xf32, #tpu.memory_space<vmem>> -> memref<128x128xf32, #tpu.memory_space<vmem>>
      tpu.wait_dma2 semaphore(%arg26 : memref<!tpu.dma_semaphore, #tpu.memory_space<semaphore_mem>>) src(%dma_wait3A_233 : memref<128x128xf32, #tpu.memory_space<vmem>>) dst(%dma_wait3A_230 : memref<128x128xf32, #tpu.memory_space<hbm>>)
      %add3A_234 = arith.constant 512 : i32
      %add3A_235 = arith.addi %mul3A_2, %add3A_234 : i32
      %mul3A_236 = arith.constant 10000 : i32
      %mul3A_237 = arith.muli %arg0, %mul3A_236 : i32
      %add3A_238 = arith.addi %mul3A_237, %add3A_235 : i32
      %dma_wait3A_239 = arith.constant 0 : i32
      %dma_wait3A_240 = arith.constant 0 : i32
      %dma_wait3A_241 = tpu.memref_slice %arg16[%dma_wait3A_239, %dma_wait3A_240] : memref<128x128xf32, #tpu.memory_space<vmem>> -> memref<128x128xf32, #tpu.memory_space<vmem>>
      %dma_wait3A_242 = arith.constant 0 : i32
      %dma_wait3A_243 = tpu.memref_slice %arg8[%add3A_238, %dma_wait3A_242] : memref<20000x128xf32, #tpu.memory_space<hbm>> -> memref<128x128xf32, #tpu.memory_space<hbm>>
      %dma_wait3A_244 = arith.constant 0 : i32
      %dma_wait3A_245 = tpu.memref_slice %arg8[%add3A_238, %dma_wait3A_244] : memref<20000x128xf32, #tpu.memory_space<hbm>> -> memref<128x128xf32, #tpu.memory_space<hbm>>
      %dma_wait3A_246 = arith.constant 0 : i32
      %dma_wait3A_247 = arith.constant 0 : i32
      %dma_wait3A_248 = tpu.memref_slice %arg16[%dma_wait3A_246, %dma_wait3A_247] : memref<128x128xf32, #tpu.memory_space<vmem>> -> memref<128x128xf32, #tpu.memory_space<vmem>>
      tpu.wait_dma2 semaphore(%arg25 : memref<!tpu.dma_semaphore, #tpu.memory_space<semaphore_mem>>) src(%dma_wait3A_248 : memref<128x128xf32, #tpu.memory_space<vmem>>) dst(%dma_wait3A_245 : memref<128x128xf32, #tpu.memory_space<hbm>>)
      %add3A_249 = arith.constant 0 : i32
      %add3A_250 = arith.addi %mul3A_2, %add3A_249 : i32
      "tpu.region"() ({
        %run_scoped3A = tpu.sem_alloc : memref<!tpu.dma_semaphore, #tpu.memory_space<semaphore_mem>>
        %dma_start3A_274 = arith.constant 0 : i32
        %dma_start3A_275 = tpu.memref_slice %arg19[%dma_start3A_274] : memref<128xf32, #tpu.memory_space<vmem>> -> memref<128xf32, #tpu.memory_space<vmem>>
        %dma_start3A_276 = tpu.memref_slice %arg21[%add3A_250] : memref<10016xf32, #tpu.memory_space<vmem_shared>> -> memref<128xf32, #tpu.memory_space<vmem_shared>>
        %dma_start3A_277 = arith.constant 0 : i32
        %dma_start3A_278 = tpu.memref_slice %arg19[%dma_start3A_277] : memref<128xf32, #tpu.memory_space<vmem>> -> memref<128xf32, #tpu.memory_space<vmem>>
        %dma_start3A_279 = tpu.memref_slice %arg21[%add3A_250] : memref<10016xf32, #tpu.memory_space<vmem_shared>> -> memref<128xf32, #tpu.memory_space<vmem_shared>>
        tpu.enqueue_dma source(%dma_start3A_279 : memref<128xf32, #tpu.memory_space<vmem_shared>>) target(%dma_start3A_278 : memref<128xf32, #tpu.memory_space<vmem>>) target_semaphore(%run_scoped3A : memref<!tpu.dma_semaphore, #tpu.memory_space<semaphore_mem>>)
        %dma_wait3A_280 = arith.constant 0 : i32
        %dma_wait3A_281 = tpu.memref_slice %arg19[%dma_wait3A_280] : memref<128xf32, #tpu.memory_space<vmem>> -> memref<128xf32, #tpu.memory_space<vmem>>
        %dma_wait3A_282 = tpu.memref_slice %arg21[%add3A_250] : memref<10016xf32, #tpu.memory_space<vmem_shared>> -> memref<128xf32, #tpu.memory_space<vmem_shared>>
        %dma_wait3A_283 = arith.constant 0 : i32
        %dma_wait3A_284 = tpu.memref_slice %arg19[%dma_wait3A_283] : memref<128xf32, #tpu.memory_space<vmem>> -> memref<128xf32, #tpu.memory_space<vmem>>
        %dma_wait3A_285 = tpu.memref_slice %arg21[%add3A_250] : memref<10016xf32, #tpu.memory_space<vmem_shared>> -> memref<128xf32, #tpu.memory_space<vmem_shared>>
        tpu.wait_dma2 semaphore(%run_scoped3A : memref<!tpu.dma_semaphore, #tpu.memory_space<semaphore_mem>>) src(%dma_wait3A_285 : memref<128xf32, #tpu.memory_space<vmem_shared>>) dst(%dma_wait3A_284 : memref<128xf32, #tpu.memory_space<vmem>>)
        tpu.yield
      }) : () -> ()
      %mul3A_251 = arith.constant 10000 : i32
      %mul3A_252 = arith.muli %arg0, %mul3A_251 : i32
      %add3A_253 = arith.addi %mul3A_252, %add3A_250 : i32
      "tpu.region"() ({
        %run_scoped3A = tpu.sem_alloc : memref<!tpu.dma_semaphore, #tpu.memory_space<semaphore_mem>>
        %dma_start3A_274 = arith.constant 0 : i32
        %dma_start3A_275 = tpu.memref_slice %arg19[%dma_start3A_274] : memref<128xf32, #tpu.memory_space<vmem>> -> memref<128xf32, #tpu.memory_space<vmem>>
        %dma_start3A_276 = tpu.memref_slice %arg9[%add3A_253] : memref<20000xf32, #tpu.memory_space<hbm>> -> memref<128xf32, #tpu.memory_space<hbm>>
        %dma_start3A_277 = tpu.memref_slice %arg9[%add3A_253] : memref<20000xf32, #tpu.memory_space<hbm>> -> memref<128xf32, #tpu.memory_space<hbm>>
        %dma_start3A_278 = arith.constant 0 : i32
        %dma_start3A_279 = tpu.memref_slice %arg19[%dma_start3A_278] : memref<128xf32, #tpu.memory_space<vmem>> -> memref<128xf32, #tpu.memory_space<vmem>>
        tpu.enqueue_dma source(%dma_start3A_279 : memref<128xf32, #tpu.memory_space<vmem>>) target(%dma_start3A_277 : memref<128xf32, #tpu.memory_space<hbm>>) target_semaphore(%run_scoped3A : memref<!tpu.dma_semaphore, #tpu.memory_space<semaphore_mem>>)
        %dma_wait3A_280 = arith.constant 0 : i32
        %dma_wait3A_281 = tpu.memref_slice %arg19[%dma_wait3A_280] : memref<128xf32, #tpu.memory_space<vmem>> -> memref<128xf32, #tpu.memory_space<vmem>>
        %dma_wait3A_282 = tpu.memref_slice %arg9[%add3A_253] : memref<20000xf32, #tpu.memory_space<hbm>> -> memref<128xf32, #tpu.memory_space<hbm>>
        %dma_wait3A_283 = tpu.memref_slice %arg9[%add3A_253] : memref<20000xf32, #tpu.memory_space<hbm>> -> memref<128xf32, #tpu.memory_space<hbm>>
        %dma_wait3A_284 = arith.constant 0 : i32
        %dma_wait3A_285 = tpu.memref_slice %arg19[%dma_wait3A_284] : memref<128xf32, #tpu.memory_space<vmem>> -> memref<128xf32, #tpu.memory_space<vmem>>
        tpu.wait_dma2 semaphore(%run_scoped3A : memref<!tpu.dma_semaphore, #tpu.memory_space<semaphore_mem>>) src(%dma_wait3A_285 : memref<128xf32, #tpu.memory_space<vmem>>) dst(%dma_wait3A_283 : memref<128xf32, #tpu.memory_space<hbm>>)
        tpu.yield
      }) : () -> ()
      %add3A_254 = arith.constant 128 : i32
      %add3A_255 = arith.addi %mul3A_2, %add3A_254 : i32
      "tpu.region"() ({
        %run_scoped3A = tpu.sem_alloc : memref<!tpu.dma_semaphore, #tpu.memory_space<semaphore_mem>>
        %dma_start3A_274 = arith.constant 0 : i32
        %dma_start3A_275 = tpu.memref_slice %arg19[%dma_start3A_274] : memref<128xf32, #tpu.memory_space<vmem>> -> memref<128xf32, #tpu.memory_space<vmem>>
        %dma_start3A_276 = tpu.memref_slice %arg21[%add3A_255] : memref<10016xf32, #tpu.memory_space<vmem_shared>> -> memref<128xf32, #tpu.memory_space<vmem_shared>>
        %dma_start3A_277 = arith.constant 0 : i32
        %dma_start3A_278 = tpu.memref_slice %arg19[%dma_start3A_277] : memref<128xf32, #tpu.memory_space<vmem>> -> memref<128xf32, #tpu.memory_space<vmem>>
        %dma_start3A_279 = tpu.memref_slice %arg21[%add3A_255] : memref<10016xf32, #tpu.memory_space<vmem_shared>> -> memref<128xf32, #tpu.memory_space<vmem_shared>>
        tpu.enqueue_dma source(%dma_start3A_279 : memref<128xf32, #tpu.memory_space<vmem_shared>>) target(%dma_start3A_278 : memref<128xf32, #tpu.memory_space<vmem>>) target_semaphore(%run_scoped3A : memref<!tpu.dma_semaphore, #tpu.memory_space<semaphore_mem>>)
        %dma_wait3A_280 = arith.constant 0 : i32
        %dma_wait3A_281 = tpu.memref_slice %arg19[%dma_wait3A_280] : memref<128xf32, #tpu.memory_space<vmem>> -> memref<128xf32, #tpu.memory_space<vmem>>
        %dma_wait3A_282 = tpu.memref_slice %arg21[%add3A_255] : memref<10016xf32, #tpu.memory_space<vmem_shared>> -> memref<128xf32, #tpu.memory_space<vmem_shared>>
        %dma_wait3A_283 = arith.constant 0 : i32
        %dma_wait3A_284 = tpu.memref_slice %arg19[%dma_wait3A_283] : memref<128xf32, #tpu.memory_space<vmem>> -> memref<128xf32, #tpu.memory_space<vmem>>
        %dma_wait3A_285 = tpu.memref_slice %arg21[%add3A_255] : memref<10016xf32, #tpu.memory_space<vmem_shared>> -> memref<128xf32, #tpu.memory_space<vmem_shared>>
        tpu.wait_dma2 semaphore(%run_scoped3A : memref<!tpu.dma_semaphore, #tpu.memory_space<semaphore_mem>>) src(%dma_wait3A_285 : memref<128xf32, #tpu.memory_space<vmem_shared>>) dst(%dma_wait3A_284 : memref<128xf32, #tpu.memory_space<vmem>>)
        tpu.yield
      }) : () -> ()
      %mul3A_256 = arith.constant 10000 : i32
      %mul3A_257 = arith.muli %arg0, %mul3A_256 : i32
      %add3A_258 = arith.addi %mul3A_257, %add3A_255 : i32
      "tpu.region"() ({
        %run_scoped3A = tpu.sem_alloc : memref<!tpu.dma_semaphore, #tpu.memory_space<semaphore_mem>>
        %dma_start3A_274 = arith.constant 0 : i32
        %dma_start3A_275 = tpu.memref_slice %arg19[%dma_start3A_274] : memref<128xf32, #tpu.memory_space<vmem>> -> memref<128xf32, #tpu.memory_space<vmem>>
        %dma_start3A_276 = tpu.memref_slice %arg9[%add3A_258] : memref<20000xf32, #tpu.memory_space<hbm>> -> memref<128xf32, #tpu.memory_space<hbm>>
        %dma_start3A_277 = tpu.memref_slice %arg9[%add3A_258] : memref<20000xf32, #tpu.memory_space<hbm>> -> memref<128xf32, #tpu.memory_space<hbm>>
        %dma_start3A_278 = arith.constant 0 : i32
        %dma_start3A_279 = tpu.memref_slice %arg19[%dma_start3A_278] : memref<128xf32, #tpu.memory_space<vmem>> -> memref<128xf32, #tpu.memory_space<vmem>>
        tpu.enqueue_dma source(%dma_start3A_279 : memref<128xf32, #tpu.memory_space<vmem>>) target(%dma_start3A_277 : memref<128xf32, #tpu.memory_space<hbm>>) target_semaphore(%run_scoped3A : memref<!tpu.dma_semaphore, #tpu.memory_space<semaphore_mem>>)
        %dma_wait3A_280 = arith.constant 0 : i32
        %dma_wait3A_281 = tpu.memref_slice %arg19[%dma_wait3A_280] : memref<128xf32, #tpu.memory_space<vmem>> -> memref<128xf32, #tpu.memory_space<vmem>>
        %dma_wait3A_282 = tpu.memref_slice %arg9[%add3A_258] : memref<20000xf32, #tpu.memory_space<hbm>> -> memref<128xf32, #tpu.memory_space<hbm>>
        %dma_wait3A_283 = tpu.memref_slice %arg9[%add3A_258] : memref<20000xf32, #tpu.memory_space<hbm>> -> memref<128xf32, #tpu.memory_space<hbm>>
        %dma_wait3A_284 = arith.constant 0 : i32
        %dma_wait3A_285 = tpu.memref_slice %arg19[%dma_wait3A_284] : memref<128xf32, #tpu.memory_space<vmem>> -> memref<128xf32, #tpu.memory_space<vmem>>
        tpu.wait_dma2 semaphore(%run_scoped3A : memref<!tpu.dma_semaphore, #tpu.memory_space<semaphore_mem>>) src(%dma_wait3A_285 : memref<128xf32, #tpu.memory_space<vmem>>) dst(%dma_wait3A_283 : memref<128xf32, #tpu.memory_space<hbm>>)
        tpu.yield
      }) : () -> ()
      %add3A_259 = arith.constant 256 : i32
      %add3A_260 = arith.addi %mul3A_2, %add3A_259 : i32
      "tpu.region"() ({
        %run_scoped3A = tpu.sem_alloc : memref<!tpu.dma_semaphore, #tpu.memory_space<semaphore_mem>>
        %dma_start3A_274 = arith.constant 0 : i32
        %dma_start3A_275 = tpu.memref_slice %arg19[%dma_start3A_274] : memref<128xf32, #tpu.memory_space<vmem>> -> memref<128xf32, #tpu.memory_space<vmem>>
        %dma_start3A_276 = tpu.memref_slice %arg21[%add3A_260] : memref<10016xf32, #tpu.memory_space<vmem_shared>> -> memref<128xf32, #tpu.memory_space<vmem_shared>>
        %dma_start3A_277 = arith.constant 0 : i32
        %dma_start3A_278 = tpu.memref_slice %arg19[%dma_start3A_277] : memref<128xf32, #tpu.memory_space<vmem>> -> memref<128xf32, #tpu.memory_space<vmem>>
        %dma_start3A_279 = tpu.memref_slice %arg21[%add3A_260] : memref<10016xf32, #tpu.memory_space<vmem_shared>> -> memref<128xf32, #tpu.memory_space<vmem_shared>>
        tpu.enqueue_dma source(%dma_start3A_279 : memref<128xf32, #tpu.memory_space<vmem_shared>>) target(%dma_start3A_278 : memref<128xf32, #tpu.memory_space<vmem>>) target_semaphore(%run_scoped3A : memref<!tpu.dma_semaphore, #tpu.memory_space<semaphore_mem>>)
        %dma_wait3A_280 = arith.constant 0 : i32
        %dma_wait3A_281 = tpu.memref_slice %arg19[%dma_wait3A_280] : memref<128xf32, #tpu.memory_space<vmem>> -> memref<128xf32, #tpu.memory_space<vmem>>
        %dma_wait3A_282 = tpu.memref_slice %arg21[%add3A_260] : memref<10016xf32, #tpu.memory_space<vmem_shared>> -> memref<128xf32, #tpu.memory_space<vmem_shared>>
        %dma_wait3A_283 = arith.constant 0 : i32
        %dma_wait3A_284 = tpu.memref_slice %arg19[%dma_wait3A_283] : memref<128xf32, #tpu.memory_space<vmem>> -> memref<128xf32, #tpu.memory_space<vmem>>
        %dma_wait3A_285 = tpu.memref_slice %arg21[%add3A_260] : memref<10016xf32, #tpu.memory_space<vmem_shared>> -> memref<128xf32, #tpu.memory_space<vmem_shared>>
        tpu.wait_dma2 semaphore(%run_scoped3A : memref<!tpu.dma_semaphore, #tpu.memory_space<semaphore_mem>>) src(%dma_wait3A_285 : memref<128xf32, #tpu.memory_space<vmem_shared>>) dst(%dma_wait3A_284 : memref<128xf32, #tpu.memory_space<vmem>>)
        tpu.yield
      }) : () -> ()
      %mul3A_261 = arith.constant 10000 : i32
      %mul3A_262 = arith.muli %arg0, %mul3A_261 : i32
      %add3A_263 = arith.addi %mul3A_262, %add3A_260 : i32
      "tpu.region"() ({
        %run_scoped3A = tpu.sem_alloc : memref<!tpu.dma_semaphore, #tpu.memory_space<semaphore_mem>>
        %dma_start3A_274 = arith.constant 0 : i32
        %dma_start3A_275 = tpu.memref_slice %arg19[%dma_start3A_274] : memref<128xf32, #tpu.memory_space<vmem>> -> memref<128xf32, #tpu.memory_space<vmem>>
        %dma_start3A_276 = tpu.memref_slice %arg9[%add3A_263] : memref<20000xf32, #tpu.memory_space<hbm>> -> memref<128xf32, #tpu.memory_space<hbm>>
        %dma_start3A_277 = tpu.memref_slice %arg9[%add3A_263] : memref<20000xf32, #tpu.memory_space<hbm>> -> memref<128xf32, #tpu.memory_space<hbm>>
        %dma_start3A_278 = arith.constant 0 : i32
        %dma_start3A_279 = tpu.memref_slice %arg19[%dma_start3A_278] : memref<128xf32, #tpu.memory_space<vmem>> -> memref<128xf32, #tpu.memory_space<vmem>>
        tpu.enqueue_dma source(%dma_start3A_279 : memref<128xf32, #tpu.memory_space<vmem>>) target(%dma_start3A_277 : memref<128xf32, #tpu.memory_space<hbm>>) target_semaphore(%run_scoped3A : memref<!tpu.dma_semaphore, #tpu.memory_space<semaphore_mem>>)
        %dma_wait3A_280 = arith.constant 0 : i32
        %dma_wait3A_281 = tpu.memref_slice %arg19[%dma_wait3A_280] : memref<128xf32, #tpu.memory_space<vmem>> -> memref<128xf32, #tpu.memory_space<vmem>>
        %dma_wait3A_282 = tpu.memref_slice %arg9[%add3A_263] : memref<20000xf32, #tpu.memory_space<hbm>> -> memref<128xf32, #tpu.memory_space<hbm>>
        %dma_wait3A_283 = tpu.memref_slice %arg9[%add3A_263] : memref<20000xf32, #tpu.memory_space<hbm>> -> memref<128xf32, #tpu.memory_space<hbm>>
        %dma_wait3A_284 = arith.constant 0 : i32
        %dma_wait3A_285 = tpu.memref_slice %arg19[%dma_wait3A_284] : memref<128xf32, #tpu.memory_space<vmem>> -> memref<128xf32, #tpu.memory_space<vmem>>
        tpu.wait_dma2 semaphore(%run_scoped3A : memref<!tpu.dma_semaphore, #tpu.memory_space<semaphore_mem>>) src(%dma_wait3A_285 : memref<128xf32, #tpu.memory_space<vmem>>) dst(%dma_wait3A_283 : memref<128xf32, #tpu.memory_space<hbm>>)
        tpu.yield
      }) : () -> ()
      %add3A_264 = arith.constant 384 : i32
      %add3A_265 = arith.addi %mul3A_2, %add3A_264 : i32
      "tpu.region"() ({
        %run_scoped3A = tpu.sem_alloc : memref<!tpu.dma_semaphore, #tpu.memory_space<semaphore_mem>>
        %dma_start3A_274 = arith.constant 0 : i32
        %dma_start3A_275 = tpu.memref_slice %arg19[%dma_start3A_274] : memref<128xf32, #tpu.memory_space<vmem>> -> memref<128xf32, #tpu.memory_space<vmem>>
        %dma_start3A_276 = tpu.memref_slice %arg21[%add3A_265] : memref<10016xf32, #tpu.memory_space<vmem_shared>> -> memref<128xf32, #tpu.memory_space<vmem_shared>>
        %dma_start3A_277 = arith.constant 0 : i32
        %dma_start3A_278 = tpu.memref_slice %arg19[%dma_start3A_277] : memref<128xf32, #tpu.memory_space<vmem>> -> memref<128xf32, #tpu.memory_space<vmem>>
        %dma_start3A_279 = tpu.memref_slice %arg21[%add3A_265] : memref<10016xf32, #tpu.memory_space<vmem_shared>> -> memref<128xf32, #tpu.memory_space<vmem_shared>>
        tpu.enqueue_dma source(%dma_start3A_279 : memref<128xf32, #tpu.memory_space<vmem_shared>>) target(%dma_start3A_278 : memref<128xf32, #tpu.memory_space<vmem>>) target_semaphore(%run_scoped3A : memref<!tpu.dma_semaphore, #tpu.memory_space<semaphore_mem>>)
        %dma_wait3A_280 = arith.constant 0 : i32
        %dma_wait3A_281 = tpu.memref_slice %arg19[%dma_wait3A_280] : memref<128xf32, #tpu.memory_space<vmem>> -> memref<128xf32, #tpu.memory_space<vmem>>
        %dma_wait3A_282 = tpu.memref_slice %arg21[%add3A_265] : memref<10016xf32, #tpu.memory_space<vmem_shared>> -> memref<128xf32, #tpu.memory_space<vmem_shared>>
        %dma_wait3A_283 = arith.constant 0 : i32
        %dma_wait3A_284 = tpu.memref_slice %arg19[%dma_wait3A_283] : memref<128xf32, #tpu.memory_space<vmem>> -> memref<128xf32, #tpu.memory_space<vmem>>
        %dma_wait3A_285 = tpu.memref_slice %arg21[%add3A_265] : memref<10016xf32, #tpu.memory_space<vmem_shared>> -> memref<128xf32, #tpu.memory_space<vmem_shared>>
        tpu.wait_dma2 semaphore(%run_scoped3A : memref<!tpu.dma_semaphore, #tpu.memory_space<semaphore_mem>>) src(%dma_wait3A_285 : memref<128xf32, #tpu.memory_space<vmem_shared>>) dst(%dma_wait3A_284 : memref<128xf32, #tpu.memory_space<vmem>>)
        tpu.yield
      }) : () -> ()
      %mul3A_266 = arith.constant 10000 : i32
      %mul3A_267 = arith.muli %arg0, %mul3A_266 : i32
      %add3A_268 = arith.addi %mul3A_267, %add3A_265 : i32
      "tpu.region"() ({
        %run_scoped3A = tpu.sem_alloc : memref<!tpu.dma_semaphore, #tpu.memory_space<semaphore_mem>>
        %dma_start3A_274 = arith.constant 0 : i32
        %dma_start3A_275 = tpu.memref_slice %arg19[%dma_start3A_274] : memref<128xf32, #tpu.memory_space<vmem>> -> memref<128xf32, #tpu.memory_space<vmem>>
        %dma_start3A_276 = tpu.memref_slice %arg9[%add3A_268] : memref<20000xf32, #tpu.memory_space<hbm>> -> memref<128xf32, #tpu.memory_space<hbm>>
        %dma_start3A_277 = tpu.memref_slice %arg9[%add3A_268] : memref<20000xf32, #tpu.memory_space<hbm>> -> memref<128xf32, #tpu.memory_space<hbm>>
        %dma_start3A_278 = arith.constant 0 : i32
        %dma_start3A_279 = tpu.memref_slice %arg19[%dma_start3A_278] : memref<128xf32, #tpu.memory_space<vmem>> -> memref<128xf32, #tpu.memory_space<vmem>>
        tpu.enqueue_dma source(%dma_start3A_279 : memref<128xf32, #tpu.memory_space<vmem>>) target(%dma_start3A_277 : memref<128xf32, #tpu.memory_space<hbm>>) target_semaphore(%run_scoped3A : memref<!tpu.dma_semaphore, #tpu.memory_space<semaphore_mem>>)
        %dma_wait3A_280 = arith.constant 0 : i32
        %dma_wait3A_281 = tpu.memref_slice %arg19[%dma_wait3A_280] : memref<128xf32, #tpu.memory_space<vmem>> -> memref<128xf32, #tpu.memory_space<vmem>>
        %dma_wait3A_282 = tpu.memref_slice %arg9[%add3A_268] : memref<20000xf32, #tpu.memory_space<hbm>> -> memref<128xf32, #tpu.memory_space<hbm>>
        %dma_wait3A_283 = tpu.memref_slice %arg9[%add3A_268] : memref<20000xf32, #tpu.memory_space<hbm>> -> memref<128xf32, #tpu.memory_space<hbm>>
        %dma_wait3A_284 = arith.constant 0 : i32
        %dma_wait3A_285 = tpu.memref_slice %arg19[%dma_wait3A_284] : memref<128xf32, #tpu.memory_space<vmem>> -> memref<128xf32, #tpu.memory_space<vmem>>
        tpu.wait_dma2 semaphore(%run_scoped3A : memref<!tpu.dma_semaphore, #tpu.memory_space<semaphore_mem>>) src(%dma_wait3A_285 : memref<128xf32, #tpu.memory_space<vmem>>) dst(%dma_wait3A_283 : memref<128xf32, #tpu.memory_space<hbm>>)
        tpu.yield
      }) : () -> ()
      %add3A_269 = arith.constant 512 : i32
      %add3A_270 = arith.addi %mul3A_2, %add3A_269 : i32
      "tpu.region"() ({
        %run_scoped3A = tpu.sem_alloc : memref<!tpu.dma_semaphore, #tpu.memory_space<semaphore_mem>>
        %dma_start3A_274 = arith.constant 0 : i32
        %dma_start3A_275 = tpu.memref_slice %arg19[%dma_start3A_274] : memref<128xf32, #tpu.memory_space<vmem>> -> memref<128xf32, #tpu.memory_space<vmem>>
        %dma_start3A_276 = tpu.memref_slice %arg21[%add3A_270] : memref<10016xf32, #tpu.memory_space<vmem_shared>> -> memref<128xf32, #tpu.memory_space<vmem_shared>>
        %dma_start3A_277 = arith.constant 0 : i32
        %dma_start3A_278 = tpu.memref_slice %arg19[%dma_start3A_277] : memref<128xf32, #tpu.memory_space<vmem>> -> memref<128xf32, #tpu.memory_space<vmem>>
        %dma_start3A_279 = tpu.memref_slice %arg21[%add3A_270] : memref<10016xf32, #tpu.memory_space<vmem_shared>> -> memref<128xf32, #tpu.memory_space<vmem_shared>>
        tpu.enqueue_dma source(%dma_start3A_279 : memref<128xf32, #tpu.memory_space<vmem_shared>>) target(%dma_start3A_278 : memref<128xf32, #tpu.memory_space<vmem>>) target_semaphore(%run_scoped3A : memref<!tpu.dma_semaphore, #tpu.memory_space<semaphore_mem>>)
        %dma_wait3A_280 = arith.constant 0 : i32
        %dma_wait3A_281 = tpu.memref_slice %arg19[%dma_wait3A_280] : memref<128xf32, #tpu.memory_space<vmem>> -> memref<128xf32, #tpu.memory_space<vmem>>
        %dma_wait3A_282 = tpu.memref_slice %arg21[%add3A_270] : memref<10016xf32, #tpu.memory_space<vmem_shared>> -> memref<128xf32, #tpu.memory_space<vmem_shared>>
        %dma_wait3A_283 = arith.constant 0 : i32
        %dma_wait3A_284 = tpu.memref_slice %arg19[%dma_wait3A_283] : memref<128xf32, #tpu.memory_space<vmem>> -> memref<128xf32, #tpu.memory_space<vmem>>
        %dma_wait3A_285 = tpu.memref_slice %arg21[%add3A_270] : memref<10016xf32, #tpu.memory_space<vmem_shared>> -> memref<128xf32, #tpu.memory_space<vmem_shared>>
        tpu.wait_dma2 semaphore(%run_scoped3A : memref<!tpu.dma_semaphore, #tpu.memory_space<semaphore_mem>>) src(%dma_wait3A_285 : memref<128xf32, #tpu.memory_space<vmem_shared>>) dst(%dma_wait3A_284 : memref<128xf32, #tpu.memory_space<vmem>>)
        tpu.yield
      }) : () -> ()
      %mul3A_271 = arith.constant 10000 : i32
      %mul3A_272 = arith.muli %arg0, %mul3A_271 : i32
      %add3A_273 = arith.addi %mul3A_272, %add3A_270 : i32
      "tpu.region"() ({
        %run_scoped3A = tpu.sem_alloc : memref<!tpu.dma_semaphore, #tpu.memory_space<semaphore_mem>>
        %dma_start3A_274 = arith.constant 0 : i32
        %dma_start3A_275 = tpu.memref_slice %arg19[%dma_start3A_274] : memref<128xf32, #tpu.memory_space<vmem>> -> memref<128xf32, #tpu.memory_space<vmem>>
        %dma_start3A_276 = tpu.memref_slice %arg9[%add3A_273] : memref<20000xf32, #tpu.memory_space<hbm>> -> memref<128xf32, #tpu.memory_space<hbm>>
        %dma_start3A_277 = tpu.memref_slice %arg9[%add3A_273] : memref<20000xf32, #tpu.memory_space<hbm>> -> memref<128xf32, #tpu.memory_space<hbm>>
        %dma_start3A_278 = arith.constant 0 : i32
        %dma_start3A_279 = tpu.memref_slice %arg19[%dma_start3A_278] : memref<128xf32, #tpu.memory_space<vmem>> -> memref<128xf32, #tpu.memory_space<vmem>>
        tpu.enqueue_dma source(%dma_start3A_279 : memref<128xf32, #tpu.memory_space<vmem>>) target(%dma_start3A_277 : memref<128xf32, #tpu.memory_space<hbm>>) target_semaphore(%run_scoped3A : memref<!tpu.dma_semaphore, #tpu.memory_space<semaphore_mem>>)
        %dma_wait3A_280 = arith.constant 0 : i32
        %dma_wait3A_281 = tpu.memref_slice %arg19[%dma_wait3A_280] : memref<128xf32, #tpu.memory_space<vmem>> -> memref<128xf32, #tpu.memory_space<vmem>>
        %dma_wait3A_282 = tpu.memref_slice %arg9[%add3A_273] : memref<20000xf32, #tpu.memory_space<hbm>> -> memref<128xf32, #tpu.memory_space<hbm>>
        %dma_wait3A_283 = tpu.memref_slice %arg9[%add3A_273] : memref<20000xf32, #tpu.memory_space<hbm>> -> memref<128xf32, #tpu.memory_space<hbm>>
        %dma_wait3A_284 = arith.constant 0 : i32
        %dma_wait3A_285 = tpu.memref_slice %arg19[%dma_wait3A_284] : memref<128xf32, #tpu.memory_space<vmem>> -> memref<128xf32, #tpu.memory_space<vmem>>
        tpu.wait_dma2 semaphore(%run_scoped3A : memref<!tpu.dma_semaphore, #tpu.memory_space<semaphore_mem>>) src(%dma_wait3A_285 : memref<128xf32, #tpu.memory_space<vmem>>) dst(%dma_wait3A_283 : memref<128xf32, #tpu.memory_space<hbm>>)
        tpu.yield
      }) : () -> ()
    } else {
    }
    %eq3A_94 = arith.constant 15 : i32
    %eq3A_95 = arith.cmpi eq, %arg1, %eq3A_94 : i32
    %convert_element_type3A_96 = arith.extui %eq3A_95 : i1 to i32
    %cond3A_97 = arith.constant 0 : i32
    %cond3A_98 = arith.cmpi ne, %convert_element_type3A_96, %cond3A_97 : i32
    scf.if %cond3A_98 {
      %add3A_99 = arith.constant 0 : i32
      %add3A_100 = arith.addi %mul3A_2, %add3A_99 : i32
      "tpu.region"() ({
        %run_scoped3A = tpu.sem_alloc : memref<!tpu.dma_semaphore, #tpu.memory_space<semaphore_mem>>
        %dma_start3A_239 = arith.constant 0 : i32
        %dma_start3A_240 = arith.constant 0 : i32
        %dma_start3A_241 = tpu.memref_slice %arg16[%dma_start3A_239, %dma_start3A_240] : memref<128x128xf32, #tpu.memory_space<vmem>> -> memref<128x128xf32, #tpu.memory_space<vmem>>
        %dma_start3A_242 = arith.constant 0 : i32
        %dma_start3A_243 = tpu.memref_slice %arg20[%add3A_100, %dma_start3A_242] : memref<10016x128xf32, #tpu.memory_space<vmem_shared>> -> memref<128x128xf32, #tpu.memory_space<vmem_shared>>
        %dma_start3A_244 = arith.constant 0 : i32
        %dma_start3A_245 = arith.constant 0 : i32
        %dma_start3A_246 = tpu.memref_slice %arg16[%dma_start3A_244, %dma_start3A_245] : memref<128x128xf32, #tpu.memory_space<vmem>> -> memref<128x128xf32, #tpu.memory_space<vmem>>
        %dma_start3A_247 = arith.constant 0 : i32
        %dma_start3A_248 = tpu.memref_slice %arg20[%add3A_100, %dma_start3A_247] : memref<10016x128xf32, #tpu.memory_space<vmem_shared>> -> memref<128x128xf32, #tpu.memory_space<vmem_shared>>
        tpu.enqueue_dma source(%dma_start3A_248 : memref<128x128xf32, #tpu.memory_space<vmem_shared>>) target(%dma_start3A_246 : memref<128x128xf32, #tpu.memory_space<vmem>>) target_semaphore(%run_scoped3A : memref<!tpu.dma_semaphore, #tpu.memory_space<semaphore_mem>>)
        %dma_wait3A_249 = arith.constant 0 : i32
        %dma_wait3A_250 = arith.constant 0 : i32
        %dma_wait3A_251 = tpu.memref_slice %arg16[%dma_wait3A_249, %dma_wait3A_250] : memref<128x128xf32, #tpu.memory_space<vmem>> -> memref<128x128xf32, #tpu.memory_space<vmem>>
        %dma_wait3A_252 = arith.constant 0 : i32
        %dma_wait3A_253 = tpu.memref_slice %arg20[%add3A_100, %dma_wait3A_252] : memref<10016x128xf32, #tpu.memory_space<vmem_shared>> -> memref<128x128xf32, #tpu.memory_space<vmem_shared>>
        %dma_wait3A_254 = arith.constant 0 : i32
        %dma_wait3A_255 = arith.constant 0 : i32
        %dma_wait3A_256 = tpu.memref_slice %arg16[%dma_wait3A_254, %dma_wait3A_255] : memref<128x128xf32, #tpu.memory_space<vmem>> -> memref<128x128xf32, #tpu.memory_space<vmem>>
        %dma_wait3A_257 = arith.constant 0 : i32
        %dma_wait3A_258 = tpu.memref_slice %arg20[%add3A_100, %dma_wait3A_257] : memref<10016x128xf32, #tpu.memory_space<vmem_shared>> -> memref<128x128xf32, #tpu.memory_space<vmem_shared>>
        tpu.wait_dma2 semaphore(%run_scoped3A : memref<!tpu.dma_semaphore, #tpu.memory_space<semaphore_mem>>) src(%dma_wait3A_258 : memref<128x128xf32, #tpu.memory_space<vmem_shared>>) dst(%dma_wait3A_256 : memref<128x128xf32, #tpu.memory_space<vmem>>)
        tpu.yield
      }) : () -> ()
      %mul3A_101 = arith.constant 10000 : i32
      %mul3A_102 = arith.muli %arg0, %mul3A_101 : i32
      %add3A_103 = arith.addi %mul3A_102, %add3A_100 : i32
      %dma_start3A_104 = arith.constant 0 : i32
      %dma_start3A_105 = arith.constant 0 : i32
      %dma_start3A_106 = tpu.memref_slice %arg16[%dma_start3A_104, %dma_start3A_105] : memref<128x128xf32, #tpu.memory_space<vmem>> -> memref<128x128xf32, #tpu.memory_space<vmem>>
      %dma_start3A_107 = arith.constant 0 : i32
      %dma_start3A_108 = tpu.memref_slice %arg8[%add3A_103, %dma_start3A_107] : memref<20000x128xf32, #tpu.memory_space<hbm>> -> memref<128x128xf32, #tpu.memory_space<hbm>>
      %dma_start3A_109 = arith.constant 0 : i32
      %dma_start3A_110 = tpu.memref_slice %arg8[%add3A_103, %dma_start3A_109] : memref<20000x128xf32, #tpu.memory_space<hbm>> -> memref<128x128xf32, #tpu.memory_space<hbm>>
      %dma_start3A_111 = arith.constant 0 : i32
      %dma_start3A_112 = arith.constant 0 : i32
      %dma_start3A_113 = tpu.memref_slice %arg16[%dma_start3A_111, %dma_start3A_112] : memref<128x128xf32, #tpu.memory_space<vmem>> -> memref<128x128xf32, #tpu.memory_space<vmem>>
      tpu.enqueue_dma source(%dma_start3A_113 : memref<128x128xf32, #tpu.memory_space<vmem>>) target(%dma_start3A_110 : memref<128x128xf32, #tpu.memory_space<hbm>>) target_semaphore(%arg25 : memref<!tpu.dma_semaphore, #tpu.memory_space<semaphore_mem>>)
      %add3A_114 = arith.constant 128 : i32
      %add3A_115 = arith.addi %mul3A_2, %add3A_114 : i32
      "tpu.region"() ({
        %run_scoped3A = tpu.sem_alloc : memref<!tpu.dma_semaphore, #tpu.memory_space<semaphore_mem>>
        %dma_start3A_239 = arith.constant 0 : i32
        %dma_start3A_240 = arith.constant 0 : i32
        %dma_start3A_241 = tpu.memref_slice %arg17[%dma_start3A_239, %dma_start3A_240] : memref<128x128xf32, #tpu.memory_space<vmem>> -> memref<128x128xf32, #tpu.memory_space<vmem>>
        %dma_start3A_242 = arith.constant 0 : i32
        %dma_start3A_243 = tpu.memref_slice %arg20[%add3A_115, %dma_start3A_242] : memref<10016x128xf32, #tpu.memory_space<vmem_shared>> -> memref<128x128xf32, #tpu.memory_space<vmem_shared>>
        %dma_start3A_244 = arith.constant 0 : i32
        %dma_start3A_245 = arith.constant 0 : i32
        %dma_start3A_246 = tpu.memref_slice %arg17[%dma_start3A_244, %dma_start3A_245] : memref<128x128xf32, #tpu.memory_space<vmem>> -> memref<128x128xf32, #tpu.memory_space<vmem>>
        %dma_start3A_247 = arith.constant 0 : i32
        %dma_start3A_248 = tpu.memref_slice %arg20[%add3A_115, %dma_start3A_247] : memref<10016x128xf32, #tpu.memory_space<vmem_shared>> -> memref<128x128xf32, #tpu.memory_space<vmem_shared>>
        tpu.enqueue_dma source(%dma_start3A_248 : memref<128x128xf32, #tpu.memory_space<vmem_shared>>) target(%dma_start3A_246 : memref<128x128xf32, #tpu.memory_space<vmem>>) target_semaphore(%run_scoped3A : memref<!tpu.dma_semaphore, #tpu.memory_space<semaphore_mem>>)
        %dma_wait3A_249 = arith.constant 0 : i32
        %dma_wait3A_250 = arith.constant 0 : i32
        %dma_wait3A_251 = tpu.memref_slice %arg17[%dma_wait3A_249, %dma_wait3A_250] : memref<128x128xf32, #tpu.memory_space<vmem>> -> memref<128x128xf32, #tpu.memory_space<vmem>>
        %dma_wait3A_252 = arith.constant 0 : i32
        %dma_wait3A_253 = tpu.memref_slice %arg20[%add3A_115, %dma_wait3A_252] : memref<10016x128xf32, #tpu.memory_space<vmem_shared>> -> memref<128x128xf32, #tpu.memory_space<vmem_shared>>
        %dma_wait3A_254 = arith.constant 0 : i32
        %dma_wait3A_255 = arith.constant 0 : i32
        %dma_wait3A_256 = tpu.memref_slice %arg17[%dma_wait3A_254, %dma_wait3A_255] : memref<128x128xf32, #tpu.memory_space<vmem>> -> memref<128x128xf32, #tpu.memory_space<vmem>>
        %dma_wait3A_257 = arith.constant 0 : i32
        %dma_wait3A_258 = tpu.memref_slice %arg20[%add3A_115, %dma_wait3A_257] : memref<10016x128xf32, #tpu.memory_space<vmem_shared>> -> memref<128x128xf32, #tpu.memory_space<vmem_shared>>
        tpu.wait_dma2 semaphore(%run_scoped3A : memref<!tpu.dma_semaphore, #tpu.memory_space<semaphore_mem>>) src(%dma_wait3A_258 : memref<128x128xf32, #tpu.memory_space<vmem_shared>>) dst(%dma_wait3A_256 : memref<128x128xf32, #tpu.memory_space<vmem>>)
        tpu.yield
      }) : () -> ()
      %mul3A_116 = arith.constant 10000 : i32
      %mul3A_117 = arith.muli %arg0, %mul3A_116 : i32
      %add3A_118 = arith.addi %mul3A_117, %add3A_115 : i32
      %dma_start3A_119 = arith.constant 0 : i32
      %dma_start3A_120 = arith.constant 0 : i32
      %dma_start3A_121 = tpu.memref_slice %arg17[%dma_start3A_119, %dma_start3A_120] : memref<128x128xf32, #tpu.memory_space<vmem>> -> memref<128x128xf32, #tpu.memory_space<vmem>>
      %dma_start3A_122 = arith.constant 0 : i32
      %dma_start3A_123 = tpu.memref_slice %arg8[%add3A_118, %dma_start3A_122] : memref<20000x128xf32, #tpu.memory_space<hbm>> -> memref<128x128xf32, #tpu.memory_space<hbm>>
      %dma_start3A_124 = arith.constant 0 : i32
      %dma_start3A_125 = tpu.memref_slice %arg8[%add3A_118, %dma_start3A_124] : memref<20000x128xf32, #tpu.memory_space<hbm>> -> memref<128x128xf32, #tpu.memory_space<hbm>>
      %dma_start3A_126 = arith.constant 0 : i32
      %dma_start3A_127 = arith.constant 0 : i32
      %dma_start3A_128 = tpu.memref_slice %arg17[%dma_start3A_126, %dma_start3A_127] : memref<128x128xf32, #tpu.memory_space<vmem>> -> memref<128x128xf32, #tpu.memory_space<vmem>>
      tpu.enqueue_dma source(%dma_start3A_128 : memref<128x128xf32, #tpu.memory_space<vmem>>) target(%dma_start3A_125 : memref<128x128xf32, #tpu.memory_space<hbm>>) target_semaphore(%arg26 : memref<!tpu.dma_semaphore, #tpu.memory_space<semaphore_mem>>)
      %add3A_129 = arith.constant 0 : i32
      %add3A_130 = arith.addi %mul3A_2, %add3A_129 : i32
      %mul3A_131 = arith.constant 10000 : i32
      %mul3A_132 = arith.muli %arg0, %mul3A_131 : i32
      %add3A_133 = arith.addi %mul3A_132, %add3A_130 : i32
      %dma_wait3A_134 = arith.constant 0 : i32
      %dma_wait3A_135 = arith.constant 0 : i32
      %dma_wait3A_136 = tpu.memref_slice %arg16[%dma_wait3A_134, %dma_wait3A_135] : memref<128x128xf32, #tpu.memory_space<vmem>> -> memref<128x128xf32, #tpu.memory_space<vmem>>
      %dma_wait3A_137 = arith.constant 0 : i32
      %dma_wait3A_138 = tpu.memref_slice %arg8[%add3A_133, %dma_wait3A_137] : memref<20000x128xf32, #tpu.memory_space<hbm>> -> memref<128x128xf32, #tpu.memory_space<hbm>>
      %dma_wait3A_139 = arith.constant 0 : i32
      %dma_wait3A_140 = tpu.memref_slice %arg8[%add3A_133, %dma_wait3A_139] : memref<20000x128xf32, #tpu.memory_space<hbm>> -> memref<128x128xf32, #tpu.memory_space<hbm>>
      %dma_wait3A_141 = arith.constant 0 : i32
      %dma_wait3A_142 = arith.constant 0 : i32
      %dma_wait3A_143 = tpu.memref_slice %arg16[%dma_wait3A_141, %dma_wait3A_142] : memref<128x128xf32, #tpu.memory_space<vmem>> -> memref<128x128xf32, #tpu.memory_space<vmem>>
      tpu.wait_dma2 semaphore(%arg25 : memref<!tpu.dma_semaphore, #tpu.memory_space<semaphore_mem>>) src(%dma_wait3A_143 : memref<128x128xf32, #tpu.memory_space<vmem>>) dst(%dma_wait3A_140 : memref<128x128xf32, #tpu.memory_space<hbm>>)
      %add3A_144 = arith.constant 256 : i32
      %add3A_145 = arith.addi %mul3A_2, %add3A_144 : i32
      "tpu.region"() ({
        %run_scoped3A = tpu.sem_alloc : memref<!tpu.dma_semaphore, #tpu.memory_space<semaphore_mem>>
        %dma_start3A_239 = arith.constant 0 : i32
        %dma_start3A_240 = arith.constant 0 : i32
        %dma_start3A_241 = tpu.memref_slice %arg16[%dma_start3A_239, %dma_start3A_240] : memref<128x128xf32, #tpu.memory_space<vmem>> -> memref<128x128xf32, #tpu.memory_space<vmem>>
        %dma_start3A_242 = arith.constant 0 : i32
        %dma_start3A_243 = tpu.memref_slice %arg20[%add3A_145, %dma_start3A_242] : memref<10016x128xf32, #tpu.memory_space<vmem_shared>> -> memref<128x128xf32, #tpu.memory_space<vmem_shared>>
        %dma_start3A_244 = arith.constant 0 : i32
        %dma_start3A_245 = arith.constant 0 : i32
        %dma_start3A_246 = tpu.memref_slice %arg16[%dma_start3A_244, %dma_start3A_245] : memref<128x128xf32, #tpu.memory_space<vmem>> -> memref<128x128xf32, #tpu.memory_space<vmem>>
        %dma_start3A_247 = arith.constant 0 : i32
        %dma_start3A_248 = tpu.memref_slice %arg20[%add3A_145, %dma_start3A_247] : memref<10016x128xf32, #tpu.memory_space<vmem_shared>> -> memref<128x128xf32, #tpu.memory_space<vmem_shared>>
        tpu.enqueue_dma source(%dma_start3A_248 : memref<128x128xf32, #tpu.memory_space<vmem_shared>>) target(%dma_start3A_246 : memref<128x128xf32, #tpu.memory_space<vmem>>) target_semaphore(%run_scoped3A : memref<!tpu.dma_semaphore, #tpu.memory_space<semaphore_mem>>)
        %dma_wait3A_249 = arith.constant 0 : i32
        %dma_wait3A_250 = arith.constant 0 : i32
        %dma_wait3A_251 = tpu.memref_slice %arg16[%dma_wait3A_249, %dma_wait3A_250] : memref<128x128xf32, #tpu.memory_space<vmem>> -> memref<128x128xf32, #tpu.memory_space<vmem>>
        %dma_wait3A_252 = arith.constant 0 : i32
        %dma_wait3A_253 = tpu.memref_slice %arg20[%add3A_145, %dma_wait3A_252] : memref<10016x128xf32, #tpu.memory_space<vmem_shared>> -> memref<128x128xf32, #tpu.memory_space<vmem_shared>>
        %dma_wait3A_254 = arith.constant 0 : i32
        %dma_wait3A_255 = arith.constant 0 : i32
        %dma_wait3A_256 = tpu.memref_slice %arg16[%dma_wait3A_254, %dma_wait3A_255] : memref<128x128xf32, #tpu.memory_space<vmem>> -> memref<128x128xf32, #tpu.memory_space<vmem>>
        %dma_wait3A_257 = arith.constant 0 : i32
        %dma_wait3A_258 = tpu.memref_slice %arg20[%add3A_145, %dma_wait3A_257] : memref<10016x128xf32, #tpu.memory_space<vmem_shared>> -> memref<128x128xf32, #tpu.memory_space<vmem_shared>>
        tpu.wait_dma2 semaphore(%run_scoped3A : memref<!tpu.dma_semaphore, #tpu.memory_space<semaphore_mem>>) src(%dma_wait3A_258 : memref<128x128xf32, #tpu.memory_space<vmem_shared>>) dst(%dma_wait3A_256 : memref<128x128xf32, #tpu.memory_space<vmem>>)
        tpu.yield
      }) : () -> ()
      %mul3A_146 = arith.constant 10000 : i32
      %mul3A_147 = arith.muli %arg0, %mul3A_146 : i32
      %add3A_148 = arith.addi %mul3A_147, %add3A_145 : i32
      %dma_start3A_149 = arith.constant 0 : i32
      %dma_start3A_150 = arith.constant 0 : i32
      %dma_start3A_151 = tpu.memref_slice %arg16[%dma_start3A_149, %dma_start3A_150] : memref<128x128xf32, #tpu.memory_space<vmem>> -> memref<128x128xf32, #tpu.memory_space<vmem>>
      %dma_start3A_152 = arith.constant 0 : i32
      %dma_start3A_153 = tpu.memref_slice %arg8[%add3A_148, %dma_start3A_152] : memref<20000x128xf32, #tpu.memory_space<hbm>> -> memref<128x128xf32, #tpu.memory_space<hbm>>
      %dma_start3A_154 = arith.constant 0 : i32
      %dma_start3A_155 = tpu.memref_slice %arg8[%add3A_148, %dma_start3A_154] : memref<20000x128xf32, #tpu.memory_space<hbm>> -> memref<128x128xf32, #tpu.memory_space<hbm>>
      %dma_start3A_156 = arith.constant 0 : i32
      %dma_start3A_157 = arith.constant 0 : i32
      %dma_start3A_158 = tpu.memref_slice %arg16[%dma_start3A_156, %dma_start3A_157] : memref<128x128xf32, #tpu.memory_space<vmem>> -> memref<128x128xf32, #tpu.memory_space<vmem>>
      tpu.enqueue_dma source(%dma_start3A_158 : memref<128x128xf32, #tpu.memory_space<vmem>>) target(%dma_start3A_155 : memref<128x128xf32, #tpu.memory_space<hbm>>) target_semaphore(%arg25 : memref<!tpu.dma_semaphore, #tpu.memory_space<semaphore_mem>>)
      %add3A_159 = arith.constant 128 : i32
      %add3A_160 = arith.addi %mul3A_2, %add3A_159 : i32
      %mul3A_161 = arith.constant 10000 : i32
      %mul3A_162 = arith.muli %arg0, %mul3A_161 : i32
      %add3A_163 = arith.addi %mul3A_162, %add3A_160 : i32
      %dma_wait3A_164 = arith.constant 0 : i32
      %dma_wait3A_165 = arith.constant 0 : i32
      %dma_wait3A_166 = tpu.memref_slice %arg17[%dma_wait3A_164, %dma_wait3A_165] : memref<128x128xf32, #tpu.memory_space<vmem>> -> memref<128x128xf32, #tpu.memory_space<vmem>>
      %dma_wait3A_167 = arith.constant 0 : i32
      %dma_wait3A_168 = tpu.memref_slice %arg8[%add3A_163, %dma_wait3A_167] : memref<20000x128xf32, #tpu.memory_space<hbm>> -> memref<128x128xf32, #tpu.memory_space<hbm>>
      %dma_wait3A_169 = arith.constant 0 : i32
      %dma_wait3A_170 = tpu.memref_slice %arg8[%add3A_163, %dma_wait3A_169] : memref<20000x128xf32, #tpu.memory_space<hbm>> -> memref<128x128xf32, #tpu.memory_space<hbm>>
      %dma_wait3A_171 = arith.constant 0 : i32
      %dma_wait3A_172 = arith.constant 0 : i32
      %dma_wait3A_173 = tpu.memref_slice %arg17[%dma_wait3A_171, %dma_wait3A_172] : memref<128x128xf32, #tpu.memory_space<vmem>> -> memref<128x128xf32, #tpu.memory_space<vmem>>
      tpu.wait_dma2 semaphore(%arg26 : memref<!tpu.dma_semaphore, #tpu.memory_space<semaphore_mem>>) src(%dma_wait3A_173 : memref<128x128xf32, #tpu.memory_space<vmem>>) dst(%dma_wait3A_170 : memref<128x128xf32, #tpu.memory_space<hbm>>)
      %add3A_174 = arith.constant 384 : i32
      %add3A_175 = arith.addi %mul3A_2, %add3A_174 : i32
      "tpu.region"() ({
        %run_scoped3A = tpu.sem_alloc : memref<!tpu.dma_semaphore, #tpu.memory_space<semaphore_mem>>
        %dma_start3A_239 = arith.constant 0 : i32
        %dma_start3A_240 = arith.constant 0 : i32
        %dma_start3A_241 = tpu.memref_slice %arg17[%dma_start3A_239, %dma_start3A_240] : memref<128x128xf32, #tpu.memory_space<vmem>> -> memref<16x128xf32, #tpu.memory_space<vmem>>
        %dma_start3A_242 = arith.constant 0 : i32
        %dma_start3A_243 = tpu.memref_slice %arg20[%add3A_175, %dma_start3A_242] : memref<10016x128xf32, #tpu.memory_space<vmem_shared>> -> memref<16x128xf32, #tpu.memory_space<vmem_shared>>
        %dma_start3A_244 = arith.constant 0 : i32
        %dma_start3A_245 = arith.constant 0 : i32
        %dma_start3A_246 = tpu.memref_slice %arg17[%dma_start3A_244, %dma_start3A_245] : memref<128x128xf32, #tpu.memory_space<vmem>> -> memref<16x128xf32, #tpu.memory_space<vmem>>
        %dma_start3A_247 = arith.constant 0 : i32
        %dma_start3A_248 = tpu.memref_slice %arg20[%add3A_175, %dma_start3A_247] : memref<10016x128xf32, #tpu.memory_space<vmem_shared>> -> memref<16x128xf32, #tpu.memory_space<vmem_shared>>
        tpu.enqueue_dma source(%dma_start3A_248 : memref<16x128xf32, #tpu.memory_space<vmem_shared>>) target(%dma_start3A_246 : memref<16x128xf32, #tpu.memory_space<vmem>>) target_semaphore(%run_scoped3A : memref<!tpu.dma_semaphore, #tpu.memory_space<semaphore_mem>>)
        %dma_wait3A_249 = arith.constant 0 : i32
        %dma_wait3A_250 = arith.constant 0 : i32
        %dma_wait3A_251 = tpu.memref_slice %arg17[%dma_wait3A_249, %dma_wait3A_250] : memref<128x128xf32, #tpu.memory_space<vmem>> -> memref<16x128xf32, #tpu.memory_space<vmem>>
        %dma_wait3A_252 = arith.constant 0 : i32
        %dma_wait3A_253 = tpu.memref_slice %arg20[%add3A_175, %dma_wait3A_252] : memref<10016x128xf32, #tpu.memory_space<vmem_shared>> -> memref<16x128xf32, #tpu.memory_space<vmem_shared>>
        %dma_wait3A_254 = arith.constant 0 : i32
        %dma_wait3A_255 = arith.constant 0 : i32
        %dma_wait3A_256 = tpu.memref_slice %arg17[%dma_wait3A_254, %dma_wait3A_255] : memref<128x128xf32, #tpu.memory_space<vmem>> -> memref<16x128xf32, #tpu.memory_space<vmem>>
        %dma_wait3A_257 = arith.constant 0 : i32
        %dma_wait3A_258 = tpu.memref_slice %arg20[%add3A_175, %dma_wait3A_257] : memref<10016x128xf32, #tpu.memory_space<vmem_shared>> -> memref<16x128xf32, #tpu.memory_space<vmem_shared>>
        tpu.wait_dma2 semaphore(%run_scoped3A : memref<!tpu.dma_semaphore, #tpu.memory_space<semaphore_mem>>) src(%dma_wait3A_258 : memref<16x128xf32, #tpu.memory_space<vmem_shared>>) dst(%dma_wait3A_256 : memref<16x128xf32, #tpu.memory_space<vmem>>)
        tpu.yield
      }) : () -> ()
      %mul3A_176 = arith.constant 10000 : i32
      %mul3A_177 = arith.muli %arg0, %mul3A_176 : i32
      %add3A_178 = arith.addi %mul3A_177, %add3A_175 : i32
      %dma_start3A_179 = arith.constant 0 : i32
      %dma_start3A_180 = arith.constant 0 : i32
      %dma_start3A_181 = tpu.memref_slice %arg17[%dma_start3A_179, %dma_start3A_180] : memref<128x128xf32, #tpu.memory_space<vmem>> -> memref<16x128xf32, #tpu.memory_space<vmem>>
      %dma_start3A_182 = arith.constant 0 : i32
      %dma_start3A_183 = tpu.memref_slice %arg8[%add3A_178, %dma_start3A_182] : memref<20000x128xf32, #tpu.memory_space<hbm>> -> memref<16x128xf32, #tpu.memory_space<hbm>>
      %dma_start3A_184 = arith.constant 0 : i32
      %dma_start3A_185 = tpu.memref_slice %arg8[%add3A_178, %dma_start3A_184] : memref<20000x128xf32, #tpu.memory_space<hbm>> -> memref<16x128xf32, #tpu.memory_space<hbm>>
      %dma_start3A_186 = arith.constant 0 : i32
      %dma_start3A_187 = arith.constant 0 : i32
      %dma_start3A_188 = tpu.memref_slice %arg17[%dma_start3A_186, %dma_start3A_187] : memref<128x128xf32, #tpu.memory_space<vmem>> -> memref<16x128xf32, #tpu.memory_space<vmem>>
      tpu.enqueue_dma source(%dma_start3A_188 : memref<16x128xf32, #tpu.memory_space<vmem>>) target(%dma_start3A_185 : memref<16x128xf32, #tpu.memory_space<hbm>>) target_semaphore(%arg26 : memref<!tpu.dma_semaphore, #tpu.memory_space<semaphore_mem>>)
      %add3A_189 = arith.constant 256 : i32
      %add3A_190 = arith.addi %mul3A_2, %add3A_189 : i32
      %mul3A_191 = arith.constant 10000 : i32
      %mul3A_192 = arith.muli %arg0, %mul3A_191 : i32
      %add3A_193 = arith.addi %mul3A_192, %add3A_190 : i32
      %dma_wait3A_194 = arith.constant 0 : i32
      %dma_wait3A_195 = arith.constant 0 : i32
      %dma_wait3A_196 = tpu.memref_slice %arg16[%dma_wait3A_194, %dma_wait3A_195] : memref<128x128xf32, #tpu.memory_space<vmem>> -> memref<128x128xf32, #tpu.memory_space<vmem>>
      %dma_wait3A_197 = arith.constant 0 : i32
      %dma_wait3A_198 = tpu.memref_slice %arg8[%add3A_193, %dma_wait3A_197] : memref<20000x128xf32, #tpu.memory_space<hbm>> -> memref<128x128xf32, #tpu.memory_space<hbm>>
      %dma_wait3A_199 = arith.constant 0 : i32
      %dma_wait3A_200 = tpu.memref_slice %arg8[%add3A_193, %dma_wait3A_199] : memref<20000x128xf32, #tpu.memory_space<hbm>> -> memref<128x128xf32, #tpu.memory_space<hbm>>
      %dma_wait3A_201 = arith.constant 0 : i32
      %dma_wait3A_202 = arith.constant 0 : i32
      %dma_wait3A_203 = tpu.memref_slice %arg16[%dma_wait3A_201, %dma_wait3A_202] : memref<128x128xf32, #tpu.memory_space<vmem>> -> memref<128x128xf32, #tpu.memory_space<vmem>>
      tpu.wait_dma2 semaphore(%arg25 : memref<!tpu.dma_semaphore, #tpu.memory_space<semaphore_mem>>) src(%dma_wait3A_203 : memref<128x128xf32, #tpu.memory_space<vmem>>) dst(%dma_wait3A_200 : memref<128x128xf32, #tpu.memory_space<hbm>>)
      %add3A_204 = arith.constant 384 : i32
      %add3A_205 = arith.addi %mul3A_2, %add3A_204 : i32
      %mul3A_206 = arith.constant 10000 : i32
      %mul3A_207 = arith.muli %arg0, %mul3A_206 : i32
      %add3A_208 = arith.addi %mul3A_207, %add3A_205 : i32
      %dma_wait3A_209 = arith.constant 0 : i32
      %dma_wait3A_210 = arith.constant 0 : i32
      %dma_wait3A_211 = tpu.memref_slice %arg17[%dma_wait3A_209, %dma_wait3A_210] : memref<128x128xf32, #tpu.memory_space<vmem>> -> memref<16x128xf32, #tpu.memory_space<vmem>>
      %dma_wait3A_212 = arith.constant 0 : i32
      %dma_wait3A_213 = tpu.memref_slice %arg8[%add3A_208, %dma_wait3A_212] : memref<20000x128xf32, #tpu.memory_space<hbm>> -> memref<16x128xf32, #tpu.memory_space<hbm>>
      %dma_wait3A_214 = arith.constant 0 : i32
      %dma_wait3A_215 = tpu.memref_slice %arg8[%add3A_208, %dma_wait3A_214] : memref<20000x128xf32, #tpu.memory_space<hbm>> -> memref<16x128xf32, #tpu.memory_space<hbm>>
      %dma_wait3A_216 = arith.constant 0 : i32
      %dma_wait3A_217 = arith.constant 0 : i32
      %dma_wait3A_218 = tpu.memref_slice %arg17[%dma_wait3A_216, %dma_wait3A_217] : memref<128x128xf32, #tpu.memory_space<vmem>> -> memref<16x128xf32, #tpu.memory_space<vmem>>
      tpu.wait_dma2 semaphore(%arg26 : memref<!tpu.dma_semaphore, #tpu.memory_space<semaphore_mem>>) src(%dma_wait3A_218 : memref<16x128xf32, #tpu.memory_space<vmem>>) dst(%dma_wait3A_215 : memref<16x128xf32, #tpu.memory_space<hbm>>)
      %add3A_219 = arith.constant 0 : i32
      %add3A_220 = arith.addi %mul3A_2, %add3A_219 : i32
      "tpu.region"() ({
        %run_scoped3A = tpu.sem_alloc : memref<!tpu.dma_semaphore, #tpu.memory_space<semaphore_mem>>
        %dma_start3A_239 = arith.constant 0 : i32
        %dma_start3A_240 = tpu.memref_slice %arg19[%dma_start3A_239] : memref<128xf32, #tpu.memory_space<vmem>> -> memref<128xf32, #tpu.memory_space<vmem>>
        %dma_start3A_241 = tpu.memref_slice %arg21[%add3A_220] : memref<10016xf32, #tpu.memory_space<vmem_shared>> -> memref<128xf32, #tpu.memory_space<vmem_shared>>
        %dma_start3A_242 = arith.constant 0 : i32
        %dma_start3A_243 = tpu.memref_slice %arg19[%dma_start3A_242] : memref<128xf32, #tpu.memory_space<vmem>> -> memref<128xf32, #tpu.memory_space<vmem>>
        %dma_start3A_244 = tpu.memref_slice %arg21[%add3A_220] : memref<10016xf32, #tpu.memory_space<vmem_shared>> -> memref<128xf32, #tpu.memory_space<vmem_shared>>
        tpu.enqueue_dma source(%dma_start3A_244 : memref<128xf32, #tpu.memory_space<vmem_shared>>) target(%dma_start3A_243 : memref<128xf32, #tpu.memory_space<vmem>>) target_semaphore(%run_scoped3A : memref<!tpu.dma_semaphore, #tpu.memory_space<semaphore_mem>>)
        %dma_wait3A_245 = arith.constant 0 : i32
        %dma_wait3A_246 = tpu.memref_slice %arg19[%dma_wait3A_245] : memref<128xf32, #tpu.memory_space<vmem>> -> memref<128xf32, #tpu.memory_space<vmem>>
        %dma_wait3A_247 = tpu.memref_slice %arg21[%add3A_220] : memref<10016xf32, #tpu.memory_space<vmem_shared>> -> memref<128xf32, #tpu.memory_space<vmem_shared>>
        %dma_wait3A_248 = arith.constant 0 : i32
        %dma_wait3A_249 = tpu.memref_slice %arg19[%dma_wait3A_248] : memref<128xf32, #tpu.memory_space<vmem>> -> memref<128xf32, #tpu.memory_space<vmem>>
        %dma_wait3A_250 = tpu.memref_slice %arg21[%add3A_220] : memref<10016xf32, #tpu.memory_space<vmem_shared>> -> memref<128xf32, #tpu.memory_space<vmem_shared>>
        tpu.wait_dma2 semaphore(%run_scoped3A : memref<!tpu.dma_semaphore, #tpu.memory_space<semaphore_mem>>) src(%dma_wait3A_250 : memref<128xf32, #tpu.memory_space<vmem_shared>>) dst(%dma_wait3A_249 : memref<128xf32, #tpu.memory_space<vmem>>)
        tpu.yield
      }) : () -> ()
      %mul3A_221 = arith.constant 10000 : i32
      %mul3A_222 = arith.muli %arg0, %mul3A_221 : i32
      %add3A_223 = arith.addi %mul3A_222, %add3A_220 : i32
      "tpu.region"() ({
        %run_scoped3A = tpu.sem_alloc : memref<!tpu.dma_semaphore, #tpu.memory_space<semaphore_mem>>
        %dma_start3A_239 = arith.constant 0 : i32
        %dma_start3A_240 = tpu.memref_slice %arg19[%dma_start3A_239] : memref<128xf32, #tpu.memory_space<vmem>> -> memref<128xf32, #tpu.memory_space<vmem>>
        %dma_start3A_241 = tpu.memref_slice %arg9[%add3A_223] : memref<20000xf32, #tpu.memory_space<hbm>> -> memref<128xf32, #tpu.memory_space<hbm>>
        %dma_start3A_242 = tpu.memref_slice %arg9[%add3A_223] : memref<20000xf32, #tpu.memory_space<hbm>> -> memref<128xf32, #tpu.memory_space<hbm>>
        %dma_start3A_243 = arith.constant 0 : i32
        %dma_start3A_244 = tpu.memref_slice %arg19[%dma_start3A_243] : memref<128xf32, #tpu.memory_space<vmem>> -> memref<128xf32, #tpu.memory_space<vmem>>
        tpu.enqueue_dma source(%dma_start3A_244 : memref<128xf32, #tpu.memory_space<vmem>>) target(%dma_start3A_242 : memref<128xf32, #tpu.memory_space<hbm>>) target_semaphore(%run_scoped3A : memref<!tpu.dma_semaphore, #tpu.memory_space<semaphore_mem>>)
        %dma_wait3A_245 = arith.constant 0 : i32
        %dma_wait3A_246 = tpu.memref_slice %arg19[%dma_wait3A_245] : memref<128xf32, #tpu.memory_space<vmem>> -> memref<128xf32, #tpu.memory_space<vmem>>
        %dma_wait3A_247 = tpu.memref_slice %arg9[%add3A_223] : memref<20000xf32, #tpu.memory_space<hbm>> -> memref<128xf32, #tpu.memory_space<hbm>>
        %dma_wait3A_248 = tpu.memref_slice %arg9[%add3A_223] : memref<20000xf32, #tpu.memory_space<hbm>> -> memref<128xf32, #tpu.memory_space<hbm>>
        %dma_wait3A_249 = arith.constant 0 : i32
        %dma_wait3A_250 = tpu.memref_slice %arg19[%dma_wait3A_249] : memref<128xf32, #tpu.memory_space<vmem>> -> memref<128xf32, #tpu.memory_space<vmem>>
        tpu.wait_dma2 semaphore(%run_scoped3A : memref<!tpu.dma_semaphore, #tpu.memory_space<semaphore_mem>>) src(%dma_wait3A_250 : memref<128xf32, #tpu.memory_space<vmem>>) dst(%dma_wait3A_248 : memref<128xf32, #tpu.memory_space<hbm>>)
        tpu.yield
      }) : () -> ()
      %add3A_224 = arith.constant 128 : i32
      %add3A_225 = arith.addi %mul3A_2, %add3A_224 : i32
      "tpu.region"() ({
        %run_scoped3A = tpu.sem_alloc : memref<!tpu.dma_semaphore, #tpu.memory_space<semaphore_mem>>
        %dma_start3A_239 = arith.constant 0 : i32
        %dma_start3A_240 = tpu.memref_slice %arg19[%dma_start3A_239] : memref<128xf32, #tpu.memory_space<vmem>> -> memref<128xf32, #tpu.memory_space<vmem>>
        %dma_start3A_241 = tpu.memref_slice %arg21[%add3A_225] : memref<10016xf32, #tpu.memory_space<vmem_shared>> -> memref<128xf32, #tpu.memory_space<vmem_shared>>
        %dma_start3A_242 = arith.constant 0 : i32
        %dma_start3A_243 = tpu.memref_slice %arg19[%dma_start3A_242] : memref<128xf32, #tpu.memory_space<vmem>> -> memref<128xf32, #tpu.memory_space<vmem>>
        %dma_start3A_244 = tpu.memref_slice %arg21[%add3A_225] : memref<10016xf32, #tpu.memory_space<vmem_shared>> -> memref<128xf32, #tpu.memory_space<vmem_shared>>
        tpu.enqueue_dma source(%dma_start3A_244 : memref<128xf32, #tpu.memory_space<vmem_shared>>) target(%dma_start3A_243 : memref<128xf32, #tpu.memory_space<vmem>>) target_semaphore(%run_scoped3A : memref<!tpu.dma_semaphore, #tpu.memory_space<semaphore_mem>>)
        %dma_wait3A_245 = arith.constant 0 : i32
        %dma_wait3A_246 = tpu.memref_slice %arg19[%dma_wait3A_245] : memref<128xf32, #tpu.memory_space<vmem>> -> memref<128xf32, #tpu.memory_space<vmem>>
        %dma_wait3A_247 = tpu.memref_slice %arg21[%add3A_225] : memref<10016xf32, #tpu.memory_space<vmem_shared>> -> memref<128xf32, #tpu.memory_space<vmem_shared>>
        %dma_wait3A_248 = arith.constant 0 : i32
        %dma_wait3A_249 = tpu.memref_slice %arg19[%dma_wait3A_248] : memref<128xf32, #tpu.memory_space<vmem>> -> memref<128xf32, #tpu.memory_space<vmem>>
        %dma_wait3A_250 = tpu.memref_slice %arg21[%add3A_225] : memref<10016xf32, #tpu.memory_space<vmem_shared>> -> memref<128xf32, #tpu.memory_space<vmem_shared>>
        tpu.wait_dma2 semaphore(%run_scoped3A : memref<!tpu.dma_semaphore, #tpu.memory_space<semaphore_mem>>) src(%dma_wait3A_250 : memref<128xf32, #tpu.memory_space<vmem_shared>>) dst(%dma_wait3A_249 : memref<128xf32, #tpu.memory_space<vmem>>)
        tpu.yield
      }) : () -> ()
      %mul3A_226 = arith.constant 10000 : i32
      %mul3A_227 = arith.muli %arg0, %mul3A_226 : i32
      %add3A_228 = arith.addi %mul3A_227, %add3A_225 : i32
      "tpu.region"() ({
        %run_scoped3A = tpu.sem_alloc : memref<!tpu.dma_semaphore, #tpu.memory_space<semaphore_mem>>
        %dma_start3A_239 = arith.constant 0 : i32
        %dma_start3A_240 = tpu.memref_slice %arg19[%dma_start3A_239] : memref<128xf32, #tpu.memory_space<vmem>> -> memref<128xf32, #tpu.memory_space<vmem>>
        %dma_start3A_241 = tpu.memref_slice %arg9[%add3A_228] : memref<20000xf32, #tpu.memory_space<hbm>> -> memref<128xf32, #tpu.memory_space<hbm>>
        %dma_start3A_242 = tpu.memref_slice %arg9[%add3A_228] : memref<20000xf32, #tpu.memory_space<hbm>> -> memref<128xf32, #tpu.memory_space<hbm>>
        %dma_start3A_243 = arith.constant 0 : i32
        %dma_start3A_244 = tpu.memref_slice %arg19[%dma_start3A_243] : memref<128xf32, #tpu.memory_space<vmem>> -> memref<128xf32, #tpu.memory_space<vmem>>
        tpu.enqueue_dma source(%dma_start3A_244 : memref<128xf32, #tpu.memory_space<vmem>>) target(%dma_start3A_242 : memref<128xf32, #tpu.memory_space<hbm>>) target_semaphore(%run_scoped3A : memref<!tpu.dma_semaphore, #tpu.memory_space<semaphore_mem>>)
        %dma_wait3A_245 = arith.constant 0 : i32
        %dma_wait3A_246 = tpu.memref_slice %arg19[%dma_wait3A_245] : memref<128xf32, #tpu.memory_space<vmem>> -> memref<128xf32, #tpu.memory_space<vmem>>
        %dma_wait3A_247 = tpu.memref_slice %arg9[%add3A_228] : memref<20000xf32, #tpu.memory_space<hbm>> -> memref<128xf32, #tpu.memory_space<hbm>>
        %dma_wait3A_248 = tpu.memref_slice %arg9[%add3A_228] : memref<20000xf32, #tpu.memory_space<hbm>> -> memref<128xf32, #tpu.memory_space<hbm>>
        %dma_wait3A_249 = arith.constant 0 : i32
        %dma_wait3A_250 = tpu.memref_slice %arg19[%dma_wait3A_249] : memref<128xf32, #tpu.memory_space<vmem>> -> memref<128xf32, #tpu.memory_space<vmem>>
        tpu.wait_dma2 semaphore(%run_scoped3A : memref<!tpu.dma_semaphore, #tpu.memory_space<semaphore_mem>>) src(%dma_wait3A_250 : memref<128xf32, #tpu.memory_space<vmem>>) dst(%dma_wait3A_248 : memref<128xf32, #tpu.memory_space<hbm>>)
        tpu.yield
      }) : () -> ()
      %add3A_229 = arith.constant 256 : i32
      %add3A_230 = arith.addi %mul3A_2, %add3A_229 : i32
      "tpu.region"() ({
        %run_scoped3A = tpu.sem_alloc : memref<!tpu.dma_semaphore, #tpu.memory_space<semaphore_mem>>
        %dma_start3A_239 = arith.constant 0 : i32
        %dma_start3A_240 = tpu.memref_slice %arg19[%dma_start3A_239] : memref<128xf32, #tpu.memory_space<vmem>> -> memref<128xf32, #tpu.memory_space<vmem>>
        %dma_start3A_241 = tpu.memref_slice %arg21[%add3A_230] : memref<10016xf32, #tpu.memory_space<vmem_shared>> -> memref<128xf32, #tpu.memory_space<vmem_shared>>
        %dma_start3A_242 = arith.constant 0 : i32
        %dma_start3A_243 = tpu.memref_slice %arg19[%dma_start3A_242] : memref<128xf32, #tpu.memory_space<vmem>> -> memref<128xf32, #tpu.memory_space<vmem>>
        %dma_start3A_244 = tpu.memref_slice %arg21[%add3A_230] : memref<10016xf32, #tpu.memory_space<vmem_shared>> -> memref<128xf32, #tpu.memory_space<vmem_shared>>
        tpu.enqueue_dma source(%dma_start3A_244 : memref<128xf32, #tpu.memory_space<vmem_shared>>) target(%dma_start3A_243 : memref<128xf32, #tpu.memory_space<vmem>>) target_semaphore(%run_scoped3A : memref<!tpu.dma_semaphore, #tpu.memory_space<semaphore_mem>>)
        %dma_wait3A_245 = arith.constant 0 : i32
        %dma_wait3A_246 = tpu.memref_slice %arg19[%dma_wait3A_245] : memref<128xf32, #tpu.memory_space<vmem>> -> memref<128xf32, #tpu.memory_space<vmem>>
        %dma_wait3A_247 = tpu.memref_slice %arg21[%add3A_230] : memref<10016xf32, #tpu.memory_space<vmem_shared>> -> memref<128xf32, #tpu.memory_space<vmem_shared>>
        %dma_wait3A_248 = arith.constant 0 : i32
        %dma_wait3A_249 = tpu.memref_slice %arg19[%dma_wait3A_248] : memref<128xf32, #tpu.memory_space<vmem>> -> memref<128xf32, #tpu.memory_space<vmem>>
        %dma_wait3A_250 = tpu.memref_slice %arg21[%add3A_230] : memref<10016xf32, #tpu.memory_space<vmem_shared>> -> memref<128xf32, #tpu.memory_space<vmem_shared>>
        tpu.wait_dma2 semaphore(%run_scoped3A : memref<!tpu.dma_semaphore, #tpu.memory_space<semaphore_mem>>) src(%dma_wait3A_250 : memref<128xf32, #tpu.memory_space<vmem_shared>>) dst(%dma_wait3A_249 : memref<128xf32, #tpu.memory_space<vmem>>)
        tpu.yield
      }) : () -> ()
      %mul3A_231 = arith.constant 10000 : i32
      %mul3A_232 = arith.muli %arg0, %mul3A_231 : i32
      %add3A_233 = arith.addi %mul3A_232, %add3A_230 : i32
      "tpu.region"() ({
        %run_scoped3A = tpu.sem_alloc : memref<!tpu.dma_semaphore, #tpu.memory_space<semaphore_mem>>
        %dma_start3A_239 = arith.constant 0 : i32
        %dma_start3A_240 = tpu.memref_slice %arg19[%dma_start3A_239] : memref<128xf32, #tpu.memory_space<vmem>> -> memref<128xf32, #tpu.memory_space<vmem>>
        %dma_start3A_241 = tpu.memref_slice %arg9[%add3A_233] : memref<20000xf32, #tpu.memory_space<hbm>> -> memref<128xf32, #tpu.memory_space<hbm>>
        %dma_start3A_242 = tpu.memref_slice %arg9[%add3A_233] : memref<20000xf32, #tpu.memory_space<hbm>> -> memref<128xf32, #tpu.memory_space<hbm>>
        %dma_start3A_243 = arith.constant 0 : i32
        %dma_start3A_244 = tpu.memref_slice %arg19[%dma_start3A_243] : memref<128xf32, #tpu.memory_space<vmem>> -> memref<128xf32, #tpu.memory_space<vmem>>
        tpu.enqueue_dma source(%dma_start3A_244 : memref<128xf32, #tpu.memory_space<vmem>>) target(%dma_start3A_242 : memref<128xf32, #tpu.memory_space<hbm>>) target_semaphore(%run_scoped3A : memref<!tpu.dma_semaphore, #tpu.memory_space<semaphore_mem>>)
        %dma_wait3A_245 = arith.constant 0 : i32
        %dma_wait3A_246 = tpu.memref_slice %arg19[%dma_wait3A_245] : memref<128xf32, #tpu.memory_space<vmem>> -> memref<128xf32, #tpu.memory_space<vmem>>
        %dma_wait3A_247 = tpu.memref_slice %arg9[%add3A_233] : memref<20000xf32, #tpu.memory_space<hbm>> -> memref<128xf32, #tpu.memory_space<hbm>>
        %dma_wait3A_248 = tpu.memref_slice %arg9[%add3A_233] : memref<20000xf32, #tpu.memory_space<hbm>> -> memref<128xf32, #tpu.memory_space<hbm>>
        %dma_wait3A_249 = arith.constant 0 : i32
        %dma_wait3A_250 = tpu.memref_slice %arg19[%dma_wait3A_249] : memref<128xf32, #tpu.memory_space<vmem>> -> memref<128xf32, #tpu.memory_space<vmem>>
        tpu.wait_dma2 semaphore(%run_scoped3A : memref<!tpu.dma_semaphore, #tpu.memory_space<semaphore_mem>>) src(%dma_wait3A_250 : memref<128xf32, #tpu.memory_space<vmem>>) dst(%dma_wait3A_248 : memref<128xf32, #tpu.memory_space<hbm>>)
        tpu.yield
      }) : () -> ()
      %add3A_234 = arith.constant 384 : i32
      %add3A_235 = arith.addi %mul3A_2, %add3A_234 : i32
      "tpu.region"() ({
        %run_scoped3A = tpu.sem_alloc : memref<!tpu.dma_semaphore, #tpu.memory_space<semaphore_mem>>
        %dma_start3A_239 = arith.constant 0 : i32
        %dma_start3A_240 = tpu.memref_slice %arg19[%dma_start3A_239] : memref<128xf32, #tpu.memory_space<vmem>> -> memref<16xf32, #tpu.memory_space<vmem>>
        %dma_start3A_241 = tpu.memref_slice %arg21[%add3A_235] : memref<10016xf32, #tpu.memory_space<vmem_shared>> -> memref<16xf32, #tpu.memory_space<vmem_shared>>
        %dma_start3A_242 = arith.constant 0 : i32
        %dma_start3A_243 = tpu.memref_slice %arg19[%dma_start3A_242] : memref<128xf32, #tpu.memory_space<vmem>> -> memref<16xf32, #tpu.memory_space<vmem>>
        %dma_start3A_244 = tpu.memref_slice %arg21[%add3A_235] : memref<10016xf32, #tpu.memory_space<vmem_shared>> -> memref<16xf32, #tpu.memory_space<vmem_shared>>
        tpu.enqueue_dma source(%dma_start3A_244 : memref<16xf32, #tpu.memory_space<vmem_shared>>) target(%dma_start3A_243 : memref<16xf32, #tpu.memory_space<vmem>>) target_semaphore(%run_scoped3A : memref<!tpu.dma_semaphore, #tpu.memory_space<semaphore_mem>>)
        %dma_wait3A_245 = arith.constant 0 : i32
        %dma_wait3A_246 = tpu.memref_slice %arg19[%dma_wait3A_245] : memref<128xf32, #tpu.memory_space<vmem>> -> memref<16xf32, #tpu.memory_space<vmem>>
        %dma_wait3A_247 = tpu.memref_slice %arg21[%add3A_235] : memref<10016xf32, #tpu.memory_space<vmem_shared>> -> memref<16xf32, #tpu.memory_space<vmem_shared>>
        %dma_wait3A_248 = arith.constant 0 : i32
        %dma_wait3A_249 = tpu.memref_slice %arg19[%dma_wait3A_248] : memref<128xf32, #tpu.memory_space<vmem>> -> memref<16xf32, #tpu.memory_space<vmem>>
        %dma_wait3A_250 = tpu.memref_slice %arg21[%add3A_235] : memref<10016xf32, #tpu.memory_space<vmem_shared>> -> memref<16xf32, #tpu.memory_space<vmem_shared>>
        tpu.wait_dma2 semaphore(%run_scoped3A : memref<!tpu.dma_semaphore, #tpu.memory_space<semaphore_mem>>) src(%dma_wait3A_250 : memref<16xf32, #tpu.memory_space<vmem_shared>>) dst(%dma_wait3A_249 : memref<16xf32, #tpu.memory_space<vmem>>)
        tpu.yield
      }) : () -> ()
      %mul3A_236 = arith.constant 10000 : i32
      %mul3A_237 = arith.muli %arg0, %mul3A_236 : i32
      %add3A_238 = arith.addi %mul3A_237, %add3A_235 : i32
      "tpu.region"() ({
        %run_scoped3A = tpu.sem_alloc : memref<!tpu.dma_semaphore, #tpu.memory_space<semaphore_mem>>
        %dma_start3A_239 = arith.constant 0 : i32
        %dma_start3A_240 = tpu.memref_slice %arg19[%dma_start3A_239] : memref<128xf32, #tpu.memory_space<vmem>> -> memref<16xf32, #tpu.memory_space<vmem>>
        %dma_start3A_241 = tpu.memref_slice %arg9[%add3A_238] : memref<20000xf32, #tpu.memory_space<hbm>> -> memref<16xf32, #tpu.memory_space<hbm>>
        %dma_start3A_242 = tpu.memref_slice %arg9[%add3A_238] : memref<20000xf32, #tpu.memory_space<hbm>> -> memref<16xf32, #tpu.memory_space<hbm>>
        %dma_start3A_243 = arith.constant 0 : i32
        %dma_start3A_244 = tpu.memref_slice %arg19[%dma_start3A_243] : memref<128xf32, #tpu.memory_space<vmem>> -> memref<16xf32, #tpu.memory_space<vmem>>
        tpu.enqueue_dma source(%dma_start3A_244 : memref<16xf32, #tpu.memory_space<vmem>>) target(%dma_start3A_242 : memref<16xf32, #tpu.memory_space<hbm>>) target_semaphore(%run_scoped3A : memref<!tpu.dma_semaphore, #tpu.memory_space<semaphore_mem>>)
        %dma_wait3A_245 = arith.constant 0 : i32
        %dma_wait3A_246 = tpu.memref_slice %arg19[%dma_wait3A_245] : memref<128xf32, #tpu.memory_space<vmem>> -> memref<16xf32, #tpu.memory_space<vmem>>
        %dma_wait3A_247 = tpu.memref_slice %arg9[%add3A_238] : memref<20000xf32, #tpu.memory_space<hbm>> -> memref<16xf32, #tpu.memory_space<hbm>>
        %dma_wait3A_248 = tpu.memref_slice %arg9[%add3A_238] : memref<20000xf32, #tpu.memory_space<hbm>> -> memref<16xf32, #tpu.memory_space<hbm>>
        %dma_wait3A_249 = arith.constant 0 : i32
        %dma_wait3A_250 = tpu.memref_slice %arg19[%dma_wait3A_249] : memref<128xf32, #tpu.memory_space<vmem>> -> memref<16xf32, #tpu.memory_space<vmem>>
        tpu.wait_dma2 semaphore(%run_scoped3A : memref<!tpu.dma_semaphore, #tpu.memory_space<semaphore_mem>>) src(%dma_wait3A_250 : memref<16xf32, #tpu.memory_space<vmem>>) dst(%dma_wait3A_248 : memref<16xf32, #tpu.memory_space<hbm>>)
        tpu.yield
      }) : () -> ()
    } else {
    }
    return
  }
}

module attributes {stable_mosaic.version = 14 : i64} {
  func.func @_proj_body(%arg0: i32, %arg1: memref<1000x128xf32, #tpu.memory_space<vmem>>, %arg2: memref<1000x1xi32, #tpu.memory_space<vmem>>, %arg3: memref<128x128xf32, #tpu.memory_space<vmem>>, %arg4: memref<1x128xf32, #tpu.memory_space<vmem>>, %arg5: memref<8x128xf32, #tpu.memory_space<vmem>>, %arg6: memref<1000x128xf32, #tpu.memory_space<vmem>>) attributes {dimension_semantics = [#tpu.dimension_semantics<arbitrary>], iteration_bounds = array<i64: 10>, scalar_prefetch = 0 : i64, scratch_operands = 0 : i64, tpu.core_type = #tpu.core_type<tc>, window_params = [{transform_indices = @transform_0, window_bounds = array<i64: 1000, 128>}, {transform_indices = @transform_1, window_bounds = array<i64: 1000, 1>}, {pipeline_mode = #tpu.pipeline_mode<synchronous>, transform_indices = @transform_2, window_bounds = array<i64: 128, 128>}, {pipeline_mode = #tpu.pipeline_mode<synchronous>, transform_indices = @transform_3, window_bounds = array<i64: 1, 128>}, {pipeline_mode = #tpu.pipeline_mode<synchronous>, transform_indices = @transform_4, window_bounds = array<i64: 8, 128>}, {transform_indices = @transform_5, window_bounds = array<i64: 1000, 128>}]} {
    %get3A = arith.constant 0 : index
    %get3A_0 = arith.constant 0 : index
    %get3A_1 = vector.load %arg2[%get3A, %get3A_0] : memref<1000x1xi32, #tpu.memory_space<vmem>>, vector<1000x1xi32>
    %get3A_2 = arith.constant 0 : index
    %get3A_3 = arith.constant 0 : index
    %get3A_4 = vector.load %arg5[%get3A_2, %get3A_3] : memref<8x128xf32, #tpu.memory_space<vmem>>, vector<1x128xf32>
    %get3A_5 = arith.constant 1 : index
    %get3A_6 = arith.constant 0 : index
    %get3A_7 = vector.load %arg5[%get3A_5, %get3A_6] : memref<8x128xf32, #tpu.memory_space<vmem>>, vector<1x128xf32>
    %get3A_8 = arith.constant 2 : index
    %get3A_9 = arith.constant 0 : index
    %get3A_10 = vector.load %arg5[%get3A_8, %get3A_9] : memref<8x128xf32, #tpu.memory_space<vmem>>, vector<1x128xf32>
    %eq3A = arith.constant 0 : i32
    %eq3A_11 = vector.broadcast %eq3A : i32 to vector<1000x1xi32>
    %eq3A_12 = arith.cmpi eq, %get3A_1, %eq3A_11 : vector<1000x1xi32>
    %eq3A_13 = arith.constant 1 : i32
    %eq3A_14 = vector.broadcast %eq3A_13 : i32 to vector<1000x1xi32>
    %eq3A_15 = arith.cmpi eq, %get3A_1, %eq3A_14 : vector<1000x1xi32>
    %broadcast_in_dim3A = vector.shape_cast %eq3A_15 : vector<1000x1xi1> to vector<1000x1xi1>
    %broadcast_in_dim3A_16 = vector.broadcast %broadcast_in_dim3A : vector<1000x1xi1> to vector<1000x128xi1>
    %broadcast_in_dim3A_17 = vector.shape_cast %get3A_7 : vector<1x128xf32> to vector<1x128xf32>
    %broadcast_in_dim3A_18 = vector.broadcast %broadcast_in_dim3A_17 : vector<1x128xf32> to vector<1000x128xf32>
    %broadcast_in_dim3A_19 = vector.shape_cast %get3A_10 : vector<1x128xf32> to vector<1x128xf32>
    %broadcast_in_dim3A_20 = vector.broadcast %broadcast_in_dim3A_19 : vector<1x128xf32> to vector<1000x128xf32>
    %select_n3A = arith.select %broadcast_in_dim3A_16, %broadcast_in_dim3A_18, %broadcast_in_dim3A_20 : vector<1000x128xi1>, vector<1000x128xf32>
    %broadcast_in_dim3A_21 = vector.shape_cast %eq3A_12 : vector<1000x1xi1> to vector<1000x1xi1>
    %broadcast_in_dim3A_22 = vector.broadcast %broadcast_in_dim3A_21 : vector<1000x1xi1> to vector<1000x128xi1>
    %broadcast_in_dim3A_23 = vector.shape_cast %get3A_4 : vector<1x128xf32> to vector<1x128xf32>
    %broadcast_in_dim3A_24 = vector.broadcast %broadcast_in_dim3A_23 : vector<1x128xf32> to vector<1000x128xf32>
    %select_n3A_25 = arith.select %broadcast_in_dim3A_22, %broadcast_in_dim3A_24, %select_n3A : vector<1000x128xi1>, vector<1000x128xf32>
    %get3A_26 = arith.constant 0 : index
    %get3A_27 = arith.constant 0 : index
    %get3A_28 = vector.load %arg1[%get3A_26, %get3A_27] : memref<1000x128xf32, #tpu.memory_space<vmem>>, vector<1000x128xf32>
    %get3A_29 = arith.constant 0 : index
    %get3A_30 = arith.constant 0 : index
    %get3A_31 = vector.load %arg3[%get3A_29, %get3A_30] : memref<128x128xf32, #tpu.memory_space<vmem>>, vector<128x128xf32>
    %dot_general3A = arith.constant dense<0.000000e+00> : vector<1000x128xf32>
    %dot_general3A_32 = tpu.matmul %get3A_28, %get3A_31, %dot_general3A {dimension_numbers = #tpu.dot_dimension_numbers<[1], [1], [0], [0], [0, 0, 1, 0], [], []>, transpose_lhs_hint = false} : vector<1000x128xf32>, vector<128x128xf32>, vector<1000x128xf32> -> vector<1000x128xf32>
    %get3A_33 = arith.constant 0 : index
    %get3A_34 = arith.constant 0 : index
    %get3A_35 = vector.load %arg4[%get3A_33, %get3A_34] : memref<1x128xf32, #tpu.memory_space<vmem>>, vector<1x128xf32>
    %add3A = vector.broadcast %get3A_35 : vector<1x128xf32> to vector<1000x128xf32>
    %add3A_36 = arith.addf %dot_general3A_32, %add3A : vector<1000x128xf32>
    %add3A_37 = arith.addf %add3A_36, %select_n3A_25 : vector<1000x128xf32>
    %swap3A = arith.constant 0 : index
    %swap3A_38 = arith.constant 0 : index
    %swap3A_39 = vector.load %arg6[%swap3A, %swap3A_38] : memref<1000x128xf32, #tpu.memory_space<vmem>>, vector<1000x128xf32>
    tpu.vector_store %arg6[%swap3A, %swap3A_38], %add3A_37 {strides = array<i32>} : memref<1000x128xf32, #tpu.memory_space<vmem>>, vector<1000x128xf32>,
    return
  }
  func.func @transform_0(%arg0: i32) -> (i32, i32) {
    %c0_i32 = arith.constant 0 : i32
    %c0_i32_0 = arith.constant 0 : i32
    return %arg0, %c0_i32 : i32, i32
  }
  func.func @transform_1(%arg0: i32) -> (i32, i32) {
    %c0_i32 = arith.constant 0 : i32
    %c0_i32_0 = arith.constant 0 : i32
    return %arg0, %c0_i32 : i32, i32
  }
  func.func @transform_2(%arg0: i32) -> (i32, i32) {
    %c0_i32 = arith.constant 0 : i32
    %c0_i32_0 = arith.constant 0 : i32
    %c0_i32_1 = arith.constant 0 : i32
    return %c0_i32, %c0_i32_0 : i32, i32
  }
  func.func @transform_3(%arg0: i32) -> (i32, i32) {
    %c0_i32 = arith.constant 0 : i32
    %c0_i32_0 = arith.constant 0 : i32
    %c0_i32_1 = arith.constant 0 : i32
    return %c0_i32, %c0_i32_0 : i32, i32
  }
  func.func @transform_4(%arg0: i32) -> (i32, i32) {
    %c0_i32 = arith.constant 0 : i32
    %c0_i32_0 = arith.constant 0 : i32
    %c0_i32_1 = arith.constant 0 : i32
    return %c0_i32, %c0_i32_0 : i32, i32
  }
  func.func @transform_5(%arg0: i32) -> (i32, i32) {
    %c0_i32 = arith.constant 0 : i32
    %c0_i32_0 = arith.constant 0 : i32
    return %arg0, %c0_i32 : i32, i32
  }
}

module attributes {stable_mosaic.version = 14 : i64} {
  func.func @_sage_body(%arg0: i32, %arg1: memref<2x1000x128xf32, #tpu.memory_space<vmem>>, %arg2: memref<1000x1xf32, #tpu.memory_space<vmem>>, %arg3: memref<1000x1xf32, #tpu.memory_space<vmem>>, %arg4: memref<1000x128xf32, #tpu.memory_space<vmem>>, %arg5: memref<128x128xf32, #tpu.memory_space<vmem>>, %arg6: memref<1x128xf32, #tpu.memory_space<vmem>>, %arg7: memref<128x128xf32, #tpu.memory_space<vmem>>, %arg8: memref<1x128xf32, #tpu.memory_space<vmem>>, %arg9: memref<1x128xf32, #tpu.memory_space<vmem>>, %arg10: memref<1000x128xf32, #tpu.memory_space<vmem>>) attributes {dimension_semantics = [#tpu.dimension_semantics<arbitrary>], iteration_bounds = array<i64: 10>, scalar_prefetch = 0 : i64, scratch_operands = 0 : i64, tpu.core_type = #tpu.core_type<tc>, window_params = [{transform_indices = @transform_0, window_bounds = array<i64: 2, 1000, 128>}, {transform_indices = @transform_1, window_bounds = array<i64: 1000, 1>}, {transform_indices = @transform_2, window_bounds = array<i64: 1000, 1>}, {transform_indices = @transform_3, window_bounds = array<i64: 1000, 128>}, {pipeline_mode = #tpu.pipeline_mode<synchronous>, transform_indices = @transform_4, window_bounds = array<i64: 128, 128>}, {pipeline_mode = #tpu.pipeline_mode<synchronous>, transform_indices = @transform_5, window_bounds = array<i64: 1, 128>}, {pipeline_mode = #tpu.pipeline_mode<synchronous>, transform_indices = @transform_6, window_bounds = array<i64: 128, 128>}, {pipeline_mode = #tpu.pipeline_mode<synchronous>, transform_indices = @transform_7, window_bounds = array<i64: 1, 128>}, {pipeline_mode = #tpu.pipeline_mode<synchronous>, transform_indices = @transform_8, window_bounds = array<i64: 1, 128>}, {transform_indices = @transform_9, window_bounds = array<i64: 1000, 128>}]} {
    %get3A = arith.constant 0 : index
    %get3A_0 = arith.constant 0 : index
    %get3A_1 = arith.constant 0 : index
    %get3A_2 = vector.load %arg1[%get3A, %get3A_0, %get3A_1] : memref<2x1000x128xf32, #tpu.memory_space<vmem>>, vector<1x1000x128xf32>
    %get3A_3 = vector.shape_cast %get3A_2 : vector<1x1000x128xf32> to vector<1000x128xf32>
    %get3A_4 = arith.constant 1 : index
    %get3A_5 = arith.constant 0 : index
    %get3A_6 = arith.constant 0 : index
    %get3A_7 = vector.load %arg1[%get3A_4, %get3A_5, %get3A_6] : memref<2x1000x128xf32, #tpu.memory_space<vmem>>, vector<1x1000x128xf32>
    %get3A_8 = vector.shape_cast %get3A_7 : vector<1x1000x128xf32> to vector<1000x128xf32>
    %add3A = arith.addf %get3A_3, %get3A_8 : vector<1000x128xf32>
    %get3A_9 = arith.constant 0 : index
    %get3A_10 = arith.constant 0 : index
    %get3A_11 = vector.load %arg2[%get3A_9, %get3A_10] : memref<1000x1xf32, #tpu.memory_space<vmem>>, vector<1000x1xf32>
    %get3A_12 = arith.constant 0 : index
    %get3A_13 = arith.constant 0 : index
    %get3A_14 = vector.load %arg3[%get3A_12, %get3A_13] : memref<1000x1xf32, #tpu.memory_space<vmem>>, vector<1000x1xf32>
    %add3A_15 = arith.addf %get3A_11, %get3A_14 : vector<1000x1xf32>
    %max3A = arith.constant 1.000000e+00 : f32
    %max3A_16 = vector.broadcast %max3A : f32 to vector<1000x1xf32>
    %max3A_17 = arith.maximumf %add3A_15, %max3A_16 : vector<1000x1xf32>
    %div3A = vector.broadcast %max3A_17 : vector<1000x1xf32> to vector<1000x128xf32>
    %div3A_18 = arith.divf %add3A, %div3A : vector<1000x128xf32>
    %get3A_19 = arith.constant 0 : index
    %get3A_20 = arith.constant 0 : index
    %get3A_21 = vector.load %arg5[%get3A_19, %get3A_20] : memref<128x128xf32, #tpu.memory_space<vmem>>, vector<128x128xf32>
    %dot_general3A = arith.constant dense<0.000000e+00> : vector<1000x128xf32>
    %dot_general3A_22 = tpu.matmul %div3A_18, %get3A_21, %dot_general3A {dimension_numbers = #tpu.dot_dimension_numbers<[1], [1], [0], [0], [0, 0, 1, 0], [], []>, transpose_lhs_hint = false} : vector<1000x128xf32>, vector<128x128xf32>, vector<1000x128xf32> -> vector<1000x128xf32>
    %get3A_23 = arith.constant 0 : index
    %get3A_24 = arith.constant 0 : index
    %get3A_25 = vector.load %arg6[%get3A_23, %get3A_24] : memref<1x128xf32, #tpu.memory_space<vmem>>, vector<1x128xf32>
    %add3A_26 = vector.broadcast %get3A_25 : vector<1x128xf32> to vector<1000x128xf32>
    %add3A_27 = arith.addf %dot_general3A_22, %add3A_26 : vector<1000x128xf32>
    %get3A_28 = arith.constant 0 : index
    %get3A_29 = arith.constant 0 : index
    %get3A_30 = vector.load %arg4[%get3A_28, %get3A_29] : memref<1000x128xf32, #tpu.memory_space<vmem>>, vector<1000x128xf32>
    %get3A_31 = arith.constant 0 : index
    %get3A_32 = arith.constant 0 : index
    %get3A_33 = vector.load %arg7[%get3A_31, %get3A_32] : memref<128x128xf32, #tpu.memory_space<vmem>>, vector<128x128xf32>
    %dot_general3A_34 = arith.constant dense<0.000000e+00> : vector<1000x128xf32>
    %dot_general3A_35 = tpu.matmul %get3A_30, %get3A_33, %dot_general3A_34 {dimension_numbers = #tpu.dot_dimension_numbers<[1], [1], [0], [0], [0, 0, 1, 0], [], []>, transpose_lhs_hint = false} : vector<1000x128xf32>, vector<128x128xf32>, vector<1000x128xf32> -> vector<1000x128xf32>
    %add3A_36 = arith.addf %add3A_27, %dot_general3A_35 : vector<1000x128xf32>
    %reduce_sum3A = arith.constant dense<0.000000e+00> : vector<1000xf32>
    %reduce_sum3A_37 = vector.multi_reduction <add>, %add3A_36, %reduce_sum3A [1] : vector<1000x128xf32> to vector<1000xf32>
    %broadcast_in_dim3A = vector.shape_cast %reduce_sum3A_37 : vector<1000xf32> to vector<1000x1xf32>
    %div3A_38 = arith.constant 1.280000e+02 : f32
    %div3A_39 = vector.broadcast %div3A_38 : f32 to vector<1000x1xf32>
    %div3A_40 = arith.divf %broadcast_in_dim3A, %div3A_39 : vector<1000x1xf32>
    %sub3A = vector.broadcast %div3A_40 : vector<1000x1xf32> to vector<1000x128xf32>
    %sub3A_41 = arith.subf %add3A_36, %sub3A : vector<1000x128xf32>
    %integer_pow3A = arith.mulf %sub3A_41, %sub3A_41 : vector<1000x128xf32>
    %reduce_sum3A_42 = arith.constant dense<0.000000e+00> : vector<1000xf32>
    %reduce_sum3A_43 = vector.multi_reduction <add>, %integer_pow3A, %reduce_sum3A_42 [1] : vector<1000x128xf32> to vector<1000xf32>
    %broadcast_in_dim3A_44 = vector.shape_cast %reduce_sum3A_43 : vector<1000xf32> to vector<1000x1xf32>
    %div3A_45 = arith.constant 1.280000e+02 : f32
    %div3A_46 = vector.broadcast %div3A_45 : f32 to vector<1000x1xf32>
    %div3A_47 = arith.divf %broadcast_in_dim3A_44, %div3A_46 : vector<1000x1xf32>
    %sub3A_48 = vector.broadcast %div3A_40 : vector<1000x1xf32> to vector<1000x128xf32>
    %sub3A_49 = arith.subf %add3A_36, %sub3A_48 : vector<1000x128xf32>
    %add3A_50 = arith.constant 9.99999974E-6 : f32
    %add3A_51 = vector.broadcast %add3A_50 : f32 to vector<1000x1xf32>
    %add3A_52 = arith.addf %div3A_47, %add3A_51 : vector<1000x1xf32>
    %sqrt3A = math.sqrt %add3A_52 : vector<1000x1xf32>
    %div3A_53 = vector.broadcast %sqrt3A : vector<1000x1xf32> to vector<1000x128xf32>
    %div3A_54 = arith.divf %sub3A_49, %div3A_53 : vector<1000x128xf32>
    %get3A_55 = arith.constant 0 : index
    %get3A_56 = arith.constant 0 : index
    %get3A_57 = vector.load %arg8[%get3A_55, %get3A_56] : memref<1x128xf32, #tpu.memory_space<vmem>>, vector<1x128xf32>
    %mul3A = vector.broadcast %get3A_57 : vector<1x128xf32> to vector<1000x128xf32>
    %mul3A_58 = arith.mulf %div3A_54, %mul3A : vector<1000x128xf32>
    %get3A_59 = arith.constant 0 : index
    %get3A_60 = arith.constant 0 : index
    %get3A_61 = vector.load %arg9[%get3A_59, %get3A_60] : memref<1x128xf32, #tpu.memory_space<vmem>>, vector<1x128xf32>
    %add3A_62 = vector.broadcast %get3A_61 : vector<1x128xf32> to vector<1000x128xf32>
    %add3A_63 = arith.addf %mul3A_58, %add3A_62 : vector<1000x128xf32>
    %max3A_64 = arith.constant 0.000000e+00 : f32
    %max3A_65 = vector.broadcast %max3A_64 : f32 to vector<1000x128xf32>
    %max3A_66 = arith.maximumf %add3A_63, %max3A_65 : vector<1000x128xf32>
    %swap3A = arith.constant 0 : index
    %swap3A_67 = arith.constant 0 : index
    %swap3A_68 = vector.load %arg10[%swap3A, %swap3A_67] : memref<1000x128xf32, #tpu.memory_space<vmem>>, vector<1000x128xf32>
    tpu.vector_store %arg10[%swap3A, %swap3A_67], %max3A_66 {strides = array<i32>} : memref<1000x128xf32, #tpu.memory_space<vmem>>, vector<1000x128xf32>,
    return
  }
  func.func @transform_0(%arg0: i32) -> (i32, i32, i32) {
    %c0_i32 = arith.constant 0 : i32
    %c0_i32_0 = arith.constant 0 : i32
    %c0_i32_1 = arith.constant 0 : i32
    return %c0_i32, %arg0, %c0_i32_0 : i32, i32, i32
  }
  func.func @transform_1(%arg0: i32) -> (i32, i32) {
    %c0_i32 = arith.constant 0 : i32
    %c0_i32_0 = arith.constant 0 : i32
    return %arg0, %c0_i32 : i32, i32
  }
  func.func @transform_2(%arg0: i32) -> (i32, i32) {
    %c0_i32 = arith.constant 0 : i32
    %c0_i32_0 = arith.constant 0 : i32
    return %arg0, %c0_i32 : i32, i32
  }
  func.func @transform_3(%arg0: i32) -> (i32, i32) {
    %c0_i32 = arith.constant 0 : i32
    %c0_i32_0 = arith.constant 0 : i32
    return %arg0, %c0_i32 : i32, i32
  }
  func.func @transform_4(%arg0: i32) -> (i32, i32) {
    %c0_i32 = arith.constant 0 : i32
    %c0_i32_0 = arith.constant 0 : i32
    %c0_i32_1 = arith.constant 0 : i32
    return %c0_i32, %c0_i32_0 : i32, i32
  }
  func.func @transform_5(%arg0: i32) -> (i32, i32) {
    %c0_i32 = arith.constant 0 : i32
    %c0_i32_0 = arith.constant 0 : i32
    %c0_i32_1 = arith.constant 0 : i32
    return %c0_i32, %c0_i32_0 : i32, i32
  }
  func.func @transform_6(%arg0: i32) -> (i32, i32) {
    %c0_i32 = arith.constant 0 : i32
    %c0_i32_0 = arith.constant 0 : i32
    %c0_i32_1 = arith.constant 0 : i32
    return %c0_i32, %c0_i32_0 : i32, i32
  }
  func.func @transform_7(%arg0: i32) -> (i32, i32) {
    %c0_i32 = arith.constant 0 : i32
    %c0_i32_0 = arith.constant 0 : i32
    %c0_i32_1 = arith.constant 0 : i32
    return %c0_i32, %c0_i32_0 : i32, i32
  }
  func.func @transform_8(%arg0: i32) -> (i32, i32) {
    %c0_i32 = arith.constant 0 : i32
    %c0_i32_0 = arith.constant 0 : i32
    %c0_i32_1 = arith.constant 0 : i32
    return %c0_i32, %c0_i32_0 : i32, i32
  }
  func.func @transform_9(%arg0: i32) -> (i32, i32) {
    %c0_i32 = arith.constant 0 : i32
    %c0_i32_0 = arith.constant 0 : i32
    return %arg0, %c0_i32 : i32, i32
  }
}

module attributes {stable_mosaic.version = 14 : i64} {
  func.func @_sage_body(%arg0: i32, %arg1: memref<2x1000x128xf32, #tpu.memory_space<vmem>>, %arg2: memref<1000x1xf32, #tpu.memory_space<vmem>>, %arg3: memref<1000x1xf32, #tpu.memory_space<vmem>>, %arg4: memref<1000x128xf32, #tpu.memory_space<vmem>>, %arg5: memref<128x128xf32, #tpu.memory_space<vmem>>, %arg6: memref<1x128xf32, #tpu.memory_space<vmem>>, %arg7: memref<128x128xf32, #tpu.memory_space<vmem>>, %arg8: memref<1x128xf32, #tpu.memory_space<vmem>>, %arg9: memref<1x128xf32, #tpu.memory_space<vmem>>, %arg10: memref<1000x128xf32, #tpu.memory_space<vmem>>) attributes {dimension_semantics = [#tpu.dimension_semantics<arbitrary>], iteration_bounds = array<i64: 10>, scalar_prefetch = 0 : i64, scratch_operands = 0 : i64, tpu.core_type = #tpu.core_type<tc>, window_params = [{transform_indices = @transform_0, window_bounds = array<i64: 2, 1000, 128>}, {transform_indices = @transform_1, window_bounds = array<i64: 1000, 1>}, {transform_indices = @transform_2, window_bounds = array<i64: 1000, 1>}, {transform_indices = @transform_3, window_bounds = array<i64: 1000, 128>}, {pipeline_mode = #tpu.pipeline_mode<synchronous>, transform_indices = @transform_4, window_bounds = array<i64: 128, 128>}, {pipeline_mode = #tpu.pipeline_mode<synchronous>, transform_indices = @transform_5, window_bounds = array<i64: 1, 128>}, {pipeline_mode = #tpu.pipeline_mode<synchronous>, transform_indices = @transform_6, window_bounds = array<i64: 128, 128>}, {pipeline_mode = #tpu.pipeline_mode<synchronous>, transform_indices = @transform_7, window_bounds = array<i64: 1, 128>}, {pipeline_mode = #tpu.pipeline_mode<synchronous>, transform_indices = @transform_8, window_bounds = array<i64: 1, 128>}, {transform_indices = @transform_9, window_bounds = array<i64: 1000, 128>}]} {
    %get3A = arith.constant 0 : index
    %get3A_0 = arith.constant 0 : index
    %get3A_1 = arith.constant 0 : index
    %get3A_2 = vector.load %arg1[%get3A, %get3A_0, %get3A_1] : memref<2x1000x128xf32, #tpu.memory_space<vmem>>, vector<1x1000x128xf32>
    %get3A_3 = vector.shape_cast %get3A_2 : vector<1x1000x128xf32> to vector<1000x128xf32>
    %get3A_4 = arith.constant 1 : index
    %get3A_5 = arith.constant 0 : index
    %get3A_6 = arith.constant 0 : index
    %get3A_7 = vector.load %arg1[%get3A_4, %get3A_5, %get3A_6] : memref<2x1000x128xf32, #tpu.memory_space<vmem>>, vector<1x1000x128xf32>
    %get3A_8 = vector.shape_cast %get3A_7 : vector<1x1000x128xf32> to vector<1000x128xf32>
    %add3A = arith.addf %get3A_3, %get3A_8 : vector<1000x128xf32>
    %get3A_9 = arith.constant 0 : index
    %get3A_10 = arith.constant 0 : index
    %get3A_11 = vector.load %arg2[%get3A_9, %get3A_10] : memref<1000x1xf32, #tpu.memory_space<vmem>>, vector<1000x1xf32>
    %get3A_12 = arith.constant 0 : index
    %get3A_13 = arith.constant 0 : index
    %get3A_14 = vector.load %arg3[%get3A_12, %get3A_13] : memref<1000x1xf32, #tpu.memory_space<vmem>>, vector<1000x1xf32>
    %add3A_15 = arith.addf %get3A_11, %get3A_14 : vector<1000x1xf32>
    %max3A = arith.constant 1.000000e+00 : f32
    %max3A_16 = vector.broadcast %max3A : f32 to vector<1000x1xf32>
    %max3A_17 = arith.maximumf %add3A_15, %max3A_16 : vector<1000x1xf32>
    %div3A = vector.broadcast %max3A_17 : vector<1000x1xf32> to vector<1000x128xf32>
    %div3A_18 = arith.divf %add3A, %div3A : vector<1000x128xf32>
    %get3A_19 = arith.constant 0 : index
    %get3A_20 = arith.constant 0 : index
    %get3A_21 = vector.load %arg5[%get3A_19, %get3A_20] : memref<128x128xf32, #tpu.memory_space<vmem>>, vector<128x128xf32>
    %dot_general3A = arith.constant dense<0.000000e+00> : vector<1000x128xf32>
    %dot_general3A_22 = tpu.matmul %div3A_18, %get3A_21, %dot_general3A {dimension_numbers = #tpu.dot_dimension_numbers<[1], [1], [0], [0], [0, 0, 1, 0], [], []>, transpose_lhs_hint = false} : vector<1000x128xf32>, vector<128x128xf32>, vector<1000x128xf32> -> vector<1000x128xf32>
    %get3A_23 = arith.constant 0 : index
    %get3A_24 = arith.constant 0 : index
    %get3A_25 = vector.load %arg6[%get3A_23, %get3A_24] : memref<1x128xf32, #tpu.memory_space<vmem>>, vector<1x128xf32>
    %add3A_26 = vector.broadcast %get3A_25 : vector<1x128xf32> to vector<1000x128xf32>
    %add3A_27 = arith.addf %dot_general3A_22, %add3A_26 : vector<1000x128xf32>
    %get3A_28 = arith.constant 0 : index
    %get3A_29 = arith.constant 0 : index
    %get3A_30 = vector.load %arg4[%get3A_28, %get3A_29] : memref<1000x128xf32, #tpu.memory_space<vmem>>, vector<1000x128xf32>
    %get3A_31 = arith.constant 0 : index
    %get3A_32 = arith.constant 0 : index
    %get3A_33 = vector.load %arg7[%get3A_31, %get3A_32] : memref<128x128xf32, #tpu.memory_space<vmem>>, vector<128x128xf32>
    %dot_general3A_34 = arith.constant dense<0.000000e+00> : vector<1000x128xf32>
    %dot_general3A_35 = tpu.matmul %get3A_30, %get3A_33, %dot_general3A_34 {dimension_numbers = #tpu.dot_dimension_numbers<[1], [1], [0], [0], [0, 0, 1, 0], [], []>, transpose_lhs_hint = false} : vector<1000x128xf32>, vector<128x128xf32>, vector<1000x128xf32> -> vector<1000x128xf32>
    %add3A_36 = arith.addf %add3A_27, %dot_general3A_35 : vector<1000x128xf32>
    %swap3A = arith.constant 0 : index
    %swap3A_37 = arith.constant 0 : index
    %swap3A_38 = vector.load %arg10[%swap3A, %swap3A_37] : memref<1000x128xf32, #tpu.memory_space<vmem>>, vector<1000x128xf32>
    tpu.vector_store %arg10[%swap3A, %swap3A_37], %add3A_36 {strides = array<i32>} : memref<1000x128xf32, #tpu.memory_space<vmem>>, vector<1000x128xf32>,
    return
  }
  func.func @transform_0(%arg0: i32) -> (i32, i32, i32) {
    %c0_i32 = arith.constant 0 : i32
    %c0_i32_0 = arith.constant 0 : i32
    %c0_i32_1 = arith.constant 0 : i32
    return %c0_i32, %arg0, %c0_i32_0 : i32, i32, i32
  }
  func.func @transform_1(%arg0: i32) -> (i32, i32) {
    %c0_i32 = arith.constant 0 : i32
    %c0_i32_0 = arith.constant 0 : i32
    return %arg0, %c0_i32 : i32, i32
  }
  func.func @transform_2(%arg0: i32) -> (i32, i32) {
    %c0_i32 = arith.constant 0 : i32
    %c0_i32_0 = arith.constant 0 : i32
    return %arg0, %c0_i32 : i32, i32
  }
  func.func @transform_3(%arg0: i32) -> (i32, i32) {
    %c0_i32 = arith.constant 0 : i32
    %c0_i32_0 = arith.constant 0 : i32
    return %arg0, %c0_i32 : i32, i32
  }
  func.func @transform_4(%arg0: i32) -> (i32, i32) {
    %c0_i32 = arith.constant 0 : i32
    %c0_i32_0 = arith.constant 0 : i32
    %c0_i32_1 = arith.constant 0 : i32
    return %c0_i32, %c0_i32_0 : i32, i32
  }
  func.func @transform_5(%arg0: i32) -> (i32, i32) {
    %c0_i32 = arith.constant 0 : i32
    %c0_i32_0 = arith.constant 0 : i32
    %c0_i32_1 = arith.constant 0 : i32
    return %c0_i32, %c0_i32_0 : i32, i32
  }
  func.func @transform_6(%arg0: i32) -> (i32, i32) {
    %c0_i32 = arith.constant 0 : i32
    %c0_i32_0 = arith.constant 0 : i32
    %c0_i32_1 = arith.constant 0 : i32
    return %c0_i32, %c0_i32_0 : i32, i32
  }
  func.func @transform_7(%arg0: i32) -> (i32, i32) {
    %c0_i32 = arith.constant 0 : i32
    %c0_i32_0 = arith.constant 0 : i32
    %c0_i32_1 = arith.constant 0 : i32
    return %c0_i32, %c0_i32_0 : i32, i32
  }
  func.func @transform_8(%arg0: i32) -> (i32, i32) {
    %c0_i32 = arith.constant 0 : i32
    %c0_i32_0 = arith.constant 0 : i32
    %c0_i32_1 = arith.constant 0 : i32
    return %c0_i32, %c0_i32_0 : i32, i32
  }
  func.func @transform_9(%arg0: i32) -> (i32, i32) {
    %c0_i32 = arith.constant 0 : i32
    %c0_i32_0 = arith.constant 0 : i32
    return %arg0, %c0_i32 : i32, i32
  }
}

</mosaic_0001>

<sc_bundles>
// kernel: kernel.10.cloned.1.call-start
scs
__scs_entry_jumppad:
0x0: {  	(pc) =	sbr.rel $0x88, $3  }
0x1: {  	(tag) =	ssettag $0x0;
	lr =	simm.s32 $0x1  }
0x2: {  	[smem:$0x3F93] =	sst lr;
	_ =	strace $0xD0000000  }
0x3: {  	_ = 	snop  }
0x4: {  	_ = 	snop  }
0x5: {  	_ = 	snop  }
0x6: {  	_ = 	snop  }
0x7: {  	_ = 	snop  }
__scs_overlays_trampoline_lowered:
0x8: {  	[smem:$0x3FA2] =	sst s0  }
0x9: {  	[smem:$0x3FA3] =	sst s1  }
0xa: {  	[smem:$0x3FA4] =	sst s2  }
0xb: {  	[smem:$0x3FA5] =	sst s3  }
0xc: {  	[smem:$0x3FA6] =	sst s4  }
0xd: {  	[smem:$0x3FA7] =	sst s5  }
0xe: {  	[smem:$0x3FA8] =	sst s6  }
0xf: {  	[smem:$0x3FA9] =	sst s7  }
0x10: {  	[smem:$0x3FAA] =	sst s8  }
0x11: {  	[smem:$0x3FAB] =	sst s9;
	s0 =	simm.s32 @!p0 $0x0  }
0x12: {  	s1 =	sld [smem:$0x3F91];
	s0 =	simm.s32 @p0 $0x1  }
0x13: {  	[smem:$0x3FAC] =	sst s0;
	s0 =	simm.s32 @!p1 $0x0  }
0x14: {  	s2 =	sld [smem:$0x3F90];
	s0 =	simm.s32 @p1 $0x1  }
0x15: {  	[smem:$0x3FAD] =	sst s0;
	s0 =	simm.s32 @!p2 $0x0  }
0x16: {  	s3 =	sld [smem:$0x3FDB];
	s0 =	simm.s32 @p2 $0x1  }
0x17: {  	s4 =	simm.s32 $0x1BF5;
	[smem:$0x3FAF] =	sst s0  }
0x18: {  	s0 =	sld [smem:$0x3F92];
	_ =	swait.ge [sflag:s4], $0x0  }
0x19: {  	s7 =	sld [smem:$0x3F93]  }
0x1a: {  	s8 =	sadd.s32 $0xFFFFE003, lr  }
0x1b: {  	s9 =	sadd.s32 $0xFFFFFEF7, lr;
	s5 =	simm.s32 $0xFFFFFFFF;
	p2 =	slt.u32 s8, $0xFFFFF086  }
0x1c: {  	p1 =	slt.u32 s9, $0xF7A;
	s5 =	simm.s32 @!p2 $0x0  }
0x1d: {  	s5 =	simm.s32 @p1 $0x1;
	p0 =	seq.s32 s7, s2  }
0x1e: {  	s7 =	smul.u32 @!p0 $0xF7A, s2;
	p2 =	seq.s32 @!p0 s5, $0x0  }
0x1f: {  	s9 =	smul.u32 $0xF7A, s1;
	s8 =	simm.s32 @!p0 $0x1BF5;
	p2 =	por !p2, p0  }
0x20: {  	[sflag:s8] =	ssyncset.s32 @!p0 $0xFFFFF086;
	s6 =	sadd.s32 @!p0 s3, s7;
	s7 =	simm.s32 @!p0 $0x108  }
0x21: {  	s3 =	sadd.s32 s3, s9;
	s6 =	sadd.s32 @!p0 $0x88, s6;
	s7 =	simm.s32 @p2 $0x1082  }
0x22: {  	[simem:s7], [sflag:s8] =	dma.local @!p0 [hbm:s6], $0xF7A  }
0x23: {  	s9 =	sor.u32 $0xD0000000, s2;
	s6 =	simm.s32 $0x108;
	_ =	swait.ge @!p0 [sflag:s8], $0x0  }
0x24: {  	s3 =	sadd.s32 $0x88, s3;
	s6 =	simm.s32 @!p1 $0x1082;
	[sflag:s4] =	ssyncset.s32 $0xFFFFF086  }
0x25: {  	[simem:s6], [sflag:s4] =	dma.local [hbm:s3], $0xF7A  }
0x26: {  	[smem:$0x3F93] =	sst s1;
	(tag) =	ssettag s2;
	_ =	strace s9  }
0x27: {  	s1 =	sld [smem:$0x3FA3]  }
0x28: {  	s2 =	sld [smem:$0x3FA4]  }
0x29: {  	s4 =	sld [smem:$0x3FA6]  }
0x2a: {  	p0 =	seq.s32 s5, $0x0;
	s5 =	sld [smem:$0x3FA7]  }
0x2b: {  	s6 =	sld [smem:$0x3FA8]  }
0x2c: {  	s7 =	sld [smem:$0x3FA9]  }
0x2d: {  	s3 =	simm.s32 $0x108;
	s8 =	sld [smem:$0x3FAA]  }
0x2e: {  	s3 =	simm.s32 @!p0 $0x1082;
	s9 =	sld [smem:$0x3FAB]  }
0x2f: {  	lr =	sadd.s32 s0, s3;
	s0 =	sld [smem:$0x3FA2]  }
0x30: {  	s3 =	sld [smem:$0x3FA5]  }
0x31: {  	[smem:$0x3FAE] =	sst s10  }
0x32: {  	s10 =	sld [smem:$0x3FAC];
	_ =	sdelay $0x3  }
0x33: {  	p0 =	seq.s32 s10, $0x1;
	s10 =	sld [smem:$0x3FAE];
	_ =	sdelay $0x3  }
0x34: {  	[smem:$0x3FAE] =	sst s10  }
0x35: {  	s10 =	sld [smem:$0x3FAD];
	_ =	sdelay $0x3  }
0x36: {  	p1 =	seq.s32 s10, $0x1;
	s10 =	sld [smem:$0x3FAE];
	_ =	sdelay $0x3  }
0x37: {  	[smem:$0x3FAE] =	sst s10  }
0x38: {  	s10 =	sld [smem:$0x3FAF]  }
0x39: {  	_ = 	snop;
	(pc) =	sbr.ind lr, $3  }
0x3a: {  	_ = 	snop  }
0x3b: {  	_ = 	snop  }
0x3c: {  	p2 =	seq.s32 s10, $0x1;
	s10 =	sld [smem:$0x3FAE]  }
0x3d: {  	_ =	shalt  }
0x3e: {  	_ =	shalt  }
0x3f: {  	_ =	shalt  }
0x40: {  	_ =	shalt  }
0x41: {  	_ =	shalt  }
0x42: {  	_ =	shalt  }
0x43: {  	_ =	shalt  }
0x44: {  	_ =	shalt  }
0x45: {  	_ =	shalt  }
0x46: {  	_ =	shalt  }
0x47: {  	_ =	shalt  }
0x48: {  	_ =	shalt  }
0x49: {  	_ =	shalt  }
0x4a: {  	_ =	shalt  }
0x4b: {  	_ =	shalt  }
0x4c: {  	_ =	shalt  }
0x4d: {  	_ =	shalt  }
0x4e: {  	_ =	shalt  }
0x4f: {  	_ =	shalt  }
0x50: {  	_ =	shalt  }
0x51: {  	_ =	shalt  }
0x52: {  	_ =	shalt  }
0x53: {  	_ =	shalt  }
0x54: {  	_ =	shalt  }
0x55: {  	_ =	shalt  }
0x56: {  	_ =	shalt  }
0x57: {  	_ =	shalt  }
0x58: {  	_ =	shalt  }
0x59: {  	_ =	shalt  }
0x5a: {  	_ =	shalt  }
0x5b: {  	_ =	shalt  }
0x5c: {  	_ =	shalt  }
0x5d: {  	_ =	shalt  }
0x5e: {  	_ =	shalt  }
0x5f: {  	_ =	shalt  }
0x60: {  	_ =	shalt  }
0x61: {  	_ =	shalt  }
0x62: {  	_ =	shalt  }
0x63: {  	_ =	shalt  }
0x64: {  	_ =	shalt  }
0x65: {  	_ =	shalt  }
0x66: {  	_ =	shalt  }
0x67: {  	_ =	shalt  }
0x68: {  	_ =	shalt  }
0x69: {  	_ =	shalt  }
0x6a: {  	_ =	shalt  }
0x6b: {  	_ =	shalt  }
0x6c: {  	_ =	shalt  }
0x6d: {  	_ =	shalt  }
0x6e: {  	_ =	shalt  }
0x6f: {  	_ =	shalt  }
0x70: {  	_ =	shalt  }
0x71: {  	_ =	shalt  }
0x72: {  	_ =	shalt  }
0x73: {  	_ =	shalt  }
0x74: {  	_ =	shalt  }
0x75: {  	_ =	shalt  }
0x76: {  	_ =	shalt  }
0x77: {  	_ =	shalt  }
0x78: {  	_ =	shalt  }
0x79: {  	_ =	shalt  }
0x7a: {  	_ =	shalt  }
0x7b: {  	_ =	shalt  }
0x7c: {  	_ =	shalt  }
0x7d: {  	_ =	shalt  }
0x7e: {  	_ =	shalt  }
0x7f: {  	_ =	shalt  }
0x80: {  	_ =	shalt  }
0x81: {  	_ =	shalt  }
0x82: {  	_ =	shalt  }
0x83: {  	_ =	shalt  }
0x84: {  	_ =	shalt  }
0x85: {  	_ =	shalt  }
0x86: {  	_ =	shalt  }
0x87: {  	_ =	shalt  }
.Lfunc_end0:
.L_simem_size_0:
called_computation.1_lowered:
.L_overlay_start_0:
0x88: {  	s2 =	sld [smem:$0x3FD9]  }
0x89: {  	s3 =	sld [smem:$0x3FFE];
	_ =	sdelay $0x1  }
0x8a: {  	s1 =	srdreg.scid  }
0x8b: {  	s0 =	sand.u32 $0x1, s1  }
0x8c: {  	s17 =	sshll.u32 s0, $0xA;
	s2 =	sadd.s32 s3, s2  }
0x8d: {  	s2 =	sadd.s32 s2, s17  }
0x8e: {  	[smem:$0x3FBA] =	sst s2  }
0x8f: {  	_ = 	snop  }
0x90: {  	s2 =	sld [smem:$0x3FD0];
	(tm) =	ssettm $0x1  }
0x91: {  	s18 =	sld [smem:$0x3FFB];
	_ =	sdelay $0x3  }
0x92: {  	_ =	strace s18  }
0x93: {  	s3 =	sld [smem:$0x3FFC];
	_ =	sdelay $0x3  }
0x94: {  	_ =	strace s3  }
0x95: {  	s3 =	sld [smem:$0x3FFD];
	_ =	sdelay $0x3  }
0x96: {  	_ =	strace s3  }
0x97: {  	_ =	strace $0x8FFFFFFF  }
0x98: {  	s19 =	sld [smem:$0x3FDB];
	_ =	sdelay $0x1  }
0x99: {  	s4 =	simm.s32 $_scs_section_size  }
0x9a: {  	s5 =	simm.s32 $_size__tile_overlayer_lowered;
	s6 =	simm.s32 $_tile_overlayer_lowered  }
0x9b: {  	s22 =	simm.s32 $0x1BFF;
	s21 =	sshll.u32 s6, $0x1;
	s3 =	sadd.s32 s4, s19  }
0x9c: {  	s7 =	simm.s32 $0x0;
	s20 =	sshll.u32 s5, $0x1;
	s5 =	sadd.s32 s21, s3  }
0x9d: {  	[timem:s7], [sflag:s22] =	dma.local [hbm:s5], s20  }
0x9e: {  	_ =	swait.ge [sflag:s22], s20  }
0x9f: {  	s4 =	ssub.s32 $0x0, s20;
	[sflag:s22] =	ssyncset.done $0x0  }
0xa0: {  	[sflag:s22] =	ssyncadd.s32 s4;
	_ =	sdelay $0x1  }
0xa1: {  	s23 =	simm.s32 $0x1B8B  }
0xa2: {  	_ =	swait.ge [sflag:s23], $0x1  }
0xa3: {  	[sflag:s23] =	ssyncset.done $0x0  }
0xa4: {  	s25 =	simm.s32 $0x1B8E;
	s24 =	sld [smem:$0x3FFE];
	[sflag:s23] =	ssyncadd.s32 $0xFFFFFFFF  }
0xa5: {  	s26 =	simm.s32 $execute0_lowered;
	[smem:$0x3FD2] =	sst s25  }
0xa6: {  	s5 =	sshll.u32 s26, $0x1;
	_ =	strace $0x80000049;
	[dreg:$0x1] =	wrdreg $0xFFFFFFFF  }
0xa7: {  	s28 =	simm.s32 $_size_execute0_lowered;
	s3 =	sadd.s32 s3, s5;
	[dreg:$0x0] =	wrdreg $0x0  }
0xa8: {  	s5 =	sshll.u32 s28, $0x1;
	[dreg:$0x2] =	wrdreg s3  }
0xa9: {  	[dreg:$0x3] =	wrdreg s5  }
0xaa: {  	[dreg:$0x4] =	wrdreg $0xC0  }
0xab: {  	_ =	task [dreg:s7], $0x5FFFF  }
0xac: {  	[dreg:$0x1] =	wrdreg $0xFFFFFFFF  }
0xad: {  	[dreg:$0x0] =	wrdreg $0x60  }
0xae: {  	[dreg:$0x2] =	wrdreg s24  }
0xaf: {  	[dreg:$0x3] =	wrdreg s2  }
0xb0: {  	[dreg:$0x4] =	wrdreg $0xC3000  }
0xb1: {  	[dreg:$0x5] =	wrdreg $0x9  }
0xb2: {  	_ =	task.clear_ibuf [dreg:s7], $0x6FFFF;
	_ =	strace $0x90000049  }
0xb3: {  	s29 =	simm.s32 $0x9;
	_ =	strace $0x8000004B  }
0xb4: {  	_ =	swait.ge [sflag:s29], $0x1  }
0xb5: {  	[sflag:s29] =	ssyncadd.s32 $0xFFFFFFFF  }
0xb6: {  	_ =	strace $0x9000004B  }
0xb7: {  	_ =	sfence  }
0xb8: {  	s30 =	sld [smem:$0x0];
	_ =	sdelay $0x2  }
0xb9: {  	s31 =	sshll.u32 s1, $0xD;
	s1 =	sshrl.u32 s1, $0x2  }
0xba: {  	s3 =	sand.u32 $0x4000, s31;
	s1 =	sadd.s32 s1, s30  }
0xbb: {  	s0 =	sor.u32 s3, s0;
	s1 =	sshll.u32 s1, $0x11  }
0xbc: {  	s0 =	sor.u32 s1, s0  }
0xbd: {  	s0 =	sadd.s32 $0x8F2B, s0  }
0xbe: {  	[sflag:s0] =	ssyncadd.remote.s32 $0x1  }
0xbf: {  	_ =	sfence.sel $0xFFFF  }
0xc0: {  	[dreg:$0x0] =	wrdreg $0xFFFFFFFF;
	(pc) =	sbr.abs _section_cstart, $3  }
0xc1: {  	[dreg:$0x1] =	wrdreg $0xFFFFFFFF  }
0xc2: {  	_ =	task.clear_ibuf [dreg:s7], $0x2FFFF;
	_ =	strace $0x9FFFFFFF  }
0xc3: {  	(tm) =	ssettm $0x7FFFFFFF  }
tec
execute0_lowered:
.L_overlay_start_1:
0x0: {  	(tag) =	ssettag $0x1  }
0x1: {  	s0 =	rddreg [dreg:$0x0]  }
0x2: {  	s1 =	rddreg [dreg:$0x1]  }
0x3: {  	s2 =	rddreg [dreg:$0x2];
	s4 =	simm.s32 $0x0;
	s3 =	srdreg.scid  }
0x4: {  	s18 =	stileid.u32;
	[smem:$0x7FF] =	sst s4  }
0x5: {  	s3 =	sand.u32 $0x1, s3;
	s5 =	sshll.u32 s18, $0x1;
	s31 =	smul.u32 $0x280, s18  }
0x6: {  	s6 =	sadd.s32 $0x3600, s0;
	s8 =	sadd.s32 $0xD800, s0;
	s17 =	smul.u32 $0xA0, s18  }
0x7: {  	s11 =	sadd.s32 $0x18600, s0;
	s30 =	smul.u32 $0x50000, s18;
	s0 =	sadd.s32 $0x17E00, s0  }
0x8: {  	p1 =	seq.s32 s18, $0xF;
	s18 =	simm.s32 $0x4300;
	s13 =	smul.u32 $0x2710, s3  }
0x9: {  	_ =	strace $0x8000004A;
	s7 =	ssub.s32 $0x2, s3;
	s19 =	smul.u32 $0x50, s3  }
0xa: {  	s5 =	sor.u32 s3, s5;
	s3 =	smul.u32 $0x138800, s3;
	[dreg:$0x12] =	wrdreg s0  }
0xb: {  	s9 =	sshrl.u32 s7, $0x1;
	s10 =	smul.u32 $0x500, s5;
	s21 =	sadd.s32 $0x80, s31  }
0xc: {  	s24 =	sadd.s32 $0x180, s31;
	p0 =	seq.s32 s5, $0x1F;
	s5 =	sadd.s32 $0x130000, s2  }
0xd: {  	s7 =	ssub.s32 s7, s9;
	s20 =	sadd.s32 s31, s13;
	s12 =	sadd.s32 s6, s10  }
0xe: {  	s15 =	sor.u32 $0x10, s10;
	s14 =	sadd.s32 s8, s10;
	[dreg:$0x7] =	wrdreg s12  }
0xf: {  	s22 =	sadd.s32 s13, s21;
	[dreg:$0x8] =	wrdreg s14;
	s16 =	sadd.s32 s6, s15  }
0x10: {  	s10 =	sor.u32 $0x20, s10;
	s12 =	sadd.s32 s8, s15;
	[dreg:$0x9] =	wrdreg s16  }
0x11: {  	s25 =	sadd.s32 s13, s24;
	s15 =	sadd.s32 s6, s10;
	[dreg:$0xa] =	wrdreg s12  }
0x12: {  	s3 =	sshrl.u32 s3, $0x3;
	s10 =	sadd.s32 s8, s10;
	[dreg:$0xb] =	wrdreg s15  }
0x13: {  	s9 =	sadd.s32 $0x200, s31;
	s3 =	sadd.s32 s11, s3;
	[dreg:$0xc] =	wrdreg s10  }
0x14: {  	s10 =	sshll.u32 s20, $0x4;
	s12 =	sadd.s32 s19, s17;
	s16 =	sadd.s32 $0x100, s31  }
0x15: {  	s31 =	simm.s32 $0x8300;
	s19 =	sshll.u32 s9, $0x7;
	s10 =	sadd.s32 s11, s10  }
0x16: {  	s14 =	sshll.u32 s12, $0x4;
	s23 =	sadd.s32 s13, s16;
	s13 =	sadd.s32 s13, s9  }
0x17: {  	[dreg:$0x6] =	wrdreg s31;
	s15 =	sshll.u32 s16, $0x7;
	s16 =	sshll.u32 s24, $0x7  }
0x18: {  	s20 =	sadd.s32 s19, s2;
	s24 =	sadd.s32 $0x27000, s3;
	s29 =	sor.u32 $0x2, s12  }
0x19: {  	s9 =	simm.s32 $0x100;
	s12 =	simm.s32 $0x280;
	[dreg:$0xd] =	wrdreg s10  }
0x1a: {  	s19 =	simm.s32 $0x4;
	s10 =	sshll.u32 s22, $0x4;
	[dreg:$0x16] =	wrdreg s20  }
0x1b: {  	s6 =	sadd.s32 s14, s6;
	s8 =	sadd.s32 s14, s8;
	[dreg:$0x1a] =	wrdreg s24  }
0x1c: {  	s28 =	sshll.u32 s13, $0x4;
	s13 =	sshll.u32 s21, $0x7;
	[dreg:$0x4] =	wrdreg s6  }
0x1d: {  	s0 =	sadd.s32 s15, s2;
	s21 =	sadd.s32 $0x25800, s3;
	[dreg:$0x5] =	wrdreg s8  }
0x1e: {  	s22 =	sadd.s32 $0x26000, s3;
	s15 =	simm.s32 $0x1;
	[dreg:$0x14] =	wrdreg s0  }
0x1f: {  	s20 =	simm.s32 $0x3;
	s10 =	sadd.s32 s11, s10;
	[dreg:$0x17] =	wrdreg s21  }
0x20: {  	s6 =	sshll.u32 s23, $0x4;
	s8 =	sshll.u32 s25, $0x4;
	[dreg:$0x18] =	wrdreg s22  }
0x21: {  	s14 =	sadd.s32 s13, s2;
	s0 =	sadd.s32 s16, s2;
	[dreg:$0xe] =	wrdreg s10  }
0x22: {  	s23 =	sadd.s32 $0x26800, s3;
	s25 =	smax.u32 s7, $0x1;
	[dreg:$0x13] =	wrdreg s14  }
0x23: {  	s3 =	sadd.s32 $0x12C000, s2;
	s7 =	sadd.s32 $0x138000, s2;
	[dreg:$0x15] =	wrdreg s0  }
0x24: {  	s13 =	simm.s32 $0x300;
	s16 =	simm.s32 $0x2;
	[dreg:$0x19] =	wrdreg s23  }
0x25: {  	s6 =	sadd.s32 s11, s6;
	s26 =	sadd.s32 s11, s8;
	[dreg:$0x1b] =	wrdreg s25  }
0x26: {  	[dreg:$0xf] =	wrdreg s6;
	s6 =	sadd.s32 s11, s28;
	s11 =	sshrl.u32 s30, $0x2  }
0x27: {  	s21 =	simm.s32 $0x5;
	[dreg:$0x10] =	wrdreg s26;
	s17 =	sadd.s32 s11, s2  }
0x28: {  	s22 =	simm.s32 $0x6;
	[dreg:$0x11] =	wrdreg s6;
	s26 =	sadd.s32 $0x4000, s17  }
0x29: {  	s8 =	simm.s32 $0x80;
	s28 =	sadd.s32 $0x8000, s17;
	[dreg:$0x1c] =	wrdreg s26  }
0x2a: {  	s10 =	simm.s32 $0x180;
	s30 =	sadd.s32 $0xC000, s17;
	[dreg:$0x1d] =	wrdreg s28  }
0x2b: {  	s23 =	simm.s32 $0x0;
	s31 =	sadd.s32 $0x10000, s17;
	[dreg:$0x1e] =	wrdreg s30  }
0x2c: {  	s6 =	sadd.s32 $0x134000, s2;
	s11 =	simm.s32 $0x200;
	[dreg:$0x1f] =	wrdreg s31  }
.LBB2_1:
0x2d: {  	s0 =	rddreg [dreg:$0x7]  }
0x2e: {  	[tilespmem:s4], [sflag:$0x1] =	stream.linear.gather [hbm4b:s0+s4], $0x80, $0x38;
	[tilespmem:$0x1FC00] =	vst v63  }
0x2f: {  	s24 =	rddreg [dreg:$0x8]  }
0x30: {  	[tilespmem:s8], [sflag:$0x1] =	stream.linear.gather [hbm4b:s24+s4], $0x80, $0x38;
	[tilespmem:$0x1FC00] =	vst v63  }
0x31: {  	s25 =	rddreg [dreg:$0x9]  }
0x32: {  	[tilespmem:s9], [sflag:$0x2] =	stream.linear.gather [hbm4b:s25+s4], $0x80, $0x38;
	[tilespmem:$0x1FC00] =	vst v63  }
0x33: {  	s26 =	rddreg [dreg:$0xa]  }
0x34: {  	[tilespmem:s10], [sflag:$0x2] =	stream.linear.gather [hbm4b:s26+s4], $0x80, $0x38;
	[tilespmem:$0x1FC00] =	vst v63  }
0x35: {  	s31 =	rddreg [dreg:$0xb]  }
0x36: {  	[tilespmem:s11], [sflag:$0x3] =	stream.linear.gather [hbm4b:s31+s4], $0x80, $0x38;
	[tilespmem:$0x1FC00] =	vst v63  }
0x37: {  	s14 =	rddreg [dreg:$0xc]  }
0x38: {  	[tilespmem:s12], [sflag:$0x3] =	stream.linear.gather [hbm4b:s14+s4], $0x80, $0x38;
	[tilespmem:$0x1FC00] =	vst v63  }
0x39: {  	s24 =	rddreg [dreg:$0x12];
	s25 =	simm.s32 $0x7  }
0x3a: {  	[tilespmem:s13], [sflag:$0x7] =	stream.linear.gather [hbm4b:s24+s4], $0x4000, $0x38;
	[tilespmem:$0x1FC00] =	vst v63  }
0x3b: {  	_ =	swait.ge [sflag:s25], $0x4000  }
0x3c: {  	[sflag:s25] =	ssyncset.done $0x0  }
0x3d: {  	s24 =	simm.s32 @p1 $0x300;
	[sflag:s25] =	ssyncadd.s32 $0xFFFFC000;
	s25 =	simm.s32 @p1 $0x7  }
0x3e: {  	[spmem:s3] =	stream.linear.scatter @p1 [tilespmem:s24], [sflag:$0x7], $0x4000, $0x38;
	[tilespmem:$0x1FC00] =	vst v63  }
0x3f: {  	_ =	swait.ge @p1 [sflag:s25], $0x4000  }
0x40: {  	[sflag:s25] =	ssyncset.done @p1 $0x0  }
0x41: {  	[sflag:s25] =	ssyncadd.s32 @p1 $0xFFFFC000  }
0x42: {  	[spmem:s5] =	stream.linear.scatter @p1 [tilespmem:s24], [sflag:$0x7], $0x4000, $0x38;
	[tilespmem:$0x1FC00] =	vst v63  }
0x43: {  	_ =	swait.ge @p1 [sflag:s25], $0x4000  }
0x44: {  	[sflag:s25] =	ssyncset.done @p1 $0x0  }
0x45: {  	[sflag:s25] =	ssyncadd.s32 @p1 $0xFFFFC000  }
0x46: {  	[spmem:s6] =	stream.linear.scatter @p1 [tilespmem:s24], [sflag:$0x7], $0x4000, $0x38;
	[tilespmem:$0x1FC00] =	vst v63  }
0x47: {  	_ =	swait.ge @p1 [sflag:s25], $0x4000  }
0x48: {  	[sflag:s25] =	ssyncset.done @p1 $0x0  }
0x49: {  	[sflag:s25] =	ssyncadd.s32 @p1 $0xFFFFC000  }
0x4a: {  	[spmem:s7] =	stream.linear.scatter @p1 [tilespmem:s24], [sflag:$0x7], $0x1000, $0x38;
	[tilespmem:$0x1FC00] =	vst v63  }
0x4b: {  	_ =	swait.ge @p1 [sflag:s25], $0x1000  }
0x4c: {  	[sflag:s25] =	ssyncset.done @p1 $0x0  }
0x4d: {  	s24 =	simm.s32 @!p1 $0x300;
	[sflag:s25] =	ssyncadd.s32 @p1 $0xFFFFF000;
	s25 =	simm.s32 @!p1 $0x7  }
0x4e: {  	[spmem:s17] =	stream.linear.scatter @!p1 [tilespmem:s24], [sflag:$0x7], $0x4000, $0x38;
	[tilespmem:$0x1FC00] =	vst v63  }
0x4f: {  	_ =	swait.ge @!p1 [sflag:s25], $0x4000  }
0x50: {  	[sflag:s25] =	ssyncset.done @!p1 $0x0  }
0x51: {  	s0 =	rddreg [dreg:$0x1c];
	[sflag:s25] =	ssyncadd.s32 @!p1 $0xFFFFC000  }
0x52: {  	[spmem:s0] =	stream.linear.scatter @!p1 [tilespmem:s24], [sflag:$0x7], $0x4000, $0x38;
	[tilespmem:$0x1FC00] =	vst v63  }
0x53: {  	_ =	swait.ge @!p1 [sflag:s25], $0x4000  }
0x54: {  	[sflag:s25] =	ssyncset.done @!p1 $0x0  }
0x55: {  	s0 =	rddreg [dreg:$0x1d];
	[sflag:s25] =	ssyncadd.s32 @!p1 $0xFFFFC000  }
0x56: {  	[spmem:s0] =	stream.linear.scatter @!p1 [tilespmem:s24], [sflag:$0x7], $0x4000, $0x38;
	[tilespmem:$0x1FC00] =	vst v63  }
0x57: {  	_ =	swait.ge @!p1 [sflag:s25], $0x4000  }
0x58: {  	[sflag:s25] =	ssyncset.done @!p1 $0x0  }
0x59: {  	s0 =	rddreg [dreg:$0x1e];
	[sflag:s25] =	ssyncadd.s32 @!p1 $0xFFFFC000  }
0x5a: {  	[spmem:s0] =	stream.linear.scatter @!p1 [tilespmem:s24], [sflag:$0x7], $0x4000, $0x38;
	[tilespmem:$0x1FC00] =	vst v63  }
0x5b: {  	_ =	swait.ge @!p1 [sflag:s25], $0x4000  }
0x5c: {  	[sflag:s25] =	ssyncset.done @!p1 $0x0  }
0x5d: {  	s0 =	rddreg [dreg:$0x1f];
	[sflag:s25] =	ssyncadd.s32 @!p1 $0xFFFFC000  }
0x5e: {  	[spmem:s0] =	stream.linear.scatter @!p1 [tilespmem:s24], [sflag:$0x7], $0x4000, $0x38;
	[tilespmem:$0x1FC00] =	vst v63  }
0x5f: {  	_ =	swait.ge @!p1 [sflag:s25], $0x4000  }
0x60: {  	[sflag:s25] =	ssyncset.done @!p1 $0x0  }
0x61: {  	[sflag:s25] =	ssyncadd.s32 @!p1 $0xFFFFC000  }
0x62: {  	[bflag:$0x0] =	sbarrier.arrive $0xFFFF  }
0x63: {  	_ =	swait.ge [sflag:s15], $0x80  }
0x64: {  	[sflag:s15] =	ssyncset.done $0x0  }
0x65: {  	[sflag:s15] =	ssyncadd.s32 $0xFFFFFF80  }
0x66: {  	_ =	swait.ge [sflag:s15], $0x80  }
0x67: {  	[sflag:s15] =	ssyncset.done $0x0  }
0x68: {  	[sflag:s15] =	ssyncadd.s32 $0xFFFFFF80  }
0x69: {  	[tilespmem:s13], [sflag:$0x4] =	stream.indirect.gather [hbm4b:s1+s8], $0x80, s4, s8, $0xb8;
	[tilespmem:$0x1FC00] =	vst v63  }
0x6a: {  	_ =	swait.ge [sflag:s16], $0x80  }
0x6b: {  	[sflag:s16] =	ssyncset.done $0x0  }
0x6c: {  	[sflag:s16] =	ssyncadd.s32 $0xFFFFFF80  }
0x6d: {  	_ =	swait.ge [sflag:s16], $0x80  }
0x6e: {  	[sflag:s16] =	ssyncset.done $0x0  }
0x6f: {  	[sflag:s16] =	ssyncadd.s32 $0xFFFFFF80  }
0x70: {  	[tilespmem:s18], [sflag:$0x5] =	stream.indirect.gather [hbm4b:s1+s8], $0x80, s9, s8, $0xb8;
	[tilespmem:$0x1FC00] =	vst v63  }
0x71: {  	_ =	swait.ge [sflag:s19], $0x4000  }
0x72: {  	[sflag:s19] =	ssyncset.done $0x0  }
0x73: {  	[sflag:s19] =	ssyncadd.s32 $0xFFFFC000  }
0x74: {  	_ =	swait.ge [sflag:s20], $0x80  }
0x75: {  	[sflag:s20] =	ssyncset.done $0x0  }
0x76: {  	[sflag:s20] =	ssyncadd.s32 $0xFFFFFF80  }
0x77: {  	_ =	swait.ge [sflag:s20], $0x80  }
0x78: {  	s31 =	sadd.s32 $0xFFFFFFFE, s29;
	[sflag:s20] =	ssyncset.done $0x0  }
0x79: {  	p2 =	sgt.u32 s31, $0x9C3;
	s26 =	rddreg [dreg:$0x6];
	[sflag:s20] =	ssyncadd.s32 $0xFFFFFF80  }
0x7a: {  	[tilespmem:s26], [sflag:$0x6] =	stream.indirect.gather [hbm4b:s1+s8], $0x80, s11, s8, $0xb8;
	[tilespmem:$0x1FC00] =	vst v63  }
0x7b: {  	s24 =	simm.s32 @!p2 $0x80;
	s25 =	simm.s32 @!p2 $0x300;
	s26 =	simm.s32 @!p2 $0x7  }
0x7c: {  	[spmem:s2] =	stream.indirect.scatter.add.f32 @!p2 [tilespmem:s25], [sflag:$0x7], $0x80, s24, s24, $0xb8;
	[tilespmem:$0x1FC00] =	vst v63  }
0x7d: {  	_ =	swait.ge @!p2 [sflag:s26], $0x4000  }
0x7e: {  	s0 =	rddreg [dreg:$0x4]  }
0x7f: {  	s28 =	rddreg [dreg:$0x5];
	[sflag:s26] =	ssyncset.done @!p2 $0x0;
	s25 =	sadd.s32 $0x0, s0  }
0x80: {  	[sflag:s26] =	ssyncadd.s32 @!p2 $0xFFFFC000;
	s24 =	sadd.s32 $0x0, s28;
	s14 =	sadd.s32 $0x30, s25  }
0x81: {  	[tilespmem:s4], [sflag:$0x1] =	stream.linear.gather [hbm4b:s14+s4], $0x80, $0x38;
	[tilespmem:$0x1FC00] =	vst v63  }
0x82: {  	s31 =	sadd.s32 $0x30, s24  }
0x83: {  	[tilespmem:s8], [sflag:$0x1] =	stream.linear.gather [hbm4b:s31+s4], $0x80, $0x38;
	[tilespmem:$0x1FC00] =	vst v63  }
0x84: {  	_ =	swait.ge [sflag:s21], $0x4000  }
0x85: {  	[sflag:s21] =	ssyncset.done $0x0  }
0x86: {  	[sflag:s21] =	ssyncadd.s32 $0xFFFFC000  }
0x87: {  	_ =	swait.ge [sflag:s15], $0x80  }
0x88: {  	[sflag:s15] =	ssyncset.done $0x0  }
0x89: {  	[sflag:s15] =	ssyncadd.s32 $0xFFFFFF80  }
0x8a: {  	_ =	swait.ge [sflag:s15], $0x80  }
0x8b: {  	s0 =	sadd.s32 $0xFFFFFFFF, s29;
	[sflag:s15] =	ssyncset.done $0x0  }
0x8c: {  	p2 =	sgt.u32 s0, $0x9C3;
	[sflag:s15] =	ssyncadd.s32 $0xFFFFFF80  }
0x8d: {  	[tilespmem:s13], [sflag:$0x4] =	stream.indirect.gather [hbm4b:s1+s8], $0x80, s4, s8, $0xb8;
	[tilespmem:$0x1FC00] =	vst v63  }
0x8e: {  	s26 =	simm.s32 @!p2 $0x80;
	s28 =	simm.s32 @!p2 $0x180;
	s30 =	simm.s32 @!p2 $0x4300  }
0x8f: {  	[spmem:s2] =	stream.indirect.scatter.add.f32 @!p2 [tilespmem:s30], [sflag:$0x7], $0x80, s28, s26, $0xb8;
	[tilespmem:$0x1FC00] =	vst v63  }
0x90: {  	s26 =	simm.s32 @!p2 $0x7  }
0x91: {  	_ =	swait.ge @!p2 [sflag:s26], $0x4000  }
0x92: {  	[sflag:s26] =	ssyncset.done @!p2 $0x0  }
0x93: {  	s14 =	sadd.s32 $0x40, s25;
	[sflag:s26] =	ssyncadd.s32 @!p2 $0xFFFFC000  }
0x94: {  	[tilespmem:s9], [sflag:$0x2] =	stream.linear.gather [hbm4b:s14+s4], $0x80, $0x38;
	[tilespmem:$0x1FC00] =	vst v63  }
0x95: {  	s31 =	sadd.s32 $0x40, s24  }
0x96: {  	[tilespmem:s10], [sflag:$0x2] =	stream.linear.gather [hbm4b:s31+s4], $0x80, $0x38;
	[tilespmem:$0x1FC00] =	vst v63  }
0x97: {  	_ =	swait.ge [sflag:s22], $0x4000  }
0x98: {  	[sflag:s22] =	ssyncset.done $0x0  }
0x99: {  	[sflag:s22] =	ssyncadd.s32 $0xFFFFC000  }
0x9a: {  	_ =	swait.ge [sflag:s16], $0x80  }
0x9b: {  	[sflag:s16] =	ssyncset.done $0x0  }
0x9c: {  	[sflag:s16] =	ssyncadd.s32 $0xFFFFFF80  }
0x9d: {  	_ =	swait.ge [sflag:s16], $0x80  }
0x9e: {  	[sflag:s16] =	ssyncset.done $0x0  }
0x9f: {  	p3 =	sgt.u32 s29, $0x9C3;
	[sflag:s16] =	ssyncadd.s32 $0xFFFFFF80  }
0xa0: {  	[tilespmem:s18], [sflag:$0x5] =	stream.indirect.gather [hbm4b:s1+s8], $0x80, s9, s8, $0xb8;
	[tilespmem:$0x1FC00] =	vst v63  }
0xa1: {  	s28 =	simm.s32 @!p3 $0x8300;
	s30 =	simm.s32 @!p3 $0x80;
	s26 =	simm.s32 @!p3 $0x280  }
0xa2: {  	[spmem:s2] =	stream.indirect.scatter.add.f32 @!p3 [tilespmem:s28], [sflag:$0x7], $0x80, s26, s30, $0xb8;
	[tilespmem:$0x1FC00] =	vst v63  }
0xa3: {  	s30 =	simm.s32 @!p3 $0x7  }
0xa4: {  	s26 =	simm.s32 $0x30;
	s28 =	smov.u32 s29;
	_ =	swait.ge @!p3 [sflag:s30], $0x4000  }
.LBB2_2:
0xa5: {  	[sflag:s30] =	ssyncset.done @!p3 $0x0  }
0xa6: {  	s25 =	sadd.s32 $0x50, s25;
	[sflag:s30] =	ssyncadd.s32 @!p3 $0xFFFFC000  }
0xa7: {  	[tilespmem:s11], [sflag:$0x3] =	stream.linear.gather [hbm4b:s25+s4], $0x80, $0x38;
	[tilespmem:$0x1FC00] =	vst v63  }
0xa8: {  	s24 =	sadd.s32 $0x50, s24  }
0xa9: {  	[tilespmem:s12], [sflag:$0x3] =	stream.linear.gather [hbm4b:s24+s4], $0x80, $0x38;
	[tilespmem:$0x1FC00] =	vst v63  }
0xaa: {  	_ =	swait.ge [sflag:s19], $0x4000  }
0xab: {  	[sflag:s19] =	ssyncset.done $0x0  }
0xac: {  	[sflag:s19] =	ssyncadd.s32 $0xFFFFC000  }
0xad: {  	_ =	swait.ge [sflag:s20], $0x80  }
0xae: {  	[sflag:s20] =	ssyncset.done $0x0  }
0xaf: {  	[sflag:s20] =	ssyncadd.s32 $0xFFFFFF80  }
0xb0: {  	s28 =	sadd.s32 $0x3, s28;
	_ =	swait.ge [sflag:s20], $0x80  }
0xb1: {  	s0 =	sadd.s32 $0xFFFFFFFE, s28;
	[sflag:s20] =	ssyncset.done $0x0  }
0xb2: {  	p3 =	sgt.u32 s0, $0x9C3;
	s14 =	rddreg [dreg:$0x6];
	[sflag:s20] =	ssyncadd.s32 $0xFFFFFF80  }
0xb3: {  	[tilespmem:s14], [sflag:$0x6] =	stream.indirect.gather [hbm4b:s1+s8], $0x80, s11, s8, $0xb8;
	[tilespmem:$0x1FC00] =	vst v63  }
0xb4: {  	s25 =	simm.s32 @!p3 $0x300;
	s30 =	simm.s32 @!p3 $0x7;
	s24 =	simm.s32 @!p3 $0x80  }
0xb5: {  	[spmem:s2] =	stream.indirect.scatter.add.f32 @!p3 [tilespmem:s25], [sflag:$0x7], $0x80, s24, s24, $0xb8;
	[tilespmem:$0x1FC00] =	vst v63  }
0xb6: {  	_ =	swait.ge @!p3 [sflag:s30], $0x4000  }
0xb7: {  	s25 =	rddreg [dreg:$0x5]  }
0xb8: {  	s31 =	smov.u32 s26;
	s0 =	rddreg [dreg:$0x4]  }
0xb9: {  	[sflag:s30] =	ssyncset.done @!p3 $0x0;
	s24 =	sadd.s32 s31, s25;
	s25 =	sadd.s32 s31, s0  }
0xba: {  	[sflag:s30] =	ssyncadd.s32 @!p3 $0xFFFFC000;
	s30 =	sadd.s32 $0x30, s25  }
0xbb: {  	[tilespmem:s4], [sflag:$0x1] =	stream.linear.gather [hbm4b:s30+s4], $0x80, $0x38;
	[tilespmem:$0x1FC00] =	vst v63  }
0xbc: {  	s30 =	sadd.s32 $0x30, s24  }
0xbd: {  	[tilespmem:s8], [sflag:$0x1] =	stream.linear.gather [hbm4b:s30+s4], $0x80, $0x38;
	[tilespmem:$0x1FC00] =	vst v63  }
0xbe: {  	_ =	swait.ge [sflag:s21], $0x4000  }
0xbf: {  	[sflag:s21] =	ssyncset.done $0x0  }
0xc0: {  	[sflag:s21] =	ssyncadd.s32 $0xFFFFC000  }
0xc1: {  	_ =	swait.ge [sflag:s15], $0x80  }
0xc2: {  	[sflag:s15] =	ssyncset.done $0x0  }
0xc3: {  	[sflag:s15] =	ssyncadd.s32 $0xFFFFFF80  }
0xc4: {  	s30 =	sadd.s32 $0xFFFFFFFF, s28;
	_ =	swait.ge [sflag:s15], $0x80  }
0xc5: {  	p3 =	sgt.u32 s30, $0x9C3;
	[sflag:s15] =	ssyncset.done $0x0  }
0xc6: {  	s30 =	simm.s32 @!p3 $0x80;
	[sflag:s15] =	ssyncadd.s32 $0xFFFFFF80  }
0xc7: {  	[tilespmem:s13], [sflag:$0x4] =	stream.indirect.gather [hbm4b:s1+s8], $0x80, s4, s8, $0xb8;
	[tilespmem:$0x1FC00] =	vst v63  }
0xc8: {  	s31 =	simm.s32 @!p3 $0x180;
	s0 =	simm.s32 @!p3 $0x4300;
	s14 =	simm.s32 @!p3 $0x7  }
0xc9: {  	[spmem:s2] =	stream.indirect.scatter.add.f32 @!p3 [tilespmem:s0], [sflag:$0x7], $0x80, s31, s30, $0xb8;
	[tilespmem:$0x1FC00] =	vst v63  }
0xca: {  	_ =	swait.ge @!p3 [sflag:s14], $0x4000  }
0xcb: {  	[sflag:s14] =	ssyncset.done @!p3 $0x0  }
0xcc: {  	[sflag:s14] =	ssyncadd.s32 @!p3 $0xFFFFC000;
	s14 =	sadd.s32 $0x40, s25  }
0xcd: {  	[tilespmem:s9], [sflag:$0x2] =	stream.linear.gather [hbm4b:s14+s4], $0x80, $0x38;
	[tilespmem:$0x1FC00] =	vst v63  }
0xce: {  	s31 =	sadd.s32 $0x40, s24  }
0xcf: {  	[tilespmem:s10], [sflag:$0x2] =	stream.linear.gather [hbm4b:s31+s4], $0x80, $0x38;
	[tilespmem:$0x1FC00] =	vst v63  }
0xd0: {  	_ =	swait.ge [sflag:s22], $0x4000  }
0xd1: {  	[sflag:s22] =	ssyncset.done $0x0  }
0xd2: {  	[sflag:s22] =	ssyncadd.s32 $0xFFFFC000  }
0xd3: {  	_ =	swait.ge [sflag:s16], $0x80  }
0xd4: {  	[sflag:s16] =	ssyncset.done $0x0  }
0xd5: {  	[sflag:s16] =	ssyncadd.s32 $0xFFFFFF80  }
0xd6: {  	s26 =	sadd.s32 $0x30, s26;
	_ =	swait.ge [sflag:s16], $0x80  }
0xd7: {  	p2 =	sne.s32 s26, $0x4E0;
	p3 =	sgt.u32 s28, $0x9C3;
	[sflag:s16] =	ssyncset.done $0x0  }
.Ltmp0:
0xd8: {  	s0 =	simm.s32 @!p3 $0x280;
	[sflag:s16] =	ssyncadd.s32 $0xFFFFFF80;
	(pc) =	sbr.rel @p2 .LBB2_2-.Ltmp0, $4  }
0xd9: {  	[tilespmem:s18], [sflag:$0x5] =	stream.indirect.gather [hbm4b:s1+s8], $0x80, s9, s8, $0xb8;
	[tilespmem:$0x1FC00] =	vst v63  }
0xda: {  	s14 =	simm.s32 @!p3 $0x8300;
	s30 =	simm.s32 @!p3 $0x7;
	s31 =	simm.s32 @!p3 $0x80  }
0xdb: {  	[spmem:s2] =	stream.indirect.scatter.add.f32 @!p3 [tilespmem:s14], [sflag:$0x7], $0x80, s0, s31, $0xb8;
	[tilespmem:$0x1FC00] =	vst v63  }
0xdc: {  	_ =	swait.ge @!p3 [sflag:s30], $0x4000  }
0xdd: {  	[sflag:s30] =	ssyncset.done @!p3 $0x0  }
0xde: {  	s0 =	sadd.s32 $0x50, s25;
	[sflag:s30] =	ssyncadd.s32 @!p3 $0xFFFFC000  }
0xdf: {  	[tilespmem:s11], [sflag:$0x3] =	stream.linear.gather [hbm4b:s0+s4], $0x80, $0x38;
	[tilespmem:$0x1FC00] =	vst v63  }
0xe0: {  	s30 =	sadd.s32 $0x50, s24  }
0xe1: {  	[tilespmem:s12], [sflag:$0x3] =	stream.linear.gather [hbm4b:s30+s4], $0x80, $0x38;
	[tilespmem:$0x1FC00] =	vst v63  }
0xe2: {  	_ =	swait.ge [sflag:s19], $0x4000  }
0xe3: {  	[sflag:s19] =	ssyncset.done $0x0  }
0xe4: {  	s14 =	simm.s32 @!p0 $0x300;
	s0 =	simm.s32 @!p0 $0x80;
	[sflag:s19] =	ssyncadd.s32 $0xFFFFC000  }
0xe5: {  	[spmem:s2] =	stream.indirect.scatter.add.f32 @!p0 [tilespmem:s14], [sflag:$0x7], $0x80, s0, s0, $0xb8;
	[tilespmem:$0x1FC00] =	vst v63  }
0xe6: {  	s14 =	simm.s32 @!p0 $0x7  }
0xe7: {  	_ =	swait.ge @!p0 [sflag:s14], $0x4000  }
0xe8: {  	[sflag:s14] =	ssyncset.done @!p0 $0x0  }
0xe9: {  	s24 =	simm.s32 @!p0 $0x5;
	[sflag:s14] =	ssyncadd.s32 @!p0 $0xFFFFC000  }
0xea: {  	_ =	swait.ge @!p0 [sflag:s24], $0x4000  }
0xeb: {  	s25 =	simm.s32 @!p0 $0x4300;
	[sflag:s24] =	ssyncset.done @!p0 $0x0  }
0xec: {  	s14 =	simm.s32 @p0 $0x5;
	[sflag:s24] =	ssyncadd.s32 @!p0 $0xFFFFC000;
	s24 =	simm.s32 @!p0 $0x180  }
0xed: {  	[spmem:s2] =	stream.indirect.scatter.add.f32 @!p0 [tilespmem:s25], [sflag:$0x7], $0x80, s24, s0, $0xb8;
	[tilespmem:$0x1FC00] =	vst v63  }
0xee: {  	_ =	swait.ge [sflag:s14], $0x4000  }
0xef: {  	[sflag:s14] =	ssyncset.done $0x0  }
0xf0: {  	[sflag:s14] =	ssyncadd.s32 $0xFFFFC000  }
0xf1: {  	_ =	swait.ge [sflag:s20], $0x80  }
0xf2: {  	[sflag:s20] =	ssyncset.done $0x0  }
0xf3: {  	[sflag:s20] =	ssyncadd.s32 $0xFFFFFF80  }
0xf4: {  	_ =	swait.ge [sflag:s20], $0x80  }
0xf5: {  	[sflag:s20] =	ssyncset.done $0x0  }
0xf6: {  	[sflag:s20] =	ssyncadd.s32 $0xFFFFFF80  }
0xf7: {  	s0 =	simm.s32 @p1 $0x300;
	s14 =	simm.s32 @p1 $0x7;
	[bflag:$0x0] =	sbarrier.arrive $0xFFFF  }
0xf8: {  	[tilespmem:s0], [sflag:$0x7] =	stream.linear.gather @p1 [spmem:s3], $0x4000, $0x38;
	[tilespmem:$0x1FC00] =	vst v63  }
0xf9: {  	_ =	swait.ge @p1 [sflag:s14], $0x4000  }
0xfa: {  	[sflag:s14] =	ssyncset.done @p1 $0x0  }
0xfb: {  	s24 =	simm.s32 @p1 $0x0;
	s25 =	rddreg [dreg:$0x17];
	[sflag:s14] =	ssyncadd.s32 @p1 $0xFFFFC000  }
0xfc: {  	[hbm4b:s25+s24] =	stream.linear.scatter @p1 [tilespmem:s0], [sflag:$0x4], $0x4000, $0x38;
	[tilespmem:$0x1FC00] =	vst v63  }
0xfd: {  	s25 =	simm.s32 @p1 $0x4300  }
0xfe: {  	[tilespmem:s25], [sflag:$0x7] =	stream.linear.gather @p1 [spmem:s5], $0x4000, $0x38;
	[tilespmem:$0x1FC00] =	vst v63  }
0xff: {  	_ =	swait.ge @p1 [sflag:s14], $0x4000  }
0x100: {  	[sflag:s14] =	ssyncset.done @p1 $0x0  }
0x101: {  	s26 =	rddreg [dreg:$0x18];
	[sflag:s14] =	ssyncadd.s32 @p1 $0xFFFFC000  }
0x102: {  	[hbm4b:s26+s24] =	stream.linear.scatter @p1 [tilespmem:s25], [sflag:$0x5], $0x4000, $0x38;
	[tilespmem:$0x1FC00] =	vst v63  }
0x103: {  	s26 =	simm.s32 @p1 $0x4  }
0x104: {  	_ =	swait.ge @p1 [sflag:s26], $0x4000  }
0x105: {  	[sflag:s26] =	ssyncset.done @p1 $0x0  }
0x106: {  	[sflag:s26] =	ssyncadd.s32 @p1 $0xFFFFC000  }
0x107: {  	[tilespmem:s0], [sflag:$0x7] =	stream.linear.gather @p1 [spmem:s6], $0x4000, $0x38;
	[tilespmem:$0x1FC00] =	vst v63  }
0x108: {  	_ =	swait.ge @p1 [sflag:s14], $0x4000  }
0x109: {  	[sflag:s14] =	ssyncset.done @p1 $0x0  }
0x10a: {  	s28 =	rddreg [dreg:$0x19];
	[sflag:s14] =	ssyncadd.s32 @p1 $0xFFFFC000  }
0x10b: {  	[hbm4b:s28+s24] =	stream.linear.scatter @p1 [tilespmem:s0], [sflag:$0x4], $0x4000, $0x38;
	[tilespmem:$0x1FC00] =	vst v63  }
0x10c: {  	s0 =	simm.s32 @p1 $0x5  }
0x10d: {  	_ =	swait.ge @p1 [sflag:s0], $0x4000  }
0x10e: {  	[sflag:s0] =	ssyncset.done @p1 $0x0  }
0x10f: {  	[sflag:s0] =	ssyncadd.s32 @p1 $0xFFFFC000  }
0x110: {  	[tilespmem:s25], [sflag:$0x7] =	stream.linear.gather @p1 [spmem:s7], $0x800, $0x38;
	[tilespmem:$0x1FC00] =	vst v63  }
0x111: {  	_ =	swait.ge @p1 [sflag:s14], $0x800  }
0x112: {  	[sflag:s14] =	ssyncset.done @p1 $0x0  }
0x113: {  	[sflag:s14] =	ssyncadd.s32 @p1 $0xFFFFF800;
	s14 =	rddreg [dreg:$0x1a]  }
0x114: {  	[hbm4b:s14+s24] =	stream.linear.scatter @p1 [tilespmem:s25], [sflag:$0x5], $0x800, $0x38;
	[tilespmem:$0x1FC00] =	vst v63  }
0x115: {  	_ =	swait.ge @p1 [sflag:s26], $0x4000  }
0x116: {  	[sflag:s26] =	ssyncset.done @p1 $0x0  }
0x117: {  	[sflag:s26] =	ssyncadd.s32 @p1 $0xFFFFC000  }
0x118: {  	_ =	swait.ge @p1 [sflag:s0], $0x800  }
0x119: {  	[sflag:s0] =	ssyncset.done @p1 $0x0  }
0x11a: {  	s14 =	simm.s32 @!p1 $0x7;
	[sflag:s0] =	ssyncadd.s32 @p1 $0xFFFFF800;
	s0 =	simm.s32 @!p1 $0x300  }
0x11b: {  	[tilespmem:s0], [sflag:$0x7] =	stream.linear.gather @!p1 [spmem:s17], $0x4000, $0x38;
	[tilespmem:$0x1FC00] =	vst v63  }
0x11c: {  	_ =	swait.ge @!p1 [sflag:s14], $0x4000  }
0x11d: {  	[sflag:s14] =	ssyncset.done @!p1 $0x0  }
0x11e: {  	s24 =	simm.s32 @!p1 $0x0;
	s25 =	rddreg [dreg:$0xd];
	[sflag:s14] =	ssyncadd.s32 @!p1 $0xFFFFC000  }
0x11f: {  	[hbm4b:s25+s24] =	stream.linear.scatter @!p1 [tilespmem:s0], [sflag:$0x4], $0x4000, $0x38;
	[tilespmem:$0x1FC00] =	vst v63  }
0x120: {  	s26 =	rddreg [dreg:$0x13];
	s25 =	simm.s32 @!p1 $0x4300  }
0x121: {  	[tilespmem:s25], [sflag:$0x7] =	stream.linear.gather @!p1 [spmem:s26], $0x4000, $0x38;
	[tilespmem:$0x1FC00] =	vst v63  }
0x122: {  	_ =	swait.ge @!p1 [sflag:s14], $0x4000  }
0x123: {  	[sflag:s14] =	ssyncset.done @!p1 $0x0  }
0x124: {  	s26 =	rddreg [dreg:$0xe];
	[sflag:s14] =	ssyncadd.s32 @!p1 $0xFFFFC000  }
0x125: {  	[hbm4b:s26+s24] =	stream.linear.scatter @!p1 [tilespmem:s25], [sflag:$0x5], $0x4000, $0x38;
	[tilespmem:$0x1FC00] =	vst v63  }
0x126: {  	s26 =	simm.s32 @!p1 $0x4  }
0x127: {  	_ =	swait.ge @!p1 [sflag:s26], $0x4000  }
0x128: {  	[sflag:s26] =	ssyncset.done @!p1 $0x0  }
0x129: {  	s28 =	rddreg [dreg:$0x14];
	[sflag:s26] =	ssyncadd.s32 @!p1 $0xFFFFC000  }
0x12a: {  	[tilespmem:s0], [sflag:$0x7] =	stream.linear.gather @!p1 [spmem:s28], $0x4000, $0x38;
	[tilespmem:$0x1FC00] =	vst v63  }
0x12b: {  	_ =	swait.ge @!p1 [sflag:s14], $0x4000  }
0x12c: {  	[sflag:s14] =	ssyncset.done @!p1 $0x0  }
0x12d: {  	s28 =	rddreg [dreg:$0xf];
	[sflag:s14] =	ssyncadd.s32 @!p1 $0xFFFFC000  }
0x12e: {  	[hbm4b:s28+s24] =	stream.linear.scatter @!p1 [tilespmem:s0], [sflag:$0x4], $0x4000, $0x38;
	[tilespmem:$0x1FC00] =	vst v63  }
0x12f: {  	s28 =	simm.s32 @!p1 $0x5  }
0x130: {  	_ =	swait.ge @!p1 [sflag:s28], $0x4000  }
0x131: {  	[sflag:s28] =	ssyncset.done @!p1 $0x0  }
0x132: {  	s30 =	rddreg [dreg:$0x15];
	[sflag:s28] =	ssyncadd.s32 @!p1 $0xFFFFC000  }
0x133: {  	[tilespmem:s25], [sflag:$0x7] =	stream.linear.gather @!p1 [spmem:s30], $0x4000, $0x38;
	[tilespmem:$0x1FC00] =	vst v63  }
0x134: {  	_ =	swait.ge @!p1 [sflag:s14], $0x4000  }
0x135: {  	[sflag:s14] =	ssyncset.done @!p1 $0x0  }
0x136: {  	s30 =	rddreg [dreg:$0x10];
	[sflag:s14] =	ssyncadd.s32 @!p1 $0xFFFFC000  }
0x137: {  	[hbm4b:s30+s24] =	stream.linear.scatter @!p1 [tilespmem:s25], [sflag:$0x5], $0x4000, $0x38;
	[tilespmem:$0x1FC00] =	vst v63  }
0x138: {  	_ =	swait.ge @!p1 [sflag:s26], $0x4000  }
0x139: {  	[sflag:s26] =	ssyncset.done @!p1 $0x0  }
0x13a: {  	s25 =	rddreg [dreg:$0x16];
	[sflag:s26] =	ssyncadd.s32 @!p1 $0xFFFFC000  }
0x13b: {  	[tilespmem:s0], [sflag:$0x7] =	stream.linear.gather @!p1 [spmem:s25], $0x4000, $0x38;
	[tilespmem:$0x1FC00] =	vst v63  }
0x13c: {  	_ =	swait.ge @!p1 [sflag:s14], $0x4000  }
0x13d: {  	[sflag:s14] =	ssyncset.done @!p1 $0x0  }
0x13e: {  	[sflag:s14] =	ssyncadd.s32 @!p1 $0xFFFFC000;
	s14 =	rddreg [dreg:$0x11]  }
0x13f: {  	[hbm4b:s14+s24] =	stream.linear.scatter @!p1 [tilespmem:s0], [sflag:$0x4], $0x4000, $0x38;
	[tilespmem:$0x1FC00] =	vst v63  }
0x140: {  	_ =	swait.ge @!p1 [sflag:s28], $0x4000  }
0x141: {  	[sflag:s28] =	ssyncset.done @!p1 $0x0  }
0x142: {  	[sflag:s28] =	ssyncadd.s32 @!p1 $0xFFFFC000  }
0x143: {  	_ =	swait.ge @!p1 [sflag:s26], $0x4000  }
0x144: {  	s23 =	sadd.s32 $0x1, s23;
	s31 =	rddreg [dreg:$0x1b]  }
0x145: {  	p2 =	sne.s32 s23, s31  }
.Ltmp1:
0x146: {  	_ = 	snop;
	(pc) =	sbr.rel @p2 .LBB2_1-.Ltmp1, $3  }
0x147: {  	_ =	sdelay $0x1  }
0x148: {  	[sflag:s26] =	ssyncset.done @!p1 $0x0  }
0x149: {  	[sflag:s26] =	ssyncadd.s32 @!p1 $0xFFFFC000  }
0x14a: {  	_ =	sfence.sel $0x180000  }
0x14b: {  	[bflag:$0x0] =	sbarrier.arrive $0xFFFF  }
0x14c: {  	_ =	strace $0x9000004A  }
0x14d: {  	s0 =	stileid.u32;
	[bflag:$0x2] =	sbarrier.arrive $0xFFFF  }
0x14e: {  	p0 =	sne.s32 s0, $0x0;
	s0 =	rddreg [dreg:$0x3]  }
0x14f: {  	s0 =	sadd.s32 @!p0 $0x100000, s0  }
0x150: {  	[sflag:s0] =	ssyncadd.tile.s32 @!p0 $0x1;
	_ =	shalt  }
.Lfunc_end2:
_tile_overlayer_lowered:
.L_overlay_start_2:
0x151: {  	(tag) =	ssettag $0x2  }
0x152: {  	s0 =	rddreg [dreg:$0x0];
	s2 =	stileid.u32  }
0x153: {  	s1 =	rddreg [dreg:$0x1];
	p0 =	sne.s32 s2, $0x0  }
0x154: {  	s3 =	rddreg [dreg:$0x2];
	[bflag:$0x3] =	sbarrier.arrive $0xFFFF;
	s2 =	simm.s32 @!p0 $0x1C07  }
0x155: {  	[timem:s3], [sflag:s2] =	dma.local @!p0 [hbm:s0], s1  }
0x156: {  	s0 =	simm.s32 @!p0 $0x7  }
0x157: {  	_ =	swait.ge @!p0 [sflag:s0], s1  }
0x158: {  	s1 =	ssub.s32 @!p0 $0x0, s1;
	[sflag:s0] =	ssyncset.done @!p0 $0x0  }
0x159: {  	[sflag:s0] =	ssyncadd.s32 @!p0 s1  }
0x15a: {  	[bflag:$0x3] =	sbarrier.arrive $0xFFFF  }
0x15b: {  	_ =	shalt  }

// kernel: kernel.7.cloned.1.call-start
scs
__scs_entry_jumppad:
0x0: {  	(pc) =	sbr.rel $0x88, $3  }
0x1: {  	(tag) =	ssettag $0x0;
	lr =	simm.s32 $0x1  }
0x2: {  	[smem:$0x3F93] =	sst lr;
	_ =	strace $0xD0000000  }
0x3: {  	_ = 	snop  }
0x4: {  	_ = 	snop  }
0x5: {  	_ = 	snop  }
0x6: {  	_ = 	snop  }
0x7: {  	_ = 	snop  }
__scs_overlays_trampoline_lowered:
0x8: {  	[smem:$0x3FA2] =	sst s0  }
0x9: {  	[smem:$0x3FA3] =	sst s1  }
0xa: {  	[smem:$0x3FA4] =	sst s2  }
0xb: {  	[smem:$0x3FA5] =	sst s3  }
0xc: {  	[smem:$0x3FA6] =	sst s4  }
0xd: {  	[smem:$0x3FA7] =	sst s5  }
0xe: {  	[smem:$0x3FA8] =	sst s6  }
0xf: {  	[smem:$0x3FA9] =	sst s7  }
0x10: {  	[smem:$0x3FAA] =	sst s8  }
0x11: {  	[smem:$0x3FAB] =	sst s9;
	s0 =	simm.s32 @!p0 $0x0  }
0x12: {  	s1 =	sld [smem:$0x3F91];
	s0 =	simm.s32 @p0 $0x1  }
0x13: {  	[smem:$0x3FAC] =	sst s0;
	s0 =	simm.s32 @!p1 $0x0  }
0x14: {  	s2 =	sld [smem:$0x3F90];
	s0 =	simm.s32 @p1 $0x1  }
0x15: {  	[smem:$0x3FAD] =	sst s0;
	s0 =	simm.s32 @!p2 $0x0  }
0x16: {  	s3 =	sld [smem:$0x3FDB];
	s0 =	simm.s32 @p2 $0x1  }
0x17: {  	s4 =	simm.s32 $0x1BF5;
	[smem:$0x3FAF] =	sst s0  }
0x18: {  	s0 =	sld [smem:$0x3F92];
	_ =	swait.ge [sflag:s4], $0x0  }
0x19: {  	s7 =	sld [smem:$0x3F93]  }
0x1a: {  	s8 =	sadd.s32 $0xFFFFE003, lr  }
0x1b: {  	s9 =	sadd.s32 $0xFFFFFEF7, lr;
	s5 =	simm.s32 $0xFFFFFFFF;
	p2 =	slt.u32 s8, $0xFFFFF086  }
0x1c: {  	p1 =	slt.u32 s9, $0xF7A;
	s5 =	simm.s32 @!p2 $0x0  }
0x1d: {  	s5 =	simm.s32 @p1 $0x1;
	p0 =	seq.s32 s7, s2  }
0x1e: {  	s7 =	smul.u32 @!p0 $0xF7A, s2;
	p2 =	seq.s32 @!p0 s5, $0x0  }
0x1f: {  	s9 =	smul.u32 $0xF7A, s1;
	s8 =	simm.s32 @!p0 $0x1BF5;
	p2 =	por !p2, p0  }
0x20: {  	[sflag:s8] =	ssyncset.s32 @!p0 $0xFFFFF086;
	s6 =	sadd.s32 @!p0 s3, s7;
	s7 =	simm.s32 @!p0 $0x108  }
0x21: {  	s3 =	sadd.s32 s3, s9;
	s6 =	sadd.s32 @!p0 $0x88, s6;
	s7 =	simm.s32 @p2 $0x1082  }
0x22: {  	[simem:s7], [sflag:s8] =	dma.local @!p0 [hbm:s6], $0xF7A  }
0x23: {  	s9 =	sor.u32 $0xD0000000, s2;
	s6 =	simm.s32 $0x108;
	_ =	swait.ge @!p0 [sflag:s8], $0x0  }
0x24: {  	s3 =	sadd.s32 $0x88, s3;
	s6 =	simm.s32 @!p1 $0x1082;
	[sflag:s4] =	ssyncset.s32 $0xFFFFF086  }
0x25: {  	[simem:s6], [sflag:s4] =	dma.local [hbm:s3], $0xF7A  }
0x26: {  	[smem:$0x3F93] =	sst s1;
	(tag) =	ssettag s2;
	_ =	strace s9  }
0x27: {  	s1 =	sld [smem:$0x3FA3]  }
0x28: {  	s2 =	sld [smem:$0x3FA4]  }
0x29: {  	s4 =	sld [smem:$0x3FA6]  }
0x2a: {  	p0 =	seq.s32 s5, $0x0;
	s5 =	sld [smem:$0x3FA7]  }
0x2b: {  	s6 =	sld [smem:$0x3FA8]  }
0x2c: {  	s7 =	sld [smem:$0x3FA9]  }
0x2d: {  	s3 =	simm.s32 $0x108;
	s8 =	sld [smem:$0x3FAA]  }
0x2e: {  	s3 =	simm.s32 @!p0 $0x1082;
	s9 =	sld [smem:$0x3FAB]  }
0x2f: {  	lr =	sadd.s32 s0, s3;
	s0 =	sld [smem:$0x3FA2]  }
0x30: {  	s3 =	sld [smem:$0x3FA5]  }
0x31: {  	[smem:$0x3FAE] =	sst s10  }
0x32: {  	s10 =	sld [smem:$0x3FAC];
	_ =	sdelay $0x3  }
0x33: {  	p0 =	seq.s32 s10, $0x1;
	s10 =	sld [smem:$0x3FAE];
	_ =	sdelay $0x3  }
0x34: {  	[smem:$0x3FAE] =	sst s10  }
0x35: {  	s10 =	sld [smem:$0x3FAD];
	_ =	sdelay $0x3  }
0x36: {  	p1 =	seq.s32 s10, $0x1;
	s10 =	sld [smem:$0x3FAE];
	_ =	sdelay $0x3  }
0x37: {  	[smem:$0x3FAE] =	sst s10  }
0x38: {  	s10 =	sld [smem:$0x3FAF]  }
0x39: {  	_ = 	snop;
	(pc) =	sbr.ind lr, $3  }
0x3a: {  	_ = 	snop  }
0x3b: {  	_ = 	snop  }
0x3c: {  	p2 =	seq.s32 s10, $0x1;
	s10 =	sld [smem:$0x3FAE]  }
0x3d: {  	_ =	shalt  }
0x3e: {  	_ =	shalt  }
0x3f: {  	_ =	shalt  }
0x40: {  	_ =	shalt  }
0x41: {  	_ =	shalt  }
0x42: {  	_ =	shalt  }
0x43: {  	_ =	shalt  }
0x44: {  	_ =	shalt  }
0x45: {  	_ =	shalt  }
0x46: {  	_ =	shalt  }
0x47: {  	_ =	shalt  }
0x48: {  	_ =	shalt  }
0x49: {  	_ =	shalt  }
0x4a: {  	_ =	shalt  }
0x4b: {  	_ =	shalt  }
0x4c: {  	_ =	shalt  }
0x4d: {  	_ =	shalt  }
0x4e: {  	_ =	shalt  }
0x4f: {  	_ =	shalt  }
0x50: {  	_ =	shalt  }
0x51: {  	_ =	shalt  }
0x52: {  	_ =	shalt  }
0x53: {  	_ =	shalt  }
0x54: {  	_ =	shalt  }
0x55: {  	_ =	shalt  }
0x56: {  	_ =	shalt  }
0x57: {  	_ =	shalt  }
0x58: {  	_ =	shalt  }
0x59: {  	_ =	shalt  }
0x5a: {  	_ =	shalt  }
0x5b: {  	_ =	shalt  }
0x5c: {  	_ =	shalt  }
0x5d: {  	_ =	shalt  }
0x5e: {  	_ =	shalt  }
0x5f: {  	_ =	shalt  }
0x60: {  	_ =	shalt  }
0x61: {  	_ =	shalt  }
0x62: {  	_ =	shalt  }
0x63: {  	_ =	shalt  }
0x64: {  	_ =	shalt  }
0x65: {  	_ =	shalt  }
0x66: {  	_ =	shalt  }
0x67: {  	_ =	shalt  }
0x68: {  	_ =	shalt  }
0x69: {  	_ =	shalt  }
0x6a: {  	_ =	shalt  }
0x6b: {  	_ =	shalt  }
0x6c: {  	_ =	shalt  }
0x6d: {  	_ =	shalt  }
0x6e: {  	_ =	shalt  }
0x6f: {  	_ =	shalt  }
0x70: {  	_ =	shalt  }
0x71: {  	_ =	shalt  }
0x72: {  	_ =	shalt  }
0x73: {  	_ =	shalt  }
0x74: {  	_ =	shalt  }
0x75: {  	_ =	shalt  }
0x76: {  	_ =	shalt  }
0x77: {  	_ =	shalt  }
0x78: {  	_ =	shalt  }
0x79: {  	_ =	shalt  }
0x7a: {  	_ =	shalt  }
0x7b: {  	_ =	shalt  }
0x7c: {  	_ =	shalt  }
0x7d: {  	_ =	shalt  }
0x7e: {  	_ =	shalt  }
0x7f: {  	_ =	shalt  }
0x80: {  	_ =	shalt  }
0x81: {  	_ =	shalt  }
0x82: {  	_ =	shalt  }
0x83: {  	_ =	shalt  }
0x84: {  	_ =	shalt  }
0x85: {  	_ =	shalt  }
0x86: {  	_ =	shalt  }
0x87: {  	_ =	shalt  }
.Lfunc_end0:
.L_simem_size_0:
called_computation_lowered:
.L_overlay_start_0:
0x88: {  	s2 =	sld [smem:$0x3FD9]  }
0x89: {  	s3 =	sld [smem:$0x3FFE];
	_ =	sdelay $0x1  }
0x8a: {  	s1 =	srdreg.scid  }
0x8b: {  	s0 =	sand.u32 $0x1, s1  }
0x8c: {  	s17 =	sshll.u32 s0, $0xA;
	s2 =	sadd.s32 s3, s2  }
0x8d: {  	s2 =	sadd.s32 s2, s17  }
0x8e: {  	[smem:$0x3FBA] =	sst s2  }
0x8f: {  	_ = 	snop  }
0x90: {  	s2 =	sld [smem:$0x3FD0];
	(tm) =	ssettm $0x1  }
0x91: {  	s18 =	sld [smem:$0x3FFB];
	_ =	sdelay $0x3  }
0x92: {  	_ =	strace s18  }
0x93: {  	s3 =	sld [smem:$0x3FFC];
	_ =	sdelay $0x3  }
0x94: {  	_ =	strace s3  }
0x95: {  	s3 =	sld [smem:$0x3FFD];
	_ =	sdelay $0x3  }
0x96: {  	_ =	strace s3  }
0x97: {  	_ =	strace $0x8FFFFFFF  }
0x98: {  	s19 =	sld [smem:$0x3FDB];
	_ =	sdelay $0x1  }
0x99: {  	s4 =	simm.s32 $_scs_section_size  }
0x9a: {  	s5 =	simm.s32 $_size__tile_overlayer_lowered;
	s6 =	simm.s32 $_tile_overlayer_lowered  }
0x9b: {  	s22 =	simm.s32 $0x1BFF;
	s21 =	sshll.u32 s6, $0x1;
	s3 =	sadd.s32 s4, s19  }
0x9c: {  	s7 =	simm.s32 $0x0;
	s20 =	sshll.u32 s5, $0x1;
	s5 =	sadd.s32 s21, s3  }
0x9d: {  	[timem:s7], [sflag:s22] =	dma.local [hbm:s5], s20  }
0x9e: {  	_ =	swait.ge [sflag:s22], s20  }
0x9f: {  	s4 =	ssub.s32 $0x0, s20;
	[sflag:s22] =	ssyncset.done $0x0  }
0xa0: {  	[sflag:s22] =	ssyncadd.s32 s4;
	_ =	sdelay $0x1  }
0xa1: {  	s23 =	simm.s32 $0x1B8B  }
0xa2: {  	_ =	swait.ge [sflag:s23], $0x1  }
0xa3: {  	[sflag:s23] =	ssyncset.done $0x0  }
0xa4: {  	s25 =	simm.s32 $0x1B8E;
	s24 =	sld [smem:$0x3FFE];
	[sflag:s23] =	ssyncadd.s32 $0xFFFFFFFF  }
0xa5: {  	s26 =	simm.s32 $execute0_lowered;
	[smem:$0x3FD2] =	sst s25  }
0xa6: {  	s5 =	sshll.u32 s26, $0x1;
	_ =	strace $0x80000046;
	[dreg:$0x1] =	wrdreg $0xFFFFFFFF  }
0xa7: {  	s28 =	simm.s32 $_size_execute0_lowered;
	s3 =	sadd.s32 s3, s5;
	[dreg:$0x0] =	wrdreg $0x0  }
0xa8: {  	s5 =	sshll.u32 s28, $0x1;
	[dreg:$0x2] =	wrdreg s3  }
0xa9: {  	[dreg:$0x3] =	wrdreg s5  }
0xaa: {  	[dreg:$0x4] =	wrdreg $0xC0  }
0xab: {  	_ =	task [dreg:s7], $0x5FFFF  }
0xac: {  	[dreg:$0x1] =	wrdreg $0xFFFFFFFF  }
0xad: {  	[dreg:$0x0] =	wrdreg $0x60  }
0xae: {  	[dreg:$0x2] =	wrdreg s24  }
0xaf: {  	[dreg:$0x3] =	wrdreg s2  }
0xb0: {  	[dreg:$0x4] =	wrdreg $0xC3800  }
0xb1: {  	[dreg:$0x5] =	wrdreg $0x1FC800  }
0xb2: {  	[dreg:$0x6] =	wrdreg $0x9  }
0xb3: {  	_ =	task.clear_ibuf [dreg:s7], $0x7FFFF;
	_ =	strace $0x90000046  }
0xb4: {  	s29 =	simm.s32 $0x9;
	_ =	strace $0x80000048  }
0xb5: {  	_ =	swait.ge [sflag:s29], $0x1  }
0xb6: {  	[sflag:s29] =	ssyncadd.s32 $0xFFFFFFFF  }
0xb7: {  	_ =	strace $0x90000048  }
0xb8: {  	_ =	sfence  }
0xb9: {  	s30 =	sld [smem:$0x0];
	_ =	sdelay $0x2  }
0xba: {  	s31 =	sshll.u32 s1, $0xD;
	s1 =	sshrl.u32 s1, $0x2  }
0xbb: {  	s3 =	sand.u32 $0x4000, s31;
	s1 =	sadd.s32 s1, s30  }
0xbc: {  	s0 =	sor.u32 s3, s0;
	s1 =	sshll.u32 s1, $0x11  }
0xbd: {  	s0 =	sor.u32 s1, s0  }
0xbe: {  	s0 =	sadd.s32 $0x8F2B, s0  }
0xbf: {  	[sflag:s0] =	ssyncadd.remote.s32 $0x1  }
0xc0: {  	_ =	sfence.sel $0xFFFF  }
0xc1: {  	[dreg:$0x0] =	wrdreg $0xFFFFFFFF;
	(pc) =	sbr.abs _section_cstart, $3  }
0xc2: {  	[dreg:$0x1] =	wrdreg $0xFFFFFFFF  }
0xc3: {  	_ =	task.clear_ibuf [dreg:s7], $0x2FFFF;
	_ =	strace $0x9FFFFFFF  }
0xc4: {  	(tm) =	ssettm $0x7FFFFFFF  }
0xc5: {  	_ =	shalt  }
tec
execute0_lowered:
.L_overlay_start_1:
0x0: {  	(tag) =	ssettag $0x1  }
0x1: {  	s0 =	rddreg [dreg:$0x0]  }
0x2: {  	s1 =	rddreg [dreg:$0x1]  }
0x3: {  	s2 =	rddreg [dreg:$0x2]  }
0x4: {  	s3 =	rddreg [dreg:$0x3]  }
0x5: {  	s5 =	simm.s32 $0x0;
	s4 =	srdreg.scid;
	s22 =	stileid.u32  }
0x6: {  	s28 =	simm.s32 $0x4300;
	s29 =	simm.s32 $0x4;
	s30 =	simm.s32 $0x3  }
0x7: {  	s31 =	simm.s32 $0x5;
	[smem:$0x7FF] =	sst s5;
	s4 =	sand.u32 $0x1, s4  }
0x8: {  	s6 =	sshll.u32 s22, $0x1;
	s7 =	sadd.s32 $0x3600, s0;
	s10 =	sadd.s32 $0xD800, s0  }
0x9: {  	s12 =	sadd.s32 $0x19000, s0;
	s14 =	smul.u32 $0xA0, s22;
	s9 =	sor.u32 s4, s6  }
0xa: {  	p1 =	seq.s32 s22, $0xF;
	s8 =	ssub.s32 $0x2, s4;
	s11 =	smul.u32 $0x500, s9  }
0xb: {  	_ =	strace $0x80000047;
	s24 =	smul.u32 $0x50, s4;
	s20 =	sshrl.u32 s8, $0x1  }
0xc: {  	s4 =	smul.u32 $0x2710, s4;
	s6 =	ssub.s32 s8, s20;
	s13 =	sadd.s32 s7, s11  }
0xd: {  	s21 =	sor.u32 $0x10, s11;
	s15 =	sadd.s32 s10, s11;
	[dreg:$0x8] =	wrdreg s13  }
0xe: {  	s8 =	smul.u32 $0x280, s22;
	[dreg:$0x9] =	wrdreg s15;
	s23 =	sadd.s32 s7, s21  }
0xf: {  	s11 =	sor.u32 $0x20, s11;
	s13 =	sadd.s32 s10, s21;
	[dreg:$0xa] =	wrdreg s23  }
0x10: {  	s25 =	sadd.s32 s7, s11;
	s11 =	sadd.s32 s10, s11;
	[dreg:$0xb] =	wrdreg s13  }
0x11: {  	s26 =	sadd.s32 s8, s4;
	s16 =	sadd.s32 $0x100, s8;
	[dreg:$0xc] =	wrdreg s25  }
0x12: {  	s19 =	sadd.s32 $0x200, s8;
	[dreg:$0xd] =	wrdreg s11;
	s11 =	sadd.s32 s24, s14  }
0x13: {  	s13 =	sadd.s32 $0x80, s8;
	s17 =	sshll.u32 s26, $0x4;
	s14 =	sshrl.u32 s26, $0x3  }
0x14: {  	s24 =	sadd.s32 $0x18600, s0;
	s15 =	sshll.u32 s11, $0x4;
	s17 =	sadd.s32 s12, s17  }
0x15: {  	s26 =	sadd.s32 s24, s14;
	s7 =	sadd.s32 s15, s7;
	[dreg:$0xe] =	wrdreg s17  }
0x16: {  	s10 =	sadd.s32 s15, s10;
	s15 =	sadd.s32 $0x180, s8;
	[dreg:$0x13] =	wrdreg s26  }
0x17: {  	s26 =	sadd.s32 $0x17C00, s0;
	s8 =	sadd.s32 s8, s3;
	[dreg:$0x5] =	wrdreg s7  }
0x18: {  	s7 =	sadd.s32 s4, s13;
	s18 =	sadd.s32 s4, s15;
	[dreg:$0x6] =	wrdreg s10  }
0x19: {  	[dreg:$0x19] =	wrdreg s26;
	s26 =	sadd.s32 $0x180, s8;
	s21 =	sshll.u32 s7, $0x4  }
0x1a: {  	s7 =	sshrl.u32 s7, $0x3;
	[smem:$0x7FD] =	sst s26;
	s17 =	sadd.s32 s12, s21  }
0x1b: {  	s14 =	sshrl.u32 s18, $0x3;
	s7 =	sadd.s32 s24, s7;
	[dreg:$0xf] =	wrdreg s17  }
0x1c: {  	s21 =	sshll.u32 s18, $0x4;
	s18 =	sadd.s32 s24, s14;
	[dreg:$0x14] =	wrdreg s7  }
0x1d: {  	p0 =	sne.s32 s9, $0x1F;
	s14 =	sadd.s32 s16, s3;
	[dreg:$0x16] =	wrdreg s18  }
0x1e: {  	s17 =	sadd.s32 s4, s16;
	s23 =	sadd.s32 s12, s21;
	[dreg:$0x1f] =	wrdreg s14  }
0x1f: {  	s4 =	sadd.s32 s4, s19;
	s18 =	smax.u32 s6, $0x1;
	[dreg:$0x11] =	wrdreg s23  }
0x20: {  	s21 =	smul.u32 $0x50000, s22;
	s22 =	sadd.s32 $0x2600, s3;
	[smem:$0x7F5] =	sst s18  }
0x21: {  	s20 =	sshll.u32 s17, $0x4;
	s23 =	simm.s32 $0x8300;
	[smem:$0x7F9] =	sst s22  }
0x22: {  	s25 =	sshll.u32 s4, $0x4;
	s20 =	sadd.s32 s12, s20;
	[dreg:$0x7] =	wrdreg s23  }
0x23: {  	s4 =	sshrl.u32 s4, $0x3;
	s12 =	sadd.s32 s12, s25;
	[dreg:$0x10] =	wrdreg s20  }
0x24: {  	s9 =	sor.u32 $0x2, s11;
	s4 =	sadd.s32 s24, s4;
	[dreg:$0x12] =	wrdreg s12  }
0x25: {  	s10 =	sshll.u32 s16, $0x7;
	s25 =	sadd.s32 $0x17E00, s0;
	[dreg:$0x17] =	wrdreg s4  }
0x26: {  	s7 =	sshll.u32 s13, $0x7;
	s0 =	sadd.s32 $0x17A00, s0;
	[dreg:$0x18] =	wrdreg s25  }
0x27: {  	s16 =	sshll.u32 s19, $0x7;
	s23 =	sadd.s32 $0x134000, s2;
	[dreg:$0x1a] =	wrdreg s0  }
0x28: {  	s14 =	smov.u32 s8;
	s0 =	sadd.s32 s7, s2;
	[smem:$0x7FA] =	sst s23  }
0x29: {  	s6 =	simm.s32 $0xC300;
	s20 =	sadd.s32 $0x2580, s3;
	[dreg:$0x1c] =	wrdreg s0  }
0x2a: {  	s12 =	sshrl.u32 s17, $0x3;
	s25 =	sadd.s32 $0x138000, s2;
	[smem:$0x7F7] =	sst s20  }
0x2b: {  	s18 =	simm.s32 $0x100;
	s17 =	sadd.s32 s24, s12;
	[smem:$0x7FC] =	sst s25  }
0x2c: {  	s22 =	simm.s32 $0x280;
	s12 =	sadd.s32 s13, s3;
	[dreg:$0x15] =	wrdreg s17  }
0x2d: {  	s23 =	simm.s32 $0x300;
	s0 =	sadd.s32 s10, s2;
	[dreg:$0x1d] =	wrdreg s12  }
0x2e: {  	s24 =	sshrl.u32 s21, $0x2;
	s21 =	sadd.s32 $0x130000, s2;
	[dreg:$0x1e] =	wrdreg s0  }
0x2f: {  	s13 =	sshll.u32 s15, $0x7;
	s4 =	sadd.s32 s24, s2;
	[smem:$0x7F8] =	sst s21  }
0x30: {  	s20 =	simm.s32 $0x200;
	s0 =	sadd.s32 s13, s2;
	[dreg:$0x1b] =	wrdreg s4  }
0x31: {  	s25 =	simm.s32 $0x2;
	s17 =	sadd.s32 s19, s3;
	[smem:$0x7F2] =	sst s0  }
.Ltmp0:
0x32: {  	s19 =	sadd.s32 $0x12C000, s2;
	[smem:$0x7F4] =	sst s17;
	(pc) =	sbr.rel .LBB2_1-.Ltmp0, $4  }
0x33: {  	s24 =	sadd.s32 $0x2680, s3;
	s4 =	sadd.s32 s15, s3;
	[smem:$0x7F6] =	sst s19  }
0x34: {  	s0 =	sadd.s32 s16, s2;
	[smem:$0x7FB] =	sst s24;
	s17 =	simm.s32 $0x80  }
0x35: {  	s19 =	simm.s32 $0x180;
	s24 =	simm.s32 $0x7;
	s15 =	simm.s32 $0x1  }
0x36: {  	s16 =	simm.s32 $0x0;
	[smem:$0x7F3] =	sst s0;
	s0 =	simm.s32 $0x6  }
.LBB2_5:
0x37: {  	s7 =	sld [smem:$0x7F6];
	_ =	sdelay $0x2  }
0x38: {  	[tilespmem:s23], [sflag:$0x7] =	stream.linear.gather [spmem:s7], $0x4000, $0x38;
	[tilespmem:$0x1FEF8] =	vst v63  }
0x39: {  	_ =	swait.ge [sflag:s24], $0x4000  }
0x3a: {  	[sflag:s24] =	ssyncset.done $0x0;
	s8 =	rddreg [dreg:$0xe]  }
0x3b: {  	s10 =	sld [smem:$0x7F8];
	[sflag:s24] =	ssyncadd.s32 $0xFFFFC000  }
0x3c: {  	[hbm4b:s8+s5] =	stream.linear.scatter [tilespmem:s23], [sflag:$0x4], $0x4000, $0x38;
	[tilespmem:$0x1FEF8] =	vst v63  }
0x3d: {  	_ = 	snop  }
0x3e: {  	[tilespmem:s28], [sflag:$0x7] =	stream.linear.gather [spmem:s10], $0x4000, $0x38;
	[tilespmem:$0x1FEF8] =	vst v63  }
0x3f: {  	_ =	swait.ge [sflag:s24], $0x4000  }
0x40: {  	[sflag:s24] =	ssyncset.done $0x0  }
0x41: {  	s11 =	rddreg [dreg:$0xf];
	[sflag:s24] =	ssyncadd.s32 $0xFFFFC000  }
0x42: {  	[hbm4b:s11+s5] =	stream.linear.scatter [tilespmem:s28], [sflag:$0x5], $0x4000, $0x38;
	[tilespmem:$0x1FEF8] =	vst v63  }
0x43: {  	_ =	swait.ge [sflag:s29], $0x4000  }
0x44: {  	s12 =	sld [smem:$0x7FA]  }
0x45: {  	[sflag:s29] =	ssyncset.done $0x0  }
0x46: {  	[sflag:s29] =	ssyncadd.s32 $0xFFFFC000  }
0x47: {  	[tilespmem:s23], [sflag:$0x7] =	stream.linear.gather [spmem:s12], $0x4000, $0x38;
	[tilespmem:$0x1FEF8] =	vst v63  }
0x48: {  	_ =	swait.ge [sflag:s24], $0x4000  }
0x49: {  	[sflag:s24] =	ssyncset.done $0x0  }
0x4a: {  	s13 =	rddreg [dreg:$0x10];
	[sflag:s24] =	ssyncadd.s32 $0xFFFFC000  }
0x4b: {  	[hbm4b:s13+s5] =	stream.linear.scatter [tilespmem:s23], [sflag:$0x4], $0x4000, $0x38;
	[tilespmem:$0x1FEF8] =	vst v63  }
0x4c: {  	_ =	swait.ge [sflag:s31], $0x4000  }
0x4d: {  	s21 =	sld [smem:$0x7FC]  }
0x4e: {  	[sflag:s31] =	ssyncset.done $0x0  }
0x4f: {  	[sflag:s31] =	ssyncadd.s32 $0xFFFFC000  }
0x50: {  	[tilespmem:s28], [sflag:$0x7] =	stream.linear.gather [spmem:s21], $0x800, $0x38;
	[tilespmem:$0x1FEF8] =	vst v63  }
0x51: {  	_ =	swait.ge [sflag:s24], $0x800  }
0x52: {  	[sflag:s24] =	ssyncset.done $0x0  }
0x53: {  	s26 =	rddreg [dreg:$0x11];
	[sflag:s24] =	ssyncadd.s32 $0xFFFFF800  }
0x54: {  	[hbm4b:s26+s5] =	stream.linear.scatter [tilespmem:s28], [sflag:$0x5], $0x800, $0x38;
	[tilespmem:$0x1FEF8] =	vst v63  }
0x55: {  	_ =	swait.ge [sflag:s29], $0x4000  }
0x56: {  	[sflag:s29] =	ssyncset.done $0x0  }
0x57: {  	[sflag:s29] =	ssyncadd.s32 $0xFFFFC000  }
0x58: {  	_ =	swait.ge [sflag:s31], $0x800  }
0x59: {  	s8 =	sld [smem:$0x7F7]  }
0x5a: {  	[sflag:s31] =	ssyncset.done $0x0  }
0x5b: {  	[sflag:s31] =	ssyncadd.s32 $0xFFFFF800  }
0x5c: {  	[tilespmem:s6], [sflag:$0x7] =	stream.linear.gather [spmem:s8], $0x80, $0x38;
	[tilespmem:$0x1FEF8] =	vst v63  }
0x5d: {  	_ =	swait.ge [sflag:s24], $0x80  }
0x5e: {  	[sflag:s24] =	ssyncset.done $0x0  }
0x5f: {  	s10 =	rddreg [dreg:$0x13];
	[sflag:s24] =	ssyncadd.s32 $0xFFFFFF80  }
0x60: {  	[hbm4b:s10+s5] =	stream.linear.scatter [tilespmem:s6], [sflag:$0x7], $0x80, $0x38;
	[tilespmem:$0x1FEF8] =	vst v63  }
0x61: {  	_ =	swait.ge [sflag:s24], $0x80  }
0x62: {  	s11 =	sld [smem:$0x7F9]  }
0x63: {  	[sflag:s24] =	ssyncset.done $0x0  }
0x64: {  	[sflag:s24] =	ssyncadd.s32 $0xFFFFFF80  }
0x65: {  	[tilespmem:s6], [sflag:$0x7] =	stream.linear.gather [spmem:s11], $0x80, $0x38;
	[tilespmem:$0x1FEF8] =	vst v63  }
0x66: {  	_ =	swait.ge [sflag:s24], $0x80  }
0x67: {  	[sflag:s24] =	ssyncset.done $0x0  }
0x68: {  	s12 =	rddreg [dreg:$0x14];
	[sflag:s24] =	ssyncadd.s32 $0xFFFFFF80  }
0x69: {  	[hbm4b:s12+s5] =	stream.linear.scatter [tilespmem:s6], [sflag:$0x7], $0x80, $0x38;
	[tilespmem:$0x1FEF8] =	vst v63  }
0x6a: {  	_ =	swait.ge [sflag:s24], $0x80  }
0x6b: {  	s13 =	sld [smem:$0x7FB]  }
0x6c: {  	[sflag:s24] =	ssyncset.done $0x0  }
0x6d: {  	[sflag:s24] =	ssyncadd.s32 $0xFFFFFF80  }
0x6e: {  	[tilespmem:s6], [sflag:$0x7] =	stream.linear.gather [spmem:s13], $0x80, $0x38;
	[tilespmem:$0x1FEF8] =	vst v63  }
0x6f: {  	_ =	swait.ge [sflag:s24], $0x80  }
0x70: {  	[sflag:s24] =	ssyncset.done $0x0  }
0x71: {  	s21 =	rddreg [dreg:$0x15];
	[sflag:s24] =	ssyncadd.s32 $0xFFFFFF80  }
0x72: {  	[hbm4b:s21+s5] =	stream.linear.scatter [tilespmem:s6], [sflag:$0x7], $0x80, $0x38;
	[tilespmem:$0x1FEF8] =	vst v63  }
0x73: {  	_ =	swait.ge [sflag:s24], $0x80  }
0x74: {  	[sflag:s24] =	ssyncset.done $0x0  }
0x75: {  	[sflag:s24] =	ssyncadd.s32 $0xFFFFFF80  }
0x76: {  	[tilespmem:s6], [sflag:$0x7] =	stream.linear.gather [spmem:s4], $0x10, $0x38;
	[tilespmem:$0x1FEF8] =	vst v63  }
0x77: {  	_ =	swait.ge [sflag:s24], $0x10  }
0x78: {  	[sflag:s24] =	ssyncset.done $0x0  }
0x79: {  	s26 =	rddreg [dreg:$0x16];
	[sflag:s24] =	ssyncadd.s32 $0xFFFFFFF0  }
0x7a: {  	[hbm4b:s26+s5] =	stream.linear.scatter [tilespmem:s6], [sflag:$0x7], $0x10, $0x38;
	[tilespmem:$0x1FEF8] =	vst v63  }
0x7b: {  	_ =	swait.ge [sflag:s24], $0x10  }
0x7c: {  	[sflag:s24] =	ssyncset.done $0x0  }
0x7d: {  	[sflag:s24] =	ssyncadd.s32 $0xFFFFFFF0  }
.LBB2_6:
0x7e: {  	s7 =	sld [smem:$0x7F5];
	_ =	sdelay $0x1  }
0x7f: {  	s16 =	sadd.s32 $0x1, s16  }
0x80: {  	p2 =	sne.s32 s16, s7  }
.Ltmp1:
0x81: {  	_ = 	snop;
	(pc) =	sbr.rel @!p2 .LBB2_7-.Ltmp1, $1  }
0x82: {  	_ =	sdelay $0x3  }
.LBB2_1:
0x83: {  	s7 =	rddreg [dreg:$0x8]  }
0x84: {  	[tilespmem:s5], [sflag:$0x1] =	stream.linear.gather [hbm4b:s7+s5], $0x80, $0x38;
	[tilespmem:$0x1FEF8] =	vst v63  }
0x85: {  	s10 =	rddreg [dreg:$0x9]  }
0x86: {  	[tilespmem:s17], [sflag:$0x1] =	stream.linear.gather [hbm4b:s10+s5], $0x80, $0x38;
	[tilespmem:$0x1FEF8] =	vst v63  }
0x87: {  	s11 =	rddreg [dreg:$0xa]  }
0x88: {  	[tilespmem:s18], [sflag:$0x2] =	stream.linear.gather [hbm4b:s11+s5], $0x80, $0x38;
	[tilespmem:$0x1FEF8] =	vst v63  }
0x89: {  	s12 =	rddreg [dreg:$0xb]  }
0x8a: {  	[tilespmem:s19], [sflag:$0x2] =	stream.linear.gather [hbm4b:s12+s5], $0x80, $0x38;
	[tilespmem:$0x1FEF8] =	vst v63  }
0x8b: {  	s13 =	rddreg [dreg:$0xc]  }
0x8c: {  	[tilespmem:s20], [sflag:$0x3] =	stream.linear.gather [hbm4b:s13+s5], $0x80, $0x38;
	[tilespmem:$0x1FEF8] =	vst v63  }
0x8d: {  	s21 =	rddreg [dreg:$0xd]  }
0x8e: {  	[tilespmem:s22], [sflag:$0x3] =	stream.linear.gather [hbm4b:s21+s5], $0x80, $0x38;
	[tilespmem:$0x1FEF8] =	vst v63  }
0x8f: {  	s26 =	rddreg [dreg:$0x18]  }
0x90: {  	[tilespmem:s23], [sflag:$0x7] =	stream.linear.gather [hbm4b:s26+s5], $0x4000, $0x38;
	[tilespmem:$0x1FEF8] =	vst v63  }
0x91: {  	_ =	swait.ge [sflag:s24], $0x4000  }
0x92: {  	[sflag:s24] =	ssyncset.done $0x0  }
0x93: {  	s8 =	rddreg [dreg:$0x19];
	[sflag:s24] =	ssyncadd.s32 $0xFFFFC000  }
0x94: {  	[tilespmem:s6], [sflag:$0x7] =	stream.linear.gather [hbm4b:s8+s5], $0x80, $0x38;
	[tilespmem:$0x1FEF8] =	vst v63  }
0x95: {  	_ =	swait.ge [sflag:s24], $0x80  }
0x96: {  	s8 =	sld [smem:$0x7F6]  }
0x97: {  	[sflag:s24] =	ssyncset.done $0x0  }
0x98: {  	s7 =	simm.s32 @p1 $0x300;
	[sflag:s24] =	ssyncadd.s32 $0xFFFFFF80  }
0x99: {  	[spmem:s8] =	stream.linear.scatter @p1 [tilespmem:s7], [sflag:$0x7], $0x4000, $0x38;
	[tilespmem:$0x1FEF8] =	vst v63  }
0x9a: {  	s8 =	simm.s32 @p1 $0x7  }
0x9b: {  	_ =	swait.ge @p1 [sflag:s8], $0x4000  }
0x9c: {  	s11 =	sld [smem:$0x7F7]  }
0x9d: {  	[sflag:s8] =	ssyncset.done @p1 $0x0  }
0x9e: {  	s10 =	simm.s32 @p1 $0xC300;
	[sflag:s8] =	ssyncadd.s32 @p1 $0xFFFFC000  }
0x9f: {  	[spmem:s11] =	stream.linear.scatter @p1 [tilespmem:s10], [sflag:$0x7], $0x80, $0x38;
	[tilespmem:$0x1FEF8] =	vst v63  }
0xa0: {  	_ =	swait.ge @p1 [sflag:s8], $0x80  }
0xa1: {  	s11 =	sld [smem:$0x7F8]  }
0xa2: {  	[sflag:s8] =	ssyncset.done @p1 $0x0  }
0xa3: {  	[sflag:s8] =	ssyncadd.s32 @p1 $0xFFFFFF80  }
0xa4: {  	[spmem:s11] =	stream.linear.scatter @p1 [tilespmem:s7], [sflag:$0x7], $0x4000, $0x38;
	[tilespmem:$0x1FEF8] =	vst v63  }
0xa5: {  	_ =	swait.ge @p1 [sflag:s8], $0x4000  }
0xa6: {  	s11 =	sld [smem:$0x7F9]  }
0xa7: {  	[sflag:s8] =	ssyncset.done @p1 $0x0  }
0xa8: {  	[sflag:s8] =	ssyncadd.s32 @p1 $0xFFFFC000  }
0xa9: {  	[spmem:s11] =	stream.linear.scatter @p1 [tilespmem:s10], [sflag:$0x7], $0x80, $0x38;
	[tilespmem:$0x1FEF8] =	vst v63  }
0xaa: {  	_ =	swait.ge @p1 [sflag:s8], $0x80  }
0xab: {  	s11 =	sld [smem:$0x7FA]  }
0xac: {  	[sflag:s8] =	ssyncset.done @p1 $0x0  }
0xad: {  	[sflag:s8] =	ssyncadd.s32 @p1 $0xFFFFFF80  }
0xae: {  	[spmem:s11] =	stream.linear.scatter @p1 [tilespmem:s7], [sflag:$0x7], $0x4000, $0x38;
	[tilespmem:$0x1FEF8] =	vst v63  }
0xaf: {  	_ =	swait.ge @p1 [sflag:s8], $0x4000  }
0xb0: {  	s11 =	sld [smem:$0x7FB]  }
0xb1: {  	[sflag:s8] =	ssyncset.done @p1 $0x0  }
0xb2: {  	[sflag:s8] =	ssyncadd.s32 @p1 $0xFFFFC000  }
0xb3: {  	[spmem:s11] =	stream.linear.scatter @p1 [tilespmem:s10], [sflag:$0x7], $0x80, $0x38;
	[tilespmem:$0x1FEF8] =	vst v63  }
0xb4: {  	_ =	swait.ge @p1 [sflag:s8], $0x80  }
0xb5: {  	s11 =	sld [smem:$0x7FC]  }
0xb6: {  	[sflag:s8] =	ssyncset.done @p1 $0x0  }
0xb7: {  	[sflag:s8] =	ssyncadd.s32 @p1 $0xFFFFFF80  }
0xb8: {  	[spmem:s11] =	stream.linear.scatter @p1 [tilespmem:s7], [sflag:$0x7], $0x1000, $0x38;
	[tilespmem:$0x1FEF8] =	vst v63  }
0xb9: {  	_ =	swait.ge @p1 [sflag:s8], $0x1000  }
0xba: {  	s7 =	sld [smem:$0x7FD]  }
0xbb: {  	[sflag:s8] =	ssyncset.done @p1 $0x0  }
0xbc: {  	[sflag:s8] =	ssyncadd.s32 @p1 $0xFFFFF000  }
0xbd: {  	[spmem:s7] =	stream.linear.scatter @p1 [tilespmem:s10], [sflag:$0x7], $0x20, $0x38;
	[tilespmem:$0x1FEF8] =	vst v63  }
0xbe: {  	_ =	swait.ge @p1 [sflag:s8], $0x20  }
0xbf: {  	[sflag:s8] =	ssyncset.done @p1 $0x0  }
0xc0: {  	s7 =	simm.s32 @!p1 $0x300;
	[sflag:s8] =	ssyncadd.s32 @p1 $0xFFFFFFE0;
	s8 =	rddreg [dreg:$0x1b]  }
0xc1: {  	[spmem:s8] =	stream.linear.scatter @!p1 [tilespmem:s7], [sflag:$0x7], $0x4000, $0x38;
	[tilespmem:$0x1FEF8] =	vst v63  }
0xc2: {  	s8 =	simm.s32 @!p1 $0x7  }
0xc3: {  	_ =	swait.ge @!p1 [sflag:s8], $0x4000  }
0xc4: {  	[sflag:s8] =	ssyncset.done @!p1 $0x0  }
0xc5: {  	s10 =	simm.s32 @!p1 $0xC300;
	[sflag:s8] =	ssyncadd.s32 @!p1 $0xFFFFC000  }
0xc6: {  	[spmem:s14] =	stream.linear.scatter @!p1 [tilespmem:s10], [sflag:$0x7], $0x80, $0x38;
	[tilespmem:$0x1FEF8] =	vst v63  }
0xc7: {  	_ =	swait.ge @!p1 [sflag:s8], $0x80  }
0xc8: {  	[sflag:s8] =	ssyncset.done @!p1 $0x0  }
0xc9: {  	s11 =	rddreg [dreg:$0x1c];
	[sflag:s8] =	ssyncadd.s32 @!p1 $0xFFFFFF80  }
0xca: {  	[spmem:s11] =	stream.linear.scatter @!p1 [tilespmem:s7], [sflag:$0x7], $0x4000, $0x38;
	[tilespmem:$0x1FEF8] =	vst v63  }
0xcb: {  	_ =	swait.ge @!p1 [sflag:s8], $0x4000  }
0xcc: {  	[sflag:s8] =	ssyncset.done @!p1 $0x0  }
0xcd: {  	s11 =	rddreg [dreg:$0x1d];
	[sflag:s8] =	ssyncadd.s32 @!p1 $0xFFFFC000  }
0xce: {  	[spmem:s11] =	stream.linear.scatter @!p1 [tilespmem:s10], [sflag:$0x7], $0x80, $0x38;
	[tilespmem:$0x1FEF8] =	vst v63  }
0xcf: {  	_ =	swait.ge @!p1 [sflag:s8], $0x80  }
0xd0: {  	[sflag:s8] =	ssyncset.done @!p1 $0x0  }
0xd1: {  	s11 =	rddreg [dreg:$0x1e];
	[sflag:s8] =	ssyncadd.s32 @!p1 $0xFFFFFF80  }
0xd2: {  	[spmem:s11] =	stream.linear.scatter @!p1 [tilespmem:s7], [sflag:$0x7], $0x4000, $0x38;
	[tilespmem:$0x1FEF8] =	vst v63  }
0xd3: {  	_ =	swait.ge @!p1 [sflag:s8], $0x4000  }
0xd4: {  	[sflag:s8] =	ssyncset.done @!p1 $0x0  }
0xd5: {  	s11 =	rddreg [dreg:$0x1f];
	[sflag:s8] =	ssyncadd.s32 @!p1 $0xFFFFC000  }
0xd6: {  	[spmem:s11] =	stream.linear.scatter @!p1 [tilespmem:s10], [sflag:$0x7], $0x80, $0x38;
	[tilespmem:$0x1FEF8] =	vst v63  }
0xd7: {  	_ =	swait.ge @!p1 [sflag:s8], $0x80  }
0xd8: {  	s11 =	sld [smem:$0x7F2]  }
0xd9: {  	[sflag:s8] =	ssyncset.done @!p1 $0x0  }
0xda: {  	[sflag:s8] =	ssyncadd.s32 @!p1 $0xFFFFFF80  }
0xdb: {  	[spmem:s11] =	stream.linear.scatter @!p1 [tilespmem:s7], [sflag:$0x7], $0x4000, $0x38;
	[tilespmem:$0x1FEF8] =	vst v63  }
0xdc: {  	_ =	swait.ge @!p1 [sflag:s8], $0x4000  }
0xdd: {  	[sflag:s8] =	ssyncset.done @!p1 $0x0  }
0xde: {  	[sflag:s8] =	ssyncadd.s32 @!p1 $0xFFFFC000  }
0xdf: {  	[spmem:s4] =	stream.linear.scatter @!p1 [tilespmem:s10], [sflag:$0x7], $0x80, $0x38;
	[tilespmem:$0x1FEF8] =	vst v63  }
0xe0: {  	_ =	swait.ge @!p1 [sflag:s8], $0x80  }
0xe1: {  	s11 =	sld [smem:$0x7F3]  }
0xe2: {  	[sflag:s8] =	ssyncset.done @!p1 $0x0  }
0xe3: {  	[sflag:s8] =	ssyncadd.s32 @!p1 $0xFFFFFF80  }
0xe4: {  	[spmem:s11] =	stream.linear.scatter @!p1 [tilespmem:s7], [sflag:$0x7], $0x4000, $0x38;
	[tilespmem:$0x1FEF8] =	vst v63  }
0xe5: {  	_ =	swait.ge @!p1 [sflag:s8], $0x4000  }
0xe6: {  	s7 =	sld [smem:$0x7F4]  }
0xe7: {  	[sflag:s8] =	ssyncset.done @!p1 $0x0  }
0xe8: {  	[sflag:s8] =	ssyncadd.s32 @!p1 $0xFFFFC000  }
0xe9: {  	[spmem:s7] =	stream.linear.scatter @!p1 [tilespmem:s10], [sflag:$0x7], $0x80, $0x38;
	[tilespmem:$0x1FEF8] =	vst v63  }
0xea: {  	_ =	swait.ge @!p1 [sflag:s8], $0x80  }
0xeb: {  	[sflag:s8] =	ssyncset.done @!p1 $0x0  }
0xec: {  	s10 =	rddreg [dreg:$0x1a];
	[sflag:s8] =	ssyncadd.s32 @!p1 $0xFFFFFF80  }
0xed: {  	[tilespmem:s6], [sflag:$0x7] =	stream.linear.gather [hbm4b:s10+s5], $0x80, $0x38;
	[tilespmem:$0x1FEF8] =	vst v63  }
0xee: {  	_ =	swait.ge [sflag:s24], $0x80  }
0xef: {  	[sflag:s24] =	ssyncset.done $0x0  }
0xf0: {  	[sflag:s24] =	ssyncadd.s32 $0xFFFFFF80  }
0xf1: {  	[bflag:$0x0] =	sbarrier.arrive $0xFFFF  }
0xf2: {  	_ =	swait.ge [sflag:s15], $0x80  }
0xf3: {  	[sflag:s15] =	ssyncset.done $0x0  }
0xf4: {  	[sflag:s15] =	ssyncadd.s32 $0xFFFFFF80  }
0xf5: {  	_ =	swait.ge [sflag:s15], $0x80  }
0xf6: {  	[sflag:s15] =	ssyncset.done $0x0  }
0xf7: {  	[sflag:s15] =	ssyncadd.s32 $0xFFFFFF80  }
0xf8: {  	[tilespmem:s23], [sflag:$0x4] =	stream.indirect.gather [hbm4b:s1+s17], $0x80, s5, s17, $0xb8;
	[tilespmem:$0x1FEF8] =	vst v63  }
0xf9: {  	_ =	swait.ge [sflag:s25], $0x80  }
0xfa: {  	[sflag:s25] =	ssyncset.done $0x0  }
0xfb: {  	[sflag:s25] =	ssyncadd.s32 $0xFFFFFF80  }
0xfc: {  	_ =	swait.ge [sflag:s25], $0x80  }
0xfd: {  	[sflag:s25] =	ssyncset.done $0x0  }
0xfe: {  	[sflag:s25] =	ssyncadd.s32 $0xFFFFFF80  }
0xff: {  	[tilespmem:s28], [sflag:$0x5] =	stream.indirect.gather [hbm4b:s1+s17], $0x80, s18, s17, $0xb8;
	[tilespmem:$0x1FEF8] =	vst v63  }
0x100: {  	_ =	swait.ge [sflag:s29], $0x4000  }
0x101: {  	[sflag:s29] =	ssyncset.done $0x0  }
0x102: {  	[sflag:s29] =	ssyncadd.s32 $0xFFFFC000  }
0x103: {  	_ =	swait.ge [sflag:s30], $0x80  }
0x104: {  	[sflag:s30] =	ssyncset.done $0x0  }
0x105: {  	[sflag:s30] =	ssyncadd.s32 $0xFFFFFF80  }
0x106: {  	_ =	swait.ge [sflag:s30], $0x80  }
0x107: {  	s12 =	sadd.s32 $0xFFFFFFFE, s9;
	[sflag:s30] =	ssyncset.done $0x0  }
0x108: {  	p2 =	sgt.u32 s12, $0x9C3;
	s11 =	rddreg [dreg:$0x7];
	[sflag:s30] =	ssyncadd.s32 $0xFFFFFF80  }
0x109: {  	[tilespmem:s11], [sflag:$0x6] =	stream.indirect.gather [hbm4b:s1+s17], $0x80, s20, s17, $0xb8;
	[tilespmem:$0x1FEF8] =	vst v63  }
0x10a: {  	s7 =	simm.s32 @!p2 $0x80;
	s8 =	simm.s32 @!p2 $0x300;
	s10 =	simm.s32 @!p2 $0x7  }
0x10b: {  	[spmem:s2] =	stream.indirect.scatter.add.f32 @!p2 [tilespmem:s8], [sflag:$0x7], $0x80, s7, s7, $0xb8;
	[tilespmem:$0x1FEF8] =	vst v63  }
0x10c: {  	_ =	swait.ge @!p2 [sflag:s10], $0x4000  }
0x10d: {  	[sflag:s10] =	ssyncset.done @!p2 $0x0  }
0x10e: {  	s8 =	simm.s32 @!p2 $0xC300;
	[sflag:s10] =	ssyncadd.s32 @!p2 $0xFFFFC000  }
0x10f: {  	[spmem:s3] =	stream.indirect.scatter.add.f32 @!p2 [tilespmem:s8], [sflag:$0x7], $0x1, s7, s7, $0xb8;
	[tilespmem:$0x1FEF8] =	vst v63  }
0x110: {  	_ =	swait.ge @!p2 [sflag:s10], $0x80  }
0x111: {  	s13 =	rddreg [dreg:$0x5]  }
0x112: {  	s21 =	rddreg [dreg:$0x6];
	[sflag:s10] =	ssyncset.done @!p2 $0x0;
	s26 =	sadd.s32 $0x0, s13  }
0x113: {  	[sflag:s10] =	ssyncadd.s32 @!p2 $0xFFFFFF80;
	s21 =	sadd.s32 $0x0, s21;
	s7 =	sadd.s32 $0x30, s26  }
0x114: {  	[tilespmem:s5], [sflag:$0x1] =	stream.linear.gather [hbm4b:s7+s5], $0x80, $0x38;
	[tilespmem:$0x1FEF8] =	vst v63  }
0x115: {  	s10 =	sadd.s32 $0x30, s21  }
0x116: {  	[tilespmem:s17], [sflag:$0x1] =	stream.linear.gather [hbm4b:s10+s5], $0x80, $0x38;
	[tilespmem:$0x1FEF8] =	vst v63  }
0x117: {  	_ =	swait.ge [sflag:s31], $0x4000  }
0x118: {  	[sflag:s31] =	ssyncset.done $0x0  }
0x119: {  	[sflag:s31] =	ssyncadd.s32 $0xFFFFC000  }
0x11a: {  	_ =	swait.ge [sflag:s15], $0x80  }
0x11b: {  	[sflag:s15] =	ssyncset.done $0x0  }
0x11c: {  	[sflag:s15] =	ssyncadd.s32 $0xFFFFFF80  }
0x11d: {  	s11 =	sadd.s32 $0xFFFFFFFF, s9;
	_ =	swait.ge [sflag:s15], $0x80  }
0x11e: {  	p2 =	sgt.u32 s11, $0x9C3;
	[sflag:s15] =	ssyncset.done $0x0  }
0x11f: {  	s8 =	simm.s32 @!p2 $0x180;
	[sflag:s15] =	ssyncadd.s32 $0xFFFFFF80  }
0x120: {  	[tilespmem:s23], [sflag:$0x4] =	stream.indirect.gather [hbm4b:s1+s17], $0x80, s5, s17, $0xb8;
	[tilespmem:$0x1FEF8] =	vst v63  }
0x121: {  	s11 =	simm.s32 @!p2 $0x7;
	s7 =	simm.s32 @!p2 $0x80;
	s10 =	simm.s32 @!p2 $0x4300  }
0x122: {  	[spmem:s2] =	stream.indirect.scatter.add.f32 @!p2 [tilespmem:s10], [sflag:$0x7], $0x80, s8, s7, $0xb8;
	[tilespmem:$0x1FEF8] =	vst v63  }
0x123: {  	_ =	swait.ge @!p2 [sflag:s11], $0x4000  }
0x124: {  	[sflag:s11] =	ssyncset.done @!p2 $0x0  }
0x125: {  	s10 =	simm.s32 @!p2 $0xC300;
	[sflag:s11] =	ssyncadd.s32 @!p2 $0xFFFFC000  }
0x126: {  	[spmem:s3] =	stream.indirect.scatter.add.f32 @!p2 [tilespmem:s10], [sflag:$0x7], $0x1, s8, s7, $0xb8;
	[tilespmem:$0x1FEF8] =	vst v63  }
0x127: {  	_ =	swait.ge @!p2 [sflag:s11], $0x80  }
0x128: {  	[sflag:s11] =	ssyncset.done @!p2 $0x0  }
0x129: {  	s12 =	sadd.s32 $0x40, s26;
	[sflag:s11] =	ssyncadd.s32 @!p2 $0xFFFFFF80  }
0x12a: {  	[tilespmem:s18], [sflag:$0x2] =	stream.linear.gather [hbm4b:s12+s5], $0x80, $0x38;
	[tilespmem:$0x1FEF8] =	vst v63  }
0x12b: {  	s13 =	sadd.s32 $0x40, s21  }
0x12c: {  	[tilespmem:s19], [sflag:$0x2] =	stream.linear.gather [hbm4b:s13+s5], $0x80, $0x38;
	[tilespmem:$0x1FEF8] =	vst v63  }
0x12d: {  	_ =	swait.ge [sflag:s0], $0x4000  }
0x12e: {  	[sflag:s0] =	ssyncset.done $0x0  }
0x12f: {  	[sflag:s0] =	ssyncadd.s32 $0xFFFFC000  }
0x130: {  	_ =	swait.ge [sflag:s25], $0x80  }
0x131: {  	[sflag:s25] =	ssyncset.done $0x0  }
0x132: {  	[sflag:s25] =	ssyncadd.s32 $0xFFFFFF80  }
0x133: {  	_ =	swait.ge [sflag:s25], $0x80  }
0x134: {  	p3 =	sgt.u32 s9, $0x9C3;
	[sflag:s25] =	ssyncset.done $0x0  }
0x135: {  	s7 =	simm.s32 @!p3 $0x280;
	[sflag:s25] =	ssyncadd.s32 $0xFFFFFF80  }
0x136: {  	[tilespmem:s28], [sflag:$0x5] =	stream.indirect.gather [hbm4b:s1+s17], $0x80, s18, s17, $0xb8;
	[tilespmem:$0x1FEF8] =	vst v63  }
0x137: {  	s8 =	simm.s32 @!p3 $0x8300;
	s10 =	simm.s32 @!p3 $0x80;
	s11 =	simm.s32 @!p3 $0x7  }
0x138: {  	[spmem:s2] =	stream.indirect.scatter.add.f32 @!p3 [tilespmem:s8], [sflag:$0x7], $0x80, s7, s10, $0xb8;
	[tilespmem:$0x1FEF8] =	vst v63  }
0x139: {  	_ =	swait.ge @!p3 [sflag:s11], $0x4000  }
0x13a: {  	[sflag:s11] =	ssyncset.done @!p3 $0x0  }
0x13b: {  	s8 =	simm.s32 @!p3 $0xC300;
	[sflag:s11] =	ssyncadd.s32 @!p3 $0xFFFFC000  }
0x13c: {  	[spmem:s3] =	stream.indirect.scatter.add.f32 @!p3 [tilespmem:s8], [sflag:$0x7], $0x1, s7, s10, $0xb8;
	[tilespmem:$0x1FEF8] =	vst v63  }
0x13d: {  	s8 =	simm.s32 $0x30;
	s7 =	smov.u32 s9;
	_ =	swait.ge @!p3 [sflag:s11], $0x80  }
.LBB2_2:
0x13e: {  	[sflag:s11] =	ssyncset.done @!p3 $0x0  }
0x13f: {  	s13 =	sadd.s32 $0x50, s26;
	[sflag:s11] =	ssyncadd.s32 @!p3 $0xFFFFFF80  }
0x140: {  	[tilespmem:s20], [sflag:$0x3] =	stream.linear.gather [hbm4b:s13+s5], $0x80, $0x38;
	[tilespmem:$0x1FEF8] =	vst v63  }
0x141: {  	s26 =	sadd.s32 $0x50, s21  }
0x142: {  	[tilespmem:s22], [sflag:$0x3] =	stream.linear.gather [hbm4b:s26+s5], $0x80, $0x38;
	[tilespmem:$0x1FEF8] =	vst v63  }
0x143: {  	_ =	swait.ge [sflag:s29], $0x4000  }
0x144: {  	[sflag:s29] =	ssyncset.done $0x0  }
0x145: {  	[sflag:s29] =	ssyncadd.s32 $0xFFFFC000  }
0x146: {  	_ =	swait.ge [sflag:s30], $0x80  }
0x147: {  	[sflag:s30] =	ssyncset.done $0x0  }
0x148: {  	[sflag:s30] =	ssyncadd.s32 $0xFFFFFF80  }
0x149: {  	s7 =	sadd.s32 $0x3, s7;
	_ =	swait.ge [sflag:s30], $0x80  }
0x14a: {  	s12 =	sadd.s32 $0xFFFFFFFE, s7;
	[sflag:s30] =	ssyncset.done $0x0  }
0x14b: {  	p3 =	sgt.u32 s12, $0x9C3;
	s13 =	rddreg [dreg:$0x7];
	[sflag:s30] =	ssyncadd.s32 $0xFFFFFF80  }
0x14c: {  	[tilespmem:s13], [sflag:$0x6] =	stream.indirect.gather [hbm4b:s1+s17], $0x80, s20, s17, $0xb8;
	[tilespmem:$0x1FEF8] =	vst v63  }
0x14d: {  	s11 =	simm.s32 @!p3 $0x80;
	s21 =	simm.s32 @!p3 $0x300;
	s26 =	simm.s32 @!p3 $0x7  }
0x14e: {  	[spmem:s2] =	stream.indirect.scatter.add.f32 @!p3 [tilespmem:s21], [sflag:$0x7], $0x80, s11, s11, $0xb8;
	[tilespmem:$0x1FEF8] =	vst v63  }
0x14f: {  	_ =	swait.ge @!p3 [sflag:s26], $0x4000  }
0x150: {  	[sflag:s26] =	ssyncset.done @!p3 $0x0  }
0x151: {  	s21 =	simm.s32 @!p3 $0xC300;
	[sflag:s26] =	ssyncadd.s32 @!p3 $0xFFFFC000  }
0x152: {  	[spmem:s3] =	stream.indirect.scatter.add.f32 @!p3 [tilespmem:s21], [sflag:$0x7], $0x1, s11, s11, $0xb8;
	[tilespmem:$0x1FEF8] =	vst v63  }
0x153: {  	_ =	swait.ge @!p3 [sflag:s26], $0x80  }
0x154: {  	s10 =	smov.u32 s8;
	[sflag:s26] =	ssyncset.done @!p3 $0x0;
	s12 =	rddreg [dreg:$0x5]  }
0x155: {  	s21 =	rddreg [dreg:$0x6];
	[sflag:s26] =	ssyncadd.s32 @!p3 $0xFFFFFF80;
	s26 =	sadd.s32 s10, s12  }
0x156: {  	s21 =	sadd.s32 s10, s21;
	s10 =	sadd.s32 $0x30, s26  }
0x157: {  	[tilespmem:s5], [sflag:$0x1] =	stream.linear.gather [hbm4b:s10+s5], $0x80, $0x38;
	[tilespmem:$0x1FEF8] =	vst v63  }
0x158: {  	s13 =	sadd.s32 $0x30, s21  }
0x159: {  	[tilespmem:s17], [sflag:$0x1] =	stream.linear.gather [hbm4b:s13+s5], $0x80, $0x38;
	[tilespmem:$0x1FEF8] =	vst v63  }
0x15a: {  	_ =	swait.ge [sflag:s31], $0x4000  }
0x15b: {  	[sflag:s31] =	ssyncset.done $0x0  }
0x15c: {  	[sflag:s31] =	ssyncadd.s32 $0xFFFFC000  }
0x15d: {  	_ =	swait.ge [sflag:s15], $0x80  }
0x15e: {  	[sflag:s15] =	ssyncset.done $0x0  }
0x15f: {  	[sflag:s15] =	ssyncadd.s32 $0xFFFFFF80  }
0x160: {  	s11 =	sadd.s32 $0xFFFFFFFF, s7;
	_ =	swait.ge [sflag:s15], $0x80  }
0x161: {  	p3 =	sgt.u32 s11, $0x9C3;
	[sflag:s15] =	ssyncset.done $0x0  }
0x162: {  	s11 =	simm.s32 @!p3 $0x180;
	[sflag:s15] =	ssyncadd.s32 $0xFFFFFF80  }
0x163: {  	[tilespmem:s23], [sflag:$0x4] =	stream.indirect.gather [hbm4b:s1+s17], $0x80, s5, s17, $0xb8;
	[tilespmem:$0x1FEF8] =	vst v63  }
0x164: {  	s12 =	simm.s32 @!p3 $0x4300;
	s10 =	simm.s32 @!p3 $0x80;
	s13 =	simm.s32 @!p3 $0x7  }
0x165: {  	[spmem:s2] =	stream.indirect.scatter.add.f32 @!p3 [tilespmem:s12], [sflag:$0x7], $0x80, s11, s10, $0xb8;
	[tilespmem:$0x1FEF8] =	vst v63  }
0x166: {  	_ =	swait.ge @!p3 [sflag:s13], $0x4000  }
0x167: {  	[sflag:s13] =	ssyncset.done @!p3 $0x0  }
0x168: {  	s12 =	simm.s32 @!p3 $0xC300;
	[sflag:s13] =	ssyncadd.s32 @!p3 $0xFFFFC000  }
0x169: {  	[spmem:s3] =	stream.indirect.scatter.add.f32 @!p3 [tilespmem:s12], [sflag:$0x7], $0x1, s11, s10, $0xb8;
	[tilespmem:$0x1FEF8] =	vst v63  }
0x16a: {  	_ =	swait.ge @!p3 [sflag:s13], $0x80  }
0x16b: {  	[sflag:s13] =	ssyncset.done @!p3 $0x0  }
0x16c: {  	s12 =	sadd.s32 $0x40, s26;
	[sflag:s13] =	ssyncadd.s32 @!p3 $0xFFFFFF80  }
0x16d: {  	[tilespmem:s18], [sflag:$0x2] =	stream.linear.gather [hbm4b:s12+s5], $0x80, $0x38;
	[tilespmem:$0x1FEF8] =	vst v63  }
0x16e: {  	s13 =	sadd.s32 $0x40, s21  }
0x16f: {  	[tilespmem:s19], [sflag:$0x2] =	stream.linear.gather [hbm4b:s13+s5], $0x80, $0x38;
	[tilespmem:$0x1FEF8] =	vst v63  }
0x170: {  	_ =	swait.ge [sflag:s0], $0x4000  }
0x171: {  	[sflag:s0] =	ssyncset.done $0x0  }
0x172: {  	[sflag:s0] =	ssyncadd.s32 $0xFFFFC000  }
0x173: {  	_ =	swait.ge [sflag:s25], $0x80  }
0x174: {  	[sflag:s25] =	ssyncset.done $0x0  }
0x175: {  	[sflag:s25] =	ssyncadd.s32 $0xFFFFFF80  }
0x176: {  	_ =	swait.ge [sflag:s25], $0x80  }
0x177: {  	s8 =	sadd.s32 $0x30, s8;
	p3 =	sgt.u32 s7, $0x9C3;
	[sflag:s25] =	ssyncset.done $0x0  }
0x178: {  	p2 =	sne.s32 s8, $0x4E0;
	s10 =	simm.s32 @!p3 $0x280;
	[sflag:s25] =	ssyncadd.s32 $0xFFFFFF80  }
0x179: {  	[tilespmem:s28], [sflag:$0x5] =	stream.indirect.gather [hbm4b:s1+s17], $0x80, s18, s17, $0xb8;
	[tilespmem:$0x1FEF8] =	vst v63  }
0x17a: {  	s12 =	simm.s32 @!p3 $0x8300;
	s11 =	simm.s32 @!p3 $0x7;
	s13 =	simm.s32 @!p3 $0x80  }
0x17b: {  	[spmem:s2] =	stream.indirect.scatter.add.f32 @!p3 [tilespmem:s12], [sflag:$0x7], $0x80, s10, s13, $0xb8;
	[tilespmem:$0x1FEF8] =	vst v63  }
.Ltmp2:
0x17c: {  	_ =	swait.ge @!p3 [sflag:s11], $0x4000;
	(pc) =	sbr.rel @p2 .LBB2_2-.Ltmp2, $4  }
0x17d: {  	[sflag:s11] =	ssyncset.done @!p3 $0x0  }
0x17e: {  	s12 =	simm.s32 @!p3 $0xC300;
	[sflag:s11] =	ssyncadd.s32 @!p3 $0xFFFFC000  }
0x17f: {  	[spmem:s3] =	stream.indirect.scatter.add.f32 @!p3 [tilespmem:s12], [sflag:$0x7], $0x1, s10, s13, $0xb8;
	[tilespmem:$0x1FEF8] =	vst v63  }
0x180: {  	_ =	swait.ge @!p3 [sflag:s11], $0x80  }
0x181: {  	[sflag:s11] =	ssyncset.done @!p3 $0x0  }
0x182: {  	s7 =	sadd.s32 $0x50, s26;
	[sflag:s11] =	ssyncadd.s32 @!p3 $0xFFFFFF80  }
0x183: {  	[tilespmem:s20], [sflag:$0x3] =	stream.linear.gather [hbm4b:s7+s5], $0x80, $0x38;
	[tilespmem:$0x1FEF8] =	vst v63  }
0x184: {  	s26 =	sadd.s32 $0x50, s21  }
0x185: {  	[tilespmem:s22], [sflag:$0x3] =	stream.linear.gather [hbm4b:s26+s5], $0x80, $0x38;
	[tilespmem:$0x1FEF8] =	vst v63  }
0x186: {  	_ =	swait.ge [sflag:s29], $0x4000  }
0x187: {  	[sflag:s29] =	ssyncset.done $0x0  }
0x188: {  	s8 =	simm.s32 @p0 $0x300;
	s7 =	simm.s32 @p0 $0x80;
	[sflag:s29] =	ssyncadd.s32 $0xFFFFC000  }
0x189: {  	[spmem:s2] =	stream.indirect.scatter.add.f32 @p0 [tilespmem:s8], [sflag:$0x7], $0x80, s7, s7, $0xb8;
	[tilespmem:$0x1FEF8] =	vst v63  }
0x18a: {  	s8 =	simm.s32 @p0 $0x7  }
0x18b: {  	_ =	swait.ge @p0 [sflag:s8], $0x4000  }
0x18c: {  	[sflag:s8] =	ssyncset.done @p0 $0x0  }
0x18d: {  	s10 =	simm.s32 @p0 $0xC300;
	[sflag:s8] =	ssyncadd.s32 @p0 $0xFFFFC000  }
0x18e: {  	[spmem:s3] =	stream.indirect.scatter.add.f32 @p0 [tilespmem:s10], [sflag:$0x7], $0x1, s7, s7, $0xb8;
	[tilespmem:$0x1FEF8] =	vst v63  }
0x18f: {  	_ =	swait.ge @p0 [sflag:s8], $0x80  }
0x190: {  	[sflag:s8] =	ssyncset.done @p0 $0x0  }
0x191: {  	s11 =	simm.s32 @p0 $0x5;
	[sflag:s8] =	ssyncadd.s32 @p0 $0xFFFFFF80  }
0x192: {  	_ =	swait.ge @p0 [sflag:s11], $0x4000  }
0x193: {  	[sflag:s11] =	ssyncset.done @p0 $0x0  }
0x194: {  	s12 =	simm.s32 @p0 $0x4300;
	[sflag:s11] =	ssyncadd.s32 @p0 $0xFFFFC000;
	s11 =	simm.s32 @p0 $0x180  }
0x195: {  	[spmem:s2] =	stream.indirect.scatter.add.f32 @p0 [tilespmem:s12], [sflag:$0x7], $0x80, s11, s7, $0xb8;
	[tilespmem:$0x1FEF8] =	vst v63  }
0x196: {  	_ =	swait.ge @p0 [sflag:s8], $0x4000  }
0x197: {  	[sflag:s8] =	ssyncset.done @p0 $0x0  }
0x198: {  	[sflag:s8] =	ssyncadd.s32 @p0 $0xFFFFC000  }
0x199: {  	[spmem:s3] =	stream.indirect.scatter.add.f32 @p0 [tilespmem:s10], [sflag:$0x7], $0x1, s11, s7, $0xb8;
	[tilespmem:$0x1FEF8] =	vst v63  }
0x19a: {  	_ =	swait.ge @p0 [sflag:s8], $0x80  }
0x19b: {  	[sflag:s8] =	ssyncset.done @p0 $0x0  }
0x19c: {  	s7 =	simm.s32 @!p0 $0x5;
	[sflag:s8] =	ssyncadd.s32 @p0 $0xFFFFFF80  }
0x19d: {  	_ =	swait.ge @!p0 [sflag:s7], $0x4000  }
0x19e: {  	[sflag:s7] =	ssyncset.done @!p0 $0x0  }
0x19f: {  	[sflag:s7] =	ssyncadd.s32 @!p0 $0xFFFFC000  }
0x1a0: {  	_ =	swait.ge [sflag:s30], $0x80  }
0x1a1: {  	[sflag:s30] =	ssyncset.done $0x0  }
0x1a2: {  	[sflag:s30] =	ssyncadd.s32 $0xFFFFFF80  }
.Ltmp3:
0x1a3: {  	_ =	swait.ge [sflag:s30], $0x80;
	(pc) =	sbr.rel @p1 .LBB2_5-.Ltmp3, $3  }
0x1a4: {  	[sflag:s30] =	ssyncset.done $0x0  }
0x1a5: {  	[sflag:s30] =	ssyncadd.s32 $0xFFFFFF80  }
0x1a6: {  	[bflag:$0x0] =	sbarrier.arrive $0xFFFF;
	_ =	sdelay $0x1  }
0x1a7: {  	s7 =	rddreg [dreg:$0x1b]  }
0x1a8: {  	[tilespmem:s23], [sflag:$0x7] =	stream.linear.gather [spmem:s7], $0x4000, $0x38;
	[tilespmem:$0x1FEF8] =	vst v63  }
0x1a9: {  	_ =	swait.ge [sflag:s24], $0x4000  }
0x1aa: {  	[sflag:s24] =	ssyncset.done $0x0  }
0x1ab: {  	s13 =	rddreg [dreg:$0xe];
	[sflag:s24] =	ssyncadd.s32 $0xFFFFC000  }
0x1ac: {  	[hbm4b:s13+s5] =	stream.linear.scatter [tilespmem:s23], [sflag:$0x4], $0x4000, $0x38;
	[tilespmem:$0x1FEF8] =	vst v63  }
0x1ad: {  	s21 =	rddreg [dreg:$0x1c]  }
0x1ae: {  	[tilespmem:s28], [sflag:$0x7] =	stream.linear.gather [spmem:s21], $0x4000, $0x38;
	[tilespmem:$0x1FEF8] =	vst v63  }
0x1af: {  	_ =	swait.ge [sflag:s24], $0x4000  }
0x1b0: {  	[sflag:s24] =	ssyncset.done $0x0  }
0x1b1: {  	s26 =	rddreg [dreg:$0xf];
	[sflag:s24] =	ssyncadd.s32 $0xFFFFC000  }
0x1b2: {  	[hbm4b:s26+s5] =	stream.linear.scatter [tilespmem:s28], [sflag:$0x5], $0x4000, $0x38;
	[tilespmem:$0x1FEF8] =	vst v63  }
0x1b3: {  	_ =	swait.ge [sflag:s29], $0x4000  }
0x1b4: {  	[sflag:s29] =	ssyncset.done $0x0  }
0x1b5: {  	s8 =	rddreg [dreg:$0x1e];
	[sflag:s29] =	ssyncadd.s32 $0xFFFFC000  }
0x1b6: {  	[tilespmem:s23], [sflag:$0x7] =	stream.linear.gather [spmem:s8], $0x4000, $0x38;
	[tilespmem:$0x1FEF8] =	vst v63  }
0x1b7: {  	_ =	swait.ge [sflag:s24], $0x4000  }
0x1b8: {  	[sflag:s24] =	ssyncset.done $0x0  }
0x1b9: {  	s10 =	rddreg [dreg:$0x10];
	[sflag:s24] =	ssyncadd.s32 $0xFFFFC000  }
0x1ba: {  	[hbm4b:s10+s5] =	stream.linear.scatter [tilespmem:s23], [sflag:$0x4], $0x4000, $0x38;
	[tilespmem:$0x1FEF8] =	vst v63  }
0x1bb: {  	_ =	swait.ge [sflag:s31], $0x4000  }
0x1bc: {  	s11 =	sld [smem:$0x7F2]  }
0x1bd: {  	[sflag:s31] =	ssyncset.done $0x0  }
0x1be: {  	[sflag:s31] =	ssyncadd.s32 $0xFFFFC000  }
0x1bf: {  	[tilespmem:s28], [sflag:$0x7] =	stream.linear.gather [spmem:s11], $0x4000, $0x38;
	[tilespmem:$0x1FEF8] =	vst v63  }
0x1c0: {  	_ =	swait.ge [sflag:s24], $0x4000  }
0x1c1: {  	[sflag:s24] =	ssyncset.done $0x0  }
0x1c2: {  	s12 =	rddreg [dreg:$0x11];
	[sflag:s24] =	ssyncadd.s32 $0xFFFFC000  }
0x1c3: {  	[hbm4b:s12+s5] =	stream.linear.scatter [tilespmem:s28], [sflag:$0x5], $0x4000, $0x38;
	[tilespmem:$0x1FEF8] =	vst v63  }
0x1c4: {  	_ =	swait.ge [sflag:s29], $0x4000  }
0x1c5: {  	s13 =	sld [smem:$0x7F3]  }
0x1c6: {  	[sflag:s29] =	ssyncset.done $0x0  }
0x1c7: {  	[sflag:s29] =	ssyncadd.s32 $0xFFFFC000  }
0x1c8: {  	[tilespmem:s23], [sflag:$0x7] =	stream.linear.gather [spmem:s13], $0x4000, $0x38;
	[tilespmem:$0x1FEF8] =	vst v63  }
0x1c9: {  	_ =	swait.ge [sflag:s24], $0x4000  }
0x1ca: {  	[sflag:s24] =	ssyncset.done $0x0  }
0x1cb: {  	s21 =	rddreg [dreg:$0x12];
	[sflag:s24] =	ssyncadd.s32 $0xFFFFC000  }
0x1cc: {  	[hbm4b:s21+s5] =	stream.linear.scatter [tilespmem:s23], [sflag:$0x4], $0x4000, $0x38;
	[tilespmem:$0x1FEF8] =	vst v63  }
0x1cd: {  	_ =	swait.ge [sflag:s31], $0x4000  }
0x1ce: {  	[sflag:s31] =	ssyncset.done $0x0  }
0x1cf: {  	[sflag:s31] =	ssyncadd.s32 $0xFFFFC000  }
0x1d0: {  	_ =	swait.ge [sflag:s29], $0x4000  }
0x1d1: {  	[sflag:s29] =	ssyncset.done $0x0  }
0x1d2: {  	[sflag:s29] =	ssyncadd.s32 $0xFFFFC000  }
0x1d3: {  	[tilespmem:s6], [sflag:$0x7] =	stream.linear.gather [spmem:s14], $0x80, $0x38;
	[tilespmem:$0x1FEF8] =	vst v63  }
0x1d4: {  	_ =	swait.ge [sflag:s24], $0x80  }
0x1d5: {  	[sflag:s24] =	ssyncset.done $0x0  }
0x1d6: {  	s26 =	rddreg [dreg:$0x13];
	[sflag:s24] =	ssyncadd.s32 $0xFFFFFF80  }
0x1d7: {  	[hbm4b:s26+s5] =	stream.linear.scatter [tilespmem:s6], [sflag:$0x7], $0x80, $0x38;
	[tilespmem:$0x1FEF8] =	vst v63  }
0x1d8: {  	_ =	swait.ge [sflag:s24], $0x80  }
0x1d9: {  	[sflag:s24] =	ssyncset.done $0x0  }
0x1da: {  	s8 =	rddreg [dreg:$0x1d];
	[sflag:s24] =	ssyncadd.s32 $0xFFFFFF80  }
0x1db: {  	[tilespmem:s6], [sflag:$0x7] =	stream.linear.gather [spmem:s8], $0x80, $0x38;
	[tilespmem:$0x1FEF8] =	vst v63  }
0x1dc: {  	_ =	swait.ge [sflag:s24], $0x80  }
0x1dd: {  	[sflag:s24] =	ssyncset.done $0x0  }
0x1de: {  	s10 =	rddreg [dreg:$0x14];
	[sflag:s24] =	ssyncadd.s32 $0xFFFFFF80  }
0x1df: {  	[hbm4b:s10+s5] =	stream.linear.scatter [tilespmem:s6], [sflag:$0x7], $0x80, $0x38;
	[tilespmem:$0x1FEF8] =	vst v63  }
0x1e0: {  	_ =	swait.ge [sflag:s24], $0x80  }
0x1e1: {  	[sflag:s24] =	ssyncset.done $0x0  }
0x1e2: {  	s11 =	rddreg [dreg:$0x1f];
	[sflag:s24] =	ssyncadd.s32 $0xFFFFFF80  }
0x1e3: {  	[tilespmem:s6], [sflag:$0x7] =	stream.linear.gather [spmem:s11], $0x80, $0x38;
	[tilespmem:$0x1FEF8] =	vst v63  }
0x1e4: {  	_ =	swait.ge [sflag:s24], $0x80  }
0x1e5: {  	[sflag:s24] =	ssyncset.done $0x0  }
0x1e6: {  	s12 =	rddreg [dreg:$0x15];
	[sflag:s24] =	ssyncadd.s32 $0xFFFFFF80  }
0x1e7: {  	[hbm4b:s12+s5] =	stream.linear.scatter [tilespmem:s6], [sflag:$0x7], $0x80, $0x38;
	[tilespmem:$0x1FEF8] =	vst v63  }
0x1e8: {  	_ =	swait.ge [sflag:s24], $0x80  }
0x1e9: {  	[sflag:s24] =	ssyncset.done $0x0  }
0x1ea: {  	[sflag:s24] =	ssyncadd.s32 $0xFFFFFF80  }
0x1eb: {  	[tilespmem:s6], [sflag:$0x7] =	stream.linear.gather [spmem:s4], $0x80, $0x38;
	[tilespmem:$0x1FEF8] =	vst v63  }
0x1ec: {  	_ =	swait.ge [sflag:s24], $0x80  }
0x1ed: {  	[sflag:s24] =	ssyncset.done $0x0  }
0x1ee: {  	s13 =	rddreg [dreg:$0x16];
	[sflag:s24] =	ssyncadd.s32 $0xFFFFFF80  }
0x1ef: {  	[hbm4b:s13+s5] =	stream.linear.scatter [tilespmem:s6], [sflag:$0x7], $0x80, $0x38;
	[tilespmem:$0x1FEF8] =	vst v63  }
0x1f0: {  	_ =	swait.ge [sflag:s24], $0x80  }
0x1f1: {  	s21 =	sld [smem:$0x7F4]  }
0x1f2: {  	[sflag:s24] =	ssyncset.done $0x0  }
0x1f3: {  	[sflag:s24] =	ssyncadd.s32 $0xFFFFFF80  }
0x1f4: {  	[tilespmem:s6], [sflag:$0x7] =	stream.linear.gather [spmem:s21], $0x80, $0x38;
	[tilespmem:$0x1FEF8] =	vst v63  }
0x1f5: {  	_ =	swait.ge [sflag:s24], $0x80  }
0x1f6: {  	[sflag:s24] =	ssyncset.done $0x0  }
.Ltmp4:
0x1f7: {  	s26 =	rddreg [dreg:$0x17];
	[sflag:s24] =	ssyncadd.s32 $0xFFFFFF80;
	(pc) =	sbr.rel .LBB2_6-.Ltmp4, $4  }
0x1f8: {  	[hbm4b:s26+s5] =	stream.linear.scatter [tilespmem:s6], [sflag:$0x7], $0x80, $0x38;
	[tilespmem:$0x1FEF8] =	vst v63  }
0x1f9: {  	_ =	swait.ge [sflag:s24], $0x80  }
0x1fa: {  	[sflag:s24] =	ssyncset.done $0x0  }
0x1fb: {  	[sflag:s24] =	ssyncadd.s32 $0xFFFFFF80  }
.LBB2_7:
0x1fc: {  	_ =	sfence.sel $0x180000  }
0x1fd: {  	[bflag:$0x0] =	sbarrier.arrive $0xFFFF  }
0x1fe: {  	_ =	strace $0x90000047  }
0x1ff: {  	s0 =	stileid.u32;
	[bflag:$0x2] =	sbarrier.arrive $0xFFFF  }
0x200: {  	p0 =	sne.s32 s0, $0x0;
	s0 =	rddreg [dreg:$0x4]  }
0x201: {  	s0 =	sadd.s32 @!p0 $0x100000, s0  }
0x202: {  	[sflag:s0] =	ssyncadd.tile.s32 @!p0 $0x1;
	_ =	shalt  }
.Lfunc_end2:
_tile_overlayer_lowered:
.L_overlay_start_2:
0x203: {  	(tag) =	ssettag $0x2  }
0x204: {  	s0 =	rddreg [dreg:$0x0];
	s2 =	stileid.u32  }
0x205: {  	s1 =	rddreg [dreg:$0x1];
	p0 =	sne.s32 s2, $0x0  }
0x206: {  	s3 =	rddreg [dreg:$0x2];
	[bflag:$0x3] =	sbarrier.arrive $0xFFFF;
	s2 =	simm.s32 @!p0 $0x1C07  }
0x207: {  	[timem:s3], [sflag:s2] =	dma.local @!p0 [hbm:s0], s1  }
0x208: {  	s0 =	simm.s32 @!p0 $0x7  }
0x209: {  	_ =	swait.ge @!p0 [sflag:s0], s1  }
0x20a: {  	s1 =	ssub.s32 @!p0 $0x0, s1;
	[sflag:s0] =	ssyncset.done @!p0 $0x0  }
0x20b: {  	[sflag:s0] =	ssyncadd.s32 @!p0 s1  }
0x20c: {  	[bflag:$0x3] =	sbarrier.arrive $0xFFFF  }
0x20d: {  	_ =	shalt  }

</sc_bundles>
